<compile_context>
chip_gen: v7x
topology: tpu7x:2x2x1
jax: 0.10.2.dev20260603
libtpu: 0.0.44.dev20260713+nightly
codegen_flags: <defaults>
</compile_context>

<pallas_src>
import functools

import jax
import jax.numpy as jnp
from jax import lax
from jax.experimental import pallas as pl
from jax.experimental.pallas import tpu as pltpu
from jax.experimental.pallas import tpu_sc as plsc

N = 10000
E = 320000
NC = 2
NS = 16
EPW = E // (NC * NS)
CH = 125
NCH = EPW // CH
RPW = N // NS
KB = 4
NB = NCH // KB

_MESH = plsc.VectorSubcoreMesh(core_axis_name="c", subcore_axis_name="s")



@functools.partial(
    pl.kernel,
    mesh=_MESH,
    out_type=jax.ShapeDtypeStruct((NC, NS, RPW, 16), jnp.float32),
    scratch_types=[
        pltpu.VMEM((NCH, CH), jnp.int32),
        pltpu.VMEM((CH, 16), jnp.float32),
        pltpu.VMEM_SHARED((N, 16), jnp.float32),
        pltpu.SemaphoreType.DMA,
    ],
    compiler_params=pltpu.CompilerParams(use_tc_tiling_on_sc=False),
)
def _deg_pass(dst_hbm, ones_hbm, zero_hbm, out_hbm, idx_v, ones_v, acc_sh,
              dsem):
    c = lax.axis_index("c")
    s = lax.axis_index("s")
    pltpu.sync_copy(dst_hbm.at[c, s], idx_v)
    pltpu.sync_copy(ones_hbm, ones_v)
    pltpu.sync_copy(zero_hbm.at[s], acc_sh.at[pl.ds(s * RPW, RPW)])
    plsc.subcore_barrier()

    @pl.loop(0, NCH, step=8)
    def _(j):
        copies = [pltpu.async_copy(ones_v, acc_sh.at[idx_v.at[j + k]], dsem,
                                   add=True) for k in range(8)]
        for cp in copies:
            cp.wait()

    plsc.subcore_barrier()
    pltpu.sync_copy(acc_sh.at[pl.ds(s * RPW, RPW)], out_hbm.at[c, s])


@functools.partial(
    pl.kernel,
    mesh=_MESH,
    out_type=jax.ShapeDtypeStruct((NC, NS, RPW, 32), jnp.float32),
    scratch_types=[
        pltpu.VMEM((NCH, CH), jnp.int32),
        pltpu.VMEM((NCH, CH), jnp.int32),
        pltpu.VMEM((KB * CH, 32), jnp.float32),
        pltpu.VMEM((KB * CH, 32), jnp.float32),
        pltpu.VMEM((KB * CH, 32), jnp.float32),
        pltpu.VMEM((KB * CH, 32), jnp.float32),
        pltpu.VMEM_SHARED((N, 32), jnp.float32),
        pltpu.SemaphoreType.DMA,
        pltpu.SemaphoreType.DMA,
        pltpu.SemaphoreType.DMA,
        pltpu.SemaphoreType.DMA,
        pltpu.SemaphoreType.DMA,
        pltpu.SemaphoreType.DMA,
        pltpu.SemaphoreType.DMA,
        pltpu.SemaphoreType.DMA,
    ],
    compiler_params=pltpu.CompilerParams(use_tc_tiling_on_sc=False),
)
def _spmm_pass(hs_hbm, src_hbm, dst_hbm, zero_hbm, out_hbm,
               src_v, dst_v, b0, b1, b2, b3, acc_sh,
               g0, g1, g2, g3, s0, s1, s2, s3):
    c = lax.axis_index("c")
    s = lax.axis_index("s")
    pltpu.sync_copy(src_hbm.at[c, s], src_v)
    pltpu.sync_copy(dst_hbm.at[c, s], dst_v)
    rows = pl.ds(s * RPW, RPW)
    pltpu.sync_copy(zero_hbm.at[s], acc_sh.at[rows])
    plsc.subcore_barrier()

    BUFS = (b0, b1, b2, b3)
    GS = (g0, g1, g2, g3)
    SS = (s0, s1, s2, s3)

    def _fire_g(b, buf, sem):
        for k in range(KB):
            pltpu.async_copy(hs_hbm.at[src_v.at[b * KB + k]],
                             buf.at[pl.ds(k * CH, CH)], sem)

    def _fire_s(b, buf, sem):
        for k in range(KB):
            pltpu.async_copy(buf.at[pl.ds(k * CH, CH)],
                             acc_sh.at[dst_v.at[b * KB + k]], sem, add=True)

    def _drain(buf, sem):
        pltpu.make_async_copy(hs_hbm.at[pl.ds(0, KB * CH)], buf, sem).wait()

    for u in range(4):
        _fire_g(u, BUFS[u], GS[u])

    @pl.loop(0, NB, step=4)
    def _(b):
        for u in range(4):
            _drain(BUFS[u], GS[u])
            _fire_s(b + u, BUFS[u], SS[u])
            if u > 0:
                v = u - 1
                _drain(BUFS[v], SS[v])

                def _refill(v=v):
                    _fire_g(b + v + 4, BUFS[v], GS[v])
                pl.when(b + v + 4 < NB)(_refill)
        _drain(BUFS[3], SS[3])

        def _refill3():
            _fire_g(b + 7, BUFS[3], GS[3])
        pl.when(b + 7 < NB)(_refill3)

    plsc.subcore_barrier()
    pltpu.sync_copy(acc_sh.at[rows], out_hbm.at[c, s])



def _dinv_scale_body(deg_ref, x_ref, w_ref, dinv_ref, hs_ref):
    d = deg_ref[...]
    deg = d[0, :, 0:1] + d[1, :, 0:1] + 1.0
    dinv = lax.rsqrt(deg)
    dinv_ref[...] = dinv
    h = jnp.dot(x_ref[...], w_ref[...], preferred_element_type=jnp.float32)
    hs_ref[...] = h * dinv


def _layer_body(acc_ref, hs_ref, dinv_ref, b_ref, g_ref, be_ref, w_ref,
                o_ref):
    a = acc_ref[...]
    dinv = dinv_ref[...]
    t = (a[0] + a[1] + hs_ref[...]) * dinv + b_ref[...]
    t = jnp.maximum(t, 0.0)
    mu = jnp.mean(t, axis=1, keepdims=True)
    var = jnp.mean((t - mu) ** 2, axis=1, keepdims=True)
    t = (t - mu) * lax.rsqrt(var + 1e-5) * g_ref[...] + be_ref[...]
    o_ref[...] = jnp.dot(t, w_ref[...],
                         preferred_element_type=jnp.float32) * dinv


def _head_body(acc_ref, hs_ref, dinv_ref, b3_ref, wp1_ref, bp1_ref,
               wp2_ref, bp2_ref, emb_ref, o_ref):
    a = acc_ref[...]
    emb = (a[0] + a[1] + hs_ref[...]) * dinv_ref[...] + b3_ref[...]
    emb_ref[...] = emb
    h = jnp.maximum(emb, 0.0)
    h = jnp.dot(h, wp1_ref[...], preferred_element_type=jnp.float32)
    h = h + bp1_ref[...]
    q = jnp.dot(h, wp2_ref[...], preferred_element_type=jnp.float32)
    q = q + bp2_ref[...]
    m = jnp.max(q, axis=1, keepdims=True)
    shifted = q - m
    lse = jnp.log(jnp.sum(jnp.exp(shifted), axis=1, keepdims=True))
    o_ref[...] = shifted - lse


def _f32(*shape):
    return jax.ShapeDtypeStruct(shape, jnp.float32)



def kernel(x, edge_index, W1, b1, g1, be1, W2, b2, g2, be2, W3, b3,
           Wp1, bp1, Wp2, bp2):
    src_r = edge_index[0].reshape(NC, NS, NCH, CH)
    dst_r = edge_index[1].reshape(NC, NS, NCH, CH)
    ones16 = jnp.ones((CH, 16), jnp.float32)
    z16 = jnp.zeros((NS, RPW, 16), jnp.float32)
    z32 = jnp.zeros((NS, RPW, 32), jnp.float32)

    deg_acc = _deg_pass(dst_r, ones16, z16).reshape(NC, N, 16)
    dinv, hs1 = pl.pallas_call(
        _dinv_scale_body, out_shape=(_f32(N, 1), _f32(N, 32)))(deg_acc, x, W1)

    acc1 = _spmm_pass(hs1, src_r, dst_r, z32)
    hs2 = pl.pallas_call(_layer_body, out_shape=_f32(N, 32))(
        acc1.reshape(NC, N, 32), hs1, dinv, b1.reshape(1, 32),
        g1.reshape(1, 32), be1.reshape(1, 32), W2)

    acc2 = _spmm_pass(hs2, src_r, dst_r, z32)
    hs3 = pl.pallas_call(_layer_body, out_shape=_f32(N, 32))(
        acc2.reshape(NC, N, 32), hs2, dinv, b2.reshape(1, 32),
        g2.reshape(1, 32), be2.reshape(1, 32), W3)

    acc3 = _spmm_pass(hs3, src_r, dst_r, z32)
    emb, logp = pl.pallas_call(
        _head_body, out_shape=(_f32(N, 32), _f32(N, 128)))(
        acc3.reshape(NC, N, 32), hs3, dinv, b3.reshape(1, 32), Wp1,
        bp1.reshape(1, 32), Wp2, bp2.reshape(1, 128))
    return (emb, logp)

# --- scband reference (transcript-rebuilt; emitter-appended) ---
"""Pipeline reference for scband-gnnmsa-18322330484854 (READ-ONLY COPY).

The authoritative reference and input builder live on the scoring server;
editing this copy changes nothing except your own understanding.
"""

import jax, jax.numpy as jnp
import numpy as np

N = 10000
E = 320000
D_IN = 128
H1 = 32
HID = 32
OUT = 128


def setup_inputs(seed: int = 0) -> dict:
    key = jax.random.key(seed)
    ks = jax.random.split(key, 20)
    def nrm(k, shape, fan_in):
        return jax.random.normal(k, shape, dtype=jnp.float32) * (1.0 / np.sqrt(fan_in))
    inp = {}
    inp['x'] = jax.random.normal(ks[0], (N, D_IN), dtype=jnp.float32)
    inp['edge_index'] = jax.random.randint(ks[1], (2, E), 0, N, dtype=jnp.int32)
    # GCNConv 1: input_dim -> 32
    inp['W1'] = nrm(ks[2], (D_IN, H1), D_IN)
    inp['b1'] = jnp.zeros((H1,), dtype=jnp.float32)
    inp['g1'] = jnp.ones((H1,), dtype=jnp.float32)
    inp['be1'] = jnp.zeros((H1,), dtype=jnp.float32)
    # GCNConv 2: 32 -> hidden_dim(32)
    inp['W2'] = nrm(ks[3], (H1, HID), H1)
    inp['b2'] = jnp.zeros((HID,), dtype=jnp.float32)
    inp['g2'] = jnp.ones((HID,), dtype=jnp.float32)
    inp['be2'] = jnp.zeros((HID,), dtype=jnp.float32)
    # GCNConv 3: hidden_dim -> 32
    inp['W3'] = nrm(ks[4], (HID, 32), HID)
    inp['b3'] = jnp.zeros((32,), dtype=jnp.float32)
    # post_mp: Linear(hidden_dim, hidden_dim) -> Linear(hidden_dim, output_dim)
    inp['Wp1'] = nrm(ks[5], (HID, HID), HID)
    inp['bp1'] = jnp.zeros((HID,), dtype=jnp.float32)
    inp['Wp2'] = nrm(ks[6], (HID, OUT), HID)
    inp['bp2'] = jnp.zeros((OUT,), dtype=jnp.float32)
    return inp


def gcn_conv(x, src, dst, W, b, n):
    # GCNConv with self-loops already appended to src/dst: D^-1/2 (A+I) D^-1/2 X W + b
    h = x @ W
    deg = jnp.zeros((n,), dtype=x.dtype).at[dst].add(1.0)
    dinv = jnp.where(deg > 0, jax.lax.rsqrt(jnp.maximum(deg, 1e-12)), 0.0)
    norm = dinv[src] * dinv[dst]
    msg = h[src] * norm[:, None]
    out = jnp.zeros((n, h.shape[1]), dtype=x.dtype).at[dst].add(msg)
    return out + b


def layer_norm(x, g, b):
    mu = jnp.mean(x, axis=-1, keepdims=True)
    var = jnp.var(x, axis=-1, keepdims=True)
    return (x - mu) * jax.lax.rsqrt(var + 1e-5) * g + b


def reference(x, edge_index, W1, b1, g1, be1, W2, b2, g2, be2, W3, b3, Wp1, bp1, Wp2, bp2):
    n = x.shape[0]
    loop = jnp.arange(n, dtype=edge_index.dtype)
    src = jnp.concatenate([edge_index[0], loop])
    dst = jnp.concatenate([edge_index[1], loop])
    h = gcn_conv(x, src, dst, W1, b1, n)
    h = jax.nn.relu(h)
    # dropout is identity at inference
    h = layer_norm(h, g1, be1)
    h = gcn_conv(h, src, dst, W2, b2, n)
    h = jax.nn.relu(h)
    h = layer_norm(h, g2, be2)
    emb = gcn_conv(h, src, dst, W3, b3, n)
    h = jax.nn.relu(emb)
    h = h @ Wp1 + bp1
    h = h @ Wp2 + bp2
    return (emb, jax.nn.log_softmax(h, axis=1))

if __name__ == "__main__":
    import jax
    _d = setup_inputs()
    print(jax.jit(kernel)(*tuple(_d.values())))

</pallas_src>

<mosaic_0001>
#map = affine_map<(d0, d1) -> (0, 0)>
#map1 = affine_map<(d0, d1) -> (0, 0, 0, 0)>
#map2 = affine_map<(d0, d1) -> (0, 0, 0)>
module attributes {stable_mosaic.version = 14 : i64} {
  func.func @_spmm_pass(%arg0: i32, %arg1: i32, %arg2: memref<10000x32xf32, #tpu.memory_space<hbm>>, %arg3: memref<2x16x80x125xi32, #tpu.memory_space<hbm>>, %arg4: memref<2x16x80x125xi32, #tpu.memory_space<hbm>>, %arg5: memref<16x625x32xf32, #tpu.memory_space<hbm>>, %arg6: memref<2x16x625x32xf32, #tpu.memory_space<hbm>>, %arg7: memref<80x125xi32, #tpu.memory_space<vmem>>, %arg8: memref<80x125xi32, #tpu.memory_space<vmem>>, %arg9: memref<500x32xf32, #tpu.memory_space<vmem>>, %arg10: memref<500x32xf32, #tpu.memory_space<vmem>>, %arg11: memref<500x32xf32, #tpu.memory_space<vmem>>, %arg12: memref<500x32xf32, #tpu.memory_space<vmem>>, %arg13: memref<10000x32xf32, #tpu.memory_space<vmem_shared>>, %arg14: memref<!tpu.dma_semaphore, #tpu.memory_space<semaphore_mem>>, %arg15: memref<!tpu.dma_semaphore, #tpu.memory_space<semaphore_mem>>, %arg16: memref<!tpu.dma_semaphore, #tpu.memory_space<semaphore_mem>>, %arg17: memref<!tpu.dma_semaphore, #tpu.memory_space<semaphore_mem>>, %arg18: memref<!tpu.dma_semaphore, #tpu.memory_space<semaphore_mem>>, %arg19: memref<!tpu.dma_semaphore, #tpu.memory_space<semaphore_mem>>, %arg20: memref<!tpu.dma_semaphore, #tpu.memory_space<semaphore_mem>>, %arg21: memref<!tpu.dma_semaphore, #tpu.memory_space<semaphore_mem>>) attributes {dimension_semantics = [#tpu.dimension_semantics<core_parallel>, #tpu.dimension_semantics<subcore_parallel>], iteration_bounds = array<i64: 2, 16>, scalar_prefetch = 0 : i64, scratch_operands = 15 : i64, tpu.core_type = #tpu.core_type<sc_vector_subcore>, window_params = [{transform_indices = #map}, {transform_indices = #map1}, {transform_indices = #map1}, {transform_indices = #map2}, {transform_indices = #map1}]} {
    "tpu.region"() ({
      %run_scoped3A = tpu.sem_alloc : memref<!tpu.dma_semaphore, #tpu.memory_space<semaphore_mem>>
      %dma_start3A_165 = arith.constant 0 : i32
      %dma_start3A_166 = arith.constant 0 : i32
      %dma_start3A_167 = tpu.memref_slice %arg3[%arg0, %arg1, %dma_start3A_165, %dma_start3A_166] : memref<2x16x80x125xi32, #tpu.memory_space<hbm>> -> memref<1x1x80x125xi32, #tpu.memory_space<hbm>>
      %dma_start3A_168 = tpu.memref_squeeze %dma_start3A_167 : memref<1x1x80x125xi32, #tpu.memory_space<hbm>> -> memref<80x125xi32, #tpu.memory_space<hbm>>
      %dma_start3A_169 = arith.constant 0 : i32
      %dma_start3A_170 = arith.constant 0 : i32
      %dma_start3A_171 = tpu.memref_slice %arg3[%arg0, %arg1, %dma_start3A_169, %dma_start3A_170] : memref<2x16x80x125xi32, #tpu.memory_space<hbm>> -> memref<1x1x80x125xi32, #tpu.memory_space<hbm>>
      %dma_start3A_172 = tpu.memref_squeeze %dma_start3A_171 : memref<1x1x80x125xi32, #tpu.memory_space<hbm>> -> memref<80x125xi32, #tpu.memory_space<hbm>>
      tpu.enqueue_dma source(%dma_start3A_172 : memref<80x125xi32, #tpu.memory_space<hbm>>) target(%arg7 : memref<80x125xi32, #tpu.memory_space<vmem>>) target_semaphore(%run_scoped3A : memref<!tpu.dma_semaphore, #tpu.memory_space<semaphore_mem>>)
      %dma_wait3A = arith.constant 0 : i32
      %dma_wait3A_173 = arith.constant 0 : i32
      %dma_wait3A_174 = tpu.memref_slice %arg3[%arg0, %arg1, %dma_wait3A, %dma_wait3A_173] : memref<2x16x80x125xi32, #tpu.memory_space<hbm>> -> memref<1x1x80x125xi32, #tpu.memory_space<hbm>>
      %dma_wait3A_175 = tpu.memref_squeeze %dma_wait3A_174 : memref<1x1x80x125xi32, #tpu.memory_space<hbm>> -> memref<80x125xi32, #tpu.memory_space<hbm>>
      %dma_wait3A_176 = arith.constant 0 : i32
      %dma_wait3A_177 = arith.constant 0 : i32
      %dma_wait3A_178 = tpu.memref_slice %arg3[%arg0, %arg1, %dma_wait3A_176, %dma_wait3A_177] : memref<2x16x80x125xi32, #tpu.memory_space<hbm>> -> memref<1x1x80x125xi32, #tpu.memory_space<hbm>>
      %dma_wait3A_179 = tpu.memref_squeeze %dma_wait3A_178 : memref<1x1x80x125xi32, #tpu.memory_space<hbm>> -> memref<80x125xi32, #tpu.memory_space<hbm>>
      tpu.wait_dma2 semaphore(%run_scoped3A : memref<!tpu.dma_semaphore, #tpu.memory_space<semaphore_mem>>) src(%dma_wait3A_179 : memref<80x125xi32, #tpu.memory_space<hbm>>) dst(%arg7 : memref<80x125xi32, #tpu.memory_space<vmem>>)
      tpu.yield
    }) : () -> ()
    "tpu.region"() ({
      %run_scoped3A = tpu.sem_alloc : memref<!tpu.dma_semaphore, #tpu.memory_space<semaphore_mem>>
      %dma_start3A_165 = arith.constant 0 : i32
      %dma_start3A_166 = arith.constant 0 : i32
      %dma_start3A_167 = tpu.memref_slice %arg4[%arg0, %arg1, %dma_start3A_165, %dma_start3A_166] : memref<2x16x80x125xi32, #tpu.memory_space<hbm>> -> memref<1x1x80x125xi32, #tpu.memory_space<hbm>>
      %dma_start3A_168 = tpu.memref_squeeze %dma_start3A_167 : memref<1x1x80x125xi32, #tpu.memory_space<hbm>> -> memref<80x125xi32, #tpu.memory_space<hbm>>
      %dma_start3A_169 = arith.constant 0 : i32
      %dma_start3A_170 = arith.constant 0 : i32
      %dma_start3A_171 = tpu.memref_slice %arg4[%arg0, %arg1, %dma_start3A_169, %dma_start3A_170] : memref<2x16x80x125xi32, #tpu.memory_space<hbm>> -> memref<1x1x80x125xi32, #tpu.memory_space<hbm>>
      %dma_start3A_172 = tpu.memref_squeeze %dma_start3A_171 : memref<1x1x80x125xi32, #tpu.memory_space<hbm>> -> memref<80x125xi32, #tpu.memory_space<hbm>>
      tpu.enqueue_dma source(%dma_start3A_172 : memref<80x125xi32, #tpu.memory_space<hbm>>) target(%arg8 : memref<80x125xi32, #tpu.memory_space<vmem>>) target_semaphore(%run_scoped3A : memref<!tpu.dma_semaphore, #tpu.memory_space<semaphore_mem>>)
      %dma_wait3A = arith.constant 0 : i32
      %dma_wait3A_173 = arith.constant 0 : i32
      %dma_wait3A_174 = tpu.memref_slice %arg4[%arg0, %arg1, %dma_wait3A, %dma_wait3A_173] : memref<2x16x80x125xi32, #tpu.memory_space<hbm>> -> memref<1x1x80x125xi32, #tpu.memory_space<hbm>>
      %dma_wait3A_175 = tpu.memref_squeeze %dma_wait3A_174 : memref<1x1x80x125xi32, #tpu.memory_space<hbm>> -> memref<80x125xi32, #tpu.memory_space<hbm>>
      %dma_wait3A_176 = arith.constant 0 : i32
      %dma_wait3A_177 = arith.constant 0 : i32
      %dma_wait3A_178 = tpu.memref_slice %arg4[%arg0, %arg1, %dma_wait3A_176, %dma_wait3A_177] : memref<2x16x80x125xi32, #tpu.memory_space<hbm>> -> memref<1x1x80x125xi32, #tpu.memory_space<hbm>>
      %dma_wait3A_179 = tpu.memref_squeeze %dma_wait3A_178 : memref<1x1x80x125xi32, #tpu.memory_space<hbm>> -> memref<80x125xi32, #tpu.memory_space<hbm>>
      tpu.wait_dma2 semaphore(%run_scoped3A : memref<!tpu.dma_semaphore, #tpu.memory_space<semaphore_mem>>) src(%dma_wait3A_179 : memref<80x125xi32, #tpu.memory_space<hbm>>) dst(%arg8 : memref<80x125xi32, #tpu.memory_space<vmem>>)
      tpu.yield
    }) : () -> ()
    %mul3A = arith.constant 625 : i32
    %mul3A_0 = arith.muli %arg1, %mul3A : i32
    "tpu.region"() ({
      %run_scoped3A = tpu.sem_alloc : memref<!tpu.dma_semaphore, #tpu.memory_space<semaphore_mem>>
      %dma_start3A_165 = arith.constant 0 : i32
      %dma_start3A_166 = tpu.memref_slice %arg13[%mul3A_0, %dma_start3A_165] : memref<10000x32xf32, #tpu.memory_space<vmem_shared>> -> memref<625x32xf32, #tpu.memory_space<vmem_shared>>
      %dma_start3A_167 = arith.constant 0 : i32
      %dma_start3A_168 = arith.constant 0 : i32
      %dma_start3A_169 = tpu.memref_slice %arg5[%arg1, %dma_start3A_167, %dma_start3A_168] : memref<16x625x32xf32, #tpu.memory_space<hbm>> -> memref<1x625x32xf32, #tpu.memory_space<hbm>>
      %dma_start3A_170 = tpu.memref_squeeze %dma_start3A_169 : memref<1x625x32xf32, #tpu.memory_space<hbm>> -> memref<625x32xf32, #tpu.memory_space<hbm>>
      tpu.enqueue_dma source(%dma_start3A_170 : memref<625x32xf32, #tpu.memory_space<hbm>>) target(%dma_start3A_166 : memref<625x32xf32, #tpu.memory_space<vmem_shared>>) target_semaphore(%run_scoped3A : memref<!tpu.dma_semaphore, #tpu.memory_space<semaphore_mem>>)
      %dma_wait3A = arith.constant 0 : i32
      %dma_wait3A_171 = tpu.memref_slice %arg13[%mul3A_0, %dma_wait3A] : memref<10000x32xf32, #tpu.memory_space<vmem_shared>> -> memref<625x32xf32, #tpu.memory_space<vmem_shared>>
      %dma_wait3A_172 = arith.constant 0 : i32
      %dma_wait3A_173 = arith.constant 0 : i32
      %dma_wait3A_174 = tpu.memref_slice %arg5[%arg1, %dma_wait3A_172, %dma_wait3A_173] : memref<16x625x32xf32, #tpu.memory_space<hbm>> -> memref<1x625x32xf32, #tpu.memory_space<hbm>>
      %dma_wait3A_175 = tpu.memref_squeeze %dma_wait3A_174 : memref<1x625x32xf32, #tpu.memory_space<hbm>> -> memref<625x32xf32, #tpu.memory_space<hbm>>
      tpu.wait_dma2 semaphore(%run_scoped3A : memref<!tpu.dma_semaphore, #tpu.memory_space<semaphore_mem>>) src(%dma_wait3A_175 : memref<625x32xf32, #tpu.memory_space<hbm>>) dst(%dma_wait3A_171 : memref<625x32xf32, #tpu.memory_space<vmem_shared>>)
      tpu.yield
    }) : () -> ()
    %barrier3A = arith.constant 0 : index
    tpu.barrier barrier_id(%barrier3A)
    %dma_start3A = arith.constant 0 : i32
    %dma_start3A_1 = arith.constant 0 : i32
    %dma_start3A_2 = arith.constant 0 : i32
    %dma_start3A_3 = tpu.memref_slice %arg9[%dma_start3A_1, %dma_start3A_2] : memref<500x32xf32, #tpu.memory_space<vmem>> -> memref<125x32xf32, #tpu.memory_space<vmem>>
    %dma_start3A_4 = arith.constant 0 : i32
    %dma_start3A_5 = tpu.memref_slice %arg7[%dma_start3A, %dma_start3A_4] : memref<80x125xi32, #tpu.memory_space<vmem>> -> memref<1x125xi32, #tpu.memory_space<vmem>>
    %dma_start3A_6 = tpu.memref_squeeze %dma_start3A_5 : memref<1x125xi32, #tpu.memory_space<vmem>> -> memref<125xi32, #tpu.memory_space<vmem>>
    %dma_start3A_7 = arith.constant 0 : i32
    %dma_start3A_8 = arith.constant 0 : i32
    %dma_start3A_9 = tpu.memref_slice %arg2[%dma_start3A_7, %dma_start3A_8] : memref<10000x32xf32, #tpu.memory_space<hbm>> -> memref<10000x32xf32, #tpu.memory_space<hbm>>
    tpu.enqueue_indirect_dma source(%dma_start3A_9 : memref<10000x32xf32, #tpu.memory_space<hbm>>) target(%dma_start3A_3 : memref<125x32xf32, #tpu.memory_space<vmem>>) offsets(%dma_start3A_6 : memref<125xi32, #tpu.memory_space<vmem>>) semaphore(%arg14 : memref<!tpu.dma_semaphore, #tpu.memory_space<semaphore_mem>>)
    %dma_start3A_10 = arith.constant 1 : i32
    %dma_start3A_11 = arith.constant 125 : i32
    %dma_start3A_12 = arith.constant 0 : i32
    %dma_start3A_13 = tpu.memref_slice %arg9[%dma_start3A_11, %dma_start3A_12] : memref<500x32xf32, #tpu.memory_space<vmem>> -> memref<125x32xf32, #tpu.memory_space<vmem>>
    %dma_start3A_14 = arith.constant 0 : i32
    %dma_start3A_15 = tpu.memref_slice %arg7[%dma_start3A_10, %dma_start3A_14] : memref<80x125xi32, #tpu.memory_space<vmem>> -> memref<1x125xi32, #tpu.memory_space<vmem>>
    %dma_start3A_16 = tpu.memref_squeeze %dma_start3A_15 : memref<1x125xi32, #tpu.memory_space<vmem>> -> memref<125xi32, #tpu.memory_space<vmem>>
    %dma_start3A_17 = arith.constant 0 : i32
    %dma_start3A_18 = arith.constant 0 : i32
    %dma_start3A_19 = tpu.memref_slice %arg2[%dma_start3A_17, %dma_start3A_18] : memref<10000x32xf32, #tpu.memory_space<hbm>> -> memref<10000x32xf32, #tpu.memory_space<hbm>>
    tpu.enqueue_indirect_dma source(%dma_start3A_19 : memref<10000x32xf32, #tpu.memory_space<hbm>>) target(%dma_start3A_13 : memref<125x32xf32, #tpu.memory_space<vmem>>) offsets(%dma_start3A_16 : memref<125xi32, #tpu.memory_space<vmem>>) semaphore(%arg14 : memref<!tpu.dma_semaphore, #tpu.memory_space<semaphore_mem>>)
    %dma_start3A_20 = arith.constant 2 : i32
    %dma_start3A_21 = arith.constant 250 : i32
    %dma_start3A_22 = arith.constant 0 : i32
    %dma_start3A_23 = tpu.memref_slice %arg9[%dma_start3A_21, %dma_start3A_22] : memref<500x32xf32, #tpu.memory_space<vmem>> -> memref<125x32xf32, #tpu.memory_space<vmem>>
    %dma_start3A_24 = arith.constant 0 : i32
    %dma_start3A_25 = tpu.memref_slice %arg7[%dma_start3A_20, %dma_start3A_24] : memref<80x125xi32, #tpu.memory_space<vmem>> -> memref<1x125xi32, #tpu.memory_space<vmem>>
    %dma_start3A_26 = tpu.memref_squeeze %dma_start3A_25 : memref<1x125xi32, #tpu.memory_space<vmem>> -> memref<125xi32, #tpu.memory_space<vmem>>
    %dma_start3A_27 = arith.constant 0 : i32
    %dma_start3A_28 = arith.constant 0 : i32
    %dma_start3A_29 = tpu.memref_slice %arg2[%dma_start3A_27, %dma_start3A_28] : memref<10000x32xf32, #tpu.memory_space<hbm>> -> memref<10000x32xf32, #tpu.memory_space<hbm>>
    tpu.enqueue_indirect_dma source(%dma_start3A_29 : memref<10000x32xf32, #tpu.memory_space<hbm>>) target(%dma_start3A_23 : memref<125x32xf32, #tpu.memory_space<vmem>>) offsets(%dma_start3A_26 : memref<125xi32, #tpu.memory_space<vmem>>) semaphore(%arg14 : memref<!tpu.dma_semaphore, #tpu.memory_space<semaphore_mem>>)
    %dma_start3A_30 = arith.constant 3 : i32
    %dma_start3A_31 = arith.constant 375 : i32
    %dma_start3A_32 = arith.constant 0 : i32
    %dma_start3A_33 = tpu.memref_slice %arg9[%dma_start3A_31, %dma_start3A_32] : memref<500x32xf32, #tpu.memory_space<vmem>> -> memref<125x32xf32, #tpu.memory_space<vmem>>
    %dma_start3A_34 = arith.constant 0 : i32
    %dma_start3A_35 = tpu.memref_slice %arg7[%dma_start3A_30, %dma_start3A_34] : memref<80x125xi32, #tpu.memory_space<vmem>> -> memref<1x125xi32, #tpu.memory_space<vmem>>
    %dma_start3A_36 = tpu.memref_squeeze %dma_start3A_35 : memref<1x125xi32, #tpu.memory_space<vmem>> -> memref<125xi32, #tpu.memory_space<vmem>>
    %dma_start3A_37 = arith.constant 0 : i32
    %dma_start3A_38 = arith.constant 0 : i32
    %dma_start3A_39 = tpu.memref_slice %arg2[%dma_start3A_37, %dma_start3A_38] : memref<10000x32xf32, #tpu.memory_space<hbm>> -> memref<10000x32xf32, #tpu.memory_space<hbm>>
    tpu.enqueue_indirect_dma source(%dma_start3A_39 : memref<10000x32xf32, #tpu.memory_space<hbm>>) target(%dma_start3A_33 : memref<125x32xf32, #tpu.memory_space<vmem>>) offsets(%dma_start3A_36 : memref<125xi32, #tpu.memory_space<vmem>>) semaphore(%arg14 : memref<!tpu.dma_semaphore, #tpu.memory_space<semaphore_mem>>)
    %dma_start3A_40 = arith.constant 4 : i32
    %dma_start3A_41 = arith.constant 0 : i32
    %dma_start3A_42 = arith.constant 0 : i32
    %dma_start3A_43 = tpu.memref_slice %arg10[%dma_start3A_41, %dma_start3A_42] : memref<500x32xf32, #tpu.memory_space<vmem>> -> memref<125x32xf32, #tpu.memory_space<vmem>>
    %dma_start3A_44 = arith.constant 0 : i32
    %dma_start3A_45 = tpu.memref_slice %arg7[%dma_start3A_40, %dma_start3A_44] : memref<80x125xi32, #tpu.memory_space<vmem>> -> memref<1x125xi32, #tpu.memory_space<vmem>>
    %dma_start3A_46 = tpu.memref_squeeze %dma_start3A_45 : memref<1x125xi32, #tpu.memory_space<vmem>> -> memref<125xi32, #tpu.memory_space<vmem>>
    %dma_start3A_47 = arith.constant 0 : i32
    %dma_start3A_48 = arith.constant 0 : i32
    %dma_start3A_49 = tpu.memref_slice %arg2[%dma_start3A_47, %dma_start3A_48] : memref<10000x32xf32, #tpu.memory_space<hbm>> -> memref<10000x32xf32, #tpu.memory_space<hbm>>
    tpu.enqueue_indirect_dma source(%dma_start3A_49 : memref<10000x32xf32, #tpu.memory_space<hbm>>) target(%dma_start3A_43 : memref<125x32xf32, #tpu.memory_space<vmem>>) offsets(%dma_start3A_46 : memref<125xi32, #tpu.memory_space<vmem>>) semaphore(%arg15 : memref<!tpu.dma_semaphore, #tpu.memory_space<semaphore_mem>>)
    %dma_start3A_50 = arith.constant 5 : i32
    %dma_start3A_51 = arith.constant 125 : i32
    %dma_start3A_52 = arith.constant 0 : i32
    %dma_start3A_53 = tpu.memref_slice %arg10[%dma_start3A_51, %dma_start3A_52] : memref<500x32xf32, #tpu.memory_space<vmem>> -> memref<125x32xf32, #tpu.memory_space<vmem>>
    %dma_start3A_54 = arith.constant 0 : i32
    %dma_start3A_55 = tpu.memref_slice %arg7[%dma_start3A_50, %dma_start3A_54] : memref<80x125xi32, #tpu.memory_space<vmem>> -> memref<1x125xi32, #tpu.memory_space<vmem>>
    %dma_start3A_56 = tpu.memref_squeeze %dma_start3A_55 : memref<1x125xi32, #tpu.memory_space<vmem>> -> memref<125xi32, #tpu.memory_space<vmem>>
    %dma_start3A_57 = arith.constant 0 : i32
    %dma_start3A_58 = arith.constant 0 : i32
    %dma_start3A_59 = tpu.memref_slice %arg2[%dma_start3A_57, %dma_start3A_58] : memref<10000x32xf32, #tpu.memory_space<hbm>> -> memref<10000x32xf32, #tpu.memory_space<hbm>>
    tpu.enqueue_indirect_dma source(%dma_start3A_59 : memref<10000x32xf32, #tpu.memory_space<hbm>>) target(%dma_start3A_53 : memref<125x32xf32, #tpu.memory_space<vmem>>) offsets(%dma_start3A_56 : memref<125xi32, #tpu.memory_space<vmem>>) semaphore(%arg15 : memref<!tpu.dma_semaphore, #tpu.memory_space<semaphore_mem>>)
    %dma_start3A_60 = arith.constant 6 : i32
    %dma_start3A_61 = arith.constant 250 : i32
    %dma_start3A_62 = arith.constant 0 : i32
    %dma_start3A_63 = tpu.memref_slice %arg10[%dma_start3A_61, %dma_start3A_62] : memref<500x32xf32, #tpu.memory_space<vmem>> -> memref<125x32xf32, #tpu.memory_space<vmem>>
    %dma_start3A_64 = arith.constant 0 : i32
    %dma_start3A_65 = tpu.memref_slice %arg7[%dma_start3A_60, %dma_start3A_64] : memref<80x125xi32, #tpu.memory_space<vmem>> -> memref<1x125xi32, #tpu.memory_space<vmem>>
    %dma_start3A_66 = tpu.memref_squeeze %dma_start3A_65 : memref<1x125xi32, #tpu.memory_space<vmem>> -> memref<125xi32, #tpu.memory_space<vmem>>
    %dma_start3A_67 = arith.constant 0 : i32
    %dma_start3A_68 = arith.constant 0 : i32
    %dma_start3A_69 = tpu.memref_slice %arg2[%dma_start3A_67, %dma_start3A_68] : memref<10000x32xf32, #tpu.memory_space<hbm>> -> memref<10000x32xf32, #tpu.memory_space<hbm>>
    tpu.enqueue_indirect_dma source(%dma_start3A_69 : memref<10000x32xf32, #tpu.memory_space<hbm>>) target(%dma_start3A_63 : memref<125x32xf32, #tpu.memory_space<vmem>>) offsets(%dma_start3A_66 : memref<125xi32, #tpu.memory_space<vmem>>) semaphore(%arg15 : memref<!tpu.dma_semaphore, #tpu.memory_space<semaphore_mem>>)
    %dma_start3A_70 = arith.constant 7 : i32
    %dma_start3A_71 = arith.constant 375 : i32
    %dma_start3A_72 = arith.constant 0 : i32
    %dma_start3A_73 = tpu.memref_slice %arg10[%dma_start3A_71, %dma_start3A_72] : memref<500x32xf32, #tpu.memory_space<vmem>> -> memref<125x32xf32, #tpu.memory_space<vmem>>
    %dma_start3A_74 = arith.constant 0 : i32
    %dma_start3A_75 = tpu.memref_slice %arg7[%dma_start3A_70, %dma_start3A_74] : memref<80x125xi32, #tpu.memory_space<vmem>> -> memref<1x125xi32, #tpu.memory_space<vmem>>
    %dma_start3A_76 = tpu.memref_squeeze %dma_start3A_75 : memref<1x125xi32, #tpu.memory_space<vmem>> -> memref<125xi32, #tpu.memory_space<vmem>>
    %dma_start3A_77 = arith.constant 0 : i32
    %dma_start3A_78 = arith.constant 0 : i32
    %dma_start3A_79 = tpu.memref_slice %arg2[%dma_start3A_77, %dma_start3A_78] : memref<10000x32xf32, #tpu.memory_space<hbm>> -> memref<10000x32xf32, #tpu.memory_space<hbm>>
    tpu.enqueue_indirect_dma source(%dma_start3A_79 : memref<10000x32xf32, #tpu.memory_space<hbm>>) target(%dma_start3A_73 : memref<125x32xf32, #tpu.memory_space<vmem>>) offsets(%dma_start3A_76 : memref<125xi32, #tpu.memory_space<vmem>>) semaphore(%arg15 : memref<!tpu.dma_semaphore, #tpu.memory_space<semaphore_mem>>)
    %dma_start3A_80 = arith.constant 8 : i32
    %dma_start3A_81 = arith.constant 0 : i32
    %dma_start3A_82 = arith.constant 0 : i32
    %dma_start3A_83 = tpu.memref_slice %arg11[%dma_start3A_81, %dma_start3A_82] : memref<500x32xf32, #tpu.memory_space<vmem>> -> memref<125x32xf32, #tpu.memory_space<vmem>>
    %dma_start3A_84 = arith.constant 0 : i32
    %dma_start3A_85 = tpu.memref_slice %arg7[%dma_start3A_80, %dma_start3A_84] : memref<80x125xi32, #tpu.memory_space<vmem>> -> memref<1x125xi32, #tpu.memory_space<vmem>>
    %dma_start3A_86 = tpu.memref_squeeze %dma_start3A_85 : memref<1x125xi32, #tpu.memory_space<vmem>> -> memref<125xi32, #tpu.memory_space<vmem>>
    %dma_start3A_87 = arith.constant 0 : i32
    %dma_start3A_88 = arith.constant 0 : i32
    %dma_start3A_89 = tpu.memref_slice %arg2[%dma_start3A_87, %dma_start3A_88] : memref<10000x32xf32, #tpu.memory_space<hbm>> -> memref<10000x32xf32, #tpu.memory_space<hbm>>
    tpu.enqueue_indirect_dma source(%dma_start3A_89 : memref<10000x32xf32, #tpu.memory_space<hbm>>) target(%dma_start3A_83 : memref<125x32xf32, #tpu.memory_space<vmem>>) offsets(%dma_start3A_86 : memref<125xi32, #tpu.memory_space<vmem>>) semaphore(%arg16 : memref<!tpu.dma_semaphore, #tpu.memory_space<semaphore_mem>>)
    %dma_start3A_90 = arith.constant 9 : i32
    %dma_start3A_91 = arith.constant 125 : i32
    %dma_start3A_92 = arith.constant 0 : i32
    %dma_start3A_93 = tpu.memref_slice %arg11[%dma_start3A_91, %dma_start3A_92] : memref<500x32xf32, #tpu.memory_space<vmem>> -> memref<125x32xf32, #tpu.memory_space<vmem>>
    %dma_start3A_94 = arith.constant 0 : i32
    %dma_start3A_95 = tpu.memref_slice %arg7[%dma_start3A_90, %dma_start3A_94] : memref<80x125xi32, #tpu.memory_space<vmem>> -> memref<1x125xi32, #tpu.memory_space<vmem>>
    %dma_start3A_96 = tpu.memref_squeeze %dma_start3A_95 : memref<1x125xi32, #tpu.memory_space<vmem>> -> memref<125xi32, #tpu.memory_space<vmem>>
    %dma_start3A_97 = arith.constant 0 : i32
    %dma_start3A_98 = arith.constant 0 : i32
    %dma_start3A_99 = tpu.memref_slice %arg2[%dma_start3A_97, %dma_start3A_98] : memref<10000x32xf32, #tpu.memory_space<hbm>> -> memref<10000x32xf32, #tpu.memory_space<hbm>>
    tpu.enqueue_indirect_dma source(%dma_start3A_99 : memref<10000x32xf32, #tpu.memory_space<hbm>>) target(%dma_start3A_93 : memref<125x32xf32, #tpu.memory_space<vmem>>) offsets(%dma_start3A_96 : memref<125xi32, #tpu.memory_space<vmem>>) semaphore(%arg16 : memref<!tpu.dma_semaphore, #tpu.memory_space<semaphore_mem>>)
    %dma_start3A_100 = arith.constant 10 : i32
    %dma_start3A_101 = arith.constant 250 : i32
    %dma_start3A_102 = arith.constant 0 : i32
    %dma_start3A_103 = tpu.memref_slice %arg11[%dma_start3A_101, %dma_start3A_102] : memref<500x32xf32, #tpu.memory_space<vmem>> -> memref<125x32xf32, #tpu.memory_space<vmem>>
    %dma_start3A_104 = arith.constant 0 : i32
    %dma_start3A_105 = tpu.memref_slice %arg7[%dma_start3A_100, %dma_start3A_104] : memref<80x125xi32, #tpu.memory_space<vmem>> -> memref<1x125xi32, #tpu.memory_space<vmem>>
    %dma_start3A_106 = tpu.memref_squeeze %dma_start3A_105 : memref<1x125xi32, #tpu.memory_space<vmem>> -> memref<125xi32, #tpu.memory_space<vmem>>
    %dma_start3A_107 = arith.constant 0 : i32
    %dma_start3A_108 = arith.constant 0 : i32
    %dma_start3A_109 = tpu.memref_slice %arg2[%dma_start3A_107, %dma_start3A_108] : memref<10000x32xf32, #tpu.memory_space<hbm>> -> memref<10000x32xf32, #tpu.memory_space<hbm>>
    tpu.enqueue_indirect_dma source(%dma_start3A_109 : memref<10000x32xf32, #tpu.memory_space<hbm>>) target(%dma_start3A_103 : memref<125x32xf32, #tpu.memory_space<vmem>>) offsets(%dma_start3A_106 : memref<125xi32, #tpu.memory_space<vmem>>) semaphore(%arg16 : memref<!tpu.dma_semaphore, #tpu.memory_space<semaphore_mem>>)
    %dma_start3A_110 = arith.constant 11 : i32
    %dma_start3A_111 = arith.constant 375 : i32
    %dma_start3A_112 = arith.constant 0 : i32
    %dma_start3A_113 = tpu.memref_slice %arg11[%dma_start3A_111, %dma_start3A_112] : memref<500x32xf32, #tpu.memory_space<vmem>> -> memref<125x32xf32, #tpu.memory_space<vmem>>
    %dma_start3A_114 = arith.constant 0 : i32
    %dma_start3A_115 = tpu.memref_slice %arg7[%dma_start3A_110, %dma_start3A_114] : memref<80x125xi32, #tpu.memory_space<vmem>> -> memref<1x125xi32, #tpu.memory_space<vmem>>
    %dma_start3A_116 = tpu.memref_squeeze %dma_start3A_115 : memref<1x125xi32, #tpu.memory_space<vmem>> -> memref<125xi32, #tpu.memory_space<vmem>>
    %dma_start3A_117 = arith.constant 0 : i32
    %dma_start3A_118 = arith.constant 0 : i32
    %dma_start3A_119 = tpu.memref_slice %arg2[%dma_start3A_117, %dma_start3A_118] : memref<10000x32xf32, #tpu.memory_space<hbm>> -> memref<10000x32xf32, #tpu.memory_space<hbm>>
    tpu.enqueue_indirect_dma source(%dma_start3A_119 : memref<10000x32xf32, #tpu.memory_space<hbm>>) target(%dma_start3A_113 : memref<125x32xf32, #tpu.memory_space<vmem>>) offsets(%dma_start3A_116 : memref<125xi32, #tpu.memory_space<vmem>>) semaphore(%arg16 : memref<!tpu.dma_semaphore, #tpu.memory_space<semaphore_mem>>)
    %dma_start3A_120 = arith.constant 12 : i32
    %dma_start3A_121 = arith.constant 0 : i32
    %dma_start3A_122 = arith.constant 0 : i32
    %dma_start3A_123 = tpu.memref_slice %arg12[%dma_start3A_121, %dma_start3A_122] : memref<500x32xf32, #tpu.memory_space<vmem>> -> memref<125x32xf32, #tpu.memory_space<vmem>>
    %dma_start3A_124 = arith.constant 0 : i32
    %dma_start3A_125 = tpu.memref_slice %arg7[%dma_start3A_120, %dma_start3A_124] : memref<80x125xi32, #tpu.memory_space<vmem>> -> memref<1x125xi32, #tpu.memory_space<vmem>>
    %dma_start3A_126 = tpu.memref_squeeze %dma_start3A_125 : memref<1x125xi32, #tpu.memory_space<vmem>> -> memref<125xi32, #tpu.memory_space<vmem>>
    %dma_start3A_127 = arith.constant 0 : i32
    %dma_start3A_128 = arith.constant 0 : i32
    %dma_start3A_129 = tpu.memref_slice %arg2[%dma_start3A_127, %dma_start3A_128] : memref<10000x32xf32, #tpu.memory_space<hbm>> -> memref<10000x32xf32, #tpu.memory_space<hbm>>
    tpu.enqueue_indirect_dma source(%dma_start3A_129 : memref<10000x32xf32, #tpu.memory_space<hbm>>) target(%dma_start3A_123 : memref<125x32xf32, #tpu.memory_space<vmem>>) offsets(%dma_start3A_126 : memref<125xi32, #tpu.memory_space<vmem>>) semaphore(%arg17 : memref<!tpu.dma_semaphore, #tpu.memory_space<semaphore_mem>>)
    %dma_start3A_130 = arith.constant 13 : i32
    %dma_start3A_131 = arith.constant 125 : i32
    %dma_start3A_132 = arith.constant 0 : i32
    %dma_start3A_133 = tpu.memref_slice %arg12[%dma_start3A_131, %dma_start3A_132] : memref<500x32xf32, #tpu.memory_space<vmem>> -> memref<125x32xf32, #tpu.memory_space<vmem>>
    %dma_start3A_134 = arith.constant 0 : i32
    %dma_start3A_135 = tpu.memref_slice %arg7[%dma_start3A_130, %dma_start3A_134] : memref<80x125xi32, #tpu.memory_space<vmem>> -> memref<1x125xi32, #tpu.memory_space<vmem>>
    %dma_start3A_136 = tpu.memref_squeeze %dma_start3A_135 : memref<1x125xi32, #tpu.memory_space<vmem>> -> memref<125xi32, #tpu.memory_space<vmem>>
    %dma_start3A_137 = arith.constant 0 : i32
    %dma_start3A_138 = arith.constant 0 : i32
    %dma_start3A_139 = tpu.memref_slice %arg2[%dma_start3A_137, %dma_start3A_138] : memref<10000x32xf32, #tpu.memory_space<hbm>> -> memref<10000x32xf32, #tpu.memory_space<hbm>>
    tpu.enqueue_indirect_dma source(%dma_start3A_139 : memref<10000x32xf32, #tpu.memory_space<hbm>>) target(%dma_start3A_133 : memref<125x32xf32, #tpu.memory_space<vmem>>) offsets(%dma_start3A_136 : memref<125xi32, #tpu.memory_space<vmem>>) semaphore(%arg17 : memref<!tpu.dma_semaphore, #tpu.memory_space<semaphore_mem>>)
    %dma_start3A_140 = arith.constant 14 : i32
    %dma_start3A_141 = arith.constant 250 : i32
    %dma_start3A_142 = arith.constant 0 : i32
    %dma_start3A_143 = tpu.memref_slice %arg12[%dma_start3A_141, %dma_start3A_142] : memref<500x32xf32, #tpu.memory_space<vmem>> -> memref<125x32xf32, #tpu.memory_space<vmem>>
    %dma_start3A_144 = arith.constant 0 : i32
    %dma_start3A_145 = tpu.memref_slice %arg7[%dma_start3A_140, %dma_start3A_144] : memref<80x125xi32, #tpu.memory_space<vmem>> -> memref<1x125xi32, #tpu.memory_space<vmem>>
    %dma_start3A_146 = tpu.memref_squeeze %dma_start3A_145 : memref<1x125xi32, #tpu.memory_space<vmem>> -> memref<125xi32, #tpu.memory_space<vmem>>
    %dma_start3A_147 = arith.constant 0 : i32
    %dma_start3A_148 = arith.constant 0 : i32
    %dma_start3A_149 = tpu.memref_slice %arg2[%dma_start3A_147, %dma_start3A_148] : memref<10000x32xf32, #tpu.memory_space<hbm>> -> memref<10000x32xf32, #tpu.memory_space<hbm>>
    tpu.enqueue_indirect_dma source(%dma_start3A_149 : memref<10000x32xf32, #tpu.memory_space<hbm>>) target(%dma_start3A_143 : memref<125x32xf32, #tpu.memory_space<vmem>>) offsets(%dma_start3A_146 : memref<125xi32, #tpu.memory_space<vmem>>) semaphore(%arg17 : memref<!tpu.dma_semaphore, #tpu.memory_space<semaphore_mem>>)
    %dma_start3A_150 = arith.constant 15 : i32
    %dma_start3A_151 = arith.constant 375 : i32
    %dma_start3A_152 = arith.constant 0 : i32
    %dma_start3A_153 = tpu.memref_slice %arg12[%dma_start3A_151, %dma_start3A_152] : memref<500x32xf32, #tpu.memory_space<vmem>> -> memref<125x32xf32, #tpu.memory_space<vmem>>
    %dma_start3A_154 = arith.constant 0 : i32
    %dma_start3A_155 = tpu.memref_slice %arg7[%dma_start3A_150, %dma_start3A_154] : memref<80x125xi32, #tpu.memory_space<vmem>> -> memref<1x125xi32, #tpu.memory_space<vmem>>
    %dma_start3A_156 = tpu.memref_squeeze %dma_start3A_155 : memref<1x125xi32, #tpu.memory_space<vmem>> -> memref<125xi32, #tpu.memory_space<vmem>>
    %dma_start3A_157 = arith.constant 0 : i32
    %dma_start3A_158 = arith.constant 0 : i32
    %dma_start3A_159 = tpu.memref_slice %arg2[%dma_start3A_157, %dma_start3A_158] : memref<10000x32xf32, #tpu.memory_space<hbm>> -> memref<10000x32xf32, #tpu.memory_space<hbm>>
    tpu.enqueue_indirect_dma source(%dma_start3A_159 : memref<10000x32xf32, #tpu.memory_space<hbm>>) target(%dma_start3A_153 : memref<125x32xf32, #tpu.memory_space<vmem>>) offsets(%dma_start3A_156 : memref<125xi32, #tpu.memory_space<vmem>>) semaphore(%arg17 : memref<!tpu.dma_semaphore, #tpu.memory_space<semaphore_mem>>)
    %scan3A = arith.constant 0 : i32
    %scan3A_160 = arith.constant 5 : i32
    %scan3A_161 = arith.addi %scan3A, %scan3A_160 : i32
    %scan3A_162 = arith.constant 1 : i32
    scf.for %scan3A_165 = %scan3A to %scan3A_161 step %scan3A_162  : i32 {
      %mul3A_166 = arith.constant 4 : i32
      %mul3A_167 = arith.muli %scan3A_165, %mul3A_166 : i32
      %add3A = arith.constant 0 : i32
      %add3A_168 = arith.addi %add3A, %mul3A_167 : i32
      %dma_wait3A = arith.constant 0 : i32
      %dma_wait3A_169 = arith.constant 0 : i32
      %dma_wait3A_170 = tpu.memref_slice %arg2[%dma_wait3A, %dma_wait3A_169] : memref<10000x32xf32, #tpu.memory_space<hbm>> -> memref<500x32xf32, #tpu.memory_space<hbm>>
      %dma_wait3A_171 = arith.constant 0 : i32
      %dma_wait3A_172 = arith.constant 0 : i32
      %dma_wait3A_173 = tpu.memref_slice %arg2[%dma_wait3A_171, %dma_wait3A_172] : memref<10000x32xf32, #tpu.memory_space<hbm>> -> memref<500x32xf32, #tpu.memory_space<hbm>>
      tpu.wait_dma2 semaphore(%arg14 : memref<!tpu.dma_semaphore, #tpu.memory_space<semaphore_mem>>) src(%dma_wait3A_173 : memref<500x32xf32, #tpu.memory_space<hbm>>) dst(%arg9 : memref<500x32xf32, #tpu.memory_space<vmem>>)
      %add3A_174 = arith.constant 0 : i32
      %add3A_175 = arith.addi %add3A_168, %add3A_174 : i32
      %mul3A_176 = arith.constant 4 : i32
      %mul3A_177 = arith.muli %add3A_175, %mul3A_176 : i32
      %add3A_178 = arith.constant 0 : i32
      %add3A_179 = arith.addi %mul3A_177, %add3A_178 : i32
      %dma_start3A_180 = arith.constant 0 : i32
      %dma_start3A_181 = arith.constant 0 : i32
      %dma_start3A_182 = tpu.memref_slice %arg9[%dma_start3A_180, %dma_start3A_181] : memref<500x32xf32, #tpu.memory_space<vmem>> -> memref<125x32xf32, #tpu.memory_space<vmem>>
      %dma_start3A_183 = arith.constant 0 : i32
      %dma_start3A_184 = tpu.memref_slice %arg8[%add3A_179, %dma_start3A_183] : memref<80x125xi32, #tpu.memory_space<vmem>> -> memref<1x125xi32, #tpu.memory_space<vmem>>
      %dma_start3A_185 = tpu.memref_squeeze %dma_start3A_184 : memref<1x125xi32, #tpu.memory_space<vmem>> -> memref<125xi32, #tpu.memory_space<vmem>>
      %dma_start3A_186 = arith.constant 0 : i32
      %dma_start3A_187 = arith.constant 0 : i32
      %dma_start3A_188 = tpu.memref_slice %arg13[%dma_start3A_186, %dma_start3A_187] : memref<10000x32xf32, #tpu.memory_space<vmem_shared>> -> memref<10000x32xf32, #tpu.memory_space<vmem_shared>>
      tpu.enqueue_indirect_dma source(%dma_start3A_182 : memref<125x32xf32, #tpu.memory_space<vmem>>) target(%dma_start3A_188 : memref<10000x32xf32, #tpu.memory_space<vmem_shared>>) offsets(%dma_start3A_185 : memref<125xi32, #tpu.memory_space<vmem>>) semaphore(%arg18 : memref<!tpu.dma_semaphore, #tpu.memory_space<semaphore_mem>>) {add = true}
      %mul3A_189 = arith.constant 4 : i32
      %mul3A_190 = arith.muli %add3A_175, %mul3A_189 : i32
      %add3A_191 = arith.constant 1 : i32
      %add3A_192 = arith.addi %mul3A_190, %add3A_191 : i32
      %dma_start3A_193 = arith.constant 125 : i32
      %dma_start3A_194 = arith.constant 0 : i32
      %dma_start3A_195 = tpu.memref_slice %arg9[%dma_start3A_193, %dma_start3A_194] : memref<500x32xf32, #tpu.memory_space<vmem>> -> memref<125x32xf32, #tpu.memory_space<vmem>>
      %dma_start3A_196 = arith.constant 0 : i32
      %dma_start3A_197 = tpu.memref_slice %arg8[%add3A_192, %dma_start3A_196] : memref<80x125xi32, #tpu.memory_space<vmem>> -> memref<1x125xi32, #tpu.memory_space<vmem>>
      %dma_start3A_198 = tpu.memref_squeeze %dma_start3A_197 : memref<1x125xi32, #tpu.memory_space<vmem>> -> memref<125xi32, #tpu.memory_space<vmem>>
      %dma_start3A_199 = arith.constant 0 : i32
      %dma_start3A_200 = arith.constant 0 : i32
      %dma_start3A_201 = tpu.memref_slice %arg13[%dma_start3A_199, %dma_start3A_200] : memref<10000x32xf32, #tpu.memory_space<vmem_shared>> -> memref<10000x32xf32, #tpu.memory_space<vmem_shared>>
      tpu.enqueue_indirect_dma source(%dma_start3A_195 : memref<125x32xf32, #tpu.memory_space<vmem>>) target(%dma_start3A_201 : memref<10000x32xf32, #tpu.memory_space<vmem_shared>>) offsets(%dma_start3A_198 : memref<125xi32, #tpu.memory_space<vmem>>) semaphore(%arg18 : memref<!tpu.dma_semaphore, #tpu.memory_space<semaphore_mem>>) {add = true}
      %mul3A_202 = arith.constant 4 : i32
      %mul3A_203 = arith.muli %add3A_175, %mul3A_202 : i32
      %add3A_204 = arith.constant 2 : i32
      %add3A_205 = arith.addi %mul3A_203, %add3A_204 : i32
      %dma_start3A_206 = arith.constant 250 : i32
      %dma_start3A_207 = arith.constant 0 : i32
      %dma_start3A_208 = tpu.memref_slice %arg9[%dma_start3A_206, %dma_start3A_207] : memref<500x32xf32, #tpu.memory_space<vmem>> -> memref<125x32xf32, #tpu.memory_space<vmem>>
      %dma_start3A_209 = arith.constant 0 : i32
      %dma_start3A_210 = tpu.memref_slice %arg8[%add3A_205, %dma_start3A_209] : memref<80x125xi32, #tpu.memory_space<vmem>> -> memref<1x125xi32, #tpu.memory_space<vmem>>
      %dma_start3A_211 = tpu.memref_squeeze %dma_start3A_210 : memref<1x125xi32, #tpu.memory_space<vmem>> -> memref<125xi32, #tpu.memory_space<vmem>>
      %dma_start3A_212 = arith.constant 0 : i32
      %dma_start3A_213 = arith.constant 0 : i32
      %dma_start3A_214 = tpu.memref_slice %arg13[%dma_start3A_212, %dma_start3A_213] : memref<10000x32xf32, #tpu.memory_space<vmem_shared>> -> memref<10000x32xf32, #tpu.memory_space<vmem_shared>>
      tpu.enqueue_indirect_dma source(%dma_start3A_208 : memref<125x32xf32, #tpu.memory_space<vmem>>) target(%dma_start3A_214 : memref<10000x32xf32, #tpu.memory_space<vmem_shared>>) offsets(%dma_start3A_211 : memref<125xi32, #tpu.memory_space<vmem>>) semaphore(%arg18 : memref<!tpu.dma_semaphore, #tpu.memory_space<semaphore_mem>>) {add = true}
      %mul3A_215 = arith.constant 4 : i32
      %mul3A_216 = arith.muli %add3A_175, %mul3A_215 : i32
      %add3A_217 = arith.constant 3 : i32
      %add3A_218 = arith.addi %mul3A_216, %add3A_217 : i32
      %dma_start3A_219 = arith.constant 375 : i32
      %dma_start3A_220 = arith.constant 0 : i32
      %dma_start3A_221 = tpu.memref_slice %arg9[%dma_start3A_219, %dma_start3A_220] : memref<500x32xf32, #tpu.memory_space<vmem>> -> memref<125x32xf32, #tpu.memory_space<vmem>>
      %dma_start3A_222 = arith.constant 0 : i32
      %dma_start3A_223 = tpu.memref_slice %arg8[%add3A_218, %dma_start3A_222] : memref<80x125xi32, #tpu.memory_space<vmem>> -> memref<1x125xi32, #tpu.memory_space<vmem>>
      %dma_start3A_224 = tpu.memref_squeeze %dma_start3A_223 : memref<1x125xi32, #tpu.memory_space<vmem>> -> memref<125xi32, #tpu.memory_space<vmem>>
      %dma_start3A_225 = arith.constant 0 : i32
      %dma_start3A_226 = arith.constant 0 : i32
      %dma_start3A_227 = tpu.memref_slice %arg13[%dma_start3A_225, %dma_start3A_226] : memref<10000x32xf32, #tpu.memory_space<vmem_shared>> -> memref<10000x32xf32, #tpu.memory_space<vmem_shared>>
      tpu.enqueue_indirect_dma source(%dma_start3A_221 : memref<125x32xf32, #tpu.memory_space<vmem>>) target(%dma_start3A_227 : memref<10000x32xf32, #tpu.memory_space<vmem_shared>>) offsets(%dma_start3A_224 : memref<125xi32, #tpu.memory_space<vmem>>) semaphore(%arg18 : memref<!tpu.dma_semaphore, #tpu.memory_space<semaphore_mem>>) {add = true}
      %dma_wait3A_228 = arith.constant 0 : i32
      %dma_wait3A_229 = arith.constant 0 : i32
      %dma_wait3A_230 = tpu.memref_slice %arg2[%dma_wait3A_228, %dma_wait3A_229] : memref<10000x32xf32, #tpu.memory_space<hbm>> -> memref<500x32xf32, #tpu.memory_space<hbm>>
      %dma_wait3A_231 = arith.constant 0 : i32
      %dma_wait3A_232 = arith.constant 0 : i32
      %dma_wait3A_233 = tpu.memref_slice %arg2[%dma_wait3A_231, %dma_wait3A_232] : memref<10000x32xf32, #tpu.memory_space<hbm>> -> memref<500x32xf32, #tpu.memory_space<hbm>>
      tpu.wait_dma2 semaphore(%arg15 : memref<!tpu.dma_semaphore, #tpu.memory_space<semaphore_mem>>) src(%dma_wait3A_233 : memref<500x32xf32, #tpu.memory_space<hbm>>) dst(%arg10 : memref<500x32xf32, #tpu.memory_space<vmem>>)
      %add3A_234 = arith.constant 1 : i32
      %add3A_235 = arith.addi %add3A_168, %add3A_234 : i32
      %mul3A_236 = arith.constant 4 : i32
      %mul3A_237 = arith.muli %add3A_235, %mul3A_236 : i32
      %add3A_238 = arith.constant 0 : i32
      %add3A_239 = arith.addi %mul3A_237, %add3A_238 : i32
      %dma_start3A_240 = arith.constant 0 : i32
      %dma_start3A_241 = arith.constant 0 : i32
      %dma_start3A_242 = tpu.memref_slice %arg10[%dma_start3A_240, %dma_start3A_241] : memref<500x32xf32, #tpu.memory_space<vmem>> -> memref<125x32xf32, #tpu.memory_space<vmem>>
      %dma_start3A_243 = arith.constant 0 : i32
      %dma_start3A_244 = tpu.memref_slice %arg8[%add3A_239, %dma_start3A_243] : memref<80x125xi32, #tpu.memory_space<vmem>> -> memref<1x125xi32, #tpu.memory_space<vmem>>
      %dma_start3A_245 = tpu.memref_squeeze %dma_start3A_244 : memref<1x125xi32, #tpu.memory_space<vmem>> -> memref<125xi32, #tpu.memory_space<vmem>>
      %dma_start3A_246 = arith.constant 0 : i32
      %dma_start3A_247 = arith.constant 0 : i32
      %dma_start3A_248 = tpu.memref_slice %arg13[%dma_start3A_246, %dma_start3A_247] : memref<10000x32xf32, #tpu.memory_space<vmem_shared>> -> memref<10000x32xf32, #tpu.memory_space<vmem_shared>>
      tpu.enqueue_indirect_dma source(%dma_start3A_242 : memref<125x32xf32, #tpu.memory_space<vmem>>) target(%dma_start3A_248 : memref<10000x32xf32, #tpu.memory_space<vmem_shared>>) offsets(%dma_start3A_245 : memref<125xi32, #tpu.memory_space<vmem>>) semaphore(%arg19 : memref<!tpu.dma_semaphore, #tpu.memory_space<semaphore_mem>>) {add = true}
      %mul3A_249 = arith.constant 4 : i32
      %mul3A_250 = arith.muli %add3A_235, %mul3A_249 : i32
      %add3A_251 = arith.constant 1 : i32
      %add3A_252 = arith.addi %mul3A_250, %add3A_251 : i32
      %dma_start3A_253 = arith.constant 125 : i32
      %dma_start3A_254 = arith.constant 0 : i32
      %dma_start3A_255 = tpu.memref_slice %arg10[%dma_start3A_253, %dma_start3A_254] : memref<500x32xf32, #tpu.memory_space<vmem>> -> memref<125x32xf32, #tpu.memory_space<vmem>>
      %dma_start3A_256 = arith.constant 0 : i32
      %dma_start3A_257 = tpu.memref_slice %arg8[%add3A_252, %dma_start3A_256] : memref<80x125xi32, #tpu.memory_space<vmem>> -> memref<1x125xi32, #tpu.memory_space<vmem>>
      %dma_start3A_258 = tpu.memref_squeeze %dma_start3A_257 : memref<1x125xi32, #tpu.memory_space<vmem>> -> memref<125xi32, #tpu.memory_space<vmem>>
      %dma_start3A_259 = arith.constant 0 : i32
      %dma_start3A_260 = arith.constant 0 : i32
      %dma_start3A_261 = tpu.memref_slice %arg13[%dma_start3A_259, %dma_start3A_260] : memref<10000x32xf32, #tpu.memory_space<vmem_shared>> -> memref<10000x32xf32, #tpu.memory_space<vmem_shared>>
      tpu.enqueue_indirect_dma source(%dma_start3A_255 : memref<125x32xf32, #tpu.memory_space<vmem>>) target(%dma_start3A_261 : memref<10000x32xf32, #tpu.memory_space<vmem_shared>>) offsets(%dma_start3A_258 : memref<125xi32, #tpu.memory_space<vmem>>) semaphore(%arg19 : memref<!tpu.dma_semaphore, #tpu.memory_space<semaphore_mem>>) {add = true}
      %mul3A_262 = arith.constant 4 : i32
      %mul3A_263 = arith.muli %add3A_235, %mul3A_262 : i32
      %add3A_264 = arith.constant 2 : i32
      %add3A_265 = arith.addi %mul3A_263, %add3A_264 : i32
      %dma_start3A_266 = arith.constant 250 : i32
      %dma_start3A_267 = arith.constant 0 : i32
      %dma_start3A_268 = tpu.memref_slice %arg10[%dma_start3A_266, %dma_start3A_267] : memref<500x32xf32, #tpu.memory_space<vmem>> -> memref<125x32xf32, #tpu.memory_space<vmem>>
      %dma_start3A_269 = arith.constant 0 : i32
      %dma_start3A_270 = tpu.memref_slice %arg8[%add3A_265, %dma_start3A_269] : memref<80x125xi32, #tpu.memory_space<vmem>> -> memref<1x125xi32, #tpu.memory_space<vmem>>
      %dma_start3A_271 = tpu.memref_squeeze %dma_start3A_270 : memref<1x125xi32, #tpu.memory_space<vmem>> -> memref<125xi32, #tpu.memory_space<vmem>>
      %dma_start3A_272 = arith.constant 0 : i32
      %dma_start3A_273 = arith.constant 0 : i32
      %dma_start3A_274 = tpu.memref_slice %arg13[%dma_start3A_272, %dma_start3A_273] : memref<10000x32xf32, #tpu.memory_space<vmem_shared>> -> memref<10000x32xf32, #tpu.memory_space<vmem_shared>>
      tpu.enqueue_indirect_dma source(%dma_start3A_268 : memref<125x32xf32, #tpu.memory_space<vmem>>) target(%dma_start3A_274 : memref<10000x32xf32, #tpu.memory_space<vmem_shared>>) offsets(%dma_start3A_271 : memref<125xi32, #tpu.memory_space<vmem>>) semaphore(%arg19 : memref<!tpu.dma_semaphore, #tpu.memory_space<semaphore_mem>>) {add = true}
      %mul3A_275 = arith.constant 4 : i32
      %mul3A_276 = arith.muli %add3A_235, %mul3A_275 : i32
      %add3A_277 = arith.constant 3 : i32
      %add3A_278 = arith.addi %mul3A_276, %add3A_277 : i32
      %dma_start3A_279 = arith.constant 375 : i32
      %dma_start3A_280 = arith.constant 0 : i32
      %dma_start3A_281 = tpu.memref_slice %arg10[%dma_start3A_279, %dma_start3A_280] : memref<500x32xf32, #tpu.memory_space<vmem>> -> memref<125x32xf32, #tpu.memory_space<vmem>>
      %dma_start3A_282 = arith.constant 0 : i32
      %dma_start3A_283 = tpu.memref_slice %arg8[%add3A_278, %dma_start3A_282] : memref<80x125xi32, #tpu.memory_space<vmem>> -> memref<1x125xi32, #tpu.memory_space<vmem>>
      %dma_start3A_284 = tpu.memref_squeeze %dma_start3A_283 : memref<1x125xi32, #tpu.memory_space<vmem>> -> memref<125xi32, #tpu.memory_space<vmem>>
      %dma_start3A_285 = arith.constant 0 : i32
      %dma_start3A_286 = arith.constant 0 : i32
      %dma_start3A_287 = tpu.memref_slice %arg13[%dma_start3A_285, %dma_start3A_286] : memref<10000x32xf32, #tpu.memory_space<vmem_shared>> -> memref<10000x32xf32, #tpu.memory_space<vmem_shared>>
      tpu.enqueue_indirect_dma source(%dma_start3A_281 : memref<125x32xf32, #tpu.memory_space<vmem>>) target(%dma_start3A_287 : memref<10000x32xf32, #tpu.memory_space<vmem_shared>>) offsets(%dma_start3A_284 : memref<125xi32, #tpu.memory_space<vmem>>) semaphore(%arg19 : memref<!tpu.dma_semaphore, #tpu.memory_space<semaphore_mem>>) {add = true}
      %dma_wait3A_288 = arith.constant 0 : i32
      %dma_wait3A_289 = arith.constant 0 : i32
      %dma_wait3A_290 = tpu.memref_slice %arg2[%dma_wait3A_288, %dma_wait3A_289] : memref<10000x32xf32, #tpu.memory_space<hbm>> -> memref<500x32xf32, #tpu.memory_space<hbm>>
      %dma_wait3A_291 = arith.constant 0 : i32
      %dma_wait3A_292 = arith.constant 0 : i32
      %dma_wait3A_293 = tpu.memref_slice %arg2[%dma_wait3A_291, %dma_wait3A_292] : memref<10000x32xf32, #tpu.memory_space<hbm>> -> memref<500x32xf32, #tpu.memory_space<hbm>>
      tpu.wait_dma2 semaphore(%arg18 : memref<!tpu.dma_semaphore, #tpu.memory_space<semaphore_mem>>) src(%dma_wait3A_293 : memref<500x32xf32, #tpu.memory_space<hbm>>) dst(%arg9 : memref<500x32xf32, #tpu.memory_space<vmem>>)
      %add3A_294 = arith.constant 0 : i32
      %add3A_295 = arith.addi %add3A_168, %add3A_294 : i32
      %add3A_296 = arith.constant 4 : i32
      %add3A_297 = arith.addi %add3A_295, %add3A_296 : i32
      %lt3A = arith.constant 20 : i32
      %lt3A_298 = arith.cmpi slt, %add3A_297, %lt3A : i32
      %convert_element_type3A = arith.extui %lt3A_298 : i1 to i32
      %cond3A = arith.constant 0 : i32
      %cond3A_299 = arith.cmpi ne, %convert_element_type3A, %cond3A : i32
      scf.if %cond3A_299 {
        %add3A_463 = arith.constant 0 : i32
        %add3A_464 = arith.addi %add3A_168, %add3A_463 : i32
        %add3A_465 = arith.constant 4 : i32
        %add3A_466 = arith.addi %add3A_464, %add3A_465 : i32
        %mul3A_467 = arith.constant 4 : i32
        %mul3A_468 = arith.muli %add3A_466, %mul3A_467 : i32
        %add3A_469 = arith.constant 0 : i32
        %add3A_470 = arith.addi %mul3A_468, %add3A_469 : i32
        %dma_start3A_471 = arith.constant 0 : i32
        %dma_start3A_472 = arith.constant 0 : i32
        %dma_start3A_473 = tpu.memref_slice %arg9[%dma_start3A_471, %dma_start3A_472] : memref<500x32xf32, #tpu.memory_space<vmem>> -> memref<125x32xf32, #tpu.memory_space<vmem>>
        %dma_start3A_474 = arith.constant 0 : i32
        %dma_start3A_475 = tpu.memref_slice %arg7[%add3A_470, %dma_start3A_474] : memref<80x125xi32, #tpu.memory_space<vmem>> -> memref<1x125xi32, #tpu.memory_space<vmem>>
        %dma_start3A_476 = tpu.memref_squeeze %dma_start3A_475 : memref<1x125xi32, #tpu.memory_space<vmem>> -> memref<125xi32, #tpu.memory_space<vmem>>
        %dma_start3A_477 = arith.constant 0 : i32
        %dma_start3A_478 = arith.constant 0 : i32
        %dma_start3A_479 = tpu.memref_slice %arg2[%dma_start3A_477, %dma_start3A_478] : memref<10000x32xf32, #tpu.memory_space<hbm>> -> memref<10000x32xf32, #tpu.memory_space<hbm>>
        tpu.enqueue_indirect_dma source(%dma_start3A_479 : memref<10000x32xf32, #tpu.memory_space<hbm>>) target(%dma_start3A_473 : memref<125x32xf32, #tpu.memory_space<vmem>>) offsets(%dma_start3A_476 : memref<125xi32, #tpu.memory_space<vmem>>) semaphore(%arg14 : memref<!tpu.dma_semaphore, #tpu.memory_space<semaphore_mem>>)
        %mul3A_480 = arith.constant 4 : i32
        %mul3A_481 = arith.muli %add3A_466, %mul3A_480 : i32
        %add3A_482 = arith.constant 1 : i32
        %add3A_483 = arith.addi %mul3A_481, %add3A_482 : i32
        %dma_start3A_484 = arith.constant 125 : i32
        %dma_start3A_485 = arith.constant 0 : i32
        %dma_start3A_486 = tpu.memref_slice %arg9[%dma_start3A_484, %dma_start3A_485] : memref<500x32xf32, #tpu.memory_space<vmem>> -> memref<125x32xf32, #tpu.memory_space<vmem>>
        %dma_start3A_487 = arith.constant 0 : i32
        %dma_start3A_488 = tpu.memref_slice %arg7[%add3A_483, %dma_start3A_487] : memref<80x125xi32, #tpu.memory_space<vmem>> -> memref<1x125xi32, #tpu.memory_space<vmem>>
        %dma_start3A_489 = tpu.memref_squeeze %dma_start3A_488 : memref<1x125xi32, #tpu.memory_space<vmem>> -> memref<125xi32, #tpu.memory_space<vmem>>
        %dma_start3A_490 = arith.constant 0 : i32
        %dma_start3A_491 = arith.constant 0 : i32
        %dma_start3A_492 = tpu.memref_slice %arg2[%dma_start3A_490, %dma_start3A_491] : memref<10000x32xf32, #tpu.memory_space<hbm>> -> memref<10000x32xf32, #tpu.memory_space<hbm>>
        tpu.enqueue_indirect_dma source(%dma_start3A_492 : memref<10000x32xf32, #tpu.memory_space<hbm>>) target(%dma_start3A_486 : memref<125x32xf32, #tpu.memory_space<vmem>>) offsets(%dma_start3A_489 : memref<125xi32, #tpu.memory_space<vmem>>) semaphore(%arg14 : memref<!tpu.dma_semaphore, #tpu.memory_space<semaphore_mem>>)
        %mul3A_493 = arith.constant 4 : i32
        %mul3A_494 = arith.muli %add3A_466, %mul3A_493 : i32
        %add3A_495 = arith.constant 2 : i32
        %add3A_496 = arith.addi %mul3A_494, %add3A_495 : i32
        %dma_start3A_497 = arith.constant 250 : i32
        %dma_start3A_498 = arith.constant 0 : i32
        %dma_start3A_499 = tpu.memref_slice %arg9[%dma_start3A_497, %dma_start3A_498] : memref<500x32xf32, #tpu.memory_space<vmem>> -> memref<125x32xf32, #tpu.memory_space<vmem>>
        %dma_start3A_500 = arith.constant 0 : i32
        %dma_start3A_501 = tpu.memref_slice %arg7[%add3A_496, %dma_start3A_500] : memref<80x125xi32, #tpu.memory_space<vmem>> -> memref<1x125xi32, #tpu.memory_space<vmem>>
        %dma_start3A_502 = tpu.memref_squeeze %dma_start3A_501 : memref<1x125xi32, #tpu.memory_space<vmem>> -> memref<125xi32, #tpu.memory_space<vmem>>
        %dma_start3A_503 = arith.constant 0 : i32
        %dma_start3A_504 = arith.constant 0 : i32
        %dma_start3A_505 = tpu.memref_slice %arg2[%dma_start3A_503, %dma_start3A_504] : memref<10000x32xf32, #tpu.memory_space<hbm>> -> memref<10000x32xf32, #tpu.memory_space<hbm>>
        tpu.enqueue_indirect_dma source(%dma_start3A_505 : memref<10000x32xf32, #tpu.memory_space<hbm>>) target(%dma_start3A_499 : memref<125x32xf32, #tpu.memory_space<vmem>>) offsets(%dma_start3A_502 : memref<125xi32, #tpu.memory_space<vmem>>) semaphore(%arg14 : memref<!tpu.dma_semaphore, #tpu.memory_space<semaphore_mem>>)
        %mul3A_506 = arith.constant 4 : i32
        %mul3A_507 = arith.muli %add3A_466, %mul3A_506 : i32
        %add3A_508 = arith.constant 3 : i32
        %add3A_509 = arith.addi %mul3A_507, %add3A_508 : i32
        %dma_start3A_510 = arith.constant 375 : i32
        %dma_start3A_511 = arith.constant 0 : i32
        %dma_start3A_512 = tpu.memref_slice %arg9[%dma_start3A_510, %dma_start3A_511] : memref<500x32xf32, #tpu.memory_space<vmem>> -> memref<125x32xf32, #tpu.memory_space<vmem>>
        %dma_start3A_513 = arith.constant 0 : i32
        %dma_start3A_514 = tpu.memref_slice %arg7[%add3A_509, %dma_start3A_513] : memref<80x125xi32, #tpu.memory_space<vmem>> -> memref<1x125xi32, #tpu.memory_space<vmem>>
        %dma_start3A_515 = tpu.memref_squeeze %dma_start3A_514 : memref<1x125xi32, #tpu.memory_space<vmem>> -> memref<125xi32, #tpu.memory_space<vmem>>
        %dma_start3A_516 = arith.constant 0 : i32
        %dma_start3A_517 = arith.constant 0 : i32
        %dma_start3A_518 = tpu.memref_slice %arg2[%dma_start3A_516, %dma_start3A_517] : memref<10000x32xf32, #tpu.memory_space<hbm>> -> memref<10000x32xf32, #tpu.memory_space<hbm>>
        tpu.enqueue_indirect_dma source(%dma_start3A_518 : memref<10000x32xf32, #tpu.memory_space<hbm>>) target(%dma_start3A_512 : memref<125x32xf32, #tpu.memory_space<vmem>>) offsets(%dma_start3A_515 : memref<125xi32, #tpu.memory_space<vmem>>) semaphore(%arg14 : memref<!tpu.dma_semaphore, #tpu.memory_space<semaphore_mem>>)
      } else {
      }
      %dma_wait3A_300 = arith.constant 0 : i32
      %dma_wait3A_301 = arith.constant 0 : i32
      %dma_wait3A_302 = tpu.memref_slice %arg2[%dma_wait3A_300, %dma_wait3A_301] : memref<10000x32xf32, #tpu.memory_space<hbm>> -> memref<500x32xf32, #tpu.memory_space<hbm>>
      %dma_wait3A_303 = arith.constant 0 : i32
      %dma_wait3A_304 = arith.constant 0 : i32
      %dma_wait3A_305 = tpu.memref_slice %arg2[%dma_wait3A_303, %dma_wait3A_304] : memref<10000x32xf32, #tpu.memory_space<hbm>> -> memref<500x32xf32, #tpu.memory_space<hbm>>
      tpu.wait_dma2 semaphore(%arg16 : memref<!tpu.dma_semaphore, #tpu.memory_space<semaphore_mem>>) src(%dma_wait3A_305 : memref<500x32xf32, #tpu.memory_space<hbm>>) dst(%arg11 : memref<500x32xf32, #tpu.memory_space<vmem>>)
      %add3A_306 = arith.constant 2 : i32
      %add3A_307 = arith.addi %add3A_168, %add3A_306 : i32
      %mul3A_308 = arith.constant 4 : i32
      %mul3A_309 = arith.muli %add3A_307, %mul3A_308 : i32
      %add3A_310 = arith.constant 0 : i32
      %add3A_311 = arith.addi %mul3A_309, %add3A_310 : i32
      %dma_start3A_312 = arith.constant 0 : i32
      %dma_start3A_313 = arith.constant 0 : i32
      %dma_start3A_314 = tpu.memref_slice %arg11[%dma_start3A_312, %dma_start3A_313] : memref<500x32xf32, #tpu.memory_space<vmem>> -> memref<125x32xf32, #tpu.memory_space<vmem>>
      %dma_start3A_315 = arith.constant 0 : i32
      %dma_start3A_316 = tpu.memref_slice %arg8[%add3A_311, %dma_start3A_315] : memref<80x125xi32, #tpu.memory_space<vmem>> -> memref<1x125xi32, #tpu.memory_space<vmem>>
      %dma_start3A_317 = tpu.memref_squeeze %dma_start3A_316 : memref<1x125xi32, #tpu.memory_space<vmem>> -> memref<125xi32, #tpu.memory_space<vmem>>
      %dma_start3A_318 = arith.constant 0 : i32
      %dma_start3A_319 = arith.constant 0 : i32
      %dma_start3A_320 = tpu.memref_slice %arg13[%dma_start3A_318, %dma_start3A_319] : memref<10000x32xf32, #tpu.memory_space<vmem_shared>> -> memref<10000x32xf32, #tpu.memory_space<vmem_shared>>
      tpu.enqueue_indirect_dma source(%dma_start3A_314 : memref<125x32xf32, #tpu.memory_space<vmem>>) target(%dma_start3A_320 : memref<10000x32xf32, #tpu.memory_space<vmem_shared>>) offsets(%dma_start3A_317 : memref<125xi32, #tpu.memory_space<vmem>>) semaphore(%arg20 : memref<!tpu.dma_semaphore, #tpu.memory_space<semaphore_mem>>) {add = true}
      %mul3A_321 = arith.constant 4 : i32
      %mul3A_322 = arith.muli %add3A_307, %mul3A_321 : i32
      %add3A_323 = arith.constant 1 : i32
      %add3A_324 = arith.addi %mul3A_322, %add3A_323 : i32
      %dma_start3A_325 = arith.constant 125 : i32
      %dma_start3A_326 = arith.constant 0 : i32
      %dma_start3A_327 = tpu.memref_slice %arg11[%dma_start3A_325, %dma_start3A_326] : memref<500x32xf32, #tpu.memory_space<vmem>> -> memref<125x32xf32, #tpu.memory_space<vmem>>
      %dma_start3A_328 = arith.constant 0 : i32
      %dma_start3A_329 = tpu.memref_slice %arg8[%add3A_324, %dma_start3A_328] : memref<80x125xi32, #tpu.memory_space<vmem>> -> memref<1x125xi32, #tpu.memory_space<vmem>>
      %dma_start3A_330 = tpu.memref_squeeze %dma_start3A_329 : memref<1x125xi32, #tpu.memory_space<vmem>> -> memref<125xi32, #tpu.memory_space<vmem>>
      %dma_start3A_331 = arith.constant 0 : i32
      %dma_start3A_332 = arith.constant 0 : i32
      %dma_start3A_333 = tpu.memref_slice %arg13[%dma_start3A_331, %dma_start3A_332] : memref<10000x32xf32, #tpu.memory_space<vmem_shared>> -> memref<10000x32xf32, #tpu.memory_space<vmem_shared>>
      tpu.enqueue_indirect_dma source(%dma_start3A_327 : memref<125x32xf32, #tpu.memory_space<vmem>>) target(%dma_start3A_333 : memref<10000x32xf32, #tpu.memory_space<vmem_shared>>) offsets(%dma_start3A_330 : memref<125xi32, #tpu.memory_space<vmem>>) semaphore(%arg20 : memref<!tpu.dma_semaphore, #tpu.memory_space<semaphore_mem>>) {add = true}
      %mul3A_334 = arith.constant 4 : i32
      %mul3A_335 = arith.muli %add3A_307, %mul3A_334 : i32
      %add3A_336 = arith.constant 2 : i32
      %add3A_337 = arith.addi %mul3A_335, %add3A_336 : i32
      %dma_start3A_338 = arith.constant 250 : i32
      %dma_start3A_339 = arith.constant 0 : i32
      %dma_start3A_340 = tpu.memref_slice %arg11[%dma_start3A_338, %dma_start3A_339] : memref<500x32xf32, #tpu.memory_space<vmem>> -> memref<125x32xf32, #tpu.memory_space<vmem>>
      %dma_start3A_341 = arith.constant 0 : i32
      %dma_start3A_342 = tpu.memref_slice %arg8[%add3A_337, %dma_start3A_341] : memref<80x125xi32, #tpu.memory_space<vmem>> -> memref<1x125xi32, #tpu.memory_space<vmem>>
      %dma_start3A_343 = tpu.memref_squeeze %dma_start3A_342 : memref<1x125xi32, #tpu.memory_space<vmem>> -> memref<125xi32, #tpu.memory_space<vmem>>
      %dma_start3A_344 = arith.constant 0 : i32
      %dma_start3A_345 = arith.constant 0 : i32
      %dma_start3A_346 = tpu.memref_slice %arg13[%dma_start3A_344, %dma_start3A_345] : memref<10000x32xf32, #tpu.memory_space<vmem_shared>> -> memref<10000x32xf32, #tpu.memory_space<vmem_shared>>
      tpu.enqueue_indirect_dma source(%dma_start3A_340 : memref<125x32xf32, #tpu.memory_space<vmem>>) target(%dma_start3A_346 : memref<10000x32xf32, #tpu.memory_space<vmem_shared>>) offsets(%dma_start3A_343 : memref<125xi32, #tpu.memory_space<vmem>>) semaphore(%arg20 : memref<!tpu.dma_semaphore, #tpu.memory_space<semaphore_mem>>) {add = true}
      %mul3A_347 = arith.constant 4 : i32
      %mul3A_348 = arith.muli %add3A_307, %mul3A_347 : i32
      %add3A_349 = arith.constant 3 : i32
      %add3A_350 = arith.addi %mul3A_348, %add3A_349 : i32
      %dma_start3A_351 = arith.constant 375 : i32
      %dma_start3A_352 = arith.constant 0 : i32
      %dma_start3A_353 = tpu.memref_slice %arg11[%dma_start3A_351, %dma_start3A_352] : memref<500x32xf32, #tpu.memory_space<vmem>> -> memref<125x32xf32, #tpu.memory_space<vmem>>
      %dma_start3A_354 = arith.constant 0 : i32
      %dma_start3A_355 = tpu.memref_slice %arg8[%add3A_350, %dma_start3A_354] : memref<80x125xi32, #tpu.memory_space<vmem>> -> memref<1x125xi32, #tpu.memory_space<vmem>>
      %dma_start3A_356 = tpu.memref_squeeze %dma_start3A_355 : memref<1x125xi32, #tpu.memory_space<vmem>> -> memref<125xi32, #tpu.memory_space<vmem>>
      %dma_start3A_357 = arith.constant 0 : i32
      %dma_start3A_358 = arith.constant 0 : i32
      %dma_start3A_359 = tpu.memref_slice %arg13[%dma_start3A_357, %dma_start3A_358] : memref<10000x32xf32, #tpu.memory_space<vmem_shared>> -> memref<10000x32xf32, #tpu.memory_space<vmem_shared>>
      tpu.enqueue_indirect_dma source(%dma_start3A_353 : memref<125x32xf32, #tpu.memory_space<vmem>>) target(%dma_start3A_359 : memref<10000x32xf32, #tpu.memory_space<vmem_shared>>) offsets(%dma_start3A_356 : memref<125xi32, #tpu.memory_space<vmem>>) semaphore(%arg20 : memref<!tpu.dma_semaphore, #tpu.memory_space<semaphore_mem>>) {add = true}
      %dma_wait3A_360 = arith.constant 0 : i32
      %dma_wait3A_361 = arith.constant 0 : i32
      %dma_wait3A_362 = tpu.memref_slice %arg2[%dma_wait3A_360, %dma_wait3A_361] : memref<10000x32xf32, #tpu.memory_space<hbm>> -> memref<500x32xf32, #tpu.memory_space<hbm>>
      %dma_wait3A_363 = arith.constant 0 : i32
      %dma_wait3A_364 = arith.constant 0 : i32
      %dma_wait3A_365 = tpu.memref_slice %arg2[%dma_wait3A_363, %dma_wait3A_364] : memref<10000x32xf32, #tpu.memory_space<hbm>> -> memref<500x32xf32, #tpu.memory_space<hbm>>
      tpu.wait_dma2 semaphore(%arg19 : memref<!tpu.dma_semaphore, #tpu.memory_space<semaphore_mem>>) src(%dma_wait3A_365 : memref<500x32xf32, #tpu.memory_space<hbm>>) dst(%arg10 : memref<500x32xf32, #tpu.memory_space<vmem>>)
      %add3A_366 = arith.constant 1 : i32
      %add3A_367 = arith.addi %add3A_168, %add3A_366 : i32
      %add3A_368 = arith.constant 4 : i32
      %add3A_369 = arith.addi %add3A_367, %add3A_368 : i32
      %lt3A_370 = arith.constant 20 : i32
      %lt3A_371 = arith.cmpi slt, %add3A_369, %lt3A_370 : i32
      %convert_element_type3A_372 = arith.extui %lt3A_371 : i1 to i32
      %cond3A_373 = arith.constant 0 : i32
      %cond3A_374 = arith.cmpi ne, %convert_element_type3A_372, %cond3A_373 : i32
      scf.if %cond3A_374 {
        %add3A_463 = arith.constant 1 : i32
        %add3A_464 = arith.addi %add3A_168, %add3A_463 : i32
        %add3A_465 = arith.constant 4 : i32
        %add3A_466 = arith.addi %add3A_464, %add3A_465 : i32
        %mul3A_467 = arith.constant 4 : i32
        %mul3A_468 = arith.muli %add3A_466, %mul3A_467 : i32
        %add3A_469 = arith.constant 0 : i32
        %add3A_470 = arith.addi %mul3A_468, %add3A_469 : i32
        %dma_start3A_471 = arith.constant 0 : i32
        %dma_start3A_472 = arith.constant 0 : i32
        %dma_start3A_473 = tpu.memref_slice %arg10[%dma_start3A_471, %dma_start3A_472] : memref<500x32xf32, #tpu.memory_space<vmem>> -> memref<125x32xf32, #tpu.memory_space<vmem>>
        %dma_start3A_474 = arith.constant 0 : i32
        %dma_start3A_475 = tpu.memref_slice %arg7[%add3A_470, %dma_start3A_474] : memref<80x125xi32, #tpu.memory_space<vmem>> -> memref<1x125xi32, #tpu.memory_space<vmem>>
        %dma_start3A_476 = tpu.memref_squeeze %dma_start3A_475 : memref<1x125xi32, #tpu.memory_space<vmem>> -> memref<125xi32, #tpu.memory_space<vmem>>
        %dma_start3A_477 = arith.constant 0 : i32
        %dma_start3A_478 = arith.constant 0 : i32
        %dma_start3A_479 = tpu.memref_slice %arg2[%dma_start3A_477, %dma_start3A_478] : memref<10000x32xf32, #tpu.memory_space<hbm>> -> memref<10000x32xf32, #tpu.memory_space<hbm>>
        tpu.enqueue_indirect_dma source(%dma_start3A_479 : memref<10000x32xf32, #tpu.memory_space<hbm>>) target(%dma_start3A_473 : memref<125x32xf32, #tpu.memory_space<vmem>>) offsets(%dma_start3A_476 : memref<125xi32, #tpu.memory_space<vmem>>) semaphore(%arg15 : memref<!tpu.dma_semaphore, #tpu.memory_space<semaphore_mem>>)
        %mul3A_480 = arith.constant 4 : i32
        %mul3A_481 = arith.muli %add3A_466, %mul3A_480 : i32
        %add3A_482 = arith.constant 1 : i32
        %add3A_483 = arith.addi %mul3A_481, %add3A_482 : i32
        %dma_start3A_484 = arith.constant 125 : i32
        %dma_start3A_485 = arith.constant 0 : i32
        %dma_start3A_486 = tpu.memref_slice %arg10[%dma_start3A_484, %dma_start3A_485] : memref<500x32xf32, #tpu.memory_space<vmem>> -> memref<125x32xf32, #tpu.memory_space<vmem>>
        %dma_start3A_487 = arith.constant 0 : i32
        %dma_start3A_488 = tpu.memref_slice %arg7[%add3A_483, %dma_start3A_487] : memref<80x125xi32, #tpu.memory_space<vmem>> -> memref<1x125xi32, #tpu.memory_space<vmem>>
        %dma_start3A_489 = tpu.memref_squeeze %dma_start3A_488 : memref<1x125xi32, #tpu.memory_space<vmem>> -> memref<125xi32, #tpu.memory_space<vmem>>
        %dma_start3A_490 = arith.constant 0 : i32
        %dma_start3A_491 = arith.constant 0 : i32
        %dma_start3A_492 = tpu.memref_slice %arg2[%dma_start3A_490, %dma_start3A_491] : memref<10000x32xf32, #tpu.memory_space<hbm>> -> memref<10000x32xf32, #tpu.memory_space<hbm>>
        tpu.enqueue_indirect_dma source(%dma_start3A_492 : memref<10000x32xf32, #tpu.memory_space<hbm>>) target(%dma_start3A_486 : memref<125x32xf32, #tpu.memory_space<vmem>>) offsets(%dma_start3A_489 : memref<125xi32, #tpu.memory_space<vmem>>) semaphore(%arg15 : memref<!tpu.dma_semaphore, #tpu.memory_space<semaphore_mem>>)
        %mul3A_493 = arith.constant 4 : i32
        %mul3A_494 = arith.muli %add3A_466, %mul3A_493 : i32
        %add3A_495 = arith.constant 2 : i32
        %add3A_496 = arith.addi %mul3A_494, %add3A_495 : i32
        %dma_start3A_497 = arith.constant 250 : i32
        %dma_start3A_498 = arith.constant 0 : i32
        %dma_start3A_499 = tpu.memref_slice %arg10[%dma_start3A_497, %dma_start3A_498] : memref<500x32xf32, #tpu.memory_space<vmem>> -> memref<125x32xf32, #tpu.memory_space<vmem>>
        %dma_start3A_500 = arith.constant 0 : i32
        %dma_start3A_501 = tpu.memref_slice %arg7[%add3A_496, %dma_start3A_500] : memref<80x125xi32, #tpu.memory_space<vmem>> -> memref<1x125xi32, #tpu.memory_space<vmem>>
        %dma_start3A_502 = tpu.memref_squeeze %dma_start3A_501 : memref<1x125xi32, #tpu.memory_space<vmem>> -> memref<125xi32, #tpu.memory_space<vmem>>
        %dma_start3A_503 = arith.constant 0 : i32
        %dma_start3A_504 = arith.constant 0 : i32
        %dma_start3A_505 = tpu.memref_slice %arg2[%dma_start3A_503, %dma_start3A_504] : memref<10000x32xf32, #tpu.memory_space<hbm>> -> memref<10000x32xf32, #tpu.memory_space<hbm>>
        tpu.enqueue_indirect_dma source(%dma_start3A_505 : memref<10000x32xf32, #tpu.memory_space<hbm>>) target(%dma_start3A_499 : memref<125x32xf32, #tpu.memory_space<vmem>>) offsets(%dma_start3A_502 : memref<125xi32, #tpu.memory_space<vmem>>) semaphore(%arg15 : memref<!tpu.dma_semaphore, #tpu.memory_space<semaphore_mem>>)
        %mul3A_506 = arith.constant 4 : i32
        %mul3A_507 = arith.muli %add3A_466, %mul3A_506 : i32
        %add3A_508 = arith.constant 3 : i32
        %add3A_509 = arith.addi %mul3A_507, %add3A_508 : i32
        %dma_start3A_510 = arith.constant 375 : i32
        %dma_start3A_511 = arith.constant 0 : i32
        %dma_start3A_512 = tpu.memref_slice %arg10[%dma_start3A_510, %dma_start3A_511] : memref<500x32xf32, #tpu.memory_space<vmem>> -> memref<125x32xf32, #tpu.memory_space<vmem>>
        %dma_start3A_513 = arith.constant 0 : i32
        %dma_start3A_514 = tpu.memref_slice %arg7[%add3A_509, %dma_start3A_513] : memref<80x125xi32, #tpu.memory_space<vmem>> -> memref<1x125xi32, #tpu.memory_space<vmem>>
        %dma_start3A_515 = tpu.memref_squeeze %dma_start3A_514 : memref<1x125xi32, #tpu.memory_space<vmem>> -> memref<125xi32, #tpu.memory_space<vmem>>
        %dma_start3A_516 = arith.constant 0 : i32
        %dma_start3A_517 = arith.constant 0 : i32
        %dma_start3A_518 = tpu.memref_slice %arg2[%dma_start3A_516, %dma_start3A_517] : memref<10000x32xf32, #tpu.memory_space<hbm>> -> memref<10000x32xf32, #tpu.memory_space<hbm>>
        tpu.enqueue_indirect_dma source(%dma_start3A_518 : memref<10000x32xf32, #tpu.memory_space<hbm>>) target(%dma_start3A_512 : memref<125x32xf32, #tpu.memory_space<vmem>>) offsets(%dma_start3A_515 : memref<125xi32, #tpu.memory_space<vmem>>) semaphore(%arg15 : memref<!tpu.dma_semaphore, #tpu.memory_space<semaphore_mem>>)
      } else {
      }
      %dma_wait3A_375 = arith.constant 0 : i32
      %dma_wait3A_376 = arith.constant 0 : i32
      %dma_wait3A_377 = tpu.memref_slice %arg2[%dma_wait3A_375, %dma_wait3A_376] : memref<10000x32xf32, #tpu.memory_space<hbm>> -> memref<500x32xf32, #tpu.memory_space<hbm>>
      %dma_wait3A_378 = arith.constant 0 : i32
      %dma_wait3A_379 = arith.constant 0 : i32
      %dma_wait3A_380 = tpu.memref_slice %arg2[%dma_wait3A_378, %dma_wait3A_379] : memref<10000x32xf32, #tpu.memory_space<hbm>> -> memref<500x32xf32, #tpu.memory_space<hbm>>
      tpu.wait_dma2 semaphore(%arg17 : memref<!tpu.dma_semaphore, #tpu.memory_space<semaphore_mem>>) src(%dma_wait3A_380 : memref<500x32xf32, #tpu.memory_space<hbm>>) dst(%arg12 : memref<500x32xf32, #tpu.memory_space<vmem>>)
      %add3A_381 = arith.constant 3 : i32
      %add3A_382 = arith.addi %add3A_168, %add3A_381 : i32
      %mul3A_383 = arith.constant 4 : i32
      %mul3A_384 = arith.muli %add3A_382, %mul3A_383 : i32
      %add3A_385 = arith.constant 0 : i32
      %add3A_386 = arith.addi %mul3A_384, %add3A_385 : i32
      %dma_start3A_387 = arith.constant 0 : i32
      %dma_start3A_388 = arith.constant 0 : i32
      %dma_start3A_389 = tpu.memref_slice %arg12[%dma_start3A_387, %dma_start3A_388] : memref<500x32xf32, #tpu.memory_space<vmem>> -> memref<125x32xf32, #tpu.memory_space<vmem>>
      %dma_start3A_390 = arith.constant 0 : i32
      %dma_start3A_391 = tpu.memref_slice %arg8[%add3A_386, %dma_start3A_390] : memref<80x125xi32, #tpu.memory_space<vmem>> -> memref<1x125xi32, #tpu.memory_space<vmem>>
      %dma_start3A_392 = tpu.memref_squeeze %dma_start3A_391 : memref<1x125xi32, #tpu.memory_space<vmem>> -> memref<125xi32, #tpu.memory_space<vmem>>
      %dma_start3A_393 = arith.constant 0 : i32
      %dma_start3A_394 = arith.constant 0 : i32
      %dma_start3A_395 = tpu.memref_slice %arg13[%dma_start3A_393, %dma_start3A_394] : memref<10000x32xf32, #tpu.memory_space<vmem_shared>> -> memref<10000x32xf32, #tpu.memory_space<vmem_shared>>
      tpu.enqueue_indirect_dma source(%dma_start3A_389 : memref<125x32xf32, #tpu.memory_space<vmem>>) target(%dma_start3A_395 : memref<10000x32xf32, #tpu.memory_space<vmem_shared>>) offsets(%dma_start3A_392 : memref<125xi32, #tpu.memory_space<vmem>>) semaphore(%arg21 : memref<!tpu.dma_semaphore, #tpu.memory_space<semaphore_mem>>) {add = true}
      %mul3A_396 = arith.constant 4 : i32
      %mul3A_397 = arith.muli %add3A_382, %mul3A_396 : i32
      %add3A_398 = arith.constant 1 : i32
      %add3A_399 = arith.addi %mul3A_397, %add3A_398 : i32
      %dma_start3A_400 = arith.constant 125 : i32
      %dma_start3A_401 = arith.constant 0 : i32
      %dma_start3A_402 = tpu.memref_slice %arg12[%dma_start3A_400, %dma_start3A_401] : memref<500x32xf32, #tpu.memory_space<vmem>> -> memref<125x32xf32, #tpu.memory_space<vmem>>
      %dma_start3A_403 = arith.constant 0 : i32
      %dma_start3A_404 = tpu.memref_slice %arg8[%add3A_399, %dma_start3A_403] : memref<80x125xi32, #tpu.memory_space<vmem>> -> memref<1x125xi32, #tpu.memory_space<vmem>>
      %dma_start3A_405 = tpu.memref_squeeze %dma_start3A_404 : memref<1x125xi32, #tpu.memory_space<vmem>> -> memref<125xi32, #tpu.memory_space<vmem>>
      %dma_start3A_406 = arith.constant 0 : i32
      %dma_start3A_407 = arith.constant 0 : i32
      %dma_start3A_408 = tpu.memref_slice %arg13[%dma_start3A_406, %dma_start3A_407] : memref<10000x32xf32, #tpu.memory_space<vmem_shared>> -> memref<10000x32xf32, #tpu.memory_space<vmem_shared>>
      tpu.enqueue_indirect_dma source(%dma_start3A_402 : memref<125x32xf32, #tpu.memory_space<vmem>>) target(%dma_start3A_408 : memref<10000x32xf32, #tpu.memory_space<vmem_shared>>) offsets(%dma_start3A_405 : memref<125xi32, #tpu.memory_space<vmem>>) semaphore(%arg21 : memref<!tpu.dma_semaphore, #tpu.memory_space<semaphore_mem>>) {add = true}
      %mul3A_409 = arith.constant 4 : i32
      %mul3A_410 = arith.muli %add3A_382, %mul3A_409 : i32
      %add3A_411 = arith.constant 2 : i32
      %add3A_412 = arith.addi %mul3A_410, %add3A_411 : i32
      %dma_start3A_413 = arith.constant 250 : i32
      %dma_start3A_414 = arith.constant 0 : i32
      %dma_start3A_415 = tpu.memref_slice %arg12[%dma_start3A_413, %dma_start3A_414] : memref<500x32xf32, #tpu.memory_space<vmem>> -> memref<125x32xf32, #tpu.memory_space<vmem>>
      %dma_start3A_416 = arith.constant 0 : i32
      %dma_start3A_417 = tpu.memref_slice %arg8[%add3A_412, %dma_start3A_416] : memref<80x125xi32, #tpu.memory_space<vmem>> -> memref<1x125xi32, #tpu.memory_space<vmem>>
      %dma_start3A_418 = tpu.memref_squeeze %dma_start3A_417 : memref<1x125xi32, #tpu.memory_space<vmem>> -> memref<125xi32, #tpu.memory_space<vmem>>
      %dma_start3A_419 = arith.constant 0 : i32
      %dma_start3A_420 = arith.constant 0 : i32
      %dma_start3A_421 = tpu.memref_slice %arg13[%dma_start3A_419, %dma_start3A_420] : memref<10000x32xf32, #tpu.memory_space<vmem_shared>> -> memref<10000x32xf32, #tpu.memory_space<vmem_shared>>
      tpu.enqueue_indirect_dma source(%dma_start3A_415 : memref<125x32xf32, #tpu.memory_space<vmem>>) target(%dma_start3A_421 : memref<10000x32xf32, #tpu.memory_space<vmem_shared>>) offsets(%dma_start3A_418 : memref<125xi32, #tpu.memory_space<vmem>>) semaphore(%arg21 : memref<!tpu.dma_semaphore, #tpu.memory_space<semaphore_mem>>) {add = true}
      %mul3A_422 = arith.constant 4 : i32
      %mul3A_423 = arith.muli %add3A_382, %mul3A_422 : i32
      %add3A_424 = arith.constant 3 : i32
      %add3A_425 = arith.addi %mul3A_423, %add3A_424 : i32
      %dma_start3A_426 = arith.constant 375 : i32
      %dma_start3A_427 = arith.constant 0 : i32
      %dma_start3A_428 = tpu.memref_slice %arg12[%dma_start3A_426, %dma_start3A_427] : memref<500x32xf32, #tpu.memory_space<vmem>> -> memref<125x32xf32, #tpu.memory_space<vmem>>
      %dma_start3A_429 = arith.constant 0 : i32
      %dma_start3A_430 = tpu.memref_slice %arg8[%add3A_425, %dma_start3A_429] : memref<80x125xi32, #tpu.memory_space<vmem>> -> memref<1x125xi32, #tpu.memory_space<vmem>>
      %dma_start3A_431 = tpu.memref_squeeze %dma_start3A_430 : memref<1x125xi32, #tpu.memory_space<vmem>> -> memref<125xi32, #tpu.memory_space<vmem>>
      %dma_start3A_432 = arith.constant 0 : i32
      %dma_start3A_433 = arith.constant 0 : i32
      %dma_start3A_434 = tpu.memref_slice %arg13[%dma_start3A_432, %dma_start3A_433] : memref<10000x32xf32, #tpu.memory_space<vmem_shared>> -> memref<10000x32xf32, #tpu.memory_space<vmem_shared>>
      tpu.enqueue_indirect_dma source(%dma_start3A_428 : memref<125x32xf32, #tpu.memory_space<vmem>>) target(%dma_start3A_434 : memref<10000x32xf32, #tpu.memory_space<vmem_shared>>) offsets(%dma_start3A_431 : memref<125xi32, #tpu.memory_space<vmem>>) semaphore(%arg21 : memref<!tpu.dma_semaphore, #tpu.memory_space<semaphore_mem>>) {add = true}
      %dma_wait3A_435 = arith.constant 0 : i32
      %dma_wait3A_436 = arith.constant 0 : i32
      %dma_wait3A_437 = tpu.memref_slice %arg2[%dma_wait3A_435, %dma_wait3A_436] : memref<10000x32xf32, #tpu.memory_space<hbm>> -> memref<500x32xf32, #tpu.memory_space<hbm>>
      %dma_wait3A_438 = arith.constant 0 : i32
      %dma_wait3A_439 = arith.constant 0 : i32
      %dma_wait3A_440 = tpu.memref_slice %arg2[%dma_wait3A_438, %dma_wait3A_439] : memref<10000x32xf32, #tpu.memory_space<hbm>> -> memref<500x32xf32, #tpu.memory_space<hbm>>
      tpu.wait_dma2 semaphore(%arg20 : memref<!tpu.dma_semaphore, #tpu.memory_space<semaphore_mem>>) src(%dma_wait3A_440 : memref<500x32xf32, #tpu.memory_space<hbm>>) dst(%arg11 : memref<500x32xf32, #tpu.memory_space<vmem>>)
      %add3A_441 = arith.constant 2 : i32
      %add3A_442 = arith.addi %add3A_168, %add3A_441 : i32
      %add3A_443 = arith.constant 4 : i32
      %add3A_444 = arith.addi %add3A_442, %add3A_443 : i32
      %lt3A_445 = arith.constant 20 : i32
      %lt3A_446 = arith.cmpi slt, %add3A_444, %lt3A_445 : i32
      %convert_element_type3A_447 = arith.extui %lt3A_446 : i1 to i32
      %cond3A_448 = arith.constant 0 : i32
      %cond3A_449 = arith.cmpi ne, %convert_element_type3A_447, %cond3A_448 : i32
      scf.if %cond3A_449 {
        %add3A_463 = arith.constant 2 : i32
        %add3A_464 = arith.addi %add3A_168, %add3A_463 : i32
        %add3A_465 = arith.constant 4 : i32
        %add3A_466 = arith.addi %add3A_464, %add3A_465 : i32
        %mul3A_467 = arith.constant 4 : i32
        %mul3A_468 = arith.muli %add3A_466, %mul3A_467 : i32
        %add3A_469 = arith.constant 0 : i32
        %add3A_470 = arith.addi %mul3A_468, %add3A_469 : i32
        %dma_start3A_471 = arith.constant 0 : i32
        %dma_start3A_472 = arith.constant 0 : i32
        %dma_start3A_473 = tpu.memref_slice %arg11[%dma_start3A_471, %dma_start3A_472] : memref<500x32xf32, #tpu.memory_space<vmem>> -> memref<125x32xf32, #tpu.memory_space<vmem>>
        %dma_start3A_474 = arith.constant 0 : i32
        %dma_start3A_475 = tpu.memref_slice %arg7[%add3A_470, %dma_start3A_474] : memref<80x125xi32, #tpu.memory_space<vmem>> -> memref<1x125xi32, #tpu.memory_space<vmem>>
        %dma_start3A_476 = tpu.memref_squeeze %dma_start3A_475 : memref<1x125xi32, #tpu.memory_space<vmem>> -> memref<125xi32, #tpu.memory_space<vmem>>
        %dma_start3A_477 = arith.constant 0 : i32
        %dma_start3A_478 = arith.constant 0 : i32
        %dma_start3A_479 = tpu.memref_slice %arg2[%dma_start3A_477, %dma_start3A_478] : memref<10000x32xf32, #tpu.memory_space<hbm>> -> memref<10000x32xf32, #tpu.memory_space<hbm>>
        tpu.enqueue_indirect_dma source(%dma_start3A_479 : memref<10000x32xf32, #tpu.memory_space<hbm>>) target(%dma_start3A_473 : memref<125x32xf32, #tpu.memory_space<vmem>>) offsets(%dma_start3A_476 : memref<125xi32, #tpu.memory_space<vmem>>) semaphore(%arg16 : memref<!tpu.dma_semaphore, #tpu.memory_space<semaphore_mem>>)
        %mul3A_480 = arith.constant 4 : i32
        %mul3A_481 = arith.muli %add3A_466, %mul3A_480 : i32
        %add3A_482 = arith.constant 1 : i32
        %add3A_483 = arith.addi %mul3A_481, %add3A_482 : i32
        %dma_start3A_484 = arith.constant 125 : i32
        %dma_start3A_485 = arith.constant 0 : i32
        %dma_start3A_486 = tpu.memref_slice %arg11[%dma_start3A_484, %dma_start3A_485] : memref<500x32xf32, #tpu.memory_space<vmem>> -> memref<125x32xf32, #tpu.memory_space<vmem>>
        %dma_start3A_487 = arith.constant 0 : i32
        %dma_start3A_488 = tpu.memref_slice %arg7[%add3A_483, %dma_start3A_487] : memref<80x125xi32, #tpu.memory_space<vmem>> -> memref<1x125xi32, #tpu.memory_space<vmem>>
        %dma_start3A_489 = tpu.memref_squeeze %dma_start3A_488 : memref<1x125xi32, #tpu.memory_space<vmem>> -> memref<125xi32, #tpu.memory_space<vmem>>
        %dma_start3A_490 = arith.constant 0 : i32
        %dma_start3A_491 = arith.constant 0 : i32
        %dma_start3A_492 = tpu.memref_slice %arg2[%dma_start3A_490, %dma_start3A_491] : memref<10000x32xf32, #tpu.memory_space<hbm>> -> memref<10000x32xf32, #tpu.memory_space<hbm>>
        tpu.enqueue_indirect_dma source(%dma_start3A_492 : memref<10000x32xf32, #tpu.memory_space<hbm>>) target(%dma_start3A_486 : memref<125x32xf32, #tpu.memory_space<vmem>>) offsets(%dma_start3A_489 : memref<125xi32, #tpu.memory_space<vmem>>) semaphore(%arg16 : memref<!tpu.dma_semaphore, #tpu.memory_space<semaphore_mem>>)
        %mul3A_493 = arith.constant 4 : i32
        %mul3A_494 = arith.muli %add3A_466, %mul3A_493 : i32
        %add3A_495 = arith.constant 2 : i32
        %add3A_496 = arith.addi %mul3A_494, %add3A_495 : i32
        %dma_start3A_497 = arith.constant 250 : i32
        %dma_start3A_498 = arith.constant 0 : i32
        %dma_start3A_499 = tpu.memref_slice %arg11[%dma_start3A_497, %dma_start3A_498] : memref<500x32xf32, #tpu.memory_space<vmem>> -> memref<125x32xf32, #tpu.memory_space<vmem>>
        %dma_start3A_500 = arith.constant 0 : i32
        %dma_start3A_501 = tpu.memref_slice %arg7[%add3A_496, %dma_start3A_500] : memref<80x125xi32, #tpu.memory_space<vmem>> -> memref<1x125xi32, #tpu.memory_space<vmem>>
        %dma_start3A_502 = tpu.memref_squeeze %dma_start3A_501 : memref<1x125xi32, #tpu.memory_space<vmem>> -> memref<125xi32, #tpu.memory_space<vmem>>
        %dma_start3A_503 = arith.constant 0 : i32
        %dma_start3A_504 = arith.constant 0 : i32
        %dma_start3A_505 = tpu.memref_slice %arg2[%dma_start3A_503, %dma_start3A_504] : memref<10000x32xf32, #tpu.memory_space<hbm>> -> memref<10000x32xf32, #tpu.memory_space<hbm>>
        tpu.enqueue_indirect_dma source(%dma_start3A_505 : memref<10000x32xf32, #tpu.memory_space<hbm>>) target(%dma_start3A_499 : memref<125x32xf32, #tpu.memory_space<vmem>>) offsets(%dma_start3A_502 : memref<125xi32, #tpu.memory_space<vmem>>) semaphore(%arg16 : memref<!tpu.dma_semaphore, #tpu.memory_space<semaphore_mem>>)
        %mul3A_506 = arith.constant 4 : i32
        %mul3A_507 = arith.muli %add3A_466, %mul3A_506 : i32
        %add3A_508 = arith.constant 3 : i32
        %add3A_509 = arith.addi %mul3A_507, %add3A_508 : i32
        %dma_start3A_510 = arith.constant 375 : i32
        %dma_start3A_511 = arith.constant 0 : i32
        %dma_start3A_512 = tpu.memref_slice %arg11[%dma_start3A_510, %dma_start3A_511] : memref<500x32xf32, #tpu.memory_space<vmem>> -> memref<125x32xf32, #tpu.memory_space<vmem>>
        %dma_start3A_513 = arith.constant 0 : i32
        %dma_start3A_514 = tpu.memref_slice %arg7[%add3A_509, %dma_start3A_513] : memref<80x125xi32, #tpu.memory_space<vmem>> -> memref<1x125xi32, #tpu.memory_space<vmem>>
        %dma_start3A_515 = tpu.memref_squeeze %dma_start3A_514 : memref<1x125xi32, #tpu.memory_space<vmem>> -> memref<125xi32, #tpu.memory_space<vmem>>
        %dma_start3A_516 = arith.constant 0 : i32
        %dma_start3A_517 = arith.constant 0 : i32
        %dma_start3A_518 = tpu.memref_slice %arg2[%dma_start3A_516, %dma_start3A_517] : memref<10000x32xf32, #tpu.memory_space<hbm>> -> memref<10000x32xf32, #tpu.memory_space<hbm>>
        tpu.enqueue_indirect_dma source(%dma_start3A_518 : memref<10000x32xf32, #tpu.memory_space<hbm>>) target(%dma_start3A_512 : memref<125x32xf32, #tpu.memory_space<vmem>>) offsets(%dma_start3A_515 : memref<125xi32, #tpu.memory_space<vmem>>) semaphore(%arg16 : memref<!tpu.dma_semaphore, #tpu.memory_space<semaphore_mem>>)
      } else {
      }
      %dma_wait3A_450 = arith.constant 0 : i32
      %dma_wait3A_451 = arith.constant 0 : i32
      %dma_wait3A_452 = tpu.memref_slice %arg2[%dma_wait3A_450, %dma_wait3A_451] : memref<10000x32xf32, #tpu.memory_space<hbm>> -> memref<500x32xf32, #tpu.memory_space<hbm>>
      %dma_wait3A_453 = arith.constant 0 : i32
      %dma_wait3A_454 = arith.constant 0 : i32
      %dma_wait3A_455 = tpu.memref_slice %arg2[%dma_wait3A_453, %dma_wait3A_454] : memref<10000x32xf32, #tpu.memory_space<hbm>> -> memref<500x32xf32, #tpu.memory_space<hbm>>
      tpu.wait_dma2 semaphore(%arg21 : memref<!tpu.dma_semaphore, #tpu.memory_space<semaphore_mem>>) src(%dma_wait3A_455 : memref<500x32xf32, #tpu.memory_space<hbm>>) dst(%arg12 : memref<500x32xf32, #tpu.memory_space<vmem>>)
      %add3A_456 = arith.constant 7 : i32
      %add3A_457 = arith.addi %add3A_168, %add3A_456 : i32
      %lt3A_458 = arith.constant 20 : i32
      %lt3A_459 = arith.cmpi slt, %add3A_457, %lt3A_458 : i32
      %convert_element_type3A_460 = arith.extui %lt3A_459 : i1 to i32
      %cond3A_461 = arith.constant 0 : i32
      %cond3A_462 = arith.cmpi ne, %convert_element_type3A_460, %cond3A_461 : i32
      scf.if %cond3A_462 {
        %add3A_463 = arith.constant 7 : i32
        %add3A_464 = arith.addi %add3A_168, %add3A_463 : i32
        %mul3A_465 = arith.constant 4 : i32
        %mul3A_466 = arith.muli %add3A_464, %mul3A_465 : i32
        %add3A_467 = arith.constant 0 : i32
        %add3A_468 = arith.addi %mul3A_466, %add3A_467 : i32
        %dma_start3A_469 = arith.constant 0 : i32
        %dma_start3A_470 = arith.constant 0 : i32
        %dma_start3A_471 = tpu.memref_slice %arg12[%dma_start3A_469, %dma_start3A_470] : memref<500x32xf32, #tpu.memory_space<vmem>> -> memref<125x32xf32, #tpu.memory_space<vmem>>
        %dma_start3A_472 = arith.constant 0 : i32
        %dma_start3A_473 = tpu.memref_slice %arg7[%add3A_468, %dma_start3A_472] : memref<80x125xi32, #tpu.memory_space<vmem>> -> memref<1x125xi32, #tpu.memory_space<vmem>>
        %dma_start3A_474 = tpu.memref_squeeze %dma_start3A_473 : memref<1x125xi32, #tpu.memory_space<vmem>> -> memref<125xi32, #tpu.memory_space<vmem>>
        %dma_start3A_475 = arith.constant 0 : i32
        %dma_start3A_476 = arith.constant 0 : i32
        %dma_start3A_477 = tpu.memref_slice %arg2[%dma_start3A_475, %dma_start3A_476] : memref<10000x32xf32, #tpu.memory_space<hbm>> -> memref<10000x32xf32, #tpu.memory_space<hbm>>
        tpu.enqueue_indirect_dma source(%dma_start3A_477 : memref<10000x32xf32, #tpu.memory_space<hbm>>) target(%dma_start3A_471 : memref<125x32xf32, #tpu.memory_space<vmem>>) offsets(%dma_start3A_474 : memref<125xi32, #tpu.memory_space<vmem>>) semaphore(%arg17 : memref<!tpu.dma_semaphore, #tpu.memory_space<semaphore_mem>>)
        %mul3A_478 = arith.constant 4 : i32
        %mul3A_479 = arith.muli %add3A_464, %mul3A_478 : i32
        %add3A_480 = arith.constant 1 : i32
        %add3A_481 = arith.addi %mul3A_479, %add3A_480 : i32
        %dma_start3A_482 = arith.constant 125 : i32
        %dma_start3A_483 = arith.constant 0 : i32
        %dma_start3A_484 = tpu.memref_slice %arg12[%dma_start3A_482, %dma_start3A_483] : memref<500x32xf32, #tpu.memory_space<vmem>> -> memref<125x32xf32, #tpu.memory_space<vmem>>
        %dma_start3A_485 = arith.constant 0 : i32
        %dma_start3A_486 = tpu.memref_slice %arg7[%add3A_481, %dma_start3A_485] : memref<80x125xi32, #tpu.memory_space<vmem>> -> memref<1x125xi32, #tpu.memory_space<vmem>>
        %dma_start3A_487 = tpu.memref_squeeze %dma_start3A_486 : memref<1x125xi32, #tpu.memory_space<vmem>> -> memref<125xi32, #tpu.memory_space<vmem>>
        %dma_start3A_488 = arith.constant 0 : i32
        %dma_start3A_489 = arith.constant 0 : i32
        %dma_start3A_490 = tpu.memref_slice %arg2[%dma_start3A_488, %dma_start3A_489] : memref<10000x32xf32, #tpu.memory_space<hbm>> -> memref<10000x32xf32, #tpu.memory_space<hbm>>
        tpu.enqueue_indirect_dma source(%dma_start3A_490 : memref<10000x32xf32, #tpu.memory_space<hbm>>) target(%dma_start3A_484 : memref<125x32xf32, #tpu.memory_space<vmem>>) offsets(%dma_start3A_487 : memref<125xi32, #tpu.memory_space<vmem>>) semaphore(%arg17 : memref<!tpu.dma_semaphore, #tpu.memory_space<semaphore_mem>>)
        %mul3A_491 = arith.constant 4 : i32
        %mul3A_492 = arith.muli %add3A_464, %mul3A_491 : i32
        %add3A_493 = arith.constant 2 : i32
        %add3A_494 = arith.addi %mul3A_492, %add3A_493 : i32
        %dma_start3A_495 = arith.constant 250 : i32
        %dma_start3A_496 = arith.constant 0 : i32
        %dma_start3A_497 = tpu.memref_slice %arg12[%dma_start3A_495, %dma_start3A_496] : memref<500x32xf32, #tpu.memory_space<vmem>> -> memref<125x32xf32, #tpu.memory_space<vmem>>
        %dma_start3A_498 = arith.constant 0 : i32
        %dma_start3A_499 = tpu.memref_slice %arg7[%add3A_494, %dma_start3A_498] : memref<80x125xi32, #tpu.memory_space<vmem>> -> memref<1x125xi32, #tpu.memory_space<vmem>>
        %dma_start3A_500 = tpu.memref_squeeze %dma_start3A_499 : memref<1x125xi32, #tpu.memory_space<vmem>> -> memref<125xi32, #tpu.memory_space<vmem>>
        %dma_start3A_501 = arith.constant 0 : i32
        %dma_start3A_502 = arith.constant 0 : i32
        %dma_start3A_503 = tpu.memref_slice %arg2[%dma_start3A_501, %dma_start3A_502] : memref<10000x32xf32, #tpu.memory_space<hbm>> -> memref<10000x32xf32, #tpu.memory_space<hbm>>
        tpu.enqueue_indirect_dma source(%dma_start3A_503 : memref<10000x32xf32, #tpu.memory_space<hbm>>) target(%dma_start3A_497 : memref<125x32xf32, #tpu.memory_space<vmem>>) offsets(%dma_start3A_500 : memref<125xi32, #tpu.memory_space<vmem>>) semaphore(%arg17 : memref<!tpu.dma_semaphore, #tpu.memory_space<semaphore_mem>>)
        %mul3A_504 = arith.constant 4 : i32
        %mul3A_505 = arith.muli %add3A_464, %mul3A_504 : i32
        %add3A_506 = arith.constant 3 : i32
        %add3A_507 = arith.addi %mul3A_505, %add3A_506 : i32
        %dma_start3A_508 = arith.constant 375 : i32
        %dma_start3A_509 = arith.constant 0 : i32
        %dma_start3A_510 = tpu.memref_slice %arg12[%dma_start3A_508, %dma_start3A_509] : memref<500x32xf32, #tpu.memory_space<vmem>> -> memref<125x32xf32, #tpu.memory_space<vmem>>
        %dma_start3A_511 = arith.constant 0 : i32
        %dma_start3A_512 = tpu.memref_slice %arg7[%add3A_507, %dma_start3A_511] : memref<80x125xi32, #tpu.memory_space<vmem>> -> memref<1x125xi32, #tpu.memory_space<vmem>>
        %dma_start3A_513 = tpu.memref_squeeze %dma_start3A_512 : memref<1x125xi32, #tpu.memory_space<vmem>> -> memref<125xi32, #tpu.memory_space<vmem>>
        %dma_start3A_514 = arith.constant 0 : i32
        %dma_start3A_515 = arith.constant 0 : i32
        %dma_start3A_516 = tpu.memref_slice %arg2[%dma_start3A_514, %dma_start3A_515] : memref<10000x32xf32, #tpu.memory_space<hbm>> -> memref<10000x32xf32, #tpu.memory_space<hbm>>
        tpu.enqueue_indirect_dma source(%dma_start3A_516 : memref<10000x32xf32, #tpu.memory_space<hbm>>) target(%dma_start3A_510 : memref<125x32xf32, #tpu.memory_space<vmem>>) offsets(%dma_start3A_513 : memref<125xi32, #tpu.memory_space<vmem>>) semaphore(%arg17 : memref<!tpu.dma_semaphore, #tpu.memory_space<semaphore_mem>>)
      } else {
      }
    }
    %scan3A_163 = arith.constant 5 : i32
    %barrier3A_164 = arith.constant 0 : index
    tpu.barrier barrier_id(%barrier3A_164)
    "tpu.region"() ({
      %run_scoped3A = tpu.sem_alloc : memref<!tpu.dma_semaphore, #tpu.memory_space<semaphore_mem>>
      %dma_start3A_165 = arith.constant 0 : i32
      %dma_start3A_166 = arith.constant 0 : i32
      %dma_start3A_167 = tpu.memref_slice %arg6[%arg0, %arg1, %dma_start3A_165, %dma_start3A_166] : memref<2x16x625x32xf32, #tpu.memory_space<hbm>> -> memref<1x1x625x32xf32, #tpu.memory_space<hbm>>
      %dma_start3A_168 = tpu.memref_squeeze %dma_start3A_167 : memref<1x1x625x32xf32, #tpu.memory_space<hbm>> -> memref<625x32xf32, #tpu.memory_space<hbm>>
      %dma_start3A_169 = arith.constant 0 : i32
      %dma_start3A_170 = tpu.memref_slice %arg13[%mul3A_0, %dma_start3A_169] : memref<10000x32xf32, #tpu.memory_space<vmem_shared>> -> memref<625x32xf32, #tpu.memory_space<vmem_shared>>
      tpu.enqueue_dma source(%dma_start3A_170 : memref<625x32xf32, #tpu.memory_space<vmem_shared>>) target(%dma_start3A_168 : memref<625x32xf32, #tpu.memory_space<hbm>>) target_semaphore(%run_scoped3A : memref<!tpu.dma_semaphore, #tpu.memory_space<semaphore_mem>>)
      %dma_wait3A = arith.constant 0 : i32
      %dma_wait3A_171 = arith.constant 0 : i32
      %dma_wait3A_172 = tpu.memref_slice %arg6[%arg0, %arg1, %dma_wait3A, %dma_wait3A_171] : memref<2x16x625x32xf32, #tpu.memory_space<hbm>> -> memref<1x1x625x32xf32, #tpu.memory_space<hbm>>
      %dma_wait3A_173 = tpu.memref_squeeze %dma_wait3A_172 : memref<1x1x625x32xf32, #tpu.memory_space<hbm>> -> memref<625x32xf32, #tpu.memory_space<hbm>>
      %dma_wait3A_174 = arith.constant 0 : i32
      %dma_wait3A_175 = tpu.memref_slice %arg13[%mul3A_0, %dma_wait3A_174] : memref<10000x32xf32, #tpu.memory_space<vmem_shared>> -> memref<625x32xf32, #tpu.memory_space<vmem_shared>>
      tpu.wait_dma2 semaphore(%run_scoped3A : memref<!tpu.dma_semaphore, #tpu.memory_space<semaphore_mem>>) src(%dma_wait3A_175 : memref<625x32xf32, #tpu.memory_space<vmem_shared>>) dst(%dma_wait3A_173 : memref<625x32xf32, #tpu.memory_space<hbm>>)
      tpu.yield
    }) : () -> ()
    return
  }
}

#map = affine_map<(d0, d1) -> (0, 0)>
#map1 = affine_map<(d0, d1) -> (0, 0, 0, 0)>
#map2 = affine_map<(d0, d1) -> (0, 0, 0)>
module attributes {stable_mosaic.version = 14 : i64} {
  func.func @_spmm_pass(%arg0: i32, %arg1: i32, %arg2: memref<10000x32xf32, #tpu.memory_space<hbm>>, %arg3: memref<2x16x80x125xi32, #tpu.memory_space<hbm>>, %arg4: memref<2x16x80x125xi32, #tpu.memory_space<hbm>>, %arg5: memref<16x625x32xf32, #tpu.memory_space<hbm>>, %arg6: memref<2x16x625x32xf32, #tpu.memory_space<hbm>>, %arg7: memref<80x125xi32, #tpu.memory_space<vmem>>, %arg8: memref<80x125xi32, #tpu.memory_space<vmem>>, %arg9: memref<500x32xf32, #tpu.memory_space<vmem>>, %arg10: memref<500x32xf32, #tpu.memory_space<vmem>>, %arg11: memref<500x32xf32, #tpu.memory_space<vmem>>, %arg12: memref<500x32xf32, #tpu.memory_space<vmem>>, %arg13: memref<10000x32xf32, #tpu.memory_space<vmem_shared>>, %arg14: memref<!tpu.dma_semaphore, #tpu.memory_space<semaphore_mem>>, %arg15: memref<!tpu.dma_semaphore, #tpu.memory_space<semaphore_mem>>, %arg16: memref<!tpu.dma_semaphore, #tpu.memory_space<semaphore_mem>>, %arg17: memref<!tpu.dma_semaphore, #tpu.memory_space<semaphore_mem>>, %arg18: memref<!tpu.dma_semaphore, #tpu.memory_space<semaphore_mem>>, %arg19: memref<!tpu.dma_semaphore, #tpu.memory_space<semaphore_mem>>, %arg20: memref<!tpu.dma_semaphore, #tpu.memory_space<semaphore_mem>>, %arg21: memref<!tpu.dma_semaphore, #tpu.memory_space<semaphore_mem>>) attributes {dimension_semantics = [#tpu.dimension_semantics<core_parallel>, #tpu.dimension_semantics<subcore_parallel>], iteration_bounds = array<i64: 2, 16>, scalar_prefetch = 0 : i64, scratch_operands = 15 : i64, tpu.core_type = #tpu.core_type<sc_vector_subcore>, window_params = [{transform_indices = #map}, {transform_indices = #map1}, {transform_indices = #map1}, {transform_indices = #map2}, {transform_indices = #map1}]} {
    "tpu.region"() ({
      %run_scoped3A = tpu.sem_alloc : memref<!tpu.dma_semaphore, #tpu.memory_space<semaphore_mem>>
      %dma_start3A_165 = arith.constant 0 : i32
      %dma_start3A_166 = arith.constant 0 : i32
      %dma_start3A_167 = tpu.memref_slice %arg3[%arg0, %arg1, %dma_start3A_165, %dma_start3A_166] : memref<2x16x80x125xi32, #tpu.memory_space<hbm>> -> memref<1x1x80x125xi32, #tpu.memory_space<hbm>>
      %dma_start3A_168 = tpu.memref_squeeze %dma_start3A_167 : memref<1x1x80x125xi32, #tpu.memory_space<hbm>> -> memref<80x125xi32, #tpu.memory_space<hbm>>
      %dma_start3A_169 = arith.constant 0 : i32
      %dma_start3A_170 = arith.constant 0 : i32
      %dma_start3A_171 = tpu.memref_slice %arg3[%arg0, %arg1, %dma_start3A_169, %dma_start3A_170] : memref<2x16x80x125xi32, #tpu.memory_space<hbm>> -> memref<1x1x80x125xi32, #tpu.memory_space<hbm>>
      %dma_start3A_172 = tpu.memref_squeeze %dma_start3A_171 : memref<1x1x80x125xi32, #tpu.memory_space<hbm>> -> memref<80x125xi32, #tpu.memory_space<hbm>>
      tpu.enqueue_dma source(%dma_start3A_172 : memref<80x125xi32, #tpu.memory_space<hbm>>) target(%arg7 : memref<80x125xi32, #tpu.memory_space<vmem>>) target_semaphore(%run_scoped3A : memref<!tpu.dma_semaphore, #tpu.memory_space<semaphore_mem>>)
      %dma_wait3A = arith.constant 0 : i32
      %dma_wait3A_173 = arith.constant 0 : i32
      %dma_wait3A_174 = tpu.memref_slice %arg3[%arg0, %arg1, %dma_wait3A, %dma_wait3A_173] : memref<2x16x80x125xi32, #tpu.memory_space<hbm>> -> memref<1x1x80x125xi32, #tpu.memory_space<hbm>>
      %dma_wait3A_175 = tpu.memref_squeeze %dma_wait3A_174 : memref<1x1x80x125xi32, #tpu.memory_space<hbm>> -> memref<80x125xi32, #tpu.memory_space<hbm>>
      %dma_wait3A_176 = arith.constant 0 : i32
      %dma_wait3A_177 = arith.constant 0 : i32
      %dma_wait3A_178 = tpu.memref_slice %arg3[%arg0, %arg1, %dma_wait3A_176, %dma_wait3A_177] : memref<2x16x80x125xi32, #tpu.memory_space<hbm>> -> memref<1x1x80x125xi32, #tpu.memory_space<hbm>>
      %dma_wait3A_179 = tpu.memref_squeeze %dma_wait3A_178 : memref<1x1x80x125xi32, #tpu.memory_space<hbm>> -> memref<80x125xi32, #tpu.memory_space<hbm>>
      tpu.wait_dma2 semaphore(%run_scoped3A : memref<!tpu.dma_semaphore, #tpu.memory_space<semaphore_mem>>) src(%dma_wait3A_179 : memref<80x125xi32, #tpu.memory_space<hbm>>) dst(%arg7 : memref<80x125xi32, #tpu.memory_space<vmem>>)
      tpu.yield
    }) : () -> ()
    "tpu.region"() ({
      %run_scoped3A = tpu.sem_alloc : memref<!tpu.dma_semaphore, #tpu.memory_space<semaphore_mem>>
      %dma_start3A_165 = arith.constant 0 : i32
      %dma_start3A_166 = arith.constant 0 : i32
      %dma_start3A_167 = tpu.memref_slice %arg4[%arg0, %arg1, %dma_start3A_165, %dma_start3A_166] : memref<2x16x80x125xi32, #tpu.memory_space<hbm>> -> memref<1x1x80x125xi32, #tpu.memory_space<hbm>>
      %dma_start3A_168 = tpu.memref_squeeze %dma_start3A_167 : memref<1x1x80x125xi32, #tpu.memory_space<hbm>> -> memref<80x125xi32, #tpu.memory_space<hbm>>
      %dma_start3A_169 = arith.constant 0 : i32
      %dma_start3A_170 = arith.constant 0 : i32
      %dma_start3A_171 = tpu.memref_slice %arg4[%arg0, %arg1, %dma_start3A_169, %dma_start3A_170] : memref<2x16x80x125xi32, #tpu.memory_space<hbm>> -> memref<1x1x80x125xi32, #tpu.memory_space<hbm>>
      %dma_start3A_172 = tpu.memref_squeeze %dma_start3A_171 : memref<1x1x80x125xi32, #tpu.memory_space<hbm>> -> memref<80x125xi32, #tpu.memory_space<hbm>>
      tpu.enqueue_dma source(%dma_start3A_172 : memref<80x125xi32, #tpu.memory_space<hbm>>) target(%arg8 : memref<80x125xi32, #tpu.memory_space<vmem>>) target_semaphore(%run_scoped3A : memref<!tpu.dma_semaphore, #tpu.memory_space<semaphore_mem>>)
      %dma_wait3A = arith.constant 0 : i32
      %dma_wait3A_173 = arith.constant 0 : i32
      %dma_wait3A_174 = tpu.memref_slice %arg4[%arg0, %arg1, %dma_wait3A, %dma_wait3A_173] : memref<2x16x80x125xi32, #tpu.memory_space<hbm>> -> memref<1x1x80x125xi32, #tpu.memory_space<hbm>>
      %dma_wait3A_175 = tpu.memref_squeeze %dma_wait3A_174 : memref<1x1x80x125xi32, #tpu.memory_space<hbm>> -> memref<80x125xi32, #tpu.memory_space<hbm>>
      %dma_wait3A_176 = arith.constant 0 : i32
      %dma_wait3A_177 = arith.constant 0 : i32
      %dma_wait3A_178 = tpu.memref_slice %arg4[%arg0, %arg1, %dma_wait3A_176, %dma_wait3A_177] : memref<2x16x80x125xi32, #tpu.memory_space<hbm>> -> memref<1x1x80x125xi32, #tpu.memory_space<hbm>>
      %dma_wait3A_179 = tpu.memref_squeeze %dma_wait3A_178 : memref<1x1x80x125xi32, #tpu.memory_space<hbm>> -> memref<80x125xi32, #tpu.memory_space<hbm>>
      tpu.wait_dma2 semaphore(%run_scoped3A : memref<!tpu.dma_semaphore, #tpu.memory_space<semaphore_mem>>) src(%dma_wait3A_179 : memref<80x125xi32, #tpu.memory_space<hbm>>) dst(%arg8 : memref<80x125xi32, #tpu.memory_space<vmem>>)
      tpu.yield
    }) : () -> ()
    %mul3A = arith.constant 625 : i32
    %mul3A_0 = arith.muli %arg1, %mul3A : i32
    "tpu.region"() ({
      %run_scoped3A = tpu.sem_alloc : memref<!tpu.dma_semaphore, #tpu.memory_space<semaphore_mem>>
      %dma_start3A_165 = arith.constant 0 : i32
      %dma_start3A_166 = tpu.memref_slice %arg13[%mul3A_0, %dma_start3A_165] : memref<10000x32xf32, #tpu.memory_space<vmem_shared>> -> memref<625x32xf32, #tpu.memory_space<vmem_shared>>
      %dma_start3A_167 = arith.constant 0 : i32
      %dma_start3A_168 = arith.constant 0 : i32
      %dma_start3A_169 = tpu.memref_slice %arg5[%arg1, %dma_start3A_167, %dma_start3A_168] : memref<16x625x32xf32, #tpu.memory_space<hbm>> -> memref<1x625x32xf32, #tpu.memory_space<hbm>>
      %dma_start3A_170 = tpu.memref_squeeze %dma_start3A_169 : memref<1x625x32xf32, #tpu.memory_space<hbm>> -> memref<625x32xf32, #tpu.memory_space<hbm>>
      tpu.enqueue_dma source(%dma_start3A_170 : memref<625x32xf32, #tpu.memory_space<hbm>>) target(%dma_start3A_166 : memref<625x32xf32, #tpu.memory_space<vmem_shared>>) target_semaphore(%run_scoped3A : memref<!tpu.dma_semaphore, #tpu.memory_space<semaphore_mem>>)
      %dma_wait3A = arith.constant 0 : i32
      %dma_wait3A_171 = tpu.memref_slice %arg13[%mul3A_0, %dma_wait3A] : memref<10000x32xf32, #tpu.memory_space<vmem_shared>> -> memref<625x32xf32, #tpu.memory_space<vmem_shared>>
      %dma_wait3A_172 = arith.constant 0 : i32
      %dma_wait3A_173 = arith.constant 0 : i32
      %dma_wait3A_174 = tpu.memref_slice %arg5[%arg1, %dma_wait3A_172, %dma_wait3A_173] : memref<16x625x32xf32, #tpu.memory_space<hbm>> -> memref<1x625x32xf32, #tpu.memory_space<hbm>>
      %dma_wait3A_175 = tpu.memref_squeeze %dma_wait3A_174 : memref<1x625x32xf32, #tpu.memory_space<hbm>> -> memref<625x32xf32, #tpu.memory_space<hbm>>
      tpu.wait_dma2 semaphore(%run_scoped3A : memref<!tpu.dma_semaphore, #tpu.memory_space<semaphore_mem>>) src(%dma_wait3A_175 : memref<625x32xf32, #tpu.memory_space<hbm>>) dst(%dma_wait3A_171 : memref<625x32xf32, #tpu.memory_space<vmem_shared>>)
      tpu.yield
    }) : () -> ()
    %barrier3A = arith.constant 0 : index
    tpu.barrier barrier_id(%barrier3A)
    %dma_start3A = arith.constant 0 : i32
    %dma_start3A_1 = arith.constant 0 : i32
    %dma_start3A_2 = arith.constant 0 : i32
    %dma_start3A_3 = tpu.memref_slice %arg9[%dma_start3A_1, %dma_start3A_2] : memref<500x32xf32, #tpu.memory_space<vmem>> -> memref<125x32xf32, #tpu.memory_space<vmem>>
    %dma_start3A_4 = arith.constant 0 : i32
    %dma_start3A_5 = tpu.memref_slice %arg7[%dma_start3A, %dma_start3A_4] : memref<80x125xi32, #tpu.memory_space<vmem>> -> memref<1x125xi32, #tpu.memory_space<vmem>>
    %dma_start3A_6 = tpu.memref_squeeze %dma_start3A_5 : memref<1x125xi32, #tpu.memory_space<vmem>> -> memref<125xi32, #tpu.memory_space<vmem>>
    %dma_start3A_7 = arith.constant 0 : i32
    %dma_start3A_8 = arith.constant 0 : i32
    %dma_start3A_9 = tpu.memref_slice %arg2[%dma_start3A_7, %dma_start3A_8] : memref<10000x32xf32, #tpu.memory_space<hbm>> -> memref<10000x32xf32, #tpu.memory_space<hbm>>
    tpu.enqueue_indirect_dma source(%dma_start3A_9 : memref<10000x32xf32, #tpu.memory_space<hbm>>) target(%dma_start3A_3 : memref<125x32xf32, #tpu.memory_space<vmem>>) offsets(%dma_start3A_6 : memref<125xi32, #tpu.memory_space<vmem>>) semaphore(%arg14 : memref<!tpu.dma_semaphore, #tpu.memory_space<semaphore_mem>>)
    %dma_start3A_10 = arith.constant 1 : i32
    %dma_start3A_11 = arith.constant 125 : i32
    %dma_start3A_12 = arith.constant 0 : i32
    %dma_start3A_13 = tpu.memref_slice %arg9[%dma_start3A_11, %dma_start3A_12] : memref<500x32xf32, #tpu.memory_space<vmem>> -> memref<125x32xf32, #tpu.memory_space<vmem>>
    %dma_start3A_14 = arith.constant 0 : i32
    %dma_start3A_15 = tpu.memref_slice %arg7[%dma_start3A_10, %dma_start3A_14] : memref<80x125xi32, #tpu.memory_space<vmem>> -> memref<1x125xi32, #tpu.memory_space<vmem>>
    %dma_start3A_16 = tpu.memref_squeeze %dma_start3A_15 : memref<1x125xi32, #tpu.memory_space<vmem>> -> memref<125xi32, #tpu.memory_space<vmem>>
    %dma_start3A_17 = arith.constant 0 : i32
    %dma_start3A_18 = arith.constant 0 : i32
    %dma_start3A_19 = tpu.memref_slice %arg2[%dma_start3A_17, %dma_start3A_18] : memref<10000x32xf32, #tpu.memory_space<hbm>> -> memref<10000x32xf32, #tpu.memory_space<hbm>>
    tpu.enqueue_indirect_dma source(%dma_start3A_19 : memref<10000x32xf32, #tpu.memory_space<hbm>>) target(%dma_start3A_13 : memref<125x32xf32, #tpu.memory_space<vmem>>) offsets(%dma_start3A_16 : memref<125xi32, #tpu.memory_space<vmem>>) semaphore(%arg14 : memref<!tpu.dma_semaphore, #tpu.memory_space<semaphore_mem>>)
    %dma_start3A_20 = arith.constant 2 : i32
    %dma_start3A_21 = arith.constant 250 : i32
    %dma_start3A_22 = arith.constant 0 : i32
    %dma_start3A_23 = tpu.memref_slice %arg9[%dma_start3A_21, %dma_start3A_22] : memref<500x32xf32, #tpu.memory_space<vmem>> -> memref<125x32xf32, #tpu.memory_space<vmem>>
    %dma_start3A_24 = arith.constant 0 : i32
    %dma_start3A_25 = tpu.memref_slice %arg7[%dma_start3A_20, %dma_start3A_24] : memref<80x125xi32, #tpu.memory_space<vmem>> -> memref<1x125xi32, #tpu.memory_space<vmem>>
    %dma_start3A_26 = tpu.memref_squeeze %dma_start3A_25 : memref<1x125xi32, #tpu.memory_space<vmem>> -> memref<125xi32, #tpu.memory_space<vmem>>
    %dma_start3A_27 = arith.constant 0 : i32
    %dma_start3A_28 = arith.constant 0 : i32
    %dma_start3A_29 = tpu.memref_slice %arg2[%dma_start3A_27, %dma_start3A_28] : memref<10000x32xf32, #tpu.memory_space<hbm>> -> memref<10000x32xf32, #tpu.memory_space<hbm>>
    tpu.enqueue_indirect_dma source(%dma_start3A_29 : memref<10000x32xf32, #tpu.memory_space<hbm>>) target(%dma_start3A_23 : memref<125x32xf32, #tpu.memory_space<vmem>>) offsets(%dma_start3A_26 : memref<125xi32, #tpu.memory_space<vmem>>) semaphore(%arg14 : memref<!tpu.dma_semaphore, #tpu.memory_space<semaphore_mem>>)
    %dma_start3A_30 = arith.constant 3 : i32
    %dma_start3A_31 = arith.constant 375 : i32
    %dma_start3A_32 = arith.constant 0 : i32
    %dma_start3A_33 = tpu.memref_slice %arg9[%dma_start3A_31, %dma_start3A_32] : memref<500x32xf32, #tpu.memory_space<vmem>> -> memref<125x32xf32, #tpu.memory_space<vmem>>
    %dma_start3A_34 = arith.constant 0 : i32
    %dma_start3A_35 = tpu.memref_slice %arg7[%dma_start3A_30, %dma_start3A_34] : memref<80x125xi32, #tpu.memory_space<vmem>> -> memref<1x125xi32, #tpu.memory_space<vmem>>
    %dma_start3A_36 = tpu.memref_squeeze %dma_start3A_35 : memref<1x125xi32, #tpu.memory_space<vmem>> -> memref<125xi32, #tpu.memory_space<vmem>>
    %dma_start3A_37 = arith.constant 0 : i32
    %dma_start3A_38 = arith.constant 0 : i32
    %dma_start3A_39 = tpu.memref_slice %arg2[%dma_start3A_37, %dma_start3A_38] : memref<10000x32xf32, #tpu.memory_space<hbm>> -> memref<10000x32xf32, #tpu.memory_space<hbm>>
    tpu.enqueue_indirect_dma source(%dma_start3A_39 : memref<10000x32xf32, #tpu.memory_space<hbm>>) target(%dma_start3A_33 : memref<125x32xf32, #tpu.memory_space<vmem>>) offsets(%dma_start3A_36 : memref<125xi32, #tpu.memory_space<vmem>>) semaphore(%arg14 : memref<!tpu.dma_semaphore, #tpu.memory_space<semaphore_mem>>)
    %dma_start3A_40 = arith.constant 4 : i32
    %dma_start3A_41 = arith.constant 0 : i32
    %dma_start3A_42 = arith.constant 0 : i32
    %dma_start3A_43 = tpu.memref_slice %arg10[%dma_start3A_41, %dma_start3A_42] : memref<500x32xf32, #tpu.memory_space<vmem>> -> memref<125x32xf32, #tpu.memory_space<vmem>>
    %dma_start3A_44 = arith.constant 0 : i32
    %dma_start3A_45 = tpu.memref_slice %arg7[%dma_start3A_40, %dma_start3A_44] : memref<80x125xi32, #tpu.memory_space<vmem>> -> memref<1x125xi32, #tpu.memory_space<vmem>>
    %dma_start3A_46 = tpu.memref_squeeze %dma_start3A_45 : memref<1x125xi32, #tpu.memory_space<vmem>> -> memref<125xi32, #tpu.memory_space<vmem>>
    %dma_start3A_47 = arith.constant 0 : i32
    %dma_start3A_48 = arith.constant 0 : i32
    %dma_start3A_49 = tpu.memref_slice %arg2[%dma_start3A_47, %dma_start3A_48] : memref<10000x32xf32, #tpu.memory_space<hbm>> -> memref<10000x32xf32, #tpu.memory_space<hbm>>
    tpu.enqueue_indirect_dma source(%dma_start3A_49 : memref<10000x32xf32, #tpu.memory_space<hbm>>) target(%dma_start3A_43 : memref<125x32xf32, #tpu.memory_space<vmem>>) offsets(%dma_start3A_46 : memref<125xi32, #tpu.memory_space<vmem>>) semaphore(%arg15 : memref<!tpu.dma_semaphore, #tpu.memory_space<semaphore_mem>>)
    %dma_start3A_50 = arith.constant 5 : i32
    %dma_start3A_51 = arith.constant 125 : i32
    %dma_start3A_52 = arith.constant 0 : i32
    %dma_start3A_53 = tpu.memref_slice %arg10[%dma_start3A_51, %dma_start3A_52] : memref<500x32xf32, #tpu.memory_space<vmem>> -> memref<125x32xf32, #tpu.memory_space<vmem>>
    %dma_start3A_54 = arith.constant 0 : i32
    %dma_start3A_55 = tpu.memref_slice %arg7[%dma_start3A_50, %dma_start3A_54] : memref<80x125xi32, #tpu.memory_space<vmem>> -> memref<1x125xi32, #tpu.memory_space<vmem>>
    %dma_start3A_56 = tpu.memref_squeeze %dma_start3A_55 : memref<1x125xi32, #tpu.memory_space<vmem>> -> memref<125xi32, #tpu.memory_space<vmem>>
    %dma_start3A_57 = arith.constant 0 : i32
    %dma_start3A_58 = arith.constant 0 : i32
    %dma_start3A_59 = tpu.memref_slice %arg2[%dma_start3A_57, %dma_start3A_58] : memref<10000x32xf32, #tpu.memory_space<hbm>> -> memref<10000x32xf32, #tpu.memory_space<hbm>>
    tpu.enqueue_indirect_dma source(%dma_start3A_59 : memref<10000x32xf32, #tpu.memory_space<hbm>>) target(%dma_start3A_53 : memref<125x32xf32, #tpu.memory_space<vmem>>) offsets(%dma_start3A_56 : memref<125xi32, #tpu.memory_space<vmem>>) semaphore(%arg15 : memref<!tpu.dma_semaphore, #tpu.memory_space<semaphore_mem>>)
    %dma_start3A_60 = arith.constant 6 : i32
    %dma_start3A_61 = arith.constant 250 : i32
    %dma_start3A_62 = arith.constant 0 : i32
    %dma_start3A_63 = tpu.memref_slice %arg10[%dma_start3A_61, %dma_start3A_62] : memref<500x32xf32, #tpu.memory_space<vmem>> -> memref<125x32xf32, #tpu.memory_space<vmem>>
    %dma_start3A_64 = arith.constant 0 : i32
    %dma_start3A_65 = tpu.memref_slice %arg7[%dma_start3A_60, %dma_start3A_64] : memref<80x125xi32, #tpu.memory_space<vmem>> -> memref<1x125xi32, #tpu.memory_space<vmem>>
    %dma_start3A_66 = tpu.memref_squeeze %dma_start3A_65 : memref<1x125xi32, #tpu.memory_space<vmem>> -> memref<125xi32, #tpu.memory_space<vmem>>
    %dma_start3A_67 = arith.constant 0 : i32
    %dma_start3A_68 = arith.constant 0 : i32
    %dma_start3A_69 = tpu.memref_slice %arg2[%dma_start3A_67, %dma_start3A_68] : memref<10000x32xf32, #tpu.memory_space<hbm>> -> memref<10000x32xf32, #tpu.memory_space<hbm>>
    tpu.enqueue_indirect_dma source(%dma_start3A_69 : memref<10000x32xf32, #tpu.memory_space<hbm>>) target(%dma_start3A_63 : memref<125x32xf32, #tpu.memory_space<vmem>>) offsets(%dma_start3A_66 : memref<125xi32, #tpu.memory_space<vmem>>) semaphore(%arg15 : memref<!tpu.dma_semaphore, #tpu.memory_space<semaphore_mem>>)
    %dma_start3A_70 = arith.constant 7 : i32
    %dma_start3A_71 = arith.constant 375 : i32
    %dma_start3A_72 = arith.constant 0 : i32
    %dma_start3A_73 = tpu.memref_slice %arg10[%dma_start3A_71, %dma_start3A_72] : memref<500x32xf32, #tpu.memory_space<vmem>> -> memref<125x32xf32, #tpu.memory_space<vmem>>
    %dma_start3A_74 = arith.constant 0 : i32
    %dma_start3A_75 = tpu.memref_slice %arg7[%dma_start3A_70, %dma_start3A_74] : memref<80x125xi32, #tpu.memory_space<vmem>> -> memref<1x125xi32, #tpu.memory_space<vmem>>
    %dma_start3A_76 = tpu.memref_squeeze %dma_start3A_75 : memref<1x125xi32, #tpu.memory_space<vmem>> -> memref<125xi32, #tpu.memory_space<vmem>>
    %dma_start3A_77 = arith.constant 0 : i32
    %dma_start3A_78 = arith.constant 0 : i32
    %dma_start3A_79 = tpu.memref_slice %arg2[%dma_start3A_77, %dma_start3A_78] : memref<10000x32xf32, #tpu.memory_space<hbm>> -> memref<10000x32xf32, #tpu.memory_space<hbm>>
    tpu.enqueue_indirect_dma source(%dma_start3A_79 : memref<10000x32xf32, #tpu.memory_space<hbm>>) target(%dma_start3A_73 : memref<125x32xf32, #tpu.memory_space<vmem>>) offsets(%dma_start3A_76 : memref<125xi32, #tpu.memory_space<vmem>>) semaphore(%arg15 : memref<!tpu.dma_semaphore, #tpu.memory_space<semaphore_mem>>)
    %dma_start3A_80 = arith.constant 8 : i32
    %dma_start3A_81 = arith.constant 0 : i32
    %dma_start3A_82 = arith.constant 0 : i32
    %dma_start3A_83 = tpu.memref_slice %arg11[%dma_start3A_81, %dma_start3A_82] : memref<500x32xf32, #tpu.memory_space<vmem>> -> memref<125x32xf32, #tpu.memory_space<vmem>>
    %dma_start3A_84 = arith.constant 0 : i32
    %dma_start3A_85 = tpu.memref_slice %arg7[%dma_start3A_80, %dma_start3A_84] : memref<80x125xi32, #tpu.memory_space<vmem>> -> memref<1x125xi32, #tpu.memory_space<vmem>>
    %dma_start3A_86 = tpu.memref_squeeze %dma_start3A_85 : memref<1x125xi32, #tpu.memory_space<vmem>> -> memref<125xi32, #tpu.memory_space<vmem>>
    %dma_start3A_87 = arith.constant 0 : i32
    %dma_start3A_88 = arith.constant 0 : i32
    %dma_start3A_89 = tpu.memref_slice %arg2[%dma_start3A_87, %dma_start3A_88] : memref<10000x32xf32, #tpu.memory_space<hbm>> -> memref<10000x32xf32, #tpu.memory_space<hbm>>
    tpu.enqueue_indirect_dma source(%dma_start3A_89 : memref<10000x32xf32, #tpu.memory_space<hbm>>) target(%dma_start3A_83 : memref<125x32xf32, #tpu.memory_space<vmem>>) offsets(%dma_start3A_86 : memref<125xi32, #tpu.memory_space<vmem>>) semaphore(%arg16 : memref<!tpu.dma_semaphore, #tpu.memory_space<semaphore_mem>>)
    %dma_start3A_90 = arith.constant 9 : i32
    %dma_start3A_91 = arith.constant 125 : i32
    %dma_start3A_92 = arith.constant 0 : i32
    %dma_start3A_93 = tpu.memref_slice %arg11[%dma_start3A_91, %dma_start3A_92] : memref<500x32xf32, #tpu.memory_space<vmem>> -> memref<125x32xf32, #tpu.memory_space<vmem>>
    %dma_start3A_94 = arith.constant 0 : i32
    %dma_start3A_95 = tpu.memref_slice %arg7[%dma_start3A_90, %dma_start3A_94] : memref<80x125xi32, #tpu.memory_space<vmem>> -> memref<1x125xi32, #tpu.memory_space<vmem>>
    %dma_start3A_96 = tpu.memref_squeeze %dma_start3A_95 : memref<1x125xi32, #tpu.memory_space<vmem>> -> memref<125xi32, #tpu.memory_space<vmem>>
    %dma_start3A_97 = arith.constant 0 : i32
    %dma_start3A_98 = arith.constant 0 : i32
    %dma_start3A_99 = tpu.memref_slice %arg2[%dma_start3A_97, %dma_start3A_98] : memref<10000x32xf32, #tpu.memory_space<hbm>> -> memref<10000x32xf32, #tpu.memory_space<hbm>>
    tpu.enqueue_indirect_dma source(%dma_start3A_99 : memref<10000x32xf32, #tpu.memory_space<hbm>>) target(%dma_start3A_93 : memref<125x32xf32, #tpu.memory_space<vmem>>) offsets(%dma_start3A_96 : memref<125xi32, #tpu.memory_space<vmem>>) semaphore(%arg16 : memref<!tpu.dma_semaphore, #tpu.memory_space<semaphore_mem>>)
    %dma_start3A_100 = arith.constant 10 : i32
    %dma_start3A_101 = arith.constant 250 : i32
    %dma_start3A_102 = arith.constant 0 : i32
    %dma_start3A_103 = tpu.memref_slice %arg11[%dma_start3A_101, %dma_start3A_102] : memref<500x32xf32, #tpu.memory_space<vmem>> -> memref<125x32xf32, #tpu.memory_space<vmem>>
    %dma_start3A_104 = arith.constant 0 : i32
    %dma_start3A_105 = tpu.memref_slice %arg7[%dma_start3A_100, %dma_start3A_104] : memref<80x125xi32, #tpu.memory_space<vmem>> -> memref<1x125xi32, #tpu.memory_space<vmem>>
    %dma_start3A_106 = tpu.memref_squeeze %dma_start3A_105 : memref<1x125xi32, #tpu.memory_space<vmem>> -> memref<125xi32, #tpu.memory_space<vmem>>
    %dma_start3A_107 = arith.constant 0 : i32
    %dma_start3A_108 = arith.constant 0 : i32
    %dma_start3A_109 = tpu.memref_slice %arg2[%dma_start3A_107, %dma_start3A_108] : memref<10000x32xf32, #tpu.memory_space<hbm>> -> memref<10000x32xf32, #tpu.memory_space<hbm>>
    tpu.enqueue_indirect_dma source(%dma_start3A_109 : memref<10000x32xf32, #tpu.memory_space<hbm>>) target(%dma_start3A_103 : memref<125x32xf32, #tpu.memory_space<vmem>>) offsets(%dma_start3A_106 : memref<125xi32, #tpu.memory_space<vmem>>) semaphore(%arg16 : memref<!tpu.dma_semaphore, #tpu.memory_space<semaphore_mem>>)
    %dma_start3A_110 = arith.constant 11 : i32
    %dma_start3A_111 = arith.constant 375 : i32
    %dma_start3A_112 = arith.constant 0 : i32
    %dma_start3A_113 = tpu.memref_slice %arg11[%dma_start3A_111, %dma_start3A_112] : memref<500x32xf32, #tpu.memory_space<vmem>> -> memref<125x32xf32, #tpu.memory_space<vmem>>
    %dma_start3A_114 = arith.constant 0 : i32
    %dma_start3A_115 = tpu.memref_slice %arg7[%dma_start3A_110, %dma_start3A_114] : memref<80x125xi32, #tpu.memory_space<vmem>> -> memref<1x125xi32, #tpu.memory_space<vmem>>
    %dma_start3A_116 = tpu.memref_squeeze %dma_start3A_115 : memref<1x125xi32, #tpu.memory_space<vmem>> -> memref<125xi32, #tpu.memory_space<vmem>>
    %dma_start3A_117 = arith.constant 0 : i32
    %dma_start3A_118 = arith.constant 0 : i32
    %dma_start3A_119 = tpu.memref_slice %arg2[%dma_start3A_117, %dma_start3A_118] : memref<10000x32xf32, #tpu.memory_space<hbm>> -> memref<10000x32xf32, #tpu.memory_space<hbm>>
    tpu.enqueue_indirect_dma source(%dma_start3A_119 : memref<10000x32xf32, #tpu.memory_space<hbm>>) target(%dma_start3A_113 : memref<125x32xf32, #tpu.memory_space<vmem>>) offsets(%dma_start3A_116 : memref<125xi32, #tpu.memory_space<vmem>>) semaphore(%arg16 : memref<!tpu.dma_semaphore, #tpu.memory_space<semaphore_mem>>)
    %dma_start3A_120 = arith.constant 12 : i32
    %dma_start3A_121 = arith.constant 0 : i32
    %dma_start3A_122 = arith.constant 0 : i32
    %dma_start3A_123 = tpu.memref_slice %arg12[%dma_start3A_121, %dma_start3A_122] : memref<500x32xf32, #tpu.memory_space<vmem>> -> memref<125x32xf32, #tpu.memory_space<vmem>>
    %dma_start3A_124 = arith.constant 0 : i32
    %dma_start3A_125 = tpu.memref_slice %arg7[%dma_start3A_120, %dma_start3A_124] : memref<80x125xi32, #tpu.memory_space<vmem>> -> memref<1x125xi32, #tpu.memory_space<vmem>>
    %dma_start3A_126 = tpu.memref_squeeze %dma_start3A_125 : memref<1x125xi32, #tpu.memory_space<vmem>> -> memref<125xi32, #tpu.memory_space<vmem>>
    %dma_start3A_127 = arith.constant 0 : i32
    %dma_start3A_128 = arith.constant 0 : i32
    %dma_start3A_129 = tpu.memref_slice %arg2[%dma_start3A_127, %dma_start3A_128] : memref<10000x32xf32, #tpu.memory_space<hbm>> -> memref<10000x32xf32, #tpu.memory_space<hbm>>
    tpu.enqueue_indirect_dma source(%dma_start3A_129 : memref<10000x32xf32, #tpu.memory_space<hbm>>) target(%dma_start3A_123 : memref<125x32xf32, #tpu.memory_space<vmem>>) offsets(%dma_start3A_126 : memref<125xi32, #tpu.memory_space<vmem>>) semaphore(%arg17 : memref<!tpu.dma_semaphore, #tpu.memory_space<semaphore_mem>>)
    %dma_start3A_130 = arith.constant 13 : i32
    %dma_start3A_131 = arith.constant 125 : i32
    %dma_start3A_132 = arith.constant 0 : i32
    %dma_start3A_133 = tpu.memref_slice %arg12[%dma_start3A_131, %dma_start3A_132] : memref<500x32xf32, #tpu.memory_space<vmem>> -> memref<125x32xf32, #tpu.memory_space<vmem>>
    %dma_start3A_134 = arith.constant 0 : i32
    %dma_start3A_135 = tpu.memref_slice %arg7[%dma_start3A_130, %dma_start3A_134] : memref<80x125xi32, #tpu.memory_space<vmem>> -> memref<1x125xi32, #tpu.memory_space<vmem>>
    %dma_start3A_136 = tpu.memref_squeeze %dma_start3A_135 : memref<1x125xi32, #tpu.memory_space<vmem>> -> memref<125xi32, #tpu.memory_space<vmem>>
    %dma_start3A_137 = arith.constant 0 : i32
    %dma_start3A_138 = arith.constant 0 : i32
    %dma_start3A_139 = tpu.memref_slice %arg2[%dma_start3A_137, %dma_start3A_138] : memref<10000x32xf32, #tpu.memory_space<hbm>> -> memref<10000x32xf32, #tpu.memory_space<hbm>>
    tpu.enqueue_indirect_dma source(%dma_start3A_139 : memref<10000x32xf32, #tpu.memory_space<hbm>>) target(%dma_start3A_133 : memref<125x32xf32, #tpu.memory_space<vmem>>) offsets(%dma_start3A_136 : memref<125xi32, #tpu.memory_space<vmem>>) semaphore(%arg17 : memref<!tpu.dma_semaphore, #tpu.memory_space<semaphore_mem>>)
    %dma_start3A_140 = arith.constant 14 : i32
    %dma_start3A_141 = arith.constant 250 : i32
    %dma_start3A_142 = arith.constant 0 : i32
    %dma_start3A_143 = tpu.memref_slice %arg12[%dma_start3A_141, %dma_start3A_142] : memref<500x32xf32, #tpu.memory_space<vmem>> -> memref<125x32xf32, #tpu.memory_space<vmem>>
    %dma_start3A_144 = arith.constant 0 : i32
    %dma_start3A_145 = tpu.memref_slice %arg7[%dma_start3A_140, %dma_start3A_144] : memref<80x125xi32, #tpu.memory_space<vmem>> -> memref<1x125xi32, #tpu.memory_space<vmem>>
    %dma_start3A_146 = tpu.memref_squeeze %dma_start3A_145 : memref<1x125xi32, #tpu.memory_space<vmem>> -> memref<125xi32, #tpu.memory_space<vmem>>
    %dma_start3A_147 = arith.constant 0 : i32
    %dma_start3A_148 = arith.constant 0 : i32
    %dma_start3A_149 = tpu.memref_slice %arg2[%dma_start3A_147, %dma_start3A_148] : memref<10000x32xf32, #tpu.memory_space<hbm>> -> memref<10000x32xf32, #tpu.memory_space<hbm>>
    tpu.enqueue_indirect_dma source(%dma_start3A_149 : memref<10000x32xf32, #tpu.memory_space<hbm>>) target(%dma_start3A_143 : memref<125x32xf32, #tpu.memory_space<vmem>>) offsets(%dma_start3A_146 : memref<125xi32, #tpu.memory_space<vmem>>) semaphore(%arg17 : memref<!tpu.dma_semaphore, #tpu.memory_space<semaphore_mem>>)
    %dma_start3A_150 = arith.constant 15 : i32
    %dma_start3A_151 = arith.constant 375 : i32
    %dma_start3A_152 = arith.constant 0 : i32
    %dma_start3A_153 = tpu.memref_slice %arg12[%dma_start3A_151, %dma_start3A_152] : memref<500x32xf32, #tpu.memory_space<vmem>> -> memref<125x32xf32, #tpu.memory_space<vmem>>
    %dma_start3A_154 = arith.constant 0 : i32
    %dma_start3A_155 = tpu.memref_slice %arg7[%dma_start3A_150, %dma_start3A_154] : memref<80x125xi32, #tpu.memory_space<vmem>> -> memref<1x125xi32, #tpu.memory_space<vmem>>
    %dma_start3A_156 = tpu.memref_squeeze %dma_start3A_155 : memref<1x125xi32, #tpu.memory_space<vmem>> -> memref<125xi32, #tpu.memory_space<vmem>>
    %dma_start3A_157 = arith.constant 0 : i32
    %dma_start3A_158 = arith.constant 0 : i32
    %dma_start3A_159 = tpu.memref_slice %arg2[%dma_start3A_157, %dma_start3A_158] : memref<10000x32xf32, #tpu.memory_space<hbm>> -> memref<10000x32xf32, #tpu.memory_space<hbm>>
    tpu.enqueue_indirect_dma source(%dma_start3A_159 : memref<10000x32xf32, #tpu.memory_space<hbm>>) target(%dma_start3A_153 : memref<125x32xf32, #tpu.memory_space<vmem>>) offsets(%dma_start3A_156 : memref<125xi32, #tpu.memory_space<vmem>>) semaphore(%arg17 : memref<!tpu.dma_semaphore, #tpu.memory_space<semaphore_mem>>)
    %scan3A = arith.constant 0 : i32
    %scan3A_160 = arith.constant 5 : i32
    %scan3A_161 = arith.addi %scan3A, %scan3A_160 : i32
    %scan3A_162 = arith.constant 1 : i32
    scf.for %scan3A_165 = %scan3A to %scan3A_161 step %scan3A_162  : i32 {
      %mul3A_166 = arith.constant 4 : i32
      %mul3A_167 = arith.muli %scan3A_165, %mul3A_166 : i32
      %add3A = arith.constant 0 : i32
      %add3A_168 = arith.addi %add3A, %mul3A_167 : i32
      %dma_wait3A = arith.constant 0 : i32
      %dma_wait3A_169 = arith.constant 0 : i32
      %dma_wait3A_170 = tpu.memref_slice %arg2[%dma_wait3A, %dma_wait3A_169] : memref<10000x32xf32, #tpu.memory_space<hbm>> -> memref<500x32xf32, #tpu.memory_space<hbm>>
      %dma_wait3A_171 = arith.constant 0 : i32
      %dma_wait3A_172 = arith.constant 0 : i32
      %dma_wait3A_173 = tpu.memref_slice %arg2[%dma_wait3A_171, %dma_wait3A_172] : memref<10000x32xf32, #tpu.memory_space<hbm>> -> memref<500x32xf32, #tpu.memory_space<hbm>>
      tpu.wait_dma2 semaphore(%arg14 : memref<!tpu.dma_semaphore, #tpu.memory_space<semaphore_mem>>) src(%dma_wait3A_173 : memref<500x32xf32, #tpu.memory_space<hbm>>) dst(%arg9 : memref<500x32xf32, #tpu.memory_space<vmem>>)
      %add3A_174 = arith.constant 0 : i32
      %add3A_175 = arith.addi %add3A_168, %add3A_174 : i32
      %mul3A_176 = arith.constant 4 : i32
      %mul3A_177 = arith.muli %add3A_175, %mul3A_176 : i32
      %add3A_178 = arith.constant 0 : i32
      %add3A_179 = arith.addi %mul3A_177, %add3A_178 : i32
      %dma_start3A_180 = arith.constant 0 : i32
      %dma_start3A_181 = arith.constant 0 : i32
      %dma_start3A_182 = tpu.memref_slice %arg9[%dma_start3A_180, %dma_start3A_181] : memref<500x32xf32, #tpu.memory_space<vmem>> -> memref<125x32xf32, #tpu.memory_space<vmem>>
      %dma_start3A_183 = arith.constant 0 : i32
      %dma_start3A_184 = tpu.memref_slice %arg8[%add3A_179, %dma_start3A_183] : memref<80x125xi32, #tpu.memory_space<vmem>> -> memref<1x125xi32, #tpu.memory_space<vmem>>
      %dma_start3A_185 = tpu.memref_squeeze %dma_start3A_184 : memref<1x125xi32, #tpu.memory_space<vmem>> -> memref<125xi32, #tpu.memory_space<vmem>>
      %dma_start3A_186 = arith.constant 0 : i32
      %dma_start3A_187 = arith.constant 0 : i32
      %dma_start3A_188 = tpu.memref_slice %arg13[%dma_start3A_186, %dma_start3A_187] : memref<10000x32xf32, #tpu.memory_space<vmem_shared>> -> memref<10000x32xf32, #tpu.memory_space<vmem_shared>>
      tpu.enqueue_indirect_dma source(%dma_start3A_182 : memref<125x32xf32, #tpu.memory_space<vmem>>) target(%dma_start3A_188 : memref<10000x32xf32, #tpu.memory_space<vmem_shared>>) offsets(%dma_start3A_185 : memref<125xi32, #tpu.memory_space<vmem>>) semaphore(%arg18 : memref<!tpu.dma_semaphore, #tpu.memory_space<semaphore_mem>>) {add = true}
      %mul3A_189 = arith.constant 4 : i32
      %mul3A_190 = arith.muli %add3A_175, %mul3A_189 : i32
      %add3A_191 = arith.constant 1 : i32
      %add3A_192 = arith.addi %mul3A_190, %add3A_191 : i32
      %dma_start3A_193 = arith.constant 125 : i32
      %dma_start3A_194 = arith.constant 0 : i32
      %dma_start3A_195 = tpu.memref_slice %arg9[%dma_start3A_193, %dma_start3A_194] : memref<500x32xf32, #tpu.memory_space<vmem>> -> memref<125x32xf32, #tpu.memory_space<vmem>>
      %dma_start3A_196 = arith.constant 0 : i32
      %dma_start3A_197 = tpu.memref_slice %arg8[%add3A_192, %dma_start3A_196] : memref<80x125xi32, #tpu.memory_space<vmem>> -> memref<1x125xi32, #tpu.memory_space<vmem>>
      %dma_start3A_198 = tpu.memref_squeeze %dma_start3A_197 : memref<1x125xi32, #tpu.memory_space<vmem>> -> memref<125xi32, #tpu.memory_space<vmem>>
      %dma_start3A_199 = arith.constant 0 : i32
      %dma_start3A_200 = arith.constant 0 : i32
      %dma_start3A_201 = tpu.memref_slice %arg13[%dma_start3A_199, %dma_start3A_200] : memref<10000x32xf32, #tpu.memory_space<vmem_shared>> -> memref<10000x32xf32, #tpu.memory_space<vmem_shared>>
      tpu.enqueue_indirect_dma source(%dma_start3A_195 : memref<125x32xf32, #tpu.memory_space<vmem>>) target(%dma_start3A_201 : memref<10000x32xf32, #tpu.memory_space<vmem_shared>>) offsets(%dma_start3A_198 : memref<125xi32, #tpu.memory_space<vmem>>) semaphore(%arg18 : memref<!tpu.dma_semaphore, #tpu.memory_space<semaphore_mem>>) {add = true}
      %mul3A_202 = arith.constant 4 : i32
      %mul3A_203 = arith.muli %add3A_175, %mul3A_202 : i32
      %add3A_204 = arith.constant 2 : i32
      %add3A_205 = arith.addi %mul3A_203, %add3A_204 : i32
      %dma_start3A_206 = arith.constant 250 : i32
      %dma_start3A_207 = arith.constant 0 : i32
      %dma_start3A_208 = tpu.memref_slice %arg9[%dma_start3A_206, %dma_start3A_207] : memref<500x32xf32, #tpu.memory_space<vmem>> -> memref<125x32xf32, #tpu.memory_space<vmem>>
      %dma_start3A_209 = arith.constant 0 : i32
      %dma_start3A_210 = tpu.memref_slice %arg8[%add3A_205, %dma_start3A_209] : memref<80x125xi32, #tpu.memory_space<vmem>> -> memref<1x125xi32, #tpu.memory_space<vmem>>
      %dma_start3A_211 = tpu.memref_squeeze %dma_start3A_210 : memref<1x125xi32, #tpu.memory_space<vmem>> -> memref<125xi32, #tpu.memory_space<vmem>>
      %dma_start3A_212 = arith.constant 0 : i32
      %dma_start3A_213 = arith.constant 0 : i32
      %dma_start3A_214 = tpu.memref_slice %arg13[%dma_start3A_212, %dma_start3A_213] : memref<10000x32xf32, #tpu.memory_space<vmem_shared>> -> memref<10000x32xf32, #tpu.memory_space<vmem_shared>>
      tpu.enqueue_indirect_dma source(%dma_start3A_208 : memref<125x32xf32, #tpu.memory_space<vmem>>) target(%dma_start3A_214 : memref<10000x32xf32, #tpu.memory_space<vmem_shared>>) offsets(%dma_start3A_211 : memref<125xi32, #tpu.memory_space<vmem>>) semaphore(%arg18 : memref<!tpu.dma_semaphore, #tpu.memory_space<semaphore_mem>>) {add = true}
      %mul3A_215 = arith.constant 4 : i32
      %mul3A_216 = arith.muli %add3A_175, %mul3A_215 : i32
      %add3A_217 = arith.constant 3 : i32
      %add3A_218 = arith.addi %mul3A_216, %add3A_217 : i32
      %dma_start3A_219 = arith.constant 375 : i32
      %dma_start3A_220 = arith.constant 0 : i32
      %dma_start3A_221 = tpu.memref_slice %arg9[%dma_start3A_219, %dma_start3A_220] : memref<500x32xf32, #tpu.memory_space<vmem>> -> memref<125x32xf32, #tpu.memory_space<vmem>>
      %dma_start3A_222 = arith.constant 0 : i32
      %dma_start3A_223 = tpu.memref_slice %arg8[%add3A_218, %dma_start3A_222] : memref<80x125xi32, #tpu.memory_space<vmem>> -> memref<1x125xi32, #tpu.memory_space<vmem>>
      %dma_start3A_224 = tpu.memref_squeeze %dma_start3A_223 : memref<1x125xi32, #tpu.memory_space<vmem>> -> memref<125xi32, #tpu.memory_space<vmem>>
      %dma_start3A_225 = arith.constant 0 : i32
      %dma_start3A_226 = arith.constant 0 : i32
      %dma_start3A_227 = tpu.memref_slice %arg13[%dma_start3A_225, %dma_start3A_226] : memref<10000x32xf32, #tpu.memory_space<vmem_shared>> -> memref<10000x32xf32, #tpu.memory_space<vmem_shared>>
      tpu.enqueue_indirect_dma source(%dma_start3A_221 : memref<125x32xf32, #tpu.memory_space<vmem>>) target(%dma_start3A_227 : memref<10000x32xf32, #tpu.memory_space<vmem_shared>>) offsets(%dma_start3A_224 : memref<125xi32, #tpu.memory_space<vmem>>) semaphore(%arg18 : memref<!tpu.dma_semaphore, #tpu.memory_space<semaphore_mem>>) {add = true}
      %dma_wait3A_228 = arith.constant 0 : i32
      %dma_wait3A_229 = arith.constant 0 : i32
      %dma_wait3A_230 = tpu.memref_slice %arg2[%dma_wait3A_228, %dma_wait3A_229] : memref<10000x32xf32, #tpu.memory_space<hbm>> -> memref<500x32xf32, #tpu.memory_space<hbm>>
      %dma_wait3A_231 = arith.constant 0 : i32
      %dma_wait3A_232 = arith.constant 0 : i32
      %dma_wait3A_233 = tpu.memref_slice %arg2[%dma_wait3A_231, %dma_wait3A_232] : memref<10000x32xf32, #tpu.memory_space<hbm>> -> memref<500x32xf32, #tpu.memory_space<hbm>>
      tpu.wait_dma2 semaphore(%arg15 : memref<!tpu.dma_semaphore, #tpu.memory_space<semaphore_mem>>) src(%dma_wait3A_233 : memref<500x32xf32, #tpu.memory_space<hbm>>) dst(%arg10 : memref<500x32xf32, #tpu.memory_space<vmem>>)
      %add3A_234 = arith.constant 1 : i32
      %add3A_235 = arith.addi %add3A_168, %add3A_234 : i32
      %mul3A_236 = arith.constant 4 : i32
      %mul3A_237 = arith.muli %add3A_235, %mul3A_236 : i32
      %add3A_238 = arith.constant 0 : i32
      %add3A_239 = arith.addi %mul3A_237, %add3A_238 : i32
      %dma_start3A_240 = arith.constant 0 : i32
      %dma_start3A_241 = arith.constant 0 : i32
      %dma_start3A_242 = tpu.memref_slice %arg10[%dma_start3A_240, %dma_start3A_241] : memref<500x32xf32, #tpu.memory_space<vmem>> -> memref<125x32xf32, #tpu.memory_space<vmem>>
      %dma_start3A_243 = arith.constant 0 : i32
      %dma_start3A_244 = tpu.memref_slice %arg8[%add3A_239, %dma_start3A_243] : memref<80x125xi32, #tpu.memory_space<vmem>> -> memref<1x125xi32, #tpu.memory_space<vmem>>
      %dma_start3A_245 = tpu.memref_squeeze %dma_start3A_244 : memref<1x125xi32, #tpu.memory_space<vmem>> -> memref<125xi32, #tpu.memory_space<vmem>>
      %dma_start3A_246 = arith.constant 0 : i32
      %dma_start3A_247 = arith.constant 0 : i32
      %dma_start3A_248 = tpu.memref_slice %arg13[%dma_start3A_246, %dma_start3A_247] : memref<10000x32xf32, #tpu.memory_space<vmem_shared>> -> memref<10000x32xf32, #tpu.memory_space<vmem_shared>>
      tpu.enqueue_indirect_dma source(%dma_start3A_242 : memref<125x32xf32, #tpu.memory_space<vmem>>) target(%dma_start3A_248 : memref<10000x32xf32, #tpu.memory_space<vmem_shared>>) offsets(%dma_start3A_245 : memref<125xi32, #tpu.memory_space<vmem>>) semaphore(%arg19 : memref<!tpu.dma_semaphore, #tpu.memory_space<semaphore_mem>>) {add = true}
      %mul3A_249 = arith.constant 4 : i32
      %mul3A_250 = arith.muli %add3A_235, %mul3A_249 : i32
      %add3A_251 = arith.constant 1 : i32
      %add3A_252 = arith.addi %mul3A_250, %add3A_251 : i32
      %dma_start3A_253 = arith.constant 125 : i32
      %dma_start3A_254 = arith.constant 0 : i32
      %dma_start3A_255 = tpu.memref_slice %arg10[%dma_start3A_253, %dma_start3A_254] : memref<500x32xf32, #tpu.memory_space<vmem>> -> memref<125x32xf32, #tpu.memory_space<vmem>>
      %dma_start3A_256 = arith.constant 0 : i32
      %dma_start3A_257 = tpu.memref_slice %arg8[%add3A_252, %dma_start3A_256] : memref<80x125xi32, #tpu.memory_space<vmem>> -> memref<1x125xi32, #tpu.memory_space<vmem>>
      %dma_start3A_258 = tpu.memref_squeeze %dma_start3A_257 : memref<1x125xi32, #tpu.memory_space<vmem>> -> memref<125xi32, #tpu.memory_space<vmem>>
      %dma_start3A_259 = arith.constant 0 : i32
      %dma_start3A_260 = arith.constant 0 : i32
      %dma_start3A_261 = tpu.memref_slice %arg13[%dma_start3A_259, %dma_start3A_260] : memref<10000x32xf32, #tpu.memory_space<vmem_shared>> -> memref<10000x32xf32, #tpu.memory_space<vmem_shared>>
      tpu.enqueue_indirect_dma source(%dma_start3A_255 : memref<125x32xf32, #tpu.memory_space<vmem>>) target(%dma_start3A_261 : memref<10000x32xf32, #tpu.memory_space<vmem_shared>>) offsets(%dma_start3A_258 : memref<125xi32, #tpu.memory_space<vmem>>) semaphore(%arg19 : memref<!tpu.dma_semaphore, #tpu.memory_space<semaphore_mem>>) {add = true}
      %mul3A_262 = arith.constant 4 : i32
      %mul3A_263 = arith.muli %add3A_235, %mul3A_262 : i32
      %add3A_264 = arith.constant 2 : i32
      %add3A_265 = arith.addi %mul3A_263, %add3A_264 : i32
      %dma_start3A_266 = arith.constant 250 : i32
      %dma_start3A_267 = arith.constant 0 : i32
      %dma_start3A_268 = tpu.memref_slice %arg10[%dma_start3A_266, %dma_start3A_267] : memref<500x32xf32, #tpu.memory_space<vmem>> -> memref<125x32xf32, #tpu.memory_space<vmem>>
      %dma_start3A_269 = arith.constant 0 : i32
      %dma_start3A_270 = tpu.memref_slice %arg8[%add3A_265, %dma_start3A_269] : memref<80x125xi32, #tpu.memory_space<vmem>> -> memref<1x125xi32, #tpu.memory_space<vmem>>
      %dma_start3A_271 = tpu.memref_squeeze %dma_start3A_270 : memref<1x125xi32, #tpu.memory_space<vmem>> -> memref<125xi32, #tpu.memory_space<vmem>>
      %dma_start3A_272 = arith.constant 0 : i32
      %dma_start3A_273 = arith.constant 0 : i32
      %dma_start3A_274 = tpu.memref_slice %arg13[%dma_start3A_272, %dma_start3A_273] : memref<10000x32xf32, #tpu.memory_space<vmem_shared>> -> memref<10000x32xf32, #tpu.memory_space<vmem_shared>>
      tpu.enqueue_indirect_dma source(%dma_start3A_268 : memref<125x32xf32, #tpu.memory_space<vmem>>) target(%dma_start3A_274 : memref<10000x32xf32, #tpu.memory_space<vmem_shared>>) offsets(%dma_start3A_271 : memref<125xi32, #tpu.memory_space<vmem>>) semaphore(%arg19 : memref<!tpu.dma_semaphore, #tpu.memory_space<semaphore_mem>>) {add = true}
      %mul3A_275 = arith.constant 4 : i32
      %mul3A_276 = arith.muli %add3A_235, %mul3A_275 : i32
      %add3A_277 = arith.constant 3 : i32
      %add3A_278 = arith.addi %mul3A_276, %add3A_277 : i32
      %dma_start3A_279 = arith.constant 375 : i32
      %dma_start3A_280 = arith.constant 0 : i32
      %dma_start3A_281 = tpu.memref_slice %arg10[%dma_start3A_279, %dma_start3A_280] : memref<500x32xf32, #tpu.memory_space<vmem>> -> memref<125x32xf32, #tpu.memory_space<vmem>>
      %dma_start3A_282 = arith.constant 0 : i32
      %dma_start3A_283 = tpu.memref_slice %arg8[%add3A_278, %dma_start3A_282] : memref<80x125xi32, #tpu.memory_space<vmem>> -> memref<1x125xi32, #tpu.memory_space<vmem>>
      %dma_start3A_284 = tpu.memref_squeeze %dma_start3A_283 : memref<1x125xi32, #tpu.memory_space<vmem>> -> memref<125xi32, #tpu.memory_space<vmem>>
      %dma_start3A_285 = arith.constant 0 : i32
      %dma_start3A_286 = arith.constant 0 : i32
      %dma_start3A_287 = tpu.memref_slice %arg13[%dma_start3A_285, %dma_start3A_286] : memref<10000x32xf32, #tpu.memory_space<vmem_shared>> -> memref<10000x32xf32, #tpu.memory_space<vmem_shared>>
      tpu.enqueue_indirect_dma source(%dma_start3A_281 : memref<125x32xf32, #tpu.memory_space<vmem>>) target(%dma_start3A_287 : memref<10000x32xf32, #tpu.memory_space<vmem_shared>>) offsets(%dma_start3A_284 : memref<125xi32, #tpu.memory_space<vmem>>) semaphore(%arg19 : memref<!tpu.dma_semaphore, #tpu.memory_space<semaphore_mem>>) {add = true}
      %dma_wait3A_288 = arith.constant 0 : i32
      %dma_wait3A_289 = arith.constant 0 : i32
      %dma_wait3A_290 = tpu.memref_slice %arg2[%dma_wait3A_288, %dma_wait3A_289] : memref<10000x32xf32, #tpu.memory_space<hbm>> -> memref<500x32xf32, #tpu.memory_space<hbm>>
      %dma_wait3A_291 = arith.constant 0 : i32
      %dma_wait3A_292 = arith.constant 0 : i32
      %dma_wait3A_293 = tpu.memref_slice %arg2[%dma_wait3A_291, %dma_wait3A_292] : memref<10000x32xf32, #tpu.memory_space<hbm>> -> memref<500x32xf32, #tpu.memory_space<hbm>>
      tpu.wait_dma2 semaphore(%arg18 : memref<!tpu.dma_semaphore, #tpu.memory_space<semaphore_mem>>) src(%dma_wait3A_293 : memref<500x32xf32, #tpu.memory_space<hbm>>) dst(%arg9 : memref<500x32xf32, #tpu.memory_space<vmem>>)
      %add3A_294 = arith.constant 0 : i32
      %add3A_295 = arith.addi %add3A_168, %add3A_294 : i32
      %add3A_296 = arith.constant 4 : i32
      %add3A_297 = arith.addi %add3A_295, %add3A_296 : i32
      %lt3A = arith.constant 20 : i32
      %lt3A_298 = arith.cmpi slt, %add3A_297, %lt3A : i32
      %convert_element_type3A = arith.extui %lt3A_298 : i1 to i32
      %cond3A = arith.constant 0 : i32
      %cond3A_299 = arith.cmpi ne, %convert_element_type3A, %cond3A : i32
      scf.if %cond3A_299 {
        %add3A_463 = arith.constant 0 : i32
        %add3A_464 = arith.addi %add3A_168, %add3A_463 : i32
        %add3A_465 = arith.constant 4 : i32
        %add3A_466 = arith.addi %add3A_464, %add3A_465 : i32
        %mul3A_467 = arith.constant 4 : i32
        %mul3A_468 = arith.muli %add3A_466, %mul3A_467 : i32
        %add3A_469 = arith.constant 0 : i32
        %add3A_470 = arith.addi %mul3A_468, %add3A_469 : i32
        %dma_start3A_471 = arith.constant 0 : i32
        %dma_start3A_472 = arith.constant 0 : i32
        %dma_start3A_473 = tpu.memref_slice %arg9[%dma_start3A_471, %dma_start3A_472] : memref<500x32xf32, #tpu.memory_space<vmem>> -> memref<125x32xf32, #tpu.memory_space<vmem>>
        %dma_start3A_474 = arith.constant 0 : i32
        %dma_start3A_475 = tpu.memref_slice %arg7[%add3A_470, %dma_start3A_474] : memref<80x125xi32, #tpu.memory_space<vmem>> -> memref<1x125xi32, #tpu.memory_space<vmem>>
        %dma_start3A_476 = tpu.memref_squeeze %dma_start3A_475 : memref<1x125xi32, #tpu.memory_space<vmem>> -> memref<125xi32, #tpu.memory_space<vmem>>
        %dma_start3A_477 = arith.constant 0 : i32
        %dma_start3A_478 = arith.constant 0 : i32
        %dma_start3A_479 = tpu.memref_slice %arg2[%dma_start3A_477, %dma_start3A_478] : memref<10000x32xf32, #tpu.memory_space<hbm>> -> memref<10000x32xf32, #tpu.memory_space<hbm>>
        tpu.enqueue_indirect_dma source(%dma_start3A_479 : memref<10000x32xf32, #tpu.memory_space<hbm>>) target(%dma_start3A_473 : memref<125x32xf32, #tpu.memory_space<vmem>>) offsets(%dma_start3A_476 : memref<125xi32, #tpu.memory_space<vmem>>) semaphore(%arg14 : memref<!tpu.dma_semaphore, #tpu.memory_space<semaphore_mem>>)
        %mul3A_480 = arith.constant 4 : i32
        %mul3A_481 = arith.muli %add3A_466, %mul3A_480 : i32
        %add3A_482 = arith.constant 1 : i32
        %add3A_483 = arith.addi %mul3A_481, %add3A_482 : i32
        %dma_start3A_484 = arith.constant 125 : i32
        %dma_start3A_485 = arith.constant 0 : i32
        %dma_start3A_486 = tpu.memref_slice %arg9[%dma_start3A_484, %dma_start3A_485] : memref<500x32xf32, #tpu.memory_space<vmem>> -> memref<125x32xf32, #tpu.memory_space<vmem>>
        %dma_start3A_487 = arith.constant 0 : i32
        %dma_start3A_488 = tpu.memref_slice %arg7[%add3A_483, %dma_start3A_487] : memref<80x125xi32, #tpu.memory_space<vmem>> -> memref<1x125xi32, #tpu.memory_space<vmem>>
        %dma_start3A_489 = tpu.memref_squeeze %dma_start3A_488 : memref<1x125xi32, #tpu.memory_space<vmem>> -> memref<125xi32, #tpu.memory_space<vmem>>
        %dma_start3A_490 = arith.constant 0 : i32
        %dma_start3A_491 = arith.constant 0 : i32
        %dma_start3A_492 = tpu.memref_slice %arg2[%dma_start3A_490, %dma_start3A_491] : memref<10000x32xf32, #tpu.memory_space<hbm>> -> memref<10000x32xf32, #tpu.memory_space<hbm>>
        tpu.enqueue_indirect_dma source(%dma_start3A_492 : memref<10000x32xf32, #tpu.memory_space<hbm>>) target(%dma_start3A_486 : memref<125x32xf32, #tpu.memory_space<vmem>>) offsets(%dma_start3A_489 : memref<125xi32, #tpu.memory_space<vmem>>) semaphore(%arg14 : memref<!tpu.dma_semaphore, #tpu.memory_space<semaphore_mem>>)
        %mul3A_493 = arith.constant 4 : i32
        %mul3A_494 = arith.muli %add3A_466, %mul3A_493 : i32
        %add3A_495 = arith.constant 2 : i32
        %add3A_496 = arith.addi %mul3A_494, %add3A_495 : i32
        %dma_start3A_497 = arith.constant 250 : i32
        %dma_start3A_498 = arith.constant 0 : i32
        %dma_start3A_499 = tpu.memref_slice %arg9[%dma_start3A_497, %dma_start3A_498] : memref<500x32xf32, #tpu.memory_space<vmem>> -> memref<125x32xf32, #tpu.memory_space<vmem>>
        %dma_start3A_500 = arith.constant 0 : i32
        %dma_start3A_501 = tpu.memref_slice %arg7[%add3A_496, %dma_start3A_500] : memref<80x125xi32, #tpu.memory_space<vmem>> -> memref<1x125xi32, #tpu.memory_space<vmem>>
        %dma_start3A_502 = tpu.memref_squeeze %dma_start3A_501 : memref<1x125xi32, #tpu.memory_space<vmem>> -> memref<125xi32, #tpu.memory_space<vmem>>
        %dma_start3A_503 = arith.constant 0 : i32
        %dma_start3A_504 = arith.constant 0 : i32
        %dma_start3A_505 = tpu.memref_slice %arg2[%dma_start3A_503, %dma_start3A_504] : memref<10000x32xf32, #tpu.memory_space<hbm>> -> memref<10000x32xf32, #tpu.memory_space<hbm>>
        tpu.enqueue_indirect_dma source(%dma_start3A_505 : memref<10000x32xf32, #tpu.memory_space<hbm>>) target(%dma_start3A_499 : memref<125x32xf32, #tpu.memory_space<vmem>>) offsets(%dma_start3A_502 : memref<125xi32, #tpu.memory_space<vmem>>) semaphore(%arg14 : memref<!tpu.dma_semaphore, #tpu.memory_space<semaphore_mem>>)
        %mul3A_506 = arith.constant 4 : i32
        %mul3A_507 = arith.muli %add3A_466, %mul3A_506 : i32
        %add3A_508 = arith.constant 3 : i32
        %add3A_509 = arith.addi %mul3A_507, %add3A_508 : i32
        %dma_start3A_510 = arith.constant 375 : i32
        %dma_start3A_511 = arith.constant 0 : i32
        %dma_start3A_512 = tpu.memref_slice %arg9[%dma_start3A_510, %dma_start3A_511] : memref<500x32xf32, #tpu.memory_space<vmem>> -> memref<125x32xf32, #tpu.memory_space<vmem>>
        %dma_start3A_513 = arith.constant 0 : i32
        %dma_start3A_514 = tpu.memref_slice %arg7[%add3A_509, %dma_start3A_513] : memref<80x125xi32, #tpu.memory_space<vmem>> -> memref<1x125xi32, #tpu.memory_space<vmem>>
        %dma_start3A_515 = tpu.memref_squeeze %dma_start3A_514 : memref<1x125xi32, #tpu.memory_space<vmem>> -> memref<125xi32, #tpu.memory_space<vmem>>
        %dma_start3A_516 = arith.constant 0 : i32
        %dma_start3A_517 = arith.constant 0 : i32
        %dma_start3A_518 = tpu.memref_slice %arg2[%dma_start3A_516, %dma_start3A_517] : memref<10000x32xf32, #tpu.memory_space<hbm>> -> memref<10000x32xf32, #tpu.memory_space<hbm>>
        tpu.enqueue_indirect_dma source(%dma_start3A_518 : memref<10000x32xf32, #tpu.memory_space<hbm>>) target(%dma_start3A_512 : memref<125x32xf32, #tpu.memory_space<vmem>>) offsets(%dma_start3A_515 : memref<125xi32, #tpu.memory_space<vmem>>) semaphore(%arg14 : memref<!tpu.dma_semaphore, #tpu.memory_space<semaphore_mem>>)
      } else {
      }
      %dma_wait3A_300 = arith.constant 0 : i32
      %dma_wait3A_301 = arith.constant 0 : i32
      %dma_wait3A_302 = tpu.memref_slice %arg2[%dma_wait3A_300, %dma_wait3A_301] : memref<10000x32xf32, #tpu.memory_space<hbm>> -> memref<500x32xf32, #tpu.memory_space<hbm>>
      %dma_wait3A_303 = arith.constant 0 : i32
      %dma_wait3A_304 = arith.constant 0 : i32
      %dma_wait3A_305 = tpu.memref_slice %arg2[%dma_wait3A_303, %dma_wait3A_304] : memref<10000x32xf32, #tpu.memory_space<hbm>> -> memref<500x32xf32, #tpu.memory_space<hbm>>
      tpu.wait_dma2 semaphore(%arg16 : memref<!tpu.dma_semaphore, #tpu.memory_space<semaphore_mem>>) src(%dma_wait3A_305 : memref<500x32xf32, #tpu.memory_space<hbm>>) dst(%arg11 : memref<500x32xf32, #tpu.memory_space<vmem>>)
      %add3A_306 = arith.constant 2 : i32
      %add3A_307 = arith.addi %add3A_168, %add3A_306 : i32
      %mul3A_308 = arith.constant 4 : i32
      %mul3A_309 = arith.muli %add3A_307, %mul3A_308 : i32
      %add3A_310 = arith.constant 0 : i32
      %add3A_311 = arith.addi %mul3A_309, %add3A_310 : i32
      %dma_start3A_312 = arith.constant 0 : i32
      %dma_start3A_313 = arith.constant 0 : i32
      %dma_start3A_314 = tpu.memref_slice %arg11[%dma_start3A_312, %dma_start3A_313] : memref<500x32xf32, #tpu.memory_space<vmem>> -> memref<125x32xf32, #tpu.memory_space<vmem>>
      %dma_start3A_315 = arith.constant 0 : i32
      %dma_start3A_316 = tpu.memref_slice %arg8[%add3A_311, %dma_start3A_315] : memref<80x125xi32, #tpu.memory_space<vmem>> -> memref<1x125xi32, #tpu.memory_space<vmem>>
      %dma_start3A_317 = tpu.memref_squeeze %dma_start3A_316 : memref<1x125xi32, #tpu.memory_space<vmem>> -> memref<125xi32, #tpu.memory_space<vmem>>
      %dma_start3A_318 = arith.constant 0 : i32
      %dma_start3A_319 = arith.constant 0 : i32
      %dma_start3A_320 = tpu.memref_slice %arg13[%dma_start3A_318, %dma_start3A_319] : memref<10000x32xf32, #tpu.memory_space<vmem_shared>> -> memref<10000x32xf32, #tpu.memory_space<vmem_shared>>
      tpu.enqueue_indirect_dma source(%dma_start3A_314 : memref<125x32xf32, #tpu.memory_space<vmem>>) target(%dma_start3A_320 : memref<10000x32xf32, #tpu.memory_space<vmem_shared>>) offsets(%dma_start3A_317 : memref<125xi32, #tpu.memory_space<vmem>>) semaphore(%arg20 : memref<!tpu.dma_semaphore, #tpu.memory_space<semaphore_mem>>) {add = true}
      %mul3A_321 = arith.constant 4 : i32
      %mul3A_322 = arith.muli %add3A_307, %mul3A_321 : i32
      %add3A_323 = arith.constant 1 : i32
      %add3A_324 = arith.addi %mul3A_322, %add3A_323 : i32
      %dma_start3A_325 = arith.constant 125 : i32
      %dma_start3A_326 = arith.constant 0 : i32
      %dma_start3A_327 = tpu.memref_slice %arg11[%dma_start3A_325, %dma_start3A_326] : memref<500x32xf32, #tpu.memory_space<vmem>> -> memref<125x32xf32, #tpu.memory_space<vmem>>
      %dma_start3A_328 = arith.constant 0 : i32
      %dma_start3A_329 = tpu.memref_slice %arg8[%add3A_324, %dma_start3A_328] : memref<80x125xi32, #tpu.memory_space<vmem>> -> memref<1x125xi32, #tpu.memory_space<vmem>>
      %dma_start3A_330 = tpu.memref_squeeze %dma_start3A_329 : memref<1x125xi32, #tpu.memory_space<vmem>> -> memref<125xi32, #tpu.memory_space<vmem>>
      %dma_start3A_331 = arith.constant 0 : i32
      %dma_start3A_332 = arith.constant 0 : i32
      %dma_start3A_333 = tpu.memref_slice %arg13[%dma_start3A_331, %dma_start3A_332] : memref<10000x32xf32, #tpu.memory_space<vmem_shared>> -> memref<10000x32xf32, #tpu.memory_space<vmem_shared>>
      tpu.enqueue_indirect_dma source(%dma_start3A_327 : memref<125x32xf32, #tpu.memory_space<vmem>>) target(%dma_start3A_333 : memref<10000x32xf32, #tpu.memory_space<vmem_shared>>) offsets(%dma_start3A_330 : memref<125xi32, #tpu.memory_space<vmem>>) semaphore(%arg20 : memref<!tpu.dma_semaphore, #tpu.memory_space<semaphore_mem>>) {add = true}
      %mul3A_334 = arith.constant 4 : i32
      %mul3A_335 = arith.muli %add3A_307, %mul3A_334 : i32
      %add3A_336 = arith.constant 2 : i32
      %add3A_337 = arith.addi %mul3A_335, %add3A_336 : i32
      %dma_start3A_338 = arith.constant 250 : i32
      %dma_start3A_339 = arith.constant 0 : i32
      %dma_start3A_340 = tpu.memref_slice %arg11[%dma_start3A_338, %dma_start3A_339] : memref<500x32xf32, #tpu.memory_space<vmem>> -> memref<125x32xf32, #tpu.memory_space<vmem>>
      %dma_start3A_341 = arith.constant 0 : i32
      %dma_start3A_342 = tpu.memref_slice %arg8[%add3A_337, %dma_start3A_341] : memref<80x125xi32, #tpu.memory_space<vmem>> -> memref<1x125xi32, #tpu.memory_space<vmem>>
      %dma_start3A_343 = tpu.memref_squeeze %dma_start3A_342 : memref<1x125xi32, #tpu.memory_space<vmem>> -> memref<125xi32, #tpu.memory_space<vmem>>
      %dma_start3A_344 = arith.constant 0 : i32
      %dma_start3A_345 = arith.constant 0 : i32
      %dma_start3A_346 = tpu.memref_slice %arg13[%dma_start3A_344, %dma_start3A_345] : memref<10000x32xf32, #tpu.memory_space<vmem_shared>> -> memref<10000x32xf32, #tpu.memory_space<vmem_shared>>
      tpu.enqueue_indirect_dma source(%dma_start3A_340 : memref<125x32xf32, #tpu.memory_space<vmem>>) target(%dma_start3A_346 : memref<10000x32xf32, #tpu.memory_space<vmem_shared>>) offsets(%dma_start3A_343 : memref<125xi32, #tpu.memory_space<vmem>>) semaphore(%arg20 : memref<!tpu.dma_semaphore, #tpu.memory_space<semaphore_mem>>) {add = true}
      %mul3A_347 = arith.constant 4 : i32
      %mul3A_348 = arith.muli %add3A_307, %mul3A_347 : i32
      %add3A_349 = arith.constant 3 : i32
      %add3A_350 = arith.addi %mul3A_348, %add3A_349 : i32
      %dma_start3A_351 = arith.constant 375 : i32
      %dma_start3A_352 = arith.constant 0 : i32
      %dma_start3A_353 = tpu.memref_slice %arg11[%dma_start3A_351, %dma_start3A_352] : memref<500x32xf32, #tpu.memory_space<vmem>> -> memref<125x32xf32, #tpu.memory_space<vmem>>
      %dma_start3A_354 = arith.constant 0 : i32
      %dma_start3A_355 = tpu.memref_slice %arg8[%add3A_350, %dma_start3A_354] : memref<80x125xi32, #tpu.memory_space<vmem>> -> memref<1x125xi32, #tpu.memory_space<vmem>>
      %dma_start3A_356 = tpu.memref_squeeze %dma_start3A_355 : memref<1x125xi32, #tpu.memory_space<vmem>> -> memref<125xi32, #tpu.memory_space<vmem>>
      %dma_start3A_357 = arith.constant 0 : i32
      %dma_start3A_358 = arith.constant 0 : i32
      %dma_start3A_359 = tpu.memref_slice %arg13[%dma_start3A_357, %dma_start3A_358] : memref<10000x32xf32, #tpu.memory_space<vmem_shared>> -> memref<10000x32xf32, #tpu.memory_space<vmem_shared>>
      tpu.enqueue_indirect_dma source(%dma_start3A_353 : memref<125x32xf32, #tpu.memory_space<vmem>>) target(%dma_start3A_359 : memref<10000x32xf32, #tpu.memory_space<vmem_shared>>) offsets(%dma_start3A_356 : memref<125xi32, #tpu.memory_space<vmem>>) semaphore(%arg20 : memref<!tpu.dma_semaphore, #tpu.memory_space<semaphore_mem>>) {add = true}
      %dma_wait3A_360 = arith.constant 0 : i32
      %dma_wait3A_361 = arith.constant 0 : i32
      %dma_wait3A_362 = tpu.memref_slice %arg2[%dma_wait3A_360, %dma_wait3A_361] : memref<10000x32xf32, #tpu.memory_space<hbm>> -> memref<500x32xf32, #tpu.memory_space<hbm>>
      %dma_wait3A_363 = arith.constant 0 : i32
      %dma_wait3A_364 = arith.constant 0 : i32
      %dma_wait3A_365 = tpu.memref_slice %arg2[%dma_wait3A_363, %dma_wait3A_364] : memref<10000x32xf32, #tpu.memory_space<hbm>> -> memref<500x32xf32, #tpu.memory_space<hbm>>
      tpu.wait_dma2 semaphore(%arg19 : memref<!tpu.dma_semaphore, #tpu.memory_space<semaphore_mem>>) src(%dma_wait3A_365 : memref<500x32xf32, #tpu.memory_space<hbm>>) dst(%arg10 : memref<500x32xf32, #tpu.memory_space<vmem>>)
      %add3A_366 = arith.constant 1 : i32
      %add3A_367 = arith.addi %add3A_168, %add3A_366 : i32
      %add3A_368 = arith.constant 4 : i32
      %add3A_369 = arith.addi %add3A_367, %add3A_368 : i32
      %lt3A_370 = arith.constant 20 : i32
      %lt3A_371 = arith.cmpi slt, %add3A_369, %lt3A_370 : i32
      %convert_element_type3A_372 = arith.extui %lt3A_371 : i1 to i32
      %cond3A_373 = arith.constant 0 : i32
      %cond3A_374 = arith.cmpi ne, %convert_element_type3A_372, %cond3A_373 : i32
      scf.if %cond3A_374 {
        %add3A_463 = arith.constant 1 : i32
        %add3A_464 = arith.addi %add3A_168, %add3A_463 : i32
        %add3A_465 = arith.constant 4 : i32
        %add3A_466 = arith.addi %add3A_464, %add3A_465 : i32
        %mul3A_467 = arith.constant 4 : i32
        %mul3A_468 = arith.muli %add3A_466, %mul3A_467 : i32
        %add3A_469 = arith.constant 0 : i32
        %add3A_470 = arith.addi %mul3A_468, %add3A_469 : i32
        %dma_start3A_471 = arith.constant 0 : i32
        %dma_start3A_472 = arith.constant 0 : i32
        %dma_start3A_473 = tpu.memref_slice %arg10[%dma_start3A_471, %dma_start3A_472] : memref<500x32xf32, #tpu.memory_space<vmem>> -> memref<125x32xf32, #tpu.memory_space<vmem>>
        %dma_start3A_474 = arith.constant 0 : i32
        %dma_start3A_475 = tpu.memref_slice %arg7[%add3A_470, %dma_start3A_474] : memref<80x125xi32, #tpu.memory_space<vmem>> -> memref<1x125xi32, #tpu.memory_space<vmem>>
        %dma_start3A_476 = tpu.memref_squeeze %dma_start3A_475 : memref<1x125xi32, #tpu.memory_space<vmem>> -> memref<125xi32, #tpu.memory_space<vmem>>
        %dma_start3A_477 = arith.constant 0 : i32
        %dma_start3A_478 = arith.constant 0 : i32
        %dma_start3A_479 = tpu.memref_slice %arg2[%dma_start3A_477, %dma_start3A_478] : memref<10000x32xf32, #tpu.memory_space<hbm>> -> memref<10000x32xf32, #tpu.memory_space<hbm>>
        tpu.enqueue_indirect_dma source(%dma_start3A_479 : memref<10000x32xf32, #tpu.memory_space<hbm>>) target(%dma_start3A_473 : memref<125x32xf32, #tpu.memory_space<vmem>>) offsets(%dma_start3A_476 : memref<125xi32, #tpu.memory_space<vmem>>) semaphore(%arg15 : memref<!tpu.dma_semaphore, #tpu.memory_space<semaphore_mem>>)
        %mul3A_480 = arith.constant 4 : i32
        %mul3A_481 = arith.muli %add3A_466, %mul3A_480 : i32
        %add3A_482 = arith.constant 1 : i32
        %add3A_483 = arith.addi %mul3A_481, %add3A_482 : i32
        %dma_start3A_484 = arith.constant 125 : i32
        %dma_start3A_485 = arith.constant 0 : i32
        %dma_start3A_486 = tpu.memref_slice %arg10[%dma_start3A_484, %dma_start3A_485] : memref<500x32xf32, #tpu.memory_space<vmem>> -> memref<125x32xf32, #tpu.memory_space<vmem>>
        %dma_start3A_487 = arith.constant 0 : i32
        %dma_start3A_488 = tpu.memref_slice %arg7[%add3A_483, %dma_start3A_487] : memref<80x125xi32, #tpu.memory_space<vmem>> -> memref<1x125xi32, #tpu.memory_space<vmem>>
        %dma_start3A_489 = tpu.memref_squeeze %dma_start3A_488 : memref<1x125xi32, #tpu.memory_space<vmem>> -> memref<125xi32, #tpu.memory_space<vmem>>
        %dma_start3A_490 = arith.constant 0 : i32
        %dma_start3A_491 = arith.constant 0 : i32
        %dma_start3A_492 = tpu.memref_slice %arg2[%dma_start3A_490, %dma_start3A_491] : memref<10000x32xf32, #tpu.memory_space<hbm>> -> memref<10000x32xf32, #tpu.memory_space<hbm>>
        tpu.enqueue_indirect_dma source(%dma_start3A_492 : memref<10000x32xf32, #tpu.memory_space<hbm>>) target(%dma_start3A_486 : memref<125x32xf32, #tpu.memory_space<vmem>>) offsets(%dma_start3A_489 : memref<125xi32, #tpu.memory_space<vmem>>) semaphore(%arg15 : memref<!tpu.dma_semaphore, #tpu.memory_space<semaphore_mem>>)
        %mul3A_493 = arith.constant 4 : i32
        %mul3A_494 = arith.muli %add3A_466, %mul3A_493 : i32
        %add3A_495 = arith.constant 2 : i32
        %add3A_496 = arith.addi %mul3A_494, %add3A_495 : i32
        %dma_start3A_497 = arith.constant 250 : i32
        %dma_start3A_498 = arith.constant 0 : i32
        %dma_start3A_499 = tpu.memref_slice %arg10[%dma_start3A_497, %dma_start3A_498] : memref<500x32xf32, #tpu.memory_space<vmem>> -> memref<125x32xf32, #tpu.memory_space<vmem>>
        %dma_start3A_500 = arith.constant 0 : i32
        %dma_start3A_501 = tpu.memref_slice %arg7[%add3A_496, %dma_start3A_500] : memref<80x125xi32, #tpu.memory_space<vmem>> -> memref<1x125xi32, #tpu.memory_space<vmem>>
        %dma_start3A_502 = tpu.memref_squeeze %dma_start3A_501 : memref<1x125xi32, #tpu.memory_space<vmem>> -> memref<125xi32, #tpu.memory_space<vmem>>
        %dma_start3A_503 = arith.constant 0 : i32
        %dma_start3A_504 = arith.constant 0 : i32
        %dma_start3A_505 = tpu.memref_slice %arg2[%dma_start3A_503, %dma_start3A_504] : memref<10000x32xf32, #tpu.memory_space<hbm>> -> memref<10000x32xf32, #tpu.memory_space<hbm>>
        tpu.enqueue_indirect_dma source(%dma_start3A_505 : memref<10000x32xf32, #tpu.memory_space<hbm>>) target(%dma_start3A_499 : memref<125x32xf32, #tpu.memory_space<vmem>>) offsets(%dma_start3A_502 : memref<125xi32, #tpu.memory_space<vmem>>) semaphore(%arg15 : memref<!tpu.dma_semaphore, #tpu.memory_space<semaphore_mem>>)
        %mul3A_506 = arith.constant 4 : i32
        %mul3A_507 = arith.muli %add3A_466, %mul3A_506 : i32
        %add3A_508 = arith.constant 3 : i32
        %add3A_509 = arith.addi %mul3A_507, %add3A_508 : i32
        %dma_start3A_510 = arith.constant 375 : i32
        %dma_start3A_511 = arith.constant 0 : i32
        %dma_start3A_512 = tpu.memref_slice %arg10[%dma_start3A_510, %dma_start3A_511] : memref<500x32xf32, #tpu.memory_space<vmem>> -> memref<125x32xf32, #tpu.memory_space<vmem>>
        %dma_start3A_513 = arith.constant 0 : i32
        %dma_start3A_514 = tpu.memref_slice %arg7[%add3A_509, %dma_start3A_513] : memref<80x125xi32, #tpu.memory_space<vmem>> -> memref<1x125xi32, #tpu.memory_space<vmem>>
        %dma_start3A_515 = tpu.memref_squeeze %dma_start3A_514 : memref<1x125xi32, #tpu.memory_space<vmem>> -> memref<125xi32, #tpu.memory_space<vmem>>
        %dma_start3A_516 = arith.constant 0 : i32
        %dma_start3A_517 = arith.constant 0 : i32
        %dma_start3A_518 = tpu.memref_slice %arg2[%dma_start3A_516, %dma_start3A_517] : memref<10000x32xf32, #tpu.memory_space<hbm>> -> memref<10000x32xf32, #tpu.memory_space<hbm>>
        tpu.enqueue_indirect_dma source(%dma_start3A_518 : memref<10000x32xf32, #tpu.memory_space<hbm>>) target(%dma_start3A_512 : memref<125x32xf32, #tpu.memory_space<vmem>>) offsets(%dma_start3A_515 : memref<125xi32, #tpu.memory_space<vmem>>) semaphore(%arg15 : memref<!tpu.dma_semaphore, #tpu.memory_space<semaphore_mem>>)
      } else {
      }
      %dma_wait3A_375 = arith.constant 0 : i32
      %dma_wait3A_376 = arith.constant 0 : i32
      %dma_wait3A_377 = tpu.memref_slice %arg2[%dma_wait3A_375, %dma_wait3A_376] : memref<10000x32xf32, #tpu.memory_space<hbm>> -> memref<500x32xf32, #tpu.memory_space<hbm>>
      %dma_wait3A_378 = arith.constant 0 : i32
      %dma_wait3A_379 = arith.constant 0 : i32
      %dma_wait3A_380 = tpu.memref_slice %arg2[%dma_wait3A_378, %dma_wait3A_379] : memref<10000x32xf32, #tpu.memory_space<hbm>> -> memref<500x32xf32, #tpu.memory_space<hbm>>
      tpu.wait_dma2 semaphore(%arg17 : memref<!tpu.dma_semaphore, #tpu.memory_space<semaphore_mem>>) src(%dma_wait3A_380 : memref<500x32xf32, #tpu.memory_space<hbm>>) dst(%arg12 : memref<500x32xf32, #tpu.memory_space<vmem>>)
      %add3A_381 = arith.constant 3 : i32
      %add3A_382 = arith.addi %add3A_168, %add3A_381 : i32
      %mul3A_383 = arith.constant 4 : i32
      %mul3A_384 = arith.muli %add3A_382, %mul3A_383 : i32
      %add3A_385 = arith.constant 0 : i32
      %add3A_386 = arith.addi %mul3A_384, %add3A_385 : i32
      %dma_start3A_387 = arith.constant 0 : i32
      %dma_start3A_388 = arith.constant 0 : i32
      %dma_start3A_389 = tpu.memref_slice %arg12[%dma_start3A_387, %dma_start3A_388] : memref<500x32xf32, #tpu.memory_space<vmem>> -> memref<125x32xf32, #tpu.memory_space<vmem>>
      %dma_start3A_390 = arith.constant 0 : i32
      %dma_start3A_391 = tpu.memref_slice %arg8[%add3A_386, %dma_start3A_390] : memref<80x125xi32, #tpu.memory_space<vmem>> -> memref<1x125xi32, #tpu.memory_space<vmem>>
      %dma_start3A_392 = tpu.memref_squeeze %dma_start3A_391 : memref<1x125xi32, #tpu.memory_space<vmem>> -> memref<125xi32, #tpu.memory_space<vmem>>
      %dma_start3A_393 = arith.constant 0 : i32
      %dma_start3A_394 = arith.constant 0 : i32
      %dma_start3A_395 = tpu.memref_slice %arg13[%dma_start3A_393, %dma_start3A_394] : memref<10000x32xf32, #tpu.memory_space<vmem_shared>> -> memref<10000x32xf32, #tpu.memory_space<vmem_shared>>
      tpu.enqueue_indirect_dma source(%dma_start3A_389 : memref<125x32xf32, #tpu.memory_space<vmem>>) target(%dma_start3A_395 : memref<10000x32xf32, #tpu.memory_space<vmem_shared>>) offsets(%dma_start3A_392 : memref<125xi32, #tpu.memory_space<vmem>>) semaphore(%arg21 : memref<!tpu.dma_semaphore, #tpu.memory_space<semaphore_mem>>) {add = true}
      %mul3A_396 = arith.constant 4 : i32
      %mul3A_397 = arith.muli %add3A_382, %mul3A_396 : i32
      %add3A_398 = arith.constant 1 : i32
      %add3A_399 = arith.addi %mul3A_397, %add3A_398 : i32
      %dma_start3A_400 = arith.constant 125 : i32
      %dma_start3A_401 = arith.constant 0 : i32
      %dma_start3A_402 = tpu.memref_slice %arg12[%dma_start3A_400, %dma_start3A_401] : memref<500x32xf32, #tpu.memory_space<vmem>> -> memref<125x32xf32, #tpu.memory_space<vmem>>
      %dma_start3A_403 = arith.constant 0 : i32
      %dma_start3A_404 = tpu.memref_slice %arg8[%add3A_399, %dma_start3A_403] : memref<80x125xi32, #tpu.memory_space<vmem>> -> memref<1x125xi32, #tpu.memory_space<vmem>>
      %dma_start3A_405 = tpu.memref_squeeze %dma_start3A_404 : memref<1x125xi32, #tpu.memory_space<vmem>> -> memref<125xi32, #tpu.memory_space<vmem>>
      %dma_start3A_406 = arith.constant 0 : i32
      %dma_start3A_407 = arith.constant 0 : i32
      %dma_start3A_408 = tpu.memref_slice %arg13[%dma_start3A_406, %dma_start3A_407] : memref<10000x32xf32, #tpu.memory_space<vmem_shared>> -> memref<10000x32xf32, #tpu.memory_space<vmem_shared>>
      tpu.enqueue_indirect_dma source(%dma_start3A_402 : memref<125x32xf32, #tpu.memory_space<vmem>>) target(%dma_start3A_408 : memref<10000x32xf32, #tpu.memory_space<vmem_shared>>) offsets(%dma_start3A_405 : memref<125xi32, #tpu.memory_space<vmem>>) semaphore(%arg21 : memref<!tpu.dma_semaphore, #tpu.memory_space<semaphore_mem>>) {add = true}
      %mul3A_409 = arith.constant 4 : i32
      %mul3A_410 = arith.muli %add3A_382, %mul3A_409 : i32
      %add3A_411 = arith.constant 2 : i32
      %add3A_412 = arith.addi %mul3A_410, %add3A_411 : i32
      %dma_start3A_413 = arith.constant 250 : i32
      %dma_start3A_414 = arith.constant 0 : i32
      %dma_start3A_415 = tpu.memref_slice %arg12[%dma_start3A_413, %dma_start3A_414] : memref<500x32xf32, #tpu.memory_space<vmem>> -> memref<125x32xf32, #tpu.memory_space<vmem>>
      %dma_start3A_416 = arith.constant 0 : i32
      %dma_start3A_417 = tpu.memref_slice %arg8[%add3A_412, %dma_start3A_416] : memref<80x125xi32, #tpu.memory_space<vmem>> -> memref<1x125xi32, #tpu.memory_space<vmem>>
      %dma_start3A_418 = tpu.memref_squeeze %dma_start3A_417 : memref<1x125xi32, #tpu.memory_space<vmem>> -> memref<125xi32, #tpu.memory_space<vmem>>
      %dma_start3A_419 = arith.constant 0 : i32
      %dma_start3A_420 = arith.constant 0 : i32
      %dma_start3A_421 = tpu.memref_slice %arg13[%dma_start3A_419, %dma_start3A_420] : memref<10000x32xf32, #tpu.memory_space<vmem_shared>> -> memref<10000x32xf32, #tpu.memory_space<vmem_shared>>
      tpu.enqueue_indirect_dma source(%dma_start3A_415 : memref<125x32xf32, #tpu.memory_space<vmem>>) target(%dma_start3A_421 : memref<10000x32xf32, #tpu.memory_space<vmem_shared>>) offsets(%dma_start3A_418 : memref<125xi32, #tpu.memory_space<vmem>>) semaphore(%arg21 : memref<!tpu.dma_semaphore, #tpu.memory_space<semaphore_mem>>) {add = true}
      %mul3A_422 = arith.constant 4 : i32
      %mul3A_423 = arith.muli %add3A_382, %mul3A_422 : i32
      %add3A_424 = arith.constant 3 : i32
      %add3A_425 = arith.addi %mul3A_423, %add3A_424 : i32
      %dma_start3A_426 = arith.constant 375 : i32
      %dma_start3A_427 = arith.constant 0 : i32
      %dma_start3A_428 = tpu.memref_slice %arg12[%dma_start3A_426, %dma_start3A_427] : memref<500x32xf32, #tpu.memory_space<vmem>> -> memref<125x32xf32, #tpu.memory_space<vmem>>
      %dma_start3A_429 = arith.constant 0 : i32
      %dma_start3A_430 = tpu.memref_slice %arg8[%add3A_425, %dma_start3A_429] : memref<80x125xi32, #tpu.memory_space<vmem>> -> memref<1x125xi32, #tpu.memory_space<vmem>>
      %dma_start3A_431 = tpu.memref_squeeze %dma_start3A_430 : memref<1x125xi32, #tpu.memory_space<vmem>> -> memref<125xi32, #tpu.memory_space<vmem>>
      %dma_start3A_432 = arith.constant 0 : i32
      %dma_start3A_433 = arith.constant 0 : i32
      %dma_start3A_434 = tpu.memref_slice %arg13[%dma_start3A_432, %dma_start3A_433] : memref<10000x32xf32, #tpu.memory_space<vmem_shared>> -> memref<10000x32xf32, #tpu.memory_space<vmem_shared>>
      tpu.enqueue_indirect_dma source(%dma_start3A_428 : memref<125x32xf32, #tpu.memory_space<vmem>>) target(%dma_start3A_434 : memref<10000x32xf32, #tpu.memory_space<vmem_shared>>) offsets(%dma_start3A_431 : memref<125xi32, #tpu.memory_space<vmem>>) semaphore(%arg21 : memref<!tpu.dma_semaphore, #tpu.memory_space<semaphore_mem>>) {add = true}
      %dma_wait3A_435 = arith.constant 0 : i32
      %dma_wait3A_436 = arith.constant 0 : i32
      %dma_wait3A_437 = tpu.memref_slice %arg2[%dma_wait3A_435, %dma_wait3A_436] : memref<10000x32xf32, #tpu.memory_space<hbm>> -> memref<500x32xf32, #tpu.memory_space<hbm>>
      %dma_wait3A_438 = arith.constant 0 : i32
      %dma_wait3A_439 = arith.constant 0 : i32
      %dma_wait3A_440 = tpu.memref_slice %arg2[%dma_wait3A_438, %dma_wait3A_439] : memref<10000x32xf32, #tpu.memory_space<hbm>> -> memref<500x32xf32, #tpu.memory_space<hbm>>
      tpu.wait_dma2 semaphore(%arg20 : memref<!tpu.dma_semaphore, #tpu.memory_space<semaphore_mem>>) src(%dma_wait3A_440 : memref<500x32xf32, #tpu.memory_space<hbm>>) dst(%arg11 : memref<500x32xf32, #tpu.memory_space<vmem>>)
      %add3A_441 = arith.constant 2 : i32
      %add3A_442 = arith.addi %add3A_168, %add3A_441 : i32
      %add3A_443 = arith.constant 4 : i32
      %add3A_444 = arith.addi %add3A_442, %add3A_443 : i32
      %lt3A_445 = arith.constant 20 : i32
      %lt3A_446 = arith.cmpi slt, %add3A_444, %lt3A_445 : i32
      %convert_element_type3A_447 = arith.extui %lt3A_446 : i1 to i32
      %cond3A_448 = arith.constant 0 : i32
      %cond3A_449 = arith.cmpi ne, %convert_element_type3A_447, %cond3A_448 : i32
      scf.if %cond3A_449 {
        %add3A_463 = arith.constant 2 : i32
        %add3A_464 = arith.addi %add3A_168, %add3A_463 : i32
        %add3A_465 = arith.constant 4 : i32
        %add3A_466 = arith.addi %add3A_464, %add3A_465 : i32
        %mul3A_467 = arith.constant 4 : i32
        %mul3A_468 = arith.muli %add3A_466, %mul3A_467 : i32
        %add3A_469 = arith.constant 0 : i32
        %add3A_470 = arith.addi %mul3A_468, %add3A_469 : i32
        %dma_start3A_471 = arith.constant 0 : i32
        %dma_start3A_472 = arith.constant 0 : i32
        %dma_start3A_473 = tpu.memref_slice %arg11[%dma_start3A_471, %dma_start3A_472] : memref<500x32xf32, #tpu.memory_space<vmem>> -> memref<125x32xf32, #tpu.memory_space<vmem>>
        %dma_start3A_474 = arith.constant 0 : i32
        %dma_start3A_475 = tpu.memref_slice %arg7[%add3A_470, %dma_start3A_474] : memref<80x125xi32, #tpu.memory_space<vmem>> -> memref<1x125xi32, #tpu.memory_space<vmem>>
        %dma_start3A_476 = tpu.memref_squeeze %dma_start3A_475 : memref<1x125xi32, #tpu.memory_space<vmem>> -> memref<125xi32, #tpu.memory_space<vmem>>
        %dma_start3A_477 = arith.constant 0 : i32
        %dma_start3A_478 = arith.constant 0 : i32
        %dma_start3A_479 = tpu.memref_slice %arg2[%dma_start3A_477, %dma_start3A_478] : memref<10000x32xf32, #tpu.memory_space<hbm>> -> memref<10000x32xf32, #tpu.memory_space<hbm>>
        tpu.enqueue_indirect_dma source(%dma_start3A_479 : memref<10000x32xf32, #tpu.memory_space<hbm>>) target(%dma_start3A_473 : memref<125x32xf32, #tpu.memory_space<vmem>>) offsets(%dma_start3A_476 : memref<125xi32, #tpu.memory_space<vmem>>) semaphore(%arg16 : memref<!tpu.dma_semaphore, #tpu.memory_space<semaphore_mem>>)
        %mul3A_480 = arith.constant 4 : i32
        %mul3A_481 = arith.muli %add3A_466, %mul3A_480 : i32
        %add3A_482 = arith.constant 1 : i32
        %add3A_483 = arith.addi %mul3A_481, %add3A_482 : i32
        %dma_start3A_484 = arith.constant 125 : i32
        %dma_start3A_485 = arith.constant 0 : i32
        %dma_start3A_486 = tpu.memref_slice %arg11[%dma_start3A_484, %dma_start3A_485] : memref<500x32xf32, #tpu.memory_space<vmem>> -> memref<125x32xf32, #tpu.memory_space<vmem>>
        %dma_start3A_487 = arith.constant 0 : i32
        %dma_start3A_488 = tpu.memref_slice %arg7[%add3A_483, %dma_start3A_487] : memref<80x125xi32, #tpu.memory_space<vmem>> -> memref<1x125xi32, #tpu.memory_space<vmem>>
        %dma_start3A_489 = tpu.memref_squeeze %dma_start3A_488 : memref<1x125xi32, #tpu.memory_space<vmem>> -> memref<125xi32, #tpu.memory_space<vmem>>
        %dma_start3A_490 = arith.constant 0 : i32
        %dma_start3A_491 = arith.constant 0 : i32
        %dma_start3A_492 = tpu.memref_slice %arg2[%dma_start3A_490, %dma_start3A_491] : memref<10000x32xf32, #tpu.memory_space<hbm>> -> memref<10000x32xf32, #tpu.memory_space<hbm>>
        tpu.enqueue_indirect_dma source(%dma_start3A_492 : memref<10000x32xf32, #tpu.memory_space<hbm>>) target(%dma_start3A_486 : memref<125x32xf32, #tpu.memory_space<vmem>>) offsets(%dma_start3A_489 : memref<125xi32, #tpu.memory_space<vmem>>) semaphore(%arg16 : memref<!tpu.dma_semaphore, #tpu.memory_space<semaphore_mem>>)
        %mul3A_493 = arith.constant 4 : i32
        %mul3A_494 = arith.muli %add3A_466, %mul3A_493 : i32
        %add3A_495 = arith.constant 2 : i32
        %add3A_496 = arith.addi %mul3A_494, %add3A_495 : i32
        %dma_start3A_497 = arith.constant 250 : i32
        %dma_start3A_498 = arith.constant 0 : i32
        %dma_start3A_499 = tpu.memref_slice %arg11[%dma_start3A_497, %dma_start3A_498] : memref<500x32xf32, #tpu.memory_space<vmem>> -> memref<125x32xf32, #tpu.memory_space<vmem>>
        %dma_start3A_500 = arith.constant 0 : i32
        %dma_start3A_501 = tpu.memref_slice %arg7[%add3A_496, %dma_start3A_500] : memref<80x125xi32, #tpu.memory_space<vmem>> -> memref<1x125xi32, #tpu.memory_space<vmem>>
        %dma_start3A_502 = tpu.memref_squeeze %dma_start3A_501 : memref<1x125xi32, #tpu.memory_space<vmem>> -> memref<125xi32, #tpu.memory_space<vmem>>
        %dma_start3A_503 = arith.constant 0 : i32
        %dma_start3A_504 = arith.constant 0 : i32
        %dma_start3A_505 = tpu.memref_slice %arg2[%dma_start3A_503, %dma_start3A_504] : memref<10000x32xf32, #tpu.memory_space<hbm>> -> memref<10000x32xf32, #tpu.memory_space<hbm>>
        tpu.enqueue_indirect_dma source(%dma_start3A_505 : memref<10000x32xf32, #tpu.memory_space<hbm>>) target(%dma_start3A_499 : memref<125x32xf32, #tpu.memory_space<vmem>>) offsets(%dma_start3A_502 : memref<125xi32, #tpu.memory_space<vmem>>) semaphore(%arg16 : memref<!tpu.dma_semaphore, #tpu.memory_space<semaphore_mem>>)
        %mul3A_506 = arith.constant 4 : i32
        %mul3A_507 = arith.muli %add3A_466, %mul3A_506 : i32
        %add3A_508 = arith.constant 3 : i32
        %add3A_509 = arith.addi %mul3A_507, %add3A_508 : i32
        %dma_start3A_510 = arith.constant 375 : i32
        %dma_start3A_511 = arith.constant 0 : i32
        %dma_start3A_512 = tpu.memref_slice %arg11[%dma_start3A_510, %dma_start3A_511] : memref<500x32xf32, #tpu.memory_space<vmem>> -> memref<125x32xf32, #tpu.memory_space<vmem>>
        %dma_start3A_513 = arith.constant 0 : i32
        %dma_start3A_514 = tpu.memref_slice %arg7[%add3A_509, %dma_start3A_513] : memref<80x125xi32, #tpu.memory_space<vmem>> -> memref<1x125xi32, #tpu.memory_space<vmem>>
        %dma_start3A_515 = tpu.memref_squeeze %dma_start3A_514 : memref<1x125xi32, #tpu.memory_space<vmem>> -> memref<125xi32, #tpu.memory_space<vmem>>
        %dma_start3A_516 = arith.constant 0 : i32
        %dma_start3A_517 = arith.constant 0 : i32
        %dma_start3A_518 = tpu.memref_slice %arg2[%dma_start3A_516, %dma_start3A_517] : memref<10000x32xf32, #tpu.memory_space<hbm>> -> memref<10000x32xf32, #tpu.memory_space<hbm>>
        tpu.enqueue_indirect_dma source(%dma_start3A_518 : memref<10000x32xf32, #tpu.memory_space<hbm>>) target(%dma_start3A_512 : memref<125x32xf32, #tpu.memory_space<vmem>>) offsets(%dma_start3A_515 : memref<125xi32, #tpu.memory_space<vmem>>) semaphore(%arg16 : memref<!tpu.dma_semaphore, #tpu.memory_space<semaphore_mem>>)
      } else {
      }
      %dma_wait3A_450 = arith.constant 0 : i32
      %dma_wait3A_451 = arith.constant 0 : i32
      %dma_wait3A_452 = tpu.memref_slice %arg2[%dma_wait3A_450, %dma_wait3A_451] : memref<10000x32xf32, #tpu.memory_space<hbm>> -> memref<500x32xf32, #tpu.memory_space<hbm>>
      %dma_wait3A_453 = arith.constant 0 : i32
      %dma_wait3A_454 = arith.constant 0 : i32
      %dma_wait3A_455 = tpu.memref_slice %arg2[%dma_wait3A_453, %dma_wait3A_454] : memref<10000x32xf32, #tpu.memory_space<hbm>> -> memref<500x32xf32, #tpu.memory_space<hbm>>
      tpu.wait_dma2 semaphore(%arg21 : memref<!tpu.dma_semaphore, #tpu.memory_space<semaphore_mem>>) src(%dma_wait3A_455 : memref<500x32xf32, #tpu.memory_space<hbm>>) dst(%arg12 : memref<500x32xf32, #tpu.memory_space<vmem>>)
      %add3A_456 = arith.constant 7 : i32
      %add3A_457 = arith.addi %add3A_168, %add3A_456 : i32
      %lt3A_458 = arith.constant 20 : i32
      %lt3A_459 = arith.cmpi slt, %add3A_457, %lt3A_458 : i32
      %convert_element_type3A_460 = arith.extui %lt3A_459 : i1 to i32
      %cond3A_461 = arith.constant 0 : i32
      %cond3A_462 = arith.cmpi ne, %convert_element_type3A_460, %cond3A_461 : i32
      scf.if %cond3A_462 {
        %add3A_463 = arith.constant 7 : i32
        %add3A_464 = arith.addi %add3A_168, %add3A_463 : i32
        %mul3A_465 = arith.constant 4 : i32
        %mul3A_466 = arith.muli %add3A_464, %mul3A_465 : i32
        %add3A_467 = arith.constant 0 : i32
        %add3A_468 = arith.addi %mul3A_466, %add3A_467 : i32
        %dma_start3A_469 = arith.constant 0 : i32
        %dma_start3A_470 = arith.constant 0 : i32
        %dma_start3A_471 = tpu.memref_slice %arg12[%dma_start3A_469, %dma_start3A_470] : memref<500x32xf32, #tpu.memory_space<vmem>> -> memref<125x32xf32, #tpu.memory_space<vmem>>
        %dma_start3A_472 = arith.constant 0 : i32
        %dma_start3A_473 = tpu.memref_slice %arg7[%add3A_468, %dma_start3A_472] : memref<80x125xi32, #tpu.memory_space<vmem>> -> memref<1x125xi32, #tpu.memory_space<vmem>>
        %dma_start3A_474 = tpu.memref_squeeze %dma_start3A_473 : memref<1x125xi32, #tpu.memory_space<vmem>> -> memref<125xi32, #tpu.memory_space<vmem>>
        %dma_start3A_475 = arith.constant 0 : i32
        %dma_start3A_476 = arith.constant 0 : i32
        %dma_start3A_477 = tpu.memref_slice %arg2[%dma_start3A_475, %dma_start3A_476] : memref<10000x32xf32, #tpu.memory_space<hbm>> -> memref<10000x32xf32, #tpu.memory_space<hbm>>
        tpu.enqueue_indirect_dma source(%dma_start3A_477 : memref<10000x32xf32, #tpu.memory_space<hbm>>) target(%dma_start3A_471 : memref<125x32xf32, #tpu.memory_space<vmem>>) offsets(%dma_start3A_474 : memref<125xi32, #tpu.memory_space<vmem>>) semaphore(%arg17 : memref<!tpu.dma_semaphore, #tpu.memory_space<semaphore_mem>>)
        %mul3A_478 = arith.constant 4 : i32
        %mul3A_479 = arith.muli %add3A_464, %mul3A_478 : i32
        %add3A_480 = arith.constant 1 : i32
        %add3A_481 = arith.addi %mul3A_479, %add3A_480 : i32
        %dma_start3A_482 = arith.constant 125 : i32
        %dma_start3A_483 = arith.constant 0 : i32
        %dma_start3A_484 = tpu.memref_slice %arg12[%dma_start3A_482, %dma_start3A_483] : memref<500x32xf32, #tpu.memory_space<vmem>> -> memref<125x32xf32, #tpu.memory_space<vmem>>
        %dma_start3A_485 = arith.constant 0 : i32
        %dma_start3A_486 = tpu.memref_slice %arg7[%add3A_481, %dma_start3A_485] : memref<80x125xi32, #tpu.memory_space<vmem>> -> memref<1x125xi32, #tpu.memory_space<vmem>>
        %dma_start3A_487 = tpu.memref_squeeze %dma_start3A_486 : memref<1x125xi32, #tpu.memory_space<vmem>> -> memref<125xi32, #tpu.memory_space<vmem>>
        %dma_start3A_488 = arith.constant 0 : i32
        %dma_start3A_489 = arith.constant 0 : i32
        %dma_start3A_490 = tpu.memref_slice %arg2[%dma_start3A_488, %dma_start3A_489] : memref<10000x32xf32, #tpu.memory_space<hbm>> -> memref<10000x32xf32, #tpu.memory_space<hbm>>
        tpu.enqueue_indirect_dma source(%dma_start3A_490 : memref<10000x32xf32, #tpu.memory_space<hbm>>) target(%dma_start3A_484 : memref<125x32xf32, #tpu.memory_space<vmem>>) offsets(%dma_start3A_487 : memref<125xi32, #tpu.memory_space<vmem>>) semaphore(%arg17 : memref<!tpu.dma_semaphore, #tpu.memory_space<semaphore_mem>>)
        %mul3A_491 = arith.constant 4 : i32
        %mul3A_492 = arith.muli %add3A_464, %mul3A_491 : i32
        %add3A_493 = arith.constant 2 : i32
        %add3A_494 = arith.addi %mul3A_492, %add3A_493 : i32
        %dma_start3A_495 = arith.constant 250 : i32
        %dma_start3A_496 = arith.constant 0 : i32
        %dma_start3A_497 = tpu.memref_slice %arg12[%dma_start3A_495, %dma_start3A_496] : memref<500x32xf32, #tpu.memory_space<vmem>> -> memref<125x32xf32, #tpu.memory_space<vmem>>
        %dma_start3A_498 = arith.constant 0 : i32
        %dma_start3A_499 = tpu.memref_slice %arg7[%add3A_494, %dma_start3A_498] : memref<80x125xi32, #tpu.memory_space<vmem>> -> memref<1x125xi32, #tpu.memory_space<vmem>>
        %dma_start3A_500 = tpu.memref_squeeze %dma_start3A_499 : memref<1x125xi32, #tpu.memory_space<vmem>> -> memref<125xi32, #tpu.memory_space<vmem>>
        %dma_start3A_501 = arith.constant 0 : i32
        %dma_start3A_502 = arith.constant 0 : i32
        %dma_start3A_503 = tpu.memref_slice %arg2[%dma_start3A_501, %dma_start3A_502] : memref<10000x32xf32, #tpu.memory_space<hbm>> -> memref<10000x32xf32, #tpu.memory_space<hbm>>
        tpu.enqueue_indirect_dma source(%dma_start3A_503 : memref<10000x32xf32, #tpu.memory_space<hbm>>) target(%dma_start3A_497 : memref<125x32xf32, #tpu.memory_space<vmem>>) offsets(%dma_start3A_500 : memref<125xi32, #tpu.memory_space<vmem>>) semaphore(%arg17 : memref<!tpu.dma_semaphore, #tpu.memory_space<semaphore_mem>>)
        %mul3A_504 = arith.constant 4 : i32
        %mul3A_505 = arith.muli %add3A_464, %mul3A_504 : i32
        %add3A_506 = arith.constant 3 : i32
        %add3A_507 = arith.addi %mul3A_505, %add3A_506 : i32
        %dma_start3A_508 = arith.constant 375 : i32
        %dma_start3A_509 = arith.constant 0 : i32
        %dma_start3A_510 = tpu.memref_slice %arg12[%dma_start3A_508, %dma_start3A_509] : memref<500x32xf32, #tpu.memory_space<vmem>> -> memref<125x32xf32, #tpu.memory_space<vmem>>
        %dma_start3A_511 = arith.constant 0 : i32
        %dma_start3A_512 = tpu.memref_slice %arg7[%add3A_507, %dma_start3A_511] : memref<80x125xi32, #tpu.memory_space<vmem>> -> memref<1x125xi32, #tpu.memory_space<vmem>>
        %dma_start3A_513 = tpu.memref_squeeze %dma_start3A_512 : memref<1x125xi32, #tpu.memory_space<vmem>> -> memref<125xi32, #tpu.memory_space<vmem>>
        %dma_start3A_514 = arith.constant 0 : i32
        %dma_start3A_515 = arith.constant 0 : i32
        %dma_start3A_516 = tpu.memref_slice %arg2[%dma_start3A_514, %dma_start3A_515] : memref<10000x32xf32, #tpu.memory_space<hbm>> -> memref<10000x32xf32, #tpu.memory_space<hbm>>
        tpu.enqueue_indirect_dma source(%dma_start3A_516 : memref<10000x32xf32, #tpu.memory_space<hbm>>) target(%dma_start3A_510 : memref<125x32xf32, #tpu.memory_space<vmem>>) offsets(%dma_start3A_513 : memref<125xi32, #tpu.memory_space<vmem>>) semaphore(%arg17 : memref<!tpu.dma_semaphore, #tpu.memory_space<semaphore_mem>>)
      } else {
      }
    }
    %scan3A_163 = arith.constant 5 : i32
    %barrier3A_164 = arith.constant 0 : index
    tpu.barrier barrier_id(%barrier3A_164)
    "tpu.region"() ({
      %run_scoped3A = tpu.sem_alloc : memref<!tpu.dma_semaphore, #tpu.memory_space<semaphore_mem>>
      %dma_start3A_165 = arith.constant 0 : i32
      %dma_start3A_166 = arith.constant 0 : i32
      %dma_start3A_167 = tpu.memref_slice %arg6[%arg0, %arg1, %dma_start3A_165, %dma_start3A_166] : memref<2x16x625x32xf32, #tpu.memory_space<hbm>> -> memref<1x1x625x32xf32, #tpu.memory_space<hbm>>
      %dma_start3A_168 = tpu.memref_squeeze %dma_start3A_167 : memref<1x1x625x32xf32, #tpu.memory_space<hbm>> -> memref<625x32xf32, #tpu.memory_space<hbm>>
      %dma_start3A_169 = arith.constant 0 : i32
      %dma_start3A_170 = tpu.memref_slice %arg13[%mul3A_0, %dma_start3A_169] : memref<10000x32xf32, #tpu.memory_space<vmem_shared>> -> memref<625x32xf32, #tpu.memory_space<vmem_shared>>
      tpu.enqueue_dma source(%dma_start3A_170 : memref<625x32xf32, #tpu.memory_space<vmem_shared>>) target(%dma_start3A_168 : memref<625x32xf32, #tpu.memory_space<hbm>>) target_semaphore(%run_scoped3A : memref<!tpu.dma_semaphore, #tpu.memory_space<semaphore_mem>>)
      %dma_wait3A = arith.constant 0 : i32
      %dma_wait3A_171 = arith.constant 0 : i32
      %dma_wait3A_172 = tpu.memref_slice %arg6[%arg0, %arg1, %dma_wait3A, %dma_wait3A_171] : memref<2x16x625x32xf32, #tpu.memory_space<hbm>> -> memref<1x1x625x32xf32, #tpu.memory_space<hbm>>
      %dma_wait3A_173 = tpu.memref_squeeze %dma_wait3A_172 : memref<1x1x625x32xf32, #tpu.memory_space<hbm>> -> memref<625x32xf32, #tpu.memory_space<hbm>>
      %dma_wait3A_174 = arith.constant 0 : i32
      %dma_wait3A_175 = tpu.memref_slice %arg13[%mul3A_0, %dma_wait3A_174] : memref<10000x32xf32, #tpu.memory_space<vmem_shared>> -> memref<625x32xf32, #tpu.memory_space<vmem_shared>>
      tpu.wait_dma2 semaphore(%run_scoped3A : memref<!tpu.dma_semaphore, #tpu.memory_space<semaphore_mem>>) src(%dma_wait3A_175 : memref<625x32xf32, #tpu.memory_space<vmem_shared>>) dst(%dma_wait3A_173 : memref<625x32xf32, #tpu.memory_space<hbm>>)
      tpu.yield
    }) : () -> ()
    return
  }
}

#map = affine_map<(d0, d1) -> (0, 0, 0, 0)>
#map1 = affine_map<(d0, d1) -> (0, 0)>
#map2 = affine_map<(d0, d1) -> (0, 0, 0)>
module attributes {stable_mosaic.version = 14 : i64} {
  func.func @_deg_pass(%arg0: i32, %arg1: i32, %arg2: memref<2x16x80x125xi32, #tpu.memory_space<hbm>>, %arg3: memref<125x16xf32, #tpu.memory_space<hbm>>, %arg4: memref<16x625x16xf32, #tpu.memory_space<hbm>>, %arg5: memref<2x16x625x16xf32, #tpu.memory_space<hbm>>, %arg6: memref<80x125xi32, #tpu.memory_space<vmem>>, %arg7: memref<125x16xf32, #tpu.memory_space<vmem>>, %arg8: memref<10000x16xf32, #tpu.memory_space<vmem_shared>>, %arg9: memref<!tpu.dma_semaphore, #tpu.memory_space<semaphore_mem>>) attributes {dimension_semantics = [#tpu.dimension_semantics<core_parallel>, #tpu.dimension_semantics<subcore_parallel>], iteration_bounds = array<i64: 2, 16>, scalar_prefetch = 0 : i64, scratch_operands = 4 : i64, tpu.core_type = #tpu.core_type<sc_vector_subcore>, window_params = [{transform_indices = #map}, {transform_indices = #map1}, {transform_indices = #map2}, {transform_indices = #map}]} {
    "tpu.region"() ({
      %run_scoped3A = tpu.sem_alloc : memref<!tpu.dma_semaphore, #tpu.memory_space<semaphore_mem>>
      %dma_start3A = arith.constant 0 : i32
      %dma_start3A_8 = arith.constant 0 : i32
      %dma_start3A_9 = tpu.memref_slice %arg2[%arg0, %arg1, %dma_start3A, %dma_start3A_8] : memref<2x16x80x125xi32, #tpu.memory_space<hbm>> -> memref<1x1x80x125xi32, #tpu.memory_space<hbm>>
      %dma_start3A_10 = tpu.memref_squeeze %dma_start3A_9 : memref<1x1x80x125xi32, #tpu.memory_space<hbm>> -> memref<80x125xi32, #tpu.memory_space<hbm>>
      %dma_start3A_11 = arith.constant 0 : i32
      %dma_start3A_12 = arith.constant 0 : i32
      %dma_start3A_13 = tpu.memref_slice %arg2[%arg0, %arg1, %dma_start3A_11, %dma_start3A_12] : memref<2x16x80x125xi32, #tpu.memory_space<hbm>> -> memref<1x1x80x125xi32, #tpu.memory_space<hbm>>
      %dma_start3A_14 = tpu.memref_squeeze %dma_start3A_13 : memref<1x1x80x125xi32, #tpu.memory_space<hbm>> -> memref<80x125xi32, #tpu.memory_space<hbm>>
      tpu.enqueue_dma source(%dma_start3A_14 : memref<80x125xi32, #tpu.memory_space<hbm>>) target(%arg6 : memref<80x125xi32, #tpu.memory_space<vmem>>) target_semaphore(%run_scoped3A : memref<!tpu.dma_semaphore, #tpu.memory_space<semaphore_mem>>)
      %dma_wait3A = arith.constant 0 : i32
      %dma_wait3A_15 = arith.constant 0 : i32
      %dma_wait3A_16 = tpu.memref_slice %arg2[%arg0, %arg1, %dma_wait3A, %dma_wait3A_15] : memref<2x16x80x125xi32, #tpu.memory_space<hbm>> -> memref<1x1x80x125xi32, #tpu.memory_space<hbm>>
      %dma_wait3A_17 = tpu.memref_squeeze %dma_wait3A_16 : memref<1x1x80x125xi32, #tpu.memory_space<hbm>> -> memref<80x125xi32, #tpu.memory_space<hbm>>
      %dma_wait3A_18 = arith.constant 0 : i32
      %dma_wait3A_19 = arith.constant 0 : i32
      %dma_wait3A_20 = tpu.memref_slice %arg2[%arg0, %arg1, %dma_wait3A_18, %dma_wait3A_19] : memref<2x16x80x125xi32, #tpu.memory_space<hbm>> -> memref<1x1x80x125xi32, #tpu.memory_space<hbm>>
      %dma_wait3A_21 = tpu.memref_squeeze %dma_wait3A_20 : memref<1x1x80x125xi32, #tpu.memory_space<hbm>> -> memref<80x125xi32, #tpu.memory_space<hbm>>
      tpu.wait_dma2 semaphore(%run_scoped3A : memref<!tpu.dma_semaphore, #tpu.memory_space<semaphore_mem>>) src(%dma_wait3A_21 : memref<80x125xi32, #tpu.memory_space<hbm>>) dst(%arg6 : memref<80x125xi32, #tpu.memory_space<vmem>>)
      tpu.yield
    }) : () -> ()
    "tpu.region"() ({
      %run_scoped3A = tpu.sem_alloc : memref<!tpu.dma_semaphore, #tpu.memory_space<semaphore_mem>>
      tpu.enqueue_dma source(%arg3 : memref<125x16xf32, #tpu.memory_space<hbm>>) target(%arg7 : memref<125x16xf32, #tpu.memory_space<vmem>>) target_semaphore(%run_scoped3A : memref<!tpu.dma_semaphore, #tpu.memory_space<semaphore_mem>>)
      tpu.wait_dma2 semaphore(%run_scoped3A : memref<!tpu.dma_semaphore, #tpu.memory_space<semaphore_mem>>) src(%arg3 : memref<125x16xf32, #tpu.memory_space<hbm>>) dst(%arg7 : memref<125x16xf32, #tpu.memory_space<vmem>>)
      tpu.yield
    }) : () -> ()
    %mul3A = arith.constant 625 : i32
    %mul3A_0 = arith.muli %arg1, %mul3A : i32
    "tpu.region"() ({
      %run_scoped3A = tpu.sem_alloc : memref<!tpu.dma_semaphore, #tpu.memory_space<semaphore_mem>>
      %dma_start3A = arith.constant 0 : i32
      %dma_start3A_8 = tpu.memref_slice %arg8[%mul3A_0, %dma_start3A] : memref<10000x16xf32, #tpu.memory_space<vmem_shared>> -> memref<625x16xf32, #tpu.memory_space<vmem_shared>>
      %dma_start3A_9 = arith.constant 0 : i32
      %dma_start3A_10 = arith.constant 0 : i32
      %dma_start3A_11 = tpu.memref_slice %arg4[%arg1, %dma_start3A_9, %dma_start3A_10] : memref<16x625x16xf32, #tpu.memory_space<hbm>> -> memref<1x625x16xf32, #tpu.memory_space<hbm>>
      %dma_start3A_12 = tpu.memref_squeeze %dma_start3A_11 : memref<1x625x16xf32, #tpu.memory_space<hbm>> -> memref<625x16xf32, #tpu.memory_space<hbm>>
      tpu.enqueue_dma source(%dma_start3A_12 : memref<625x16xf32, #tpu.memory_space<hbm>>) target(%dma_start3A_8 : memref<625x16xf32, #tpu.memory_space<vmem_shared>>) target_semaphore(%run_scoped3A : memref<!tpu.dma_semaphore, #tpu.memory_space<semaphore_mem>>)
      %dma_wait3A = arith.constant 0 : i32
      %dma_wait3A_13 = tpu.memref_slice %arg8[%mul3A_0, %dma_wait3A] : memref<10000x16xf32, #tpu.memory_space<vmem_shared>> -> memref<625x16xf32, #tpu.memory_space<vmem_shared>>
      %dma_wait3A_14 = arith.constant 0 : i32
      %dma_wait3A_15 = arith.constant 0 : i32
      %dma_wait3A_16 = tpu.memref_slice %arg4[%arg1, %dma_wait3A_14, %dma_wait3A_15] : memref<16x625x16xf32, #tpu.memory_space<hbm>> -> memref<1x625x16xf32, #tpu.memory_space<hbm>>
      %dma_wait3A_17 = tpu.memref_squeeze %dma_wait3A_16 : memref<1x625x16xf32, #tpu.memory_space<hbm>> -> memref<625x16xf32, #tpu.memory_space<hbm>>
      tpu.wait_dma2 semaphore(%run_scoped3A : memref<!tpu.dma_semaphore, #tpu.memory_space<semaphore_mem>>) src(%dma_wait3A_17 : memref<625x16xf32, #tpu.memory_space<hbm>>) dst(%dma_wait3A_13 : memref<625x16xf32, #tpu.memory_space<vmem_shared>>)
      tpu.yield
    }) : () -> ()
    %barrier3A = arith.constant 0 : index
    tpu.barrier barrier_id(%barrier3A)
    %scan3A = arith.constant 0 : i32
    %scan3A_1 = arith.constant 10 : i32
    %scan3A_2 = arith.addi %scan3A, %scan3A_1 : i32
    %scan3A_3 = arith.constant 1 : i32
    scf.for %scan3A_8 = %scan3A to %scan3A_2 step %scan3A_3  : i32 {
      %mul3A_9 = arith.constant 8 : i32
      %mul3A_10 = arith.muli %scan3A_8, %mul3A_9 : i32
      %add3A = arith.constant 0 : i32
      %add3A_11 = arith.addi %add3A, %mul3A_10 : i32
      %add3A_12 = arith.constant 0 : i32
      %add3A_13 = arith.addi %add3A_11, %add3A_12 : i32
      %dma_start3A = arith.constant 0 : i32
      %dma_start3A_14 = tpu.memref_slice %arg6[%add3A_13, %dma_start3A] : memref<80x125xi32, #tpu.memory_space<vmem>> -> memref<1x125xi32, #tpu.memory_space<vmem>>
      %dma_start3A_15 = tpu.memref_squeeze %dma_start3A_14 : memref<1x125xi32, #tpu.memory_space<vmem>> -> memref<125xi32, #tpu.memory_space<vmem>>
      %dma_start3A_16 = arith.constant 0 : i32
      %dma_start3A_17 = arith.constant 0 : i32
      %dma_start3A_18 = tpu.memref_slice %arg8[%dma_start3A_16, %dma_start3A_17] : memref<10000x16xf32, #tpu.memory_space<vmem_shared>> -> memref<10000x16xf32, #tpu.memory_space<vmem_shared>>
      tpu.enqueue_indirect_dma source(%arg7 : memref<125x16xf32, #tpu.memory_space<vmem>>) target(%dma_start3A_18 : memref<10000x16xf32, #tpu.memory_space<vmem_shared>>) offsets(%dma_start3A_15 : memref<125xi32, #tpu.memory_space<vmem>>) semaphore(%arg9 : memref<!tpu.dma_semaphore, #tpu.memory_space<semaphore_mem>>) {add = true}
      %add3A_19 = arith.constant 1 : i32
      %add3A_20 = arith.addi %add3A_11, %add3A_19 : i32
      %dma_start3A_21 = arith.constant 0 : i32
      %dma_start3A_22 = tpu.memref_slice %arg6[%add3A_20, %dma_start3A_21] : memref<80x125xi32, #tpu.memory_space<vmem>> -> memref<1x125xi32, #tpu.memory_space<vmem>>
      %dma_start3A_23 = tpu.memref_squeeze %dma_start3A_22 : memref<1x125xi32, #tpu.memory_space<vmem>> -> memref<125xi32, #tpu.memory_space<vmem>>
      %dma_start3A_24 = arith.constant 0 : i32
      %dma_start3A_25 = arith.constant 0 : i32
      %dma_start3A_26 = tpu.memref_slice %arg8[%dma_start3A_24, %dma_start3A_25] : memref<10000x16xf32, #tpu.memory_space<vmem_shared>> -> memref<10000x16xf32, #tpu.memory_space<vmem_shared>>
      tpu.enqueue_indirect_dma source(%arg7 : memref<125x16xf32, #tpu.memory_space<vmem>>) target(%dma_start3A_26 : memref<10000x16xf32, #tpu.memory_space<vmem_shared>>) offsets(%dma_start3A_23 : memref<125xi32, #tpu.memory_space<vmem>>) semaphore(%arg9 : memref<!tpu.dma_semaphore, #tpu.memory_space<semaphore_mem>>) {add = true}
      %add3A_27 = arith.constant 2 : i32
      %add3A_28 = arith.addi %add3A_11, %add3A_27 : i32
      %dma_start3A_29 = arith.constant 0 : i32
      %dma_start3A_30 = tpu.memref_slice %arg6[%add3A_28, %dma_start3A_29] : memref<80x125xi32, #tpu.memory_space<vmem>> -> memref<1x125xi32, #tpu.memory_space<vmem>>
      %dma_start3A_31 = tpu.memref_squeeze %dma_start3A_30 : memref<1x125xi32, #tpu.memory_space<vmem>> -> memref<125xi32, #tpu.memory_space<vmem>>
      %dma_start3A_32 = arith.constant 0 : i32
      %dma_start3A_33 = arith.constant 0 : i32
      %dma_start3A_34 = tpu.memref_slice %arg8[%dma_start3A_32, %dma_start3A_33] : memref<10000x16xf32, #tpu.memory_space<vmem_shared>> -> memref<10000x16xf32, #tpu.memory_space<vmem_shared>>
      tpu.enqueue_indirect_dma source(%arg7 : memref<125x16xf32, #tpu.memory_space<vmem>>) target(%dma_start3A_34 : memref<10000x16xf32, #tpu.memory_space<vmem_shared>>) offsets(%dma_start3A_31 : memref<125xi32, #tpu.memory_space<vmem>>) semaphore(%arg9 : memref<!tpu.dma_semaphore, #tpu.memory_space<semaphore_mem>>) {add = true}
      %add3A_35 = arith.constant 3 : i32
      %add3A_36 = arith.addi %add3A_11, %add3A_35 : i32
      %dma_start3A_37 = arith.constant 0 : i32
      %dma_start3A_38 = tpu.memref_slice %arg6[%add3A_36, %dma_start3A_37] : memref<80x125xi32, #tpu.memory_space<vmem>> -> memref<1x125xi32, #tpu.memory_space<vmem>>
      %dma_start3A_39 = tpu.memref_squeeze %dma_start3A_38 : memref<1x125xi32, #tpu.memory_space<vmem>> -> memref<125xi32, #tpu.memory_space<vmem>>
      %dma_start3A_40 = arith.constant 0 : i32
      %dma_start3A_41 = arith.constant 0 : i32
      %dma_start3A_42 = tpu.memref_slice %arg8[%dma_start3A_40, %dma_start3A_41] : memref<10000x16xf32, #tpu.memory_space<vmem_shared>> -> memref<10000x16xf32, #tpu.memory_space<vmem_shared>>
      tpu.enqueue_indirect_dma source(%arg7 : memref<125x16xf32, #tpu.memory_space<vmem>>) target(%dma_start3A_42 : memref<10000x16xf32, #tpu.memory_space<vmem_shared>>) offsets(%dma_start3A_39 : memref<125xi32, #tpu.memory_space<vmem>>) semaphore(%arg9 : memref<!tpu.dma_semaphore, #tpu.memory_space<semaphore_mem>>) {add = true}
      %add3A_43 = arith.constant 4 : i32
      %add3A_44 = arith.addi %add3A_11, %add3A_43 : i32
      %dma_start3A_45 = arith.constant 0 : i32
      %dma_start3A_46 = tpu.memref_slice %arg6[%add3A_44, %dma_start3A_45] : memref<80x125xi32, #tpu.memory_space<vmem>> -> memref<1x125xi32, #tpu.memory_space<vmem>>
      %dma_start3A_47 = tpu.memref_squeeze %dma_start3A_46 : memref<1x125xi32, #tpu.memory_space<vmem>> -> memref<125xi32, #tpu.memory_space<vmem>>
      %dma_start3A_48 = arith.constant 0 : i32
      %dma_start3A_49 = arith.constant 0 : i32
      %dma_start3A_50 = tpu.memref_slice %arg8[%dma_start3A_48, %dma_start3A_49] : memref<10000x16xf32, #tpu.memory_space<vmem_shared>> -> memref<10000x16xf32, #tpu.memory_space<vmem_shared>>
      tpu.enqueue_indirect_dma source(%arg7 : memref<125x16xf32, #tpu.memory_space<vmem>>) target(%dma_start3A_50 : memref<10000x16xf32, #tpu.memory_space<vmem_shared>>) offsets(%dma_start3A_47 : memref<125xi32, #tpu.memory_space<vmem>>) semaphore(%arg9 : memref<!tpu.dma_semaphore, #tpu.memory_space<semaphore_mem>>) {add = true}
      %add3A_51 = arith.constant 5 : i32
      %add3A_52 = arith.addi %add3A_11, %add3A_51 : i32
      %dma_start3A_53 = arith.constant 0 : i32
      %dma_start3A_54 = tpu.memref_slice %arg6[%add3A_52, %dma_start3A_53] : memref<80x125xi32, #tpu.memory_space<vmem>> -> memref<1x125xi32, #tpu.memory_space<vmem>>
      %dma_start3A_55 = tpu.memref_squeeze %dma_start3A_54 : memref<1x125xi32, #tpu.memory_space<vmem>> -> memref<125xi32, #tpu.memory_space<vmem>>
      %dma_start3A_56 = arith.constant 0 : i32
      %dma_start3A_57 = arith.constant 0 : i32
      %dma_start3A_58 = tpu.memref_slice %arg8[%dma_start3A_56, %dma_start3A_57] : memref<10000x16xf32, #tpu.memory_space<vmem_shared>> -> memref<10000x16xf32, #tpu.memory_space<vmem_shared>>
      tpu.enqueue_indirect_dma source(%arg7 : memref<125x16xf32, #tpu.memory_space<vmem>>) target(%dma_start3A_58 : memref<10000x16xf32, #tpu.memory_space<vmem_shared>>) offsets(%dma_start3A_55 : memref<125xi32, #tpu.memory_space<vmem>>) semaphore(%arg9 : memref<!tpu.dma_semaphore, #tpu.memory_space<semaphore_mem>>) {add = true}
      %add3A_59 = arith.constant 6 : i32
      %add3A_60 = arith.addi %add3A_11, %add3A_59 : i32
      %dma_start3A_61 = arith.constant 0 : i32
      %dma_start3A_62 = tpu.memref_slice %arg6[%add3A_60, %dma_start3A_61] : memref<80x125xi32, #tpu.memory_space<vmem>> -> memref<1x125xi32, #tpu.memory_space<vmem>>
      %dma_start3A_63 = tpu.memref_squeeze %dma_start3A_62 : memref<1x125xi32, #tpu.memory_space<vmem>> -> memref<125xi32, #tpu.memory_space<vmem>>
      %dma_start3A_64 = arith.constant 0 : i32
      %dma_start3A_65 = arith.constant 0 : i32
      %dma_start3A_66 = tpu.memref_slice %arg8[%dma_start3A_64, %dma_start3A_65] : memref<10000x16xf32, #tpu.memory_space<vmem_shared>> -> memref<10000x16xf32, #tpu.memory_space<vmem_shared>>
      tpu.enqueue_indirect_dma source(%arg7 : memref<125x16xf32, #tpu.memory_space<vmem>>) target(%dma_start3A_66 : memref<10000x16xf32, #tpu.memory_space<vmem_shared>>) offsets(%dma_start3A_63 : memref<125xi32, #tpu.memory_space<vmem>>) semaphore(%arg9 : memref<!tpu.dma_semaphore, #tpu.memory_space<semaphore_mem>>) {add = true}
      %add3A_67 = arith.constant 7 : i32
      %add3A_68 = arith.addi %add3A_11, %add3A_67 : i32
      %dma_start3A_69 = arith.constant 0 : i32
      %dma_start3A_70 = tpu.memref_slice %arg6[%add3A_68, %dma_start3A_69] : memref<80x125xi32, #tpu.memory_space<vmem>> -> memref<1x125xi32, #tpu.memory_space<vmem>>
      %dma_start3A_71 = tpu.memref_squeeze %dma_start3A_70 : memref<1x125xi32, #tpu.memory_space<vmem>> -> memref<125xi32, #tpu.memory_space<vmem>>
      %dma_start3A_72 = arith.constant 0 : i32
      %dma_start3A_73 = arith.constant 0 : i32
      %dma_start3A_74 = tpu.memref_slice %arg8[%dma_start3A_72, %dma_start3A_73] : memref<10000x16xf32, #tpu.memory_space<vmem_shared>> -> memref<10000x16xf32, #tpu.memory_space<vmem_shared>>
      tpu.enqueue_indirect_dma source(%arg7 : memref<125x16xf32, #tpu.memory_space<vmem>>) target(%dma_start3A_74 : memref<10000x16xf32, #tpu.memory_space<vmem_shared>>) offsets(%dma_start3A_71 : memref<125xi32, #tpu.memory_space<vmem>>) semaphore(%arg9 : memref<!tpu.dma_semaphore, #tpu.memory_space<semaphore_mem>>) {add = true}
      %dma_wait3A = arith.constant 0 : i32
      %dma_wait3A_75 = tpu.memref_slice %arg6[%add3A_13, %dma_wait3A] : memref<80x125xi32, #tpu.memory_space<vmem>> -> memref<1x125xi32, #tpu.memory_space<vmem>>
      %dma_wait3A_76 = tpu.memref_squeeze %dma_wait3A_75 : memref<1x125xi32, #tpu.memory_space<vmem>> -> memref<125xi32, #tpu.memory_space<vmem>>
      %dma_wait3A_77 = arith.constant 0 : i32
      %dma_wait3A_78 = arith.constant 0 : i32
      %dma_wait3A_79 = tpu.memref_slice %arg8[%dma_wait3A_77, %dma_wait3A_78] : memref<10000x16xf32, #tpu.memory_space<vmem_shared>> -> memref<10000x16xf32, #tpu.memory_space<vmem_shared>>
      tpu.wait_indirect_dma semaphore(%arg9 : memref<!tpu.dma_semaphore, #tpu.memory_space<semaphore_mem>>) src(%arg7 : memref<125x16xf32, #tpu.memory_space<vmem>>) dst(%dma_wait3A_79 : memref<10000x16xf32, #tpu.memory_space<vmem_shared>>)
      %dma_wait3A_80 = arith.constant 0 : i32
      %dma_wait3A_81 = tpu.memref_slice %arg6[%add3A_20, %dma_wait3A_80] : memref<80x125xi32, #tpu.memory_space<vmem>> -> memref<1x125xi32, #tpu.memory_space<vmem>>
      %dma_wait3A_82 = tpu.memref_squeeze %dma_wait3A_81 : memref<1x125xi32, #tpu.memory_space<vmem>> -> memref<125xi32, #tpu.memory_space<vmem>>
      %dma_wait3A_83 = arith.constant 0 : i32
      %dma_wait3A_84 = arith.constant 0 : i32
      %dma_wait3A_85 = tpu.memref_slice %arg8[%dma_wait3A_83, %dma_wait3A_84] : memref<10000x16xf32, #tpu.memory_space<vmem_shared>> -> memref<10000x16xf32, #tpu.memory_space<vmem_shared>>
      tpu.wait_indirect_dma semaphore(%arg9 : memref<!tpu.dma_semaphore, #tpu.memory_space<semaphore_mem>>) src(%arg7 : memref<125x16xf32, #tpu.memory_space<vmem>>) dst(%dma_wait3A_85 : memref<10000x16xf32, #tpu.memory_space<vmem_shared>>)
      %dma_wait3A_86 = arith.constant 0 : i32
      %dma_wait3A_87 = tpu.memref_slice %arg6[%add3A_28, %dma_wait3A_86] : memref<80x125xi32, #tpu.memory_space<vmem>> -> memref<1x125xi32, #tpu.memory_space<vmem>>
      %dma_wait3A_88 = tpu.memref_squeeze %dma_wait3A_87 : memref<1x125xi32, #tpu.memory_space<vmem>> -> memref<125xi32, #tpu.memory_space<vmem>>
      %dma_wait3A_89 = arith.constant 0 : i32
      %dma_wait3A_90 = arith.constant 0 : i32
      %dma_wait3A_91 = tpu.memref_slice %arg8[%dma_wait3A_89, %dma_wait3A_90] : memref<10000x16xf32, #tpu.memory_space<vmem_shared>> -> memref<10000x16xf32, #tpu.memory_space<vmem_shared>>
      tpu.wait_indirect_dma semaphore(%arg9 : memref<!tpu.dma_semaphore, #tpu.memory_space<semaphore_mem>>) src(%arg7 : memref<125x16xf32, #tpu.memory_space<vmem>>) dst(%dma_wait3A_91 : memref<10000x16xf32, #tpu.memory_space<vmem_shared>>)
      %dma_wait3A_92 = arith.constant 0 : i32
      %dma_wait3A_93 = tpu.memref_slice %arg6[%add3A_36, %dma_wait3A_92] : memref<80x125xi32, #tpu.memory_space<vmem>> -> memref<1x125xi32, #tpu.memory_space<vmem>>
      %dma_wait3A_94 = tpu.memref_squeeze %dma_wait3A_93 : memref<1x125xi32, #tpu.memory_space<vmem>> -> memref<125xi32, #tpu.memory_space<vmem>>
      %dma_wait3A_95 = arith.constant 0 : i32
      %dma_wait3A_96 = arith.constant 0 : i32
      %dma_wait3A_97 = tpu.memref_slice %arg8[%dma_wait3A_95, %dma_wait3A_96] : memref<10000x16xf32, #tpu.memory_space<vmem_shared>> -> memref<10000x16xf32, #tpu.memory_space<vmem_shared>>
      tpu.wait_indirect_dma semaphore(%arg9 : memref<!tpu.dma_semaphore, #tpu.memory_space<semaphore_mem>>) src(%arg7 : memref<125x16xf32, #tpu.memory_space<vmem>>) dst(%dma_wait3A_97 : memref<10000x16xf32, #tpu.memory_space<vmem_shared>>)
      %dma_wait3A_98 = arith.constant 0 : i32
      %dma_wait3A_99 = tpu.memref_slice %arg6[%add3A_44, %dma_wait3A_98] : memref<80x125xi32, #tpu.memory_space<vmem>> -> memref<1x125xi32, #tpu.memory_space<vmem>>
      %dma_wait3A_100 = tpu.memref_squeeze %dma_wait3A_99 : memref<1x125xi32, #tpu.memory_space<vmem>> -> memref<125xi32, #tpu.memory_space<vmem>>
      %dma_wait3A_101 = arith.constant 0 : i32
      %dma_wait3A_102 = arith.constant 0 : i32
      %dma_wait3A_103 = tpu.memref_slice %arg8[%dma_wait3A_101, %dma_wait3A_102] : memref<10000x16xf32, #tpu.memory_space<vmem_shared>> -> memref<10000x16xf32, #tpu.memory_space<vmem_shared>>
      tpu.wait_indirect_dma semaphore(%arg9 : memref<!tpu.dma_semaphore, #tpu.memory_space<semaphore_mem>>) src(%arg7 : memref<125x16xf32, #tpu.memory_space<vmem>>) dst(%dma_wait3A_103 : memref<10000x16xf32, #tpu.memory_space<vmem_shared>>)
      %dma_wait3A_104 = arith.constant 0 : i32
      %dma_wait3A_105 = tpu.memref_slice %arg6[%add3A_52, %dma_wait3A_104] : memref<80x125xi32, #tpu.memory_space<vmem>> -> memref<1x125xi32, #tpu.memory_space<vmem>>
      %dma_wait3A_106 = tpu.memref_squeeze %dma_wait3A_105 : memref<1x125xi32, #tpu.memory_space<vmem>> -> memref<125xi32, #tpu.memory_space<vmem>>
      %dma_wait3A_107 = arith.constant 0 : i32
      %dma_wait3A_108 = arith.constant 0 : i32
      %dma_wait3A_109 = tpu.memref_slice %arg8[%dma_wait3A_107, %dma_wait3A_108] : memref<10000x16xf32, #tpu.memory_space<vmem_shared>> -> memref<10000x16xf32, #tpu.memory_space<vmem_shared>>
      tpu.wait_indirect_dma semaphore(%arg9 : memref<!tpu.dma_semaphore, #tpu.memory_space<semaphore_mem>>) src(%arg7 : memref<125x16xf32, #tpu.memory_space<vmem>>) dst(%dma_wait3A_109 : memref<10000x16xf32, #tpu.memory_space<vmem_shared>>)
      %dma_wait3A_110 = arith.constant 0 : i32
      %dma_wait3A_111 = tpu.memref_slice %arg6[%add3A_60, %dma_wait3A_110] : memref<80x125xi32, #tpu.memory_space<vmem>> -> memref<1x125xi32, #tpu.memory_space<vmem>>
      %dma_wait3A_112 = tpu.memref_squeeze %dma_wait3A_111 : memref<1x125xi32, #tpu.memory_space<vmem>> -> memref<125xi32, #tpu.memory_space<vmem>>
      %dma_wait3A_113 = arith.constant 0 : i32
      %dma_wait3A_114 = arith.constant 0 : i32
      %dma_wait3A_115 = tpu.memref_slice %arg8[%dma_wait3A_113, %dma_wait3A_114] : memref<10000x16xf32, #tpu.memory_space<vmem_shared>> -> memref<10000x16xf32, #tpu.memory_space<vmem_shared>>
      tpu.wait_indirect_dma semaphore(%arg9 : memref<!tpu.dma_semaphore, #tpu.memory_space<semaphore_mem>>) src(%arg7 : memref<125x16xf32, #tpu.memory_space<vmem>>) dst(%dma_wait3A_115 : memref<10000x16xf32, #tpu.memory_space<vmem_shared>>)
      %dma_wait3A_116 = arith.constant 0 : i32
      %dma_wait3A_117 = tpu.memref_slice %arg6[%add3A_68, %dma_wait3A_116] : memref<80x125xi32, #tpu.memory_space<vmem>> -> memref<1x125xi32, #tpu.memory_space<vmem>>
      %dma_wait3A_118 = tpu.memref_squeeze %dma_wait3A_117 : memref<1x125xi32, #tpu.memory_space<vmem>> -> memref<125xi32, #tpu.memory_space<vmem>>
      %dma_wait3A_119 = arith.constant 0 : i32
      %dma_wait3A_120 = arith.constant 0 : i32
      %dma_wait3A_121 = tpu.memref_slice %arg8[%dma_wait3A_119, %dma_wait3A_120] : memref<10000x16xf32, #tpu.memory_space<vmem_shared>> -> memref<10000x16xf32, #tpu.memory_space<vmem_shared>>
      tpu.wait_indirect_dma semaphore(%arg9 : memref<!tpu.dma_semaphore, #tpu.memory_space<semaphore_mem>>) src(%arg7 : memref<125x16xf32, #tpu.memory_space<vmem>>) dst(%dma_wait3A_121 : memref<10000x16xf32, #tpu.memory_space<vmem_shared>>)
    }
    %scan3A_4 = arith.constant 10 : i32
    %barrier3A_5 = arith.constant 0 : index
    tpu.barrier barrier_id(%barrier3A_5)
    %mul3A_6 = arith.constant 625 : i32
    %mul3A_7 = arith.muli %arg1, %mul3A_6 : i32
    "tpu.region"() ({
      %run_scoped3A = tpu.sem_alloc : memref<!tpu.dma_semaphore, #tpu.memory_space<semaphore_mem>>
      %dma_start3A = arith.constant 0 : i32
      %dma_start3A_8 = arith.constant 0 : i32
      %dma_start3A_9 = tpu.memref_slice %arg5[%arg0, %arg1, %dma_start3A, %dma_start3A_8] : memref<2x16x625x16xf32, #tpu.memory_space<hbm>> -> memref<1x1x625x16xf32, #tpu.memory_space<hbm>>
      %dma_start3A_10 = tpu.memref_squeeze %dma_start3A_9 : memref<1x1x625x16xf32, #tpu.memory_space<hbm>> -> memref<625x16xf32, #tpu.memory_space<hbm>>
      %dma_start3A_11 = arith.constant 0 : i32
      %dma_start3A_12 = tpu.memref_slice %arg8[%mul3A_7, %dma_start3A_11] : memref<10000x16xf32, #tpu.memory_space<vmem_shared>> -> memref<625x16xf32, #tpu.memory_space<vmem_shared>>
      tpu.enqueue_dma source(%dma_start3A_12 : memref<625x16xf32, #tpu.memory_space<vmem_shared>>) target(%dma_start3A_10 : memref<625x16xf32, #tpu.memory_space<hbm>>) target_semaphore(%run_scoped3A : memref<!tpu.dma_semaphore, #tpu.memory_space<semaphore_mem>>)
      %dma_wait3A = arith.constant 0 : i32
      %dma_wait3A_13 = arith.constant 0 : i32
      %dma_wait3A_14 = tpu.memref_slice %arg5[%arg0, %arg1, %dma_wait3A, %dma_wait3A_13] : memref<2x16x625x16xf32, #tpu.memory_space<hbm>> -> memref<1x1x625x16xf32, #tpu.memory_space<hbm>>
      %dma_wait3A_15 = tpu.memref_squeeze %dma_wait3A_14 : memref<1x1x625x16xf32, #tpu.memory_space<hbm>> -> memref<625x16xf32, #tpu.memory_space<hbm>>
      %dma_wait3A_16 = arith.constant 0 : i32
      %dma_wait3A_17 = tpu.memref_slice %arg8[%mul3A_7, %dma_wait3A_16] : memref<10000x16xf32, #tpu.memory_space<vmem_shared>> -> memref<625x16xf32, #tpu.memory_space<vmem_shared>>
      tpu.wait_dma2 semaphore(%run_scoped3A : memref<!tpu.dma_semaphore, #tpu.memory_space<semaphore_mem>>) src(%dma_wait3A_17 : memref<625x16xf32, #tpu.memory_space<vmem_shared>>) dst(%dma_wait3A_15 : memref<625x16xf32, #tpu.memory_space<hbm>>)
      tpu.yield
    }) : () -> ()
    return
  }
}

#map = affine_map<(d0, d1) -> (0, 0)>
#map1 = affine_map<(d0, d1) -> (0, 0, 0, 0)>
#map2 = affine_map<(d0, d1) -> (0, 0, 0)>
module attributes {stable_mosaic.version = 14 : i64} {
  func.func @_spmm_pass(%arg0: i32, %arg1: i32, %arg2: memref<10000x32xf32, #tpu.memory_space<hbm>>, %arg3: memref<2x16x80x125xi32, #tpu.memory_space<hbm>>, %arg4: memref<2x16x80x125xi32, #tpu.memory_space<hbm>>, %arg5: memref<16x625x32xf32, #tpu.memory_space<hbm>>, %arg6: memref<2x16x625x32xf32, #tpu.memory_space<hbm>>, %arg7: memref<80x125xi32, #tpu.memory_space<vmem>>, %arg8: memref<80x125xi32, #tpu.memory_space<vmem>>, %arg9: memref<500x32xf32, #tpu.memory_space<vmem>>, %arg10: memref<500x32xf32, #tpu.memory_space<vmem>>, %arg11: memref<500x32xf32, #tpu.memory_space<vmem>>, %arg12: memref<500x32xf32, #tpu.memory_space<vmem>>, %arg13: memref<10000x32xf32, #tpu.memory_space<vmem_shared>>, %arg14: memref<!tpu.dma_semaphore, #tpu.memory_space<semaphore_mem>>, %arg15: memref<!tpu.dma_semaphore, #tpu.memory_space<semaphore_mem>>, %arg16: memref<!tpu.dma_semaphore, #tpu.memory_space<semaphore_mem>>, %arg17: memref<!tpu.dma_semaphore, #tpu.memory_space<semaphore_mem>>, %arg18: memref<!tpu.dma_semaphore, #tpu.memory_space<semaphore_mem>>, %arg19: memref<!tpu.dma_semaphore, #tpu.memory_space<semaphore_mem>>, %arg20: memref<!tpu.dma_semaphore, #tpu.memory_space<semaphore_mem>>, %arg21: memref<!tpu.dma_semaphore, #tpu.memory_space<semaphore_mem>>) attributes {dimension_semantics = [#tpu.dimension_semantics<core_parallel>, #tpu.dimension_semantics<subcore_parallel>], iteration_bounds = array<i64: 2, 16>, scalar_prefetch = 0 : i64, scratch_operands = 15 : i64, tpu.core_type = #tpu.core_type<sc_vector_subcore>, window_params = [{transform_indices = #map}, {transform_indices = #map1}, {transform_indices = #map1}, {transform_indices = #map2}, {transform_indices = #map1}]} {
    "tpu.region"() ({
      %run_scoped3A = tpu.sem_alloc : memref<!tpu.dma_semaphore, #tpu.memory_space<semaphore_mem>>
      %dma_start3A_165 = arith.constant 0 : i32
      %dma_start3A_166 = arith.constant 0 : i32
      %dma_start3A_167 = tpu.memref_slice %arg3[%arg0, %arg1, %dma_start3A_165, %dma_start3A_166] : memref<2x16x80x125xi32, #tpu.memory_space<hbm>> -> memref<1x1x80x125xi32, #tpu.memory_space<hbm>>
      %dma_start3A_168 = tpu.memref_squeeze %dma_start3A_167 : memref<1x1x80x125xi32, #tpu.memory_space<hbm>> -> memref<80x125xi32, #tpu.memory_space<hbm>>
      %dma_start3A_169 = arith.constant 0 : i32
      %dma_start3A_170 = arith.constant 0 : i32
      %dma_start3A_171 = tpu.memref_slice %arg3[%arg0, %arg1, %dma_start3A_169, %dma_start3A_170] : memref<2x16x80x125xi32, #tpu.memory_space<hbm>> -> memref<1x1x80x125xi32, #tpu.memory_space<hbm>>
      %dma_start3A_172 = tpu.memref_squeeze %dma_start3A_171 : memref<1x1x80x125xi32, #tpu.memory_space<hbm>> -> memref<80x125xi32, #tpu.memory_space<hbm>>
      tpu.enqueue_dma source(%dma_start3A_172 : memref<80x125xi32, #tpu.memory_space<hbm>>) target(%arg7 : memref<80x125xi32, #tpu.memory_space<vmem>>) target_semaphore(%run_scoped3A : memref<!tpu.dma_semaphore, #tpu.memory_space<semaphore_mem>>)
      %dma_wait3A = arith.constant 0 : i32
      %dma_wait3A_173 = arith.constant 0 : i32
      %dma_wait3A_174 = tpu.memref_slice %arg3[%arg0, %arg1, %dma_wait3A, %dma_wait3A_173] : memref<2x16x80x125xi32, #tpu.memory_space<hbm>> -> memref<1x1x80x125xi32, #tpu.memory_space<hbm>>
      %dma_wait3A_175 = tpu.memref_squeeze %dma_wait3A_174 : memref<1x1x80x125xi32, #tpu.memory_space<hbm>> -> memref<80x125xi32, #tpu.memory_space<hbm>>
      %dma_wait3A_176 = arith.constant 0 : i32
      %dma_wait3A_177 = arith.constant 0 : i32
      %dma_wait3A_178 = tpu.memref_slice %arg3[%arg0, %arg1, %dma_wait3A_176, %dma_wait3A_177] : memref<2x16x80x125xi32, #tpu.memory_space<hbm>> -> memref<1x1x80x125xi32, #tpu.memory_space<hbm>>
      %dma_wait3A_179 = tpu.memref_squeeze %dma_wait3A_178 : memref<1x1x80x125xi32, #tpu.memory_space<hbm>> -> memref<80x125xi32, #tpu.memory_space<hbm>>
      tpu.wait_dma2 semaphore(%run_scoped3A : memref<!tpu.dma_semaphore, #tpu.memory_space<semaphore_mem>>) src(%dma_wait3A_179 : memref<80x125xi32, #tpu.memory_space<hbm>>) dst(%arg7 : memref<80x125xi32, #tpu.memory_space<vmem>>)
      tpu.yield
    }) : () -> ()
    "tpu.region"() ({
      %run_scoped3A = tpu.sem_alloc : memref<!tpu.dma_semaphore, #tpu.memory_space<semaphore_mem>>
      %dma_start3A_165 = arith.constant 0 : i32
      %dma_start3A_166 = arith.constant 0 : i32
      %dma_start3A_167 = tpu.memref_slice %arg4[%arg0, %arg1, %dma_start3A_165, %dma_start3A_166] : memref<2x16x80x125xi32, #tpu.memory_space<hbm>> -> memref<1x1x80x125xi32, #tpu.memory_space<hbm>>
      %dma_start3A_168 = tpu.memref_squeeze %dma_start3A_167 : memref<1x1x80x125xi32, #tpu.memory_space<hbm>> -> memref<80x125xi32, #tpu.memory_space<hbm>>
      %dma_start3A_169 = arith.constant 0 : i32
      %dma_start3A_170 = arith.constant 0 : i32
      %dma_start3A_171 = tpu.memref_slice %arg4[%arg0, %arg1, %dma_start3A_169, %dma_start3A_170] : memref<2x16x80x125xi32, #tpu.memory_space<hbm>> -> memref<1x1x80x125xi32, #tpu.memory_space<hbm>>
      %dma_start3A_172 = tpu.memref_squeeze %dma_start3A_171 : memref<1x1x80x125xi32, #tpu.memory_space<hbm>> -> memref<80x125xi32, #tpu.memory_space<hbm>>
      tpu.enqueue_dma source(%dma_start3A_172 : memref<80x125xi32, #tpu.memory_space<hbm>>) target(%arg8 : memref<80x125xi32, #tpu.memory_space<vmem>>) target_semaphore(%run_scoped3A : memref<!tpu.dma_semaphore, #tpu.memory_space<semaphore_mem>>)
      %dma_wait3A = arith.constant 0 : i32
      %dma_wait3A_173 = arith.constant 0 : i32
      %dma_wait3A_174 = tpu.memref_slice %arg4[%arg0, %arg1, %dma_wait3A, %dma_wait3A_173] : memref<2x16x80x125xi32, #tpu.memory_space<hbm>> -> memref<1x1x80x125xi32, #tpu.memory_space<hbm>>
      %dma_wait3A_175 = tpu.memref_squeeze %dma_wait3A_174 : memref<1x1x80x125xi32, #tpu.memory_space<hbm>> -> memref<80x125xi32, #tpu.memory_space<hbm>>
      %dma_wait3A_176 = arith.constant 0 : i32
      %dma_wait3A_177 = arith.constant 0 : i32
      %dma_wait3A_178 = tpu.memref_slice %arg4[%arg0, %arg1, %dma_wait3A_176, %dma_wait3A_177] : memref<2x16x80x125xi32, #tpu.memory_space<hbm>> -> memref<1x1x80x125xi32, #tpu.memory_space<hbm>>
      %dma_wait3A_179 = tpu.memref_squeeze %dma_wait3A_178 : memref<1x1x80x125xi32, #tpu.memory_space<hbm>> -> memref<80x125xi32, #tpu.memory_space<hbm>>
      tpu.wait_dma2 semaphore(%run_scoped3A : memref<!tpu.dma_semaphore, #tpu.memory_space<semaphore_mem>>) src(%dma_wait3A_179 : memref<80x125xi32, #tpu.memory_space<hbm>>) dst(%arg8 : memref<80x125xi32, #tpu.memory_space<vmem>>)
      tpu.yield
    }) : () -> ()
    %mul3A = arith.constant 625 : i32
    %mul3A_0 = arith.muli %arg1, %mul3A : i32
    "tpu.region"() ({
      %run_scoped3A = tpu.sem_alloc : memref<!tpu.dma_semaphore, #tpu.memory_space<semaphore_mem>>
      %dma_start3A_165 = arith.constant 0 : i32
      %dma_start3A_166 = tpu.memref_slice %arg13[%mul3A_0, %dma_start3A_165] : memref<10000x32xf32, #tpu.memory_space<vmem_shared>> -> memref<625x32xf32, #tpu.memory_space<vmem_shared>>
      %dma_start3A_167 = arith.constant 0 : i32
      %dma_start3A_168 = arith.constant 0 : i32
      %dma_start3A_169 = tpu.memref_slice %arg5[%arg1, %dma_start3A_167, %dma_start3A_168] : memref<16x625x32xf32, #tpu.memory_space<hbm>> -> memref<1x625x32xf32, #tpu.memory_space<hbm>>
      %dma_start3A_170 = tpu.memref_squeeze %dma_start3A_169 : memref<1x625x32xf32, #tpu.memory_space<hbm>> -> memref<625x32xf32, #tpu.memory_space<hbm>>
      tpu.enqueue_dma source(%dma_start3A_170 : memref<625x32xf32, #tpu.memory_space<hbm>>) target(%dma_start3A_166 : memref<625x32xf32, #tpu.memory_space<vmem_shared>>) target_semaphore(%run_scoped3A : memref<!tpu.dma_semaphore, #tpu.memory_space<semaphore_mem>>)
      %dma_wait3A = arith.constant 0 : i32
      %dma_wait3A_171 = tpu.memref_slice %arg13[%mul3A_0, %dma_wait3A] : memref<10000x32xf32, #tpu.memory_space<vmem_shared>> -> memref<625x32xf32, #tpu.memory_space<vmem_shared>>
      %dma_wait3A_172 = arith.constant 0 : i32
      %dma_wait3A_173 = arith.constant 0 : i32
      %dma_wait3A_174 = tpu.memref_slice %arg5[%arg1, %dma_wait3A_172, %dma_wait3A_173] : memref<16x625x32xf32, #tpu.memory_space<hbm>> -> memref<1x625x32xf32, #tpu.memory_space<hbm>>
      %dma_wait3A_175 = tpu.memref_squeeze %dma_wait3A_174 : memref<1x625x32xf32, #tpu.memory_space<hbm>> -> memref<625x32xf32, #tpu.memory_space<hbm>>
      tpu.wait_dma2 semaphore(%run_scoped3A : memref<!tpu.dma_semaphore, #tpu.memory_space<semaphore_mem>>) src(%dma_wait3A_175 : memref<625x32xf32, #tpu.memory_space<hbm>>) dst(%dma_wait3A_171 : memref<625x32xf32, #tpu.memory_space<vmem_shared>>)
      tpu.yield
    }) : () -> ()
    %barrier3A = arith.constant 0 : index
    tpu.barrier barrier_id(%barrier3A)
    %dma_start3A = arith.constant 0 : i32
    %dma_start3A_1 = arith.constant 0 : i32
    %dma_start3A_2 = arith.constant 0 : i32
    %dma_start3A_3 = tpu.memref_slice %arg9[%dma_start3A_1, %dma_start3A_2] : memref<500x32xf32, #tpu.memory_space<vmem>> -> memref<125x32xf32, #tpu.memory_space<vmem>>
    %dma_start3A_4 = arith.constant 0 : i32
    %dma_start3A_5 = tpu.memref_slice %arg7[%dma_start3A, %dma_start3A_4] : memref<80x125xi32, #tpu.memory_space<vmem>> -> memref<1x125xi32, #tpu.memory_space<vmem>>
    %dma_start3A_6 = tpu.memref_squeeze %dma_start3A_5 : memref<1x125xi32, #tpu.memory_space<vmem>> -> memref<125xi32, #tpu.memory_space<vmem>>
    %dma_start3A_7 = arith.constant 0 : i32
    %dma_start3A_8 = arith.constant 0 : i32
    %dma_start3A_9 = tpu.memref_slice %arg2[%dma_start3A_7, %dma_start3A_8] : memref<10000x32xf32, #tpu.memory_space<hbm>> -> memref<10000x32xf32, #tpu.memory_space<hbm>>
    tpu.enqueue_indirect_dma source(%dma_start3A_9 : memref<10000x32xf32, #tpu.memory_space<hbm>>) target(%dma_start3A_3 : memref<125x32xf32, #tpu.memory_space<vmem>>) offsets(%dma_start3A_6 : memref<125xi32, #tpu.memory_space<vmem>>) semaphore(%arg14 : memref<!tpu.dma_semaphore, #tpu.memory_space<semaphore_mem>>)
    %dma_start3A_10 = arith.constant 1 : i32
    %dma_start3A_11 = arith.constant 125 : i32
    %dma_start3A_12 = arith.constant 0 : i32
    %dma_start3A_13 = tpu.memref_slice %arg9[%dma_start3A_11, %dma_start3A_12] : memref<500x32xf32, #tpu.memory_space<vmem>> -> memref<125x32xf32, #tpu.memory_space<vmem>>
    %dma_start3A_14 = arith.constant 0 : i32
    %dma_start3A_15 = tpu.memref_slice %arg7[%dma_start3A_10, %dma_start3A_14] : memref<80x125xi32, #tpu.memory_space<vmem>> -> memref<1x125xi32, #tpu.memory_space<vmem>>
    %dma_start3A_16 = tpu.memref_squeeze %dma_start3A_15 : memref<1x125xi32, #tpu.memory_space<vmem>> -> memref<125xi32, #tpu.memory_space<vmem>>
    %dma_start3A_17 = arith.constant 0 : i32
    %dma_start3A_18 = arith.constant 0 : i32
    %dma_start3A_19 = tpu.memref_slice %arg2[%dma_start3A_17, %dma_start3A_18] : memref<10000x32xf32, #tpu.memory_space<hbm>> -> memref<10000x32xf32, #tpu.memory_space<hbm>>
    tpu.enqueue_indirect_dma source(%dma_start3A_19 : memref<10000x32xf32, #tpu.memory_space<hbm>>) target(%dma_start3A_13 : memref<125x32xf32, #tpu.memory_space<vmem>>) offsets(%dma_start3A_16 : memref<125xi32, #tpu.memory_space<vmem>>) semaphore(%arg14 : memref<!tpu.dma_semaphore, #tpu.memory_space<semaphore_mem>>)
    %dma_start3A_20 = arith.constant 2 : i32
    %dma_start3A_21 = arith.constant 250 : i32
    %dma_start3A_22 = arith.constant 0 : i32
    %dma_start3A_23 = tpu.memref_slice %arg9[%dma_start3A_21, %dma_start3A_22] : memref<500x32xf32, #tpu.memory_space<vmem>> -> memref<125x32xf32, #tpu.memory_space<vmem>>
    %dma_start3A_24 = arith.constant 0 : i32
    %dma_start3A_25 = tpu.memref_slice %arg7[%dma_start3A_20, %dma_start3A_24] : memref<80x125xi32, #tpu.memory_space<vmem>> -> memref<1x125xi32, #tpu.memory_space<vmem>>
    %dma_start3A_26 = tpu.memref_squeeze %dma_start3A_25 : memref<1x125xi32, #tpu.memory_space<vmem>> -> memref<125xi32, #tpu.memory_space<vmem>>
    %dma_start3A_27 = arith.constant 0 : i32
    %dma_start3A_28 = arith.constant 0 : i32
    %dma_start3A_29 = tpu.memref_slice %arg2[%dma_start3A_27, %dma_start3A_28] : memref<10000x32xf32, #tpu.memory_space<hbm>> -> memref<10000x32xf32, #tpu.memory_space<hbm>>
    tpu.enqueue_indirect_dma source(%dma_start3A_29 : memref<10000x32xf32, #tpu.memory_space<hbm>>) target(%dma_start3A_23 : memref<125x32xf32, #tpu.memory_space<vmem>>) offsets(%dma_start3A_26 : memref<125xi32, #tpu.memory_space<vmem>>) semaphore(%arg14 : memref<!tpu.dma_semaphore, #tpu.memory_space<semaphore_mem>>)
    %dma_start3A_30 = arith.constant 3 : i32
    %dma_start3A_31 = arith.constant 375 : i32
    %dma_start3A_32 = arith.constant 0 : i32
    %dma_start3A_33 = tpu.memref_slice %arg9[%dma_start3A_31, %dma_start3A_32] : memref<500x32xf32, #tpu.memory_space<vmem>> -> memref<125x32xf32, #tpu.memory_space<vmem>>
    %dma_start3A_34 = arith.constant 0 : i32
    %dma_start3A_35 = tpu.memref_slice %arg7[%dma_start3A_30, %dma_start3A_34] : memref<80x125xi32, #tpu.memory_space<vmem>> -> memref<1x125xi32, #tpu.memory_space<vmem>>
    %dma_start3A_36 = tpu.memref_squeeze %dma_start3A_35 : memref<1x125xi32, #tpu.memory_space<vmem>> -> memref<125xi32, #tpu.memory_space<vmem>>
    %dma_start3A_37 = arith.constant 0 : i32
    %dma_start3A_38 = arith.constant 0 : i32
    %dma_start3A_39 = tpu.memref_slice %arg2[%dma_start3A_37, %dma_start3A_38] : memref<10000x32xf32, #tpu.memory_space<hbm>> -> memref<10000x32xf32, #tpu.memory_space<hbm>>
    tpu.enqueue_indirect_dma source(%dma_start3A_39 : memref<10000x32xf32, #tpu.memory_space<hbm>>) target(%dma_start3A_33 : memref<125x32xf32, #tpu.memory_space<vmem>>) offsets(%dma_start3A_36 : memref<125xi32, #tpu.memory_space<vmem>>) semaphore(%arg14 : memref<!tpu.dma_semaphore, #tpu.memory_space<semaphore_mem>>)
    %dma_start3A_40 = arith.constant 4 : i32
    %dma_start3A_41 = arith.constant 0 : i32
    %dma_start3A_42 = arith.constant 0 : i32
    %dma_start3A_43 = tpu.memref_slice %arg10[%dma_start3A_41, %dma_start3A_42] : memref<500x32xf32, #tpu.memory_space<vmem>> -> memref<125x32xf32, #tpu.memory_space<vmem>>
    %dma_start3A_44 = arith.constant 0 : i32
    %dma_start3A_45 = tpu.memref_slice %arg7[%dma_start3A_40, %dma_start3A_44] : memref<80x125xi32, #tpu.memory_space<vmem>> -> memref<1x125xi32, #tpu.memory_space<vmem>>
    %dma_start3A_46 = tpu.memref_squeeze %dma_start3A_45 : memref<1x125xi32, #tpu.memory_space<vmem>> -> memref<125xi32, #tpu.memory_space<vmem>>
    %dma_start3A_47 = arith.constant 0 : i32
    %dma_start3A_48 = arith.constant 0 : i32
    %dma_start3A_49 = tpu.memref_slice %arg2[%dma_start3A_47, %dma_start3A_48] : memref<10000x32xf32, #tpu.memory_space<hbm>> -> memref<10000x32xf32, #tpu.memory_space<hbm>>
    tpu.enqueue_indirect_dma source(%dma_start3A_49 : memref<10000x32xf32, #tpu.memory_space<hbm>>) target(%dma_start3A_43 : memref<125x32xf32, #tpu.memory_space<vmem>>) offsets(%dma_start3A_46 : memref<125xi32, #tpu.memory_space<vmem>>) semaphore(%arg15 : memref<!tpu.dma_semaphore, #tpu.memory_space<semaphore_mem>>)
    %dma_start3A_50 = arith.constant 5 : i32
    %dma_start3A_51 = arith.constant 125 : i32
    %dma_start3A_52 = arith.constant 0 : i32
    %dma_start3A_53 = tpu.memref_slice %arg10[%dma_start3A_51, %dma_start3A_52] : memref<500x32xf32, #tpu.memory_space<vmem>> -> memref<125x32xf32, #tpu.memory_space<vmem>>
    %dma_start3A_54 = arith.constant 0 : i32
    %dma_start3A_55 = tpu.memref_slice %arg7[%dma_start3A_50, %dma_start3A_54] : memref<80x125xi32, #tpu.memory_space<vmem>> -> memref<1x125xi32, #tpu.memory_space<vmem>>
    %dma_start3A_56 = tpu.memref_squeeze %dma_start3A_55 : memref<1x125xi32, #tpu.memory_space<vmem>> -> memref<125xi32, #tpu.memory_space<vmem>>
    %dma_start3A_57 = arith.constant 0 : i32
    %dma_start3A_58 = arith.constant 0 : i32
    %dma_start3A_59 = tpu.memref_slice %arg2[%dma_start3A_57, %dma_start3A_58] : memref<10000x32xf32, #tpu.memory_space<hbm>> -> memref<10000x32xf32, #tpu.memory_space<hbm>>
    tpu.enqueue_indirect_dma source(%dma_start3A_59 : memref<10000x32xf32, #tpu.memory_space<hbm>>) target(%dma_start3A_53 : memref<125x32xf32, #tpu.memory_space<vmem>>) offsets(%dma_start3A_56 : memref<125xi32, #tpu.memory_space<vmem>>) semaphore(%arg15 : memref<!tpu.dma_semaphore, #tpu.memory_space<semaphore_mem>>)
    %dma_start3A_60 = arith.constant 6 : i32
    %dma_start3A_61 = arith.constant 250 : i32
    %dma_start3A_62 = arith.constant 0 : i32
    %dma_start3A_63 = tpu.memref_slice %arg10[%dma_start3A_61, %dma_start3A_62] : memref<500x32xf32, #tpu.memory_space<vmem>> -> memref<125x32xf32, #tpu.memory_space<vmem>>
    %dma_start3A_64 = arith.constant 0 : i32
    %dma_start3A_65 = tpu.memref_slice %arg7[%dma_start3A_60, %dma_start3A_64] : memref<80x125xi32, #tpu.memory_space<vmem>> -> memref<1x125xi32, #tpu.memory_space<vmem>>
    %dma_start3A_66 = tpu.memref_squeeze %dma_start3A_65 : memref<1x125xi32, #tpu.memory_space<vmem>> -> memref<125xi32, #tpu.memory_space<vmem>>
    %dma_start3A_67 = arith.constant 0 : i32
    %dma_start3A_68 = arith.constant 0 : i32
    %dma_start3A_69 = tpu.memref_slice %arg2[%dma_start3A_67, %dma_start3A_68] : memref<10000x32xf32, #tpu.memory_space<hbm>> -> memref<10000x32xf32, #tpu.memory_space<hbm>>
    tpu.enqueue_indirect_dma source(%dma_start3A_69 : memref<10000x32xf32, #tpu.memory_space<hbm>>) target(%dma_start3A_63 : memref<125x32xf32, #tpu.memory_space<vmem>>) offsets(%dma_start3A_66 : memref<125xi32, #tpu.memory_space<vmem>>) semaphore(%arg15 : memref<!tpu.dma_semaphore, #tpu.memory_space<semaphore_mem>>)
    %dma_start3A_70 = arith.constant 7 : i32
    %dma_start3A_71 = arith.constant 375 : i32
    %dma_start3A_72 = arith.constant 0 : i32
    %dma_start3A_73 = tpu.memref_slice %arg10[%dma_start3A_71, %dma_start3A_72] : memref<500x32xf32, #tpu.memory_space<vmem>> -> memref<125x32xf32, #tpu.memory_space<vmem>>
    %dma_start3A_74 = arith.constant 0 : i32
    %dma_start3A_75 = tpu.memref_slice %arg7[%dma_start3A_70, %dma_start3A_74] : memref<80x125xi32, #tpu.memory_space<vmem>> -> memref<1x125xi32, #tpu.memory_space<vmem>>
    %dma_start3A_76 = tpu.memref_squeeze %dma_start3A_75 : memref<1x125xi32, #tpu.memory_space<vmem>> -> memref<125xi32, #tpu.memory_space<vmem>>
    %dma_start3A_77 = arith.constant 0 : i32
    %dma_start3A_78 = arith.constant 0 : i32
    %dma_start3A_79 = tpu.memref_slice %arg2[%dma_start3A_77, %dma_start3A_78] : memref<10000x32xf32, #tpu.memory_space<hbm>> -> memref<10000x32xf32, #tpu.memory_space<hbm>>
    tpu.enqueue_indirect_dma source(%dma_start3A_79 : memref<10000x32xf32, #tpu.memory_space<hbm>>) target(%dma_start3A_73 : memref<125x32xf32, #tpu.memory_space<vmem>>) offsets(%dma_start3A_76 : memref<125xi32, #tpu.memory_space<vmem>>) semaphore(%arg15 : memref<!tpu.dma_semaphore, #tpu.memory_space<semaphore_mem>>)
    %dma_start3A_80 = arith.constant 8 : i32
    %dma_start3A_81 = arith.constant 0 : i32
    %dma_start3A_82 = arith.constant 0 : i32
    %dma_start3A_83 = tpu.memref_slice %arg11[%dma_start3A_81, %dma_start3A_82] : memref<500x32xf32, #tpu.memory_space<vmem>> -> memref<125x32xf32, #tpu.memory_space<vmem>>
    %dma_start3A_84 = arith.constant 0 : i32
    %dma_start3A_85 = tpu.memref_slice %arg7[%dma_start3A_80, %dma_start3A_84] : memref<80x125xi32, #tpu.memory_space<vmem>> -> memref<1x125xi32, #tpu.memory_space<vmem>>
    %dma_start3A_86 = tpu.memref_squeeze %dma_start3A_85 : memref<1x125xi32, #tpu.memory_space<vmem>> -> memref<125xi32, #tpu.memory_space<vmem>>
    %dma_start3A_87 = arith.constant 0 : i32
    %dma_start3A_88 = arith.constant 0 : i32
    %dma_start3A_89 = tpu.memref_slice %arg2[%dma_start3A_87, %dma_start3A_88] : memref<10000x32xf32, #tpu.memory_space<hbm>> -> memref<10000x32xf32, #tpu.memory_space<hbm>>
    tpu.enqueue_indirect_dma source(%dma_start3A_89 : memref<10000x32xf32, #tpu.memory_space<hbm>>) target(%dma_start3A_83 : memref<125x32xf32, #tpu.memory_space<vmem>>) offsets(%dma_start3A_86 : memref<125xi32, #tpu.memory_space<vmem>>) semaphore(%arg16 : memref<!tpu.dma_semaphore, #tpu.memory_space<semaphore_mem>>)
    %dma_start3A_90 = arith.constant 9 : i32
    %dma_start3A_91 = arith.constant 125 : i32
    %dma_start3A_92 = arith.constant 0 : i32
    %dma_start3A_93 = tpu.memref_slice %arg11[%dma_start3A_91, %dma_start3A_92] : memref<500x32xf32, #tpu.memory_space<vmem>> -> memref<125x32xf32, #tpu.memory_space<vmem>>
    %dma_start3A_94 = arith.constant 0 : i32
    %dma_start3A_95 = tpu.memref_slice %arg7[%dma_start3A_90, %dma_start3A_94] : memref<80x125xi32, #tpu.memory_space<vmem>> -> memref<1x125xi32, #tpu.memory_space<vmem>>
    %dma_start3A_96 = tpu.memref_squeeze %dma_start3A_95 : memref<1x125xi32, #tpu.memory_space<vmem>> -> memref<125xi32, #tpu.memory_space<vmem>>
    %dma_start3A_97 = arith.constant 0 : i32
    %dma_start3A_98 = arith.constant 0 : i32
    %dma_start3A_99 = tpu.memref_slice %arg2[%dma_start3A_97, %dma_start3A_98] : memref<10000x32xf32, #tpu.memory_space<hbm>> -> memref<10000x32xf32, #tpu.memory_space<hbm>>
    tpu.enqueue_indirect_dma source(%dma_start3A_99 : memref<10000x32xf32, #tpu.memory_space<hbm>>) target(%dma_start3A_93 : memref<125x32xf32, #tpu.memory_space<vmem>>) offsets(%dma_start3A_96 : memref<125xi32, #tpu.memory_space<vmem>>) semaphore(%arg16 : memref<!tpu.dma_semaphore, #tpu.memory_space<semaphore_mem>>)
    %dma_start3A_100 = arith.constant 10 : i32
    %dma_start3A_101 = arith.constant 250 : i32
    %dma_start3A_102 = arith.constant 0 : i32
    %dma_start3A_103 = tpu.memref_slice %arg11[%dma_start3A_101, %dma_start3A_102] : memref<500x32xf32, #tpu.memory_space<vmem>> -> memref<125x32xf32, #tpu.memory_space<vmem>>
    %dma_start3A_104 = arith.constant 0 : i32
    %dma_start3A_105 = tpu.memref_slice %arg7[%dma_start3A_100, %dma_start3A_104] : memref<80x125xi32, #tpu.memory_space<vmem>> -> memref<1x125xi32, #tpu.memory_space<vmem>>
    %dma_start3A_106 = tpu.memref_squeeze %dma_start3A_105 : memref<1x125xi32, #tpu.memory_space<vmem>> -> memref<125xi32, #tpu.memory_space<vmem>>
    %dma_start3A_107 = arith.constant 0 : i32
    %dma_start3A_108 = arith.constant 0 : i32
    %dma_start3A_109 = tpu.memref_slice %arg2[%dma_start3A_107, %dma_start3A_108] : memref<10000x32xf32, #tpu.memory_space<hbm>> -> memref<10000x32xf32, #tpu.memory_space<hbm>>
    tpu.enqueue_indirect_dma source(%dma_start3A_109 : memref<10000x32xf32, #tpu.memory_space<hbm>>) target(%dma_start3A_103 : memref<125x32xf32, #tpu.memory_space<vmem>>) offsets(%dma_start3A_106 : memref<125xi32, #tpu.memory_space<vmem>>) semaphore(%arg16 : memref<!tpu.dma_semaphore, #tpu.memory_space<semaphore_mem>>)
    %dma_start3A_110 = arith.constant 11 : i32
    %dma_start3A_111 = arith.constant 375 : i32
    %dma_start3A_112 = arith.constant 0 : i32
    %dma_start3A_113 = tpu.memref_slice %arg11[%dma_start3A_111, %dma_start3A_112] : memref<500x32xf32, #tpu.memory_space<vmem>> -> memref<125x32xf32, #tpu.memory_space<vmem>>
    %dma_start3A_114 = arith.constant 0 : i32
    %dma_start3A_115 = tpu.memref_slice %arg7[%dma_start3A_110, %dma_start3A_114] : memref<80x125xi32, #tpu.memory_space<vmem>> -> memref<1x125xi32, #tpu.memory_space<vmem>>
    %dma_start3A_116 = tpu.memref_squeeze %dma_start3A_115 : memref<1x125xi32, #tpu.memory_space<vmem>> -> memref<125xi32, #tpu.memory_space<vmem>>
    %dma_start3A_117 = arith.constant 0 : i32
    %dma_start3A_118 = arith.constant 0 : i32
    %dma_start3A_119 = tpu.memref_slice %arg2[%dma_start3A_117, %dma_start3A_118] : memref<10000x32xf32, #tpu.memory_space<hbm>> -> memref<10000x32xf32, #tpu.memory_space<hbm>>
    tpu.enqueue_indirect_dma source(%dma_start3A_119 : memref<10000x32xf32, #tpu.memory_space<hbm>>) target(%dma_start3A_113 : memref<125x32xf32, #tpu.memory_space<vmem>>) offsets(%dma_start3A_116 : memref<125xi32, #tpu.memory_space<vmem>>) semaphore(%arg16 : memref<!tpu.dma_semaphore, #tpu.memory_space<semaphore_mem>>)
    %dma_start3A_120 = arith.constant 12 : i32
    %dma_start3A_121 = arith.constant 0 : i32
    %dma_start3A_122 = arith.constant 0 : i32
    %dma_start3A_123 = tpu.memref_slice %arg12[%dma_start3A_121, %dma_start3A_122] : memref<500x32xf32, #tpu.memory_space<vmem>> -> memref<125x32xf32, #tpu.memory_space<vmem>>
    %dma_start3A_124 = arith.constant 0 : i32
    %dma_start3A_125 = tpu.memref_slice %arg7[%dma_start3A_120, %dma_start3A_124] : memref<80x125xi32, #tpu.memory_space<vmem>> -> memref<1x125xi32, #tpu.memory_space<vmem>>
    %dma_start3A_126 = tpu.memref_squeeze %dma_start3A_125 : memref<1x125xi32, #tpu.memory_space<vmem>> -> memref<125xi32, #tpu.memory_space<vmem>>
    %dma_start3A_127 = arith.constant 0 : i32
    %dma_start3A_128 = arith.constant 0 : i32
    %dma_start3A_129 = tpu.memref_slice %arg2[%dma_start3A_127, %dma_start3A_128] : memref<10000x32xf32, #tpu.memory_space<hbm>> -> memref<10000x32xf32, #tpu.memory_space<hbm>>
    tpu.enqueue_indirect_dma source(%dma_start3A_129 : memref<10000x32xf32, #tpu.memory_space<hbm>>) target(%dma_start3A_123 : memref<125x32xf32, #tpu.memory_space<vmem>>) offsets(%dma_start3A_126 : memref<125xi32, #tpu.memory_space<vmem>>) semaphore(%arg17 : memref<!tpu.dma_semaphore, #tpu.memory_space<semaphore_mem>>)
    %dma_start3A_130 = arith.constant 13 : i32
    %dma_start3A_131 = arith.constant 125 : i32
    %dma_start3A_132 = arith.constant 0 : i32
    %dma_start3A_133 = tpu.memref_slice %arg12[%dma_start3A_131, %dma_start3A_132] : memref<500x32xf32, #tpu.memory_space<vmem>> -> memref<125x32xf32, #tpu.memory_space<vmem>>
    %dma_start3A_134 = arith.constant 0 : i32
    %dma_start3A_135 = tpu.memref_slice %arg7[%dma_start3A_130, %dma_start3A_134] : memref<80x125xi32, #tpu.memory_space<vmem>> -> memref<1x125xi32, #tpu.memory_space<vmem>>
    %dma_start3A_136 = tpu.memref_squeeze %dma_start3A_135 : memref<1x125xi32, #tpu.memory_space<vmem>> -> memref<125xi32, #tpu.memory_space<vmem>>
    %dma_start3A_137 = arith.constant 0 : i32
    %dma_start3A_138 = arith.constant 0 : i32
    %dma_start3A_139 = tpu.memref_slice %arg2[%dma_start3A_137, %dma_start3A_138] : memref<10000x32xf32, #tpu.memory_space<hbm>> -> memref<10000x32xf32, #tpu.memory_space<hbm>>
    tpu.enqueue_indirect_dma source(%dma_start3A_139 : memref<10000x32xf32, #tpu.memory_space<hbm>>) target(%dma_start3A_133 : memref<125x32xf32, #tpu.memory_space<vmem>>) offsets(%dma_start3A_136 : memref<125xi32, #tpu.memory_space<vmem>>) semaphore(%arg17 : memref<!tpu.dma_semaphore, #tpu.memory_space<semaphore_mem>>)
    %dma_start3A_140 = arith.constant 14 : i32
    %dma_start3A_141 = arith.constant 250 : i32
    %dma_start3A_142 = arith.constant 0 : i32
    %dma_start3A_143 = tpu.memref_slice %arg12[%dma_start3A_141, %dma_start3A_142] : memref<500x32xf32, #tpu.memory_space<vmem>> -> memref<125x32xf32, #tpu.memory_space<vmem>>
    %dma_start3A_144 = arith.constant 0 : i32
    %dma_start3A_145 = tpu.memref_slice %arg7[%dma_start3A_140, %dma_start3A_144] : memref<80x125xi32, #tpu.memory_space<vmem>> -> memref<1x125xi32, #tpu.memory_space<vmem>>
    %dma_start3A_146 = tpu.memref_squeeze %dma_start3A_145 : memref<1x125xi32, #tpu.memory_space<vmem>> -> memref<125xi32, #tpu.memory_space<vmem>>
    %dma_start3A_147 = arith.constant 0 : i32
    %dma_start3A_148 = arith.constant 0 : i32
    %dma_start3A_149 = tpu.memref_slice %arg2[%dma_start3A_147, %dma_start3A_148] : memref<10000x32xf32, #tpu.memory_space<hbm>> -> memref<10000x32xf32, #tpu.memory_space<hbm>>
    tpu.enqueue_indirect_dma source(%dma_start3A_149 : memref<10000x32xf32, #tpu.memory_space<hbm>>) target(%dma_start3A_143 : memref<125x32xf32, #tpu.memory_space<vmem>>) offsets(%dma_start3A_146 : memref<125xi32, #tpu.memory_space<vmem>>) semaphore(%arg17 : memref<!tpu.dma_semaphore, #tpu.memory_space<semaphore_mem>>)
    %dma_start3A_150 = arith.constant 15 : i32
    %dma_start3A_151 = arith.constant 375 : i32
    %dma_start3A_152 = arith.constant 0 : i32
    %dma_start3A_153 = tpu.memref_slice %arg12[%dma_start3A_151, %dma_start3A_152] : memref<500x32xf32, #tpu.memory_space<vmem>> -> memref<125x32xf32, #tpu.memory_space<vmem>>
    %dma_start3A_154 = arith.constant 0 : i32
    %dma_start3A_155 = tpu.memref_slice %arg7[%dma_start3A_150, %dma_start3A_154] : memref<80x125xi32, #tpu.memory_space<vmem>> -> memref<1x125xi32, #tpu.memory_space<vmem>>
    %dma_start3A_156 = tpu.memref_squeeze %dma_start3A_155 : memref<1x125xi32, #tpu.memory_space<vmem>> -> memref<125xi32, #tpu.memory_space<vmem>>
    %dma_start3A_157 = arith.constant 0 : i32
    %dma_start3A_158 = arith.constant 0 : i32
    %dma_start3A_159 = tpu.memref_slice %arg2[%dma_start3A_157, %dma_start3A_158] : memref<10000x32xf32, #tpu.memory_space<hbm>> -> memref<10000x32xf32, #tpu.memory_space<hbm>>
    tpu.enqueue_indirect_dma source(%dma_start3A_159 : memref<10000x32xf32, #tpu.memory_space<hbm>>) target(%dma_start3A_153 : memref<125x32xf32, #tpu.memory_space<vmem>>) offsets(%dma_start3A_156 : memref<125xi32, #tpu.memory_space<vmem>>) semaphore(%arg17 : memref<!tpu.dma_semaphore, #tpu.memory_space<semaphore_mem>>)
    %scan3A = arith.constant 0 : i32
    %scan3A_160 = arith.constant 5 : i32
    %scan3A_161 = arith.addi %scan3A, %scan3A_160 : i32
    %scan3A_162 = arith.constant 1 : i32
    scf.for %scan3A_165 = %scan3A to %scan3A_161 step %scan3A_162  : i32 {
      %mul3A_166 = arith.constant 4 : i32
      %mul3A_167 = arith.muli %scan3A_165, %mul3A_166 : i32
      %add3A = arith.constant 0 : i32
      %add3A_168 = arith.addi %add3A, %mul3A_167 : i32
      %dma_wait3A = arith.constant 0 : i32
      %dma_wait3A_169 = arith.constant 0 : i32
      %dma_wait3A_170 = tpu.memref_slice %arg2[%dma_wait3A, %dma_wait3A_169] : memref<10000x32xf32, #tpu.memory_space<hbm>> -> memref<500x32xf32, #tpu.memory_space<hbm>>
      %dma_wait3A_171 = arith.constant 0 : i32
      %dma_wait3A_172 = arith.constant 0 : i32
      %dma_wait3A_173 = tpu.memref_slice %arg2[%dma_wait3A_171, %dma_wait3A_172] : memref<10000x32xf32, #tpu.memory_space<hbm>> -> memref<500x32xf32, #tpu.memory_space<hbm>>
      tpu.wait_dma2 semaphore(%arg14 : memref<!tpu.dma_semaphore, #tpu.memory_space<semaphore_mem>>) src(%dma_wait3A_173 : memref<500x32xf32, #tpu.memory_space<hbm>>) dst(%arg9 : memref<500x32xf32, #tpu.memory_space<vmem>>)
      %add3A_174 = arith.constant 0 : i32
      %add3A_175 = arith.addi %add3A_168, %add3A_174 : i32
      %mul3A_176 = arith.constant 4 : i32
      %mul3A_177 = arith.muli %add3A_175, %mul3A_176 : i32
      %add3A_178 = arith.constant 0 : i32
      %add3A_179 = arith.addi %mul3A_177, %add3A_178 : i32
      %dma_start3A_180 = arith.constant 0 : i32
      %dma_start3A_181 = arith.constant 0 : i32
      %dma_start3A_182 = tpu.memref_slice %arg9[%dma_start3A_180, %dma_start3A_181] : memref<500x32xf32, #tpu.memory_space<vmem>> -> memref<125x32xf32, #tpu.memory_space<vmem>>
      %dma_start3A_183 = arith.constant 0 : i32
      %dma_start3A_184 = tpu.memref_slice %arg8[%add3A_179, %dma_start3A_183] : memref<80x125xi32, #tpu.memory_space<vmem>> -> memref<1x125xi32, #tpu.memory_space<vmem>>
      %dma_start3A_185 = tpu.memref_squeeze %dma_start3A_184 : memref<1x125xi32, #tpu.memory_space<vmem>> -> memref<125xi32, #tpu.memory_space<vmem>>
      %dma_start3A_186 = arith.constant 0 : i32
      %dma_start3A_187 = arith.constant 0 : i32
      %dma_start3A_188 = tpu.memref_slice %arg13[%dma_start3A_186, %dma_start3A_187] : memref<10000x32xf32, #tpu.memory_space<vmem_shared>> -> memref<10000x32xf32, #tpu.memory_space<vmem_shared>>
      tpu.enqueue_indirect_dma source(%dma_start3A_182 : memref<125x32xf32, #tpu.memory_space<vmem>>) target(%dma_start3A_188 : memref<10000x32xf32, #tpu.memory_space<vmem_shared>>) offsets(%dma_start3A_185 : memref<125xi32, #tpu.memory_space<vmem>>) semaphore(%arg18 : memref<!tpu.dma_semaphore, #tpu.memory_space<semaphore_mem>>) {add = true}
      %mul3A_189 = arith.constant 4 : i32
      %mul3A_190 = arith.muli %add3A_175, %mul3A_189 : i32
      %add3A_191 = arith.constant 1 : i32
      %add3A_192 = arith.addi %mul3A_190, %add3A_191 : i32
      %dma_start3A_193 = arith.constant 125 : i32
      %dma_start3A_194 = arith.constant 0 : i32
      %dma_start3A_195 = tpu.memref_slice %arg9[%dma_start3A_193, %dma_start3A_194] : memref<500x32xf32, #tpu.memory_space<vmem>> -> memref<125x32xf32, #tpu.memory_space<vmem>>
      %dma_start3A_196 = arith.constant 0 : i32
      %dma_start3A_197 = tpu.memref_slice %arg8[%add3A_192, %dma_start3A_196] : memref<80x125xi32, #tpu.memory_space<vmem>> -> memref<1x125xi32, #tpu.memory_space<vmem>>
      %dma_start3A_198 = tpu.memref_squeeze %dma_start3A_197 : memref<1x125xi32, #tpu.memory_space<vmem>> -> memref<125xi32, #tpu.memory_space<vmem>>
      %dma_start3A_199 = arith.constant 0 : i32
      %dma_start3A_200 = arith.constant 0 : i32
      %dma_start3A_201 = tpu.memref_slice %arg13[%dma_start3A_199, %dma_start3A_200] : memref<10000x32xf32, #tpu.memory_space<vmem_shared>> -> memref<10000x32xf32, #tpu.memory_space<vmem_shared>>
      tpu.enqueue_indirect_dma source(%dma_start3A_195 : memref<125x32xf32, #tpu.memory_space<vmem>>) target(%dma_start3A_201 : memref<10000x32xf32, #tpu.memory_space<vmem_shared>>) offsets(%dma_start3A_198 : memref<125xi32, #tpu.memory_space<vmem>>) semaphore(%arg18 : memref<!tpu.dma_semaphore, #tpu.memory_space<semaphore_mem>>) {add = true}
      %mul3A_202 = arith.constant 4 : i32
      %mul3A_203 = arith.muli %add3A_175, %mul3A_202 : i32
      %add3A_204 = arith.constant 2 : i32
      %add3A_205 = arith.addi %mul3A_203, %add3A_204 : i32
      %dma_start3A_206 = arith.constant 250 : i32
      %dma_start3A_207 = arith.constant 0 : i32
      %dma_start3A_208 = tpu.memref_slice %arg9[%dma_start3A_206, %dma_start3A_207] : memref<500x32xf32, #tpu.memory_space<vmem>> -> memref<125x32xf32, #tpu.memory_space<vmem>>
      %dma_start3A_209 = arith.constant 0 : i32
      %dma_start3A_210 = tpu.memref_slice %arg8[%add3A_205, %dma_start3A_209] : memref<80x125xi32, #tpu.memory_space<vmem>> -> memref<1x125xi32, #tpu.memory_space<vmem>>
      %dma_start3A_211 = tpu.memref_squeeze %dma_start3A_210 : memref<1x125xi32, #tpu.memory_space<vmem>> -> memref<125xi32, #tpu.memory_space<vmem>>
      %dma_start3A_212 = arith.constant 0 : i32
      %dma_start3A_213 = arith.constant 0 : i32
      %dma_start3A_214 = tpu.memref_slice %arg13[%dma_start3A_212, %dma_start3A_213] : memref<10000x32xf32, #tpu.memory_space<vmem_shared>> -> memref<10000x32xf32, #tpu.memory_space<vmem_shared>>
      tpu.enqueue_indirect_dma source(%dma_start3A_208 : memref<125x32xf32, #tpu.memory_space<vmem>>) target(%dma_start3A_214 : memref<10000x32xf32, #tpu.memory_space<vmem_shared>>) offsets(%dma_start3A_211 : memref<125xi32, #tpu.memory_space<vmem>>) semaphore(%arg18 : memref<!tpu.dma_semaphore, #tpu.memory_space<semaphore_mem>>) {add = true}
      %mul3A_215 = arith.constant 4 : i32
      %mul3A_216 = arith.muli %add3A_175, %mul3A_215 : i32
      %add3A_217 = arith.constant 3 : i32
      %add3A_218 = arith.addi %mul3A_216, %add3A_217 : i32
      %dma_start3A_219 = arith.constant 375 : i32
      %dma_start3A_220 = arith.constant 0 : i32
      %dma_start3A_221 = tpu.memref_slice %arg9[%dma_start3A_219, %dma_start3A_220] : memref<500x32xf32, #tpu.memory_space<vmem>> -> memref<125x32xf32, #tpu.memory_space<vmem>>
      %dma_start3A_222 = arith.constant 0 : i32
      %dma_start3A_223 = tpu.memref_slice %arg8[%add3A_218, %dma_start3A_222] : memref<80x125xi32, #tpu.memory_space<vmem>> -> memref<1x125xi32, #tpu.memory_space<vmem>>
      %dma_start3A_224 = tpu.memref_squeeze %dma_start3A_223 : memref<1x125xi32, #tpu.memory_space<vmem>> -> memref<125xi32, #tpu.memory_space<vmem>>
      %dma_start3A_225 = arith.constant 0 : i32
      %dma_start3A_226 = arith.constant 0 : i32
      %dma_start3A_227 = tpu.memref_slice %arg13[%dma_start3A_225, %dma_start3A_226] : memref<10000x32xf32, #tpu.memory_space<vmem_shared>> -> memref<10000x32xf32, #tpu.memory_space<vmem_shared>>
      tpu.enqueue_indirect_dma source(%dma_start3A_221 : memref<125x32xf32, #tpu.memory_space<vmem>>) target(%dma_start3A_227 : memref<10000x32xf32, #tpu.memory_space<vmem_shared>>) offsets(%dma_start3A_224 : memref<125xi32, #tpu.memory_space<vmem>>) semaphore(%arg18 : memref<!tpu.dma_semaphore, #tpu.memory_space<semaphore_mem>>) {add = true}
      %dma_wait3A_228 = arith.constant 0 : i32
      %dma_wait3A_229 = arith.constant 0 : i32
      %dma_wait3A_230 = tpu.memref_slice %arg2[%dma_wait3A_228, %dma_wait3A_229] : memref<10000x32xf32, #tpu.memory_space<hbm>> -> memref<500x32xf32, #tpu.memory_space<hbm>>
      %dma_wait3A_231 = arith.constant 0 : i32
      %dma_wait3A_232 = arith.constant 0 : i32
      %dma_wait3A_233 = tpu.memref_slice %arg2[%dma_wait3A_231, %dma_wait3A_232] : memref<10000x32xf32, #tpu.memory_space<hbm>> -> memref<500x32xf32, #tpu.memory_space<hbm>>
      tpu.wait_dma2 semaphore(%arg15 : memref<!tpu.dma_semaphore, #tpu.memory_space<semaphore_mem>>) src(%dma_wait3A_233 : memref<500x32xf32, #tpu.memory_space<hbm>>) dst(%arg10 : memref<500x32xf32, #tpu.memory_space<vmem>>)
      %add3A_234 = arith.constant 1 : i32
      %add3A_235 = arith.addi %add3A_168, %add3A_234 : i32
      %mul3A_236 = arith.constant 4 : i32
      %mul3A_237 = arith.muli %add3A_235, %mul3A_236 : i32
      %add3A_238 = arith.constant 0 : i32
      %add3A_239 = arith.addi %mul3A_237, %add3A_238 : i32
      %dma_start3A_240 = arith.constant 0 : i32
      %dma_start3A_241 = arith.constant 0 : i32
      %dma_start3A_242 = tpu.memref_slice %arg10[%dma_start3A_240, %dma_start3A_241] : memref<500x32xf32, #tpu.memory_space<vmem>> -> memref<125x32xf32, #tpu.memory_space<vmem>>
      %dma_start3A_243 = arith.constant 0 : i32
      %dma_start3A_244 = tpu.memref_slice %arg8[%add3A_239, %dma_start3A_243] : memref<80x125xi32, #tpu.memory_space<vmem>> -> memref<1x125xi32, #tpu.memory_space<vmem>>
      %dma_start3A_245 = tpu.memref_squeeze %dma_start3A_244 : memref<1x125xi32, #tpu.memory_space<vmem>> -> memref<125xi32, #tpu.memory_space<vmem>>
      %dma_start3A_246 = arith.constant 0 : i32
      %dma_start3A_247 = arith.constant 0 : i32
      %dma_start3A_248 = tpu.memref_slice %arg13[%dma_start3A_246, %dma_start3A_247] : memref<10000x32xf32, #tpu.memory_space<vmem_shared>> -> memref<10000x32xf32, #tpu.memory_space<vmem_shared>>
      tpu.enqueue_indirect_dma source(%dma_start3A_242 : memref<125x32xf32, #tpu.memory_space<vmem>>) target(%dma_start3A_248 : memref<10000x32xf32, #tpu.memory_space<vmem_shared>>) offsets(%dma_start3A_245 : memref<125xi32, #tpu.memory_space<vmem>>) semaphore(%arg19 : memref<!tpu.dma_semaphore, #tpu.memory_space<semaphore_mem>>) {add = true}
      %mul3A_249 = arith.constant 4 : i32
      %mul3A_250 = arith.muli %add3A_235, %mul3A_249 : i32
      %add3A_251 = arith.constant 1 : i32
      %add3A_252 = arith.addi %mul3A_250, %add3A_251 : i32
      %dma_start3A_253 = arith.constant 125 : i32
      %dma_start3A_254 = arith.constant 0 : i32
      %dma_start3A_255 = tpu.memref_slice %arg10[%dma_start3A_253, %dma_start3A_254] : memref<500x32xf32, #tpu.memory_space<vmem>> -> memref<125x32xf32, #tpu.memory_space<vmem>>
      %dma_start3A_256 = arith.constant 0 : i32
      %dma_start3A_257 = tpu.memref_slice %arg8[%add3A_252, %dma_start3A_256] : memref<80x125xi32, #tpu.memory_space<vmem>> -> memref<1x125xi32, #tpu.memory_space<vmem>>
      %dma_start3A_258 = tpu.memref_squeeze %dma_start3A_257 : memref<1x125xi32, #tpu.memory_space<vmem>> -> memref<125xi32, #tpu.memory_space<vmem>>
      %dma_start3A_259 = arith.constant 0 : i32
      %dma_start3A_260 = arith.constant 0 : i32
      %dma_start3A_261 = tpu.memref_slice %arg13[%dma_start3A_259, %dma_start3A_260] : memref<10000x32xf32, #tpu.memory_space<vmem_shared>> -> memref<10000x32xf32, #tpu.memory_space<vmem_shared>>
      tpu.enqueue_indirect_dma source(%dma_start3A_255 : memref<125x32xf32, #tpu.memory_space<vmem>>) target(%dma_start3A_261 : memref<10000x32xf32, #tpu.memory_space<vmem_shared>>) offsets(%dma_start3A_258 : memref<125xi32, #tpu.memory_space<vmem>>) semaphore(%arg19 : memref<!tpu.dma_semaphore, #tpu.memory_space<semaphore_mem>>) {add = true}
      %mul3A_262 = arith.constant 4 : i32
      %mul3A_263 = arith.muli %add3A_235, %mul3A_262 : i32
      %add3A_264 = arith.constant 2 : i32
      %add3A_265 = arith.addi %mul3A_263, %add3A_264 : i32
      %dma_start3A_266 = arith.constant 250 : i32
      %dma_start3A_267 = arith.constant 0 : i32
      %dma_start3A_268 = tpu.memref_slice %arg10[%dma_start3A_266, %dma_start3A_267] : memref<500x32xf32, #tpu.memory_space<vmem>> -> memref<125x32xf32, #tpu.memory_space<vmem>>
      %dma_start3A_269 = arith.constant 0 : i32
      %dma_start3A_270 = tpu.memref_slice %arg8[%add3A_265, %dma_start3A_269] : memref<80x125xi32, #tpu.memory_space<vmem>> -> memref<1x125xi32, #tpu.memory_space<vmem>>
      %dma_start3A_271 = tpu.memref_squeeze %dma_start3A_270 : memref<1x125xi32, #tpu.memory_space<vmem>> -> memref<125xi32, #tpu.memory_space<vmem>>
      %dma_start3A_272 = arith.constant 0 : i32
      %dma_start3A_273 = arith.constant 0 : i32
      %dma_start3A_274 = tpu.memref_slice %arg13[%dma_start3A_272, %dma_start3A_273] : memref<10000x32xf32, #tpu.memory_space<vmem_shared>> -> memref<10000x32xf32, #tpu.memory_space<vmem_shared>>
      tpu.enqueue_indirect_dma source(%dma_start3A_268 : memref<125x32xf32, #tpu.memory_space<vmem>>) target(%dma_start3A_274 : memref<10000x32xf32, #tpu.memory_space<vmem_shared>>) offsets(%dma_start3A_271 : memref<125xi32, #tpu.memory_space<vmem>>) semaphore(%arg19 : memref<!tpu.dma_semaphore, #tpu.memory_space<semaphore_mem>>) {add = true}
      %mul3A_275 = arith.constant 4 : i32
      %mul3A_276 = arith.muli %add3A_235, %mul3A_275 : i32
      %add3A_277 = arith.constant 3 : i32
      %add3A_278 = arith.addi %mul3A_276, %add3A_277 : i32
      %dma_start3A_279 = arith.constant 375 : i32
      %dma_start3A_280 = arith.constant 0 : i32
      %dma_start3A_281 = tpu.memref_slice %arg10[%dma_start3A_279, %dma_start3A_280] : memref<500x32xf32, #tpu.memory_space<vmem>> -> memref<125x32xf32, #tpu.memory_space<vmem>>
      %dma_start3A_282 = arith.constant 0 : i32
      %dma_start3A_283 = tpu.memref_slice %arg8[%add3A_278, %dma_start3A_282] : memref<80x125xi32, #tpu.memory_space<vmem>> -> memref<1x125xi32, #tpu.memory_space<vmem>>
      %dma_start3A_284 = tpu.memref_squeeze %dma_start3A_283 : memref<1x125xi32, #tpu.memory_space<vmem>> -> memref<125xi32, #tpu.memory_space<vmem>>
      %dma_start3A_285 = arith.constant 0 : i32
      %dma_start3A_286 = arith.constant 0 : i32
      %dma_start3A_287 = tpu.memref_slice %arg13[%dma_start3A_285, %dma_start3A_286] : memref<10000x32xf32, #tpu.memory_space<vmem_shared>> -> memref<10000x32xf32, #tpu.memory_space<vmem_shared>>
      tpu.enqueue_indirect_dma source(%dma_start3A_281 : memref<125x32xf32, #tpu.memory_space<vmem>>) target(%dma_start3A_287 : memref<10000x32xf32, #tpu.memory_space<vmem_shared>>) offsets(%dma_start3A_284 : memref<125xi32, #tpu.memory_space<vmem>>) semaphore(%arg19 : memref<!tpu.dma_semaphore, #tpu.memory_space<semaphore_mem>>) {add = true}
      %dma_wait3A_288 = arith.constant 0 : i32
      %dma_wait3A_289 = arith.constant 0 : i32
      %dma_wait3A_290 = tpu.memref_slice %arg2[%dma_wait3A_288, %dma_wait3A_289] : memref<10000x32xf32, #tpu.memory_space<hbm>> -> memref<500x32xf32, #tpu.memory_space<hbm>>
      %dma_wait3A_291 = arith.constant 0 : i32
      %dma_wait3A_292 = arith.constant 0 : i32
      %dma_wait3A_293 = tpu.memref_slice %arg2[%dma_wait3A_291, %dma_wait3A_292] : memref<10000x32xf32, #tpu.memory_space<hbm>> -> memref<500x32xf32, #tpu.memory_space<hbm>>
      tpu.wait_dma2 semaphore(%arg18 : memref<!tpu.dma_semaphore, #tpu.memory_space<semaphore_mem>>) src(%dma_wait3A_293 : memref<500x32xf32, #tpu.memory_space<hbm>>) dst(%arg9 : memref<500x32xf32, #tpu.memory_space<vmem>>)
      %add3A_294 = arith.constant 0 : i32
      %add3A_295 = arith.addi %add3A_168, %add3A_294 : i32
      %add3A_296 = arith.constant 4 : i32
      %add3A_297 = arith.addi %add3A_295, %add3A_296 : i32
      %lt3A = arith.constant 20 : i32
      %lt3A_298 = arith.cmpi slt, %add3A_297, %lt3A : i32
      %convert_element_type3A = arith.extui %lt3A_298 : i1 to i32
      %cond3A = arith.constant 0 : i32
      %cond3A_299 = arith.cmpi ne, %convert_element_type3A, %cond3A : i32
      scf.if %cond3A_299 {
        %add3A_463 = arith.constant 0 : i32
        %add3A_464 = arith.addi %add3A_168, %add3A_463 : i32
        %add3A_465 = arith.constant 4 : i32
        %add3A_466 = arith.addi %add3A_464, %add3A_465 : i32
        %mul3A_467 = arith.constant 4 : i32
        %mul3A_468 = arith.muli %add3A_466, %mul3A_467 : i32
        %add3A_469 = arith.constant 0 : i32
        %add3A_470 = arith.addi %mul3A_468, %add3A_469 : i32
        %dma_start3A_471 = arith.constant 0 : i32
        %dma_start3A_472 = arith.constant 0 : i32
        %dma_start3A_473 = tpu.memref_slice %arg9[%dma_start3A_471, %dma_start3A_472] : memref<500x32xf32, #tpu.memory_space<vmem>> -> memref<125x32xf32, #tpu.memory_space<vmem>>
        %dma_start3A_474 = arith.constant 0 : i32
        %dma_start3A_475 = tpu.memref_slice %arg7[%add3A_470, %dma_start3A_474] : memref<80x125xi32, #tpu.memory_space<vmem>> -> memref<1x125xi32, #tpu.memory_space<vmem>>
        %dma_start3A_476 = tpu.memref_squeeze %dma_start3A_475 : memref<1x125xi32, #tpu.memory_space<vmem>> -> memref<125xi32, #tpu.memory_space<vmem>>
        %dma_start3A_477 = arith.constant 0 : i32
        %dma_start3A_478 = arith.constant 0 : i32
        %dma_start3A_479 = tpu.memref_slice %arg2[%dma_start3A_477, %dma_start3A_478] : memref<10000x32xf32, #tpu.memory_space<hbm>> -> memref<10000x32xf32, #tpu.memory_space<hbm>>
        tpu.enqueue_indirect_dma source(%dma_start3A_479 : memref<10000x32xf32, #tpu.memory_space<hbm>>) target(%dma_start3A_473 : memref<125x32xf32, #tpu.memory_space<vmem>>) offsets(%dma_start3A_476 : memref<125xi32, #tpu.memory_space<vmem>>) semaphore(%arg14 : memref<!tpu.dma_semaphore, #tpu.memory_space<semaphore_mem>>)
        %mul3A_480 = arith.constant 4 : i32
        %mul3A_481 = arith.muli %add3A_466, %mul3A_480 : i32
        %add3A_482 = arith.constant 1 : i32
        %add3A_483 = arith.addi %mul3A_481, %add3A_482 : i32
        %dma_start3A_484 = arith.constant 125 : i32
        %dma_start3A_485 = arith.constant 0 : i32
        %dma_start3A_486 = tpu.memref_slice %arg9[%dma_start3A_484, %dma_start3A_485] : memref<500x32xf32, #tpu.memory_space<vmem>> -> memref<125x32xf32, #tpu.memory_space<vmem>>
        %dma_start3A_487 = arith.constant 0 : i32
        %dma_start3A_488 = tpu.memref_slice %arg7[%add3A_483, %dma_start3A_487] : memref<80x125xi32, #tpu.memory_space<vmem>> -> memref<1x125xi32, #tpu.memory_space<vmem>>
        %dma_start3A_489 = tpu.memref_squeeze %dma_start3A_488 : memref<1x125xi32, #tpu.memory_space<vmem>> -> memref<125xi32, #tpu.memory_space<vmem>>
        %dma_start3A_490 = arith.constant 0 : i32
        %dma_start3A_491 = arith.constant 0 : i32
        %dma_start3A_492 = tpu.memref_slice %arg2[%dma_start3A_490, %dma_start3A_491] : memref<10000x32xf32, #tpu.memory_space<hbm>> -> memref<10000x32xf32, #tpu.memory_space<hbm>>
        tpu.enqueue_indirect_dma source(%dma_start3A_492 : memref<10000x32xf32, #tpu.memory_space<hbm>>) target(%dma_start3A_486 : memref<125x32xf32, #tpu.memory_space<vmem>>) offsets(%dma_start3A_489 : memref<125xi32, #tpu.memory_space<vmem>>) semaphore(%arg14 : memref<!tpu.dma_semaphore, #tpu.memory_space<semaphore_mem>>)
        %mul3A_493 = arith.constant 4 : i32
        %mul3A_494 = arith.muli %add3A_466, %mul3A_493 : i32
        %add3A_495 = arith.constant 2 : i32
        %add3A_496 = arith.addi %mul3A_494, %add3A_495 : i32
        %dma_start3A_497 = arith.constant 250 : i32
        %dma_start3A_498 = arith.constant 0 : i32
        %dma_start3A_499 = tpu.memref_slice %arg9[%dma_start3A_497, %dma_start3A_498] : memref<500x32xf32, #tpu.memory_space<vmem>> -> memref<125x32xf32, #tpu.memory_space<vmem>>
        %dma_start3A_500 = arith.constant 0 : i32
        %dma_start3A_501 = tpu.memref_slice %arg7[%add3A_496, %dma_start3A_500] : memref<80x125xi32, #tpu.memory_space<vmem>> -> memref<1x125xi32, #tpu.memory_space<vmem>>
        %dma_start3A_502 = tpu.memref_squeeze %dma_start3A_501 : memref<1x125xi32, #tpu.memory_space<vmem>> -> memref<125xi32, #tpu.memory_space<vmem>>
        %dma_start3A_503 = arith.constant 0 : i32
        %dma_start3A_504 = arith.constant 0 : i32
        %dma_start3A_505 = tpu.memref_slice %arg2[%dma_start3A_503, %dma_start3A_504] : memref<10000x32xf32, #tpu.memory_space<hbm>> -> memref<10000x32xf32, #tpu.memory_space<hbm>>
        tpu.enqueue_indirect_dma source(%dma_start3A_505 : memref<10000x32xf32, #tpu.memory_space<hbm>>) target(%dma_start3A_499 : memref<125x32xf32, #tpu.memory_space<vmem>>) offsets(%dma_start3A_502 : memref<125xi32, #tpu.memory_space<vmem>>) semaphore(%arg14 : memref<!tpu.dma_semaphore, #tpu.memory_space<semaphore_mem>>)
        %mul3A_506 = arith.constant 4 : i32
        %mul3A_507 = arith.muli %add3A_466, %mul3A_506 : i32
        %add3A_508 = arith.constant 3 : i32
        %add3A_509 = arith.addi %mul3A_507, %add3A_508 : i32
        %dma_start3A_510 = arith.constant 375 : i32
        %dma_start3A_511 = arith.constant 0 : i32
        %dma_start3A_512 = tpu.memref_slice %arg9[%dma_start3A_510, %dma_start3A_511] : memref<500x32xf32, #tpu.memory_space<vmem>> -> memref<125x32xf32, #tpu.memory_space<vmem>>
        %dma_start3A_513 = arith.constant 0 : i32
        %dma_start3A_514 = tpu.memref_slice %arg7[%add3A_509, %dma_start3A_513] : memref<80x125xi32, #tpu.memory_space<vmem>> -> memref<1x125xi32, #tpu.memory_space<vmem>>
        %dma_start3A_515 = tpu.memref_squeeze %dma_start3A_514 : memref<1x125xi32, #tpu.memory_space<vmem>> -> memref<125xi32, #tpu.memory_space<vmem>>
        %dma_start3A_516 = arith.constant 0 : i32
        %dma_start3A_517 = arith.constant 0 : i32
        %dma_start3A_518 = tpu.memref_slice %arg2[%dma_start3A_516, %dma_start3A_517] : memref<10000x32xf32, #tpu.memory_space<hbm>> -> memref<10000x32xf32, #tpu.memory_space<hbm>>
        tpu.enqueue_indirect_dma source(%dma_start3A_518 : memref<10000x32xf32, #tpu.memory_space<hbm>>) target(%dma_start3A_512 : memref<125x32xf32, #tpu.memory_space<vmem>>) offsets(%dma_start3A_515 : memref<125xi32, #tpu.memory_space<vmem>>) semaphore(%arg14 : memref<!tpu.dma_semaphore, #tpu.memory_space<semaphore_mem>>)
      } else {
      }
      %dma_wait3A_300 = arith.constant 0 : i32
      %dma_wait3A_301 = arith.constant 0 : i32
      %dma_wait3A_302 = tpu.memref_slice %arg2[%dma_wait3A_300, %dma_wait3A_301] : memref<10000x32xf32, #tpu.memory_space<hbm>> -> memref<500x32xf32, #tpu.memory_space<hbm>>
      %dma_wait3A_303 = arith.constant 0 : i32
      %dma_wait3A_304 = arith.constant 0 : i32
      %dma_wait3A_305 = tpu.memref_slice %arg2[%dma_wait3A_303, %dma_wait3A_304] : memref<10000x32xf32, #tpu.memory_space<hbm>> -> memref<500x32xf32, #tpu.memory_space<hbm>>
      tpu.wait_dma2 semaphore(%arg16 : memref<!tpu.dma_semaphore, #tpu.memory_space<semaphore_mem>>) src(%dma_wait3A_305 : memref<500x32xf32, #tpu.memory_space<hbm>>) dst(%arg11 : memref<500x32xf32, #tpu.memory_space<vmem>>)
      %add3A_306 = arith.constant 2 : i32
      %add3A_307 = arith.addi %add3A_168, %add3A_306 : i32
      %mul3A_308 = arith.constant 4 : i32
      %mul3A_309 = arith.muli %add3A_307, %mul3A_308 : i32
      %add3A_310 = arith.constant 0 : i32
      %add3A_311 = arith.addi %mul3A_309, %add3A_310 : i32
      %dma_start3A_312 = arith.constant 0 : i32
      %dma_start3A_313 = arith.constant 0 : i32
      %dma_start3A_314 = tpu.memref_slice %arg11[%dma_start3A_312, %dma_start3A_313] : memref<500x32xf32, #tpu.memory_space<vmem>> -> memref<125x32xf32, #tpu.memory_space<vmem>>
      %dma_start3A_315 = arith.constant 0 : i32
      %dma_start3A_316 = tpu.memref_slice %arg8[%add3A_311, %dma_start3A_315] : memref<80x125xi32, #tpu.memory_space<vmem>> -> memref<1x125xi32, #tpu.memory_space<vmem>>
      %dma_start3A_317 = tpu.memref_squeeze %dma_start3A_316 : memref<1x125xi32, #tpu.memory_space<vmem>> -> memref<125xi32, #tpu.memory_space<vmem>>
      %dma_start3A_318 = arith.constant 0 : i32
      %dma_start3A_319 = arith.constant 0 : i32
      %dma_start3A_320 = tpu.memref_slice %arg13[%dma_start3A_318, %dma_start3A_319] : memref<10000x32xf32, #tpu.memory_space<vmem_shared>> -> memref<10000x32xf32, #tpu.memory_space<vmem_shared>>
      tpu.enqueue_indirect_dma source(%dma_start3A_314 : memref<125x32xf32, #tpu.memory_space<vmem>>) target(%dma_start3A_320 : memref<10000x32xf32, #tpu.memory_space<vmem_shared>>) offsets(%dma_start3A_317 : memref<125xi32, #tpu.memory_space<vmem>>) semaphore(%arg20 : memref<!tpu.dma_semaphore, #tpu.memory_space<semaphore_mem>>) {add = true}
      %mul3A_321 = arith.constant 4 : i32
      %mul3A_322 = arith.muli %add3A_307, %mul3A_321 : i32
      %add3A_323 = arith.constant 1 : i32
      %add3A_324 = arith.addi %mul3A_322, %add3A_323 : i32
      %dma_start3A_325 = arith.constant 125 : i32
      %dma_start3A_326 = arith.constant 0 : i32
      %dma_start3A_327 = tpu.memref_slice %arg11[%dma_start3A_325, %dma_start3A_326] : memref<500x32xf32, #tpu.memory_space<vmem>> -> memref<125x32xf32, #tpu.memory_space<vmem>>
      %dma_start3A_328 = arith.constant 0 : i32
      %dma_start3A_329 = tpu.memref_slice %arg8[%add3A_324, %dma_start3A_328] : memref<80x125xi32, #tpu.memory_space<vmem>> -> memref<1x125xi32, #tpu.memory_space<vmem>>
      %dma_start3A_330 = tpu.memref_squeeze %dma_start3A_329 : memref<1x125xi32, #tpu.memory_space<vmem>> -> memref<125xi32, #tpu.memory_space<vmem>>
      %dma_start3A_331 = arith.constant 0 : i32
      %dma_start3A_332 = arith.constant 0 : i32
      %dma_start3A_333 = tpu.memref_slice %arg13[%dma_start3A_331, %dma_start3A_332] : memref<10000x32xf32, #tpu.memory_space<vmem_shared>> -> memref<10000x32xf32, #tpu.memory_space<vmem_shared>>
      tpu.enqueue_indirect_dma source(%dma_start3A_327 : memref<125x32xf32, #tpu.memory_space<vmem>>) target(%dma_start3A_333 : memref<10000x32xf32, #tpu.memory_space<vmem_shared>>) offsets(%dma_start3A_330 : memref<125xi32, #tpu.memory_space<vmem>>) semaphore(%arg20 : memref<!tpu.dma_semaphore, #tpu.memory_space<semaphore_mem>>) {add = true}
      %mul3A_334 = arith.constant 4 : i32
      %mul3A_335 = arith.muli %add3A_307, %mul3A_334 : i32
      %add3A_336 = arith.constant 2 : i32
      %add3A_337 = arith.addi %mul3A_335, %add3A_336 : i32
      %dma_start3A_338 = arith.constant 250 : i32
      %dma_start3A_339 = arith.constant 0 : i32
      %dma_start3A_340 = tpu.memref_slice %arg11[%dma_start3A_338, %dma_start3A_339] : memref<500x32xf32, #tpu.memory_space<vmem>> -> memref<125x32xf32, #tpu.memory_space<vmem>>
      %dma_start3A_341 = arith.constant 0 : i32
      %dma_start3A_342 = tpu.memref_slice %arg8[%add3A_337, %dma_start3A_341] : memref<80x125xi32, #tpu.memory_space<vmem>> -> memref<1x125xi32, #tpu.memory_space<vmem>>
      %dma_start3A_343 = tpu.memref_squeeze %dma_start3A_342 : memref<1x125xi32, #tpu.memory_space<vmem>> -> memref<125xi32, #tpu.memory_space<vmem>>
      %dma_start3A_344 = arith.constant 0 : i32
      %dma_start3A_345 = arith.constant 0 : i32
      %dma_start3A_346 = tpu.memref_slice %arg13[%dma_start3A_344, %dma_start3A_345] : memref<10000x32xf32, #tpu.memory_space<vmem_shared>> -> memref<10000x32xf32, #tpu.memory_space<vmem_shared>>
      tpu.enqueue_indirect_dma source(%dma_start3A_340 : memref<125x32xf32, #tpu.memory_space<vmem>>) target(%dma_start3A_346 : memref<10000x32xf32, #tpu.memory_space<vmem_shared>>) offsets(%dma_start3A_343 : memref<125xi32, #tpu.memory_space<vmem>>) semaphore(%arg20 : memref<!tpu.dma_semaphore, #tpu.memory_space<semaphore_mem>>) {add = true}
      %mul3A_347 = arith.constant 4 : i32
      %mul3A_348 = arith.muli %add3A_307, %mul3A_347 : i32
      %add3A_349 = arith.constant 3 : i32
      %add3A_350 = arith.addi %mul3A_348, %add3A_349 : i32
      %dma_start3A_351 = arith.constant 375 : i32
      %dma_start3A_352 = arith.constant 0 : i32
      %dma_start3A_353 = tpu.memref_slice %arg11[%dma_start3A_351, %dma_start3A_352] : memref<500x32xf32, #tpu.memory_space<vmem>> -> memref<125x32xf32, #tpu.memory_space<vmem>>
      %dma_start3A_354 = arith.constant 0 : i32
      %dma_start3A_355 = tpu.memref_slice %arg8[%add3A_350, %dma_start3A_354] : memref<80x125xi32, #tpu.memory_space<vmem>> -> memref<1x125xi32, #tpu.memory_space<vmem>>
      %dma_start3A_356 = tpu.memref_squeeze %dma_start3A_355 : memref<1x125xi32, #tpu.memory_space<vmem>> -> memref<125xi32, #tpu.memory_space<vmem>>
      %dma_start3A_357 = arith.constant 0 : i32
      %dma_start3A_358 = arith.constant 0 : i32
      %dma_start3A_359 = tpu.memref_slice %arg13[%dma_start3A_357, %dma_start3A_358] : memref<10000x32xf32, #tpu.memory_space<vmem_shared>> -> memref<10000x32xf32, #tpu.memory_space<vmem_shared>>
      tpu.enqueue_indirect_dma source(%dma_start3A_353 : memref<125x32xf32, #tpu.memory_space<vmem>>) target(%dma_start3A_359 : memref<10000x32xf32, #tpu.memory_space<vmem_shared>>) offsets(%dma_start3A_356 : memref<125xi32, #tpu.memory_space<vmem>>) semaphore(%arg20 : memref<!tpu.dma_semaphore, #tpu.memory_space<semaphore_mem>>) {add = true}
      %dma_wait3A_360 = arith.constant 0 : i32
      %dma_wait3A_361 = arith.constant 0 : i32
      %dma_wait3A_362 = tpu.memref_slice %arg2[%dma_wait3A_360, %dma_wait3A_361] : memref<10000x32xf32, #tpu.memory_space<hbm>> -> memref<500x32xf32, #tpu.memory_space<hbm>>
      %dma_wait3A_363 = arith.constant 0 : i32
      %dma_wait3A_364 = arith.constant 0 : i32
      %dma_wait3A_365 = tpu.memref_slice %arg2[%dma_wait3A_363, %dma_wait3A_364] : memref<10000x32xf32, #tpu.memory_space<hbm>> -> memref<500x32xf32, #tpu.memory_space<hbm>>
      tpu.wait_dma2 semaphore(%arg19 : memref<!tpu.dma_semaphore, #tpu.memory_space<semaphore_mem>>) src(%dma_wait3A_365 : memref<500x32xf32, #tpu.memory_space<hbm>>) dst(%arg10 : memref<500x32xf32, #tpu.memory_space<vmem>>)
      %add3A_366 = arith.constant 1 : i32
      %add3A_367 = arith.addi %add3A_168, %add3A_366 : i32
      %add3A_368 = arith.constant 4 : i32
      %add3A_369 = arith.addi %add3A_367, %add3A_368 : i32
      %lt3A_370 = arith.constant 20 : i32
      %lt3A_371 = arith.cmpi slt, %add3A_369, %lt3A_370 : i32
      %convert_element_type3A_372 = arith.extui %lt3A_371 : i1 to i32
      %cond3A_373 = arith.constant 0 : i32
      %cond3A_374 = arith.cmpi ne, %convert_element_type3A_372, %cond3A_373 : i32
      scf.if %cond3A_374 {
        %add3A_463 = arith.constant 1 : i32
        %add3A_464 = arith.addi %add3A_168, %add3A_463 : i32
        %add3A_465 = arith.constant 4 : i32
        %add3A_466 = arith.addi %add3A_464, %add3A_465 : i32
        %mul3A_467 = arith.constant 4 : i32
        %mul3A_468 = arith.muli %add3A_466, %mul3A_467 : i32
        %add3A_469 = arith.constant 0 : i32
        %add3A_470 = arith.addi %mul3A_468, %add3A_469 : i32
        %dma_start3A_471 = arith.constant 0 : i32
        %dma_start3A_472 = arith.constant 0 : i32
        %dma_start3A_473 = tpu.memref_slice %arg10[%dma_start3A_471, %dma_start3A_472] : memref<500x32xf32, #tpu.memory_space<vmem>> -> memref<125x32xf32, #tpu.memory_space<vmem>>
        %dma_start3A_474 = arith.constant 0 : i32
        %dma_start3A_475 = tpu.memref_slice %arg7[%add3A_470, %dma_start3A_474] : memref<80x125xi32, #tpu.memory_space<vmem>> -> memref<1x125xi32, #tpu.memory_space<vmem>>
        %dma_start3A_476 = tpu.memref_squeeze %dma_start3A_475 : memref<1x125xi32, #tpu.memory_space<vmem>> -> memref<125xi32, #tpu.memory_space<vmem>>
        %dma_start3A_477 = arith.constant 0 : i32
        %dma_start3A_478 = arith.constant 0 : i32
        %dma_start3A_479 = tpu.memref_slice %arg2[%dma_start3A_477, %dma_start3A_478] : memref<10000x32xf32, #tpu.memory_space<hbm>> -> memref<10000x32xf32, #tpu.memory_space<hbm>>
        tpu.enqueue_indirect_dma source(%dma_start3A_479 : memref<10000x32xf32, #tpu.memory_space<hbm>>) target(%dma_start3A_473 : memref<125x32xf32, #tpu.memory_space<vmem>>) offsets(%dma_start3A_476 : memref<125xi32, #tpu.memory_space<vmem>>) semaphore(%arg15 : memref<!tpu.dma_semaphore, #tpu.memory_space<semaphore_mem>>)
        %mul3A_480 = arith.constant 4 : i32
        %mul3A_481 = arith.muli %add3A_466, %mul3A_480 : i32
        %add3A_482 = arith.constant 1 : i32
        %add3A_483 = arith.addi %mul3A_481, %add3A_482 : i32
        %dma_start3A_484 = arith.constant 125 : i32
        %dma_start3A_485 = arith.constant 0 : i32
        %dma_start3A_486 = tpu.memref_slice %arg10[%dma_start3A_484, %dma_start3A_485] : memref<500x32xf32, #tpu.memory_space<vmem>> -> memref<125x32xf32, #tpu.memory_space<vmem>>
        %dma_start3A_487 = arith.constant 0 : i32
        %dma_start3A_488 = tpu.memref_slice %arg7[%add3A_483, %dma_start3A_487] : memref<80x125xi32, #tpu.memory_space<vmem>> -> memref<1x125xi32, #tpu.memory_space<vmem>>
        %dma_start3A_489 = tpu.memref_squeeze %dma_start3A_488 : memref<1x125xi32, #tpu.memory_space<vmem>> -> memref<125xi32, #tpu.memory_space<vmem>>
        %dma_start3A_490 = arith.constant 0 : i32
        %dma_start3A_491 = arith.constant 0 : i32
        %dma_start3A_492 = tpu.memref_slice %arg2[%dma_start3A_490, %dma_start3A_491] : memref<10000x32xf32, #tpu.memory_space<hbm>> -> memref<10000x32xf32, #tpu.memory_space<hbm>>
        tpu.enqueue_indirect_dma source(%dma_start3A_492 : memref<10000x32xf32, #tpu.memory_space<hbm>>) target(%dma_start3A_486 : memref<125x32xf32, #tpu.memory_space<vmem>>) offsets(%dma_start3A_489 : memref<125xi32, #tpu.memory_space<vmem>>) semaphore(%arg15 : memref<!tpu.dma_semaphore, #tpu.memory_space<semaphore_mem>>)
        %mul3A_493 = arith.constant 4 : i32
        %mul3A_494 = arith.muli %add3A_466, %mul3A_493 : i32
        %add3A_495 = arith.constant 2 : i32
        %add3A_496 = arith.addi %mul3A_494, %add3A_495 : i32
        %dma_start3A_497 = arith.constant 250 : i32
        %dma_start3A_498 = arith.constant 0 : i32
        %dma_start3A_499 = tpu.memref_slice %arg10[%dma_start3A_497, %dma_start3A_498] : memref<500x32xf32, #tpu.memory_space<vmem>> -> memref<125x32xf32, #tpu.memory_space<vmem>>
        %dma_start3A_500 = arith.constant 0 : i32
        %dma_start3A_501 = tpu.memref_slice %arg7[%add3A_496, %dma_start3A_500] : memref<80x125xi32, #tpu.memory_space<vmem>> -> memref<1x125xi32, #tpu.memory_space<vmem>>
        %dma_start3A_502 = tpu.memref_squeeze %dma_start3A_501 : memref<1x125xi32, #tpu.memory_space<vmem>> -> memref<125xi32, #tpu.memory_space<vmem>>
        %dma_start3A_503 = arith.constant 0 : i32
        %dma_start3A_504 = arith.constant 0 : i32
        %dma_start3A_505 = tpu.memref_slice %arg2[%dma_start3A_503, %dma_start3A_504] : memref<10000x32xf32, #tpu.memory_space<hbm>> -> memref<10000x32xf32, #tpu.memory_space<hbm>>
        tpu.enqueue_indirect_dma source(%dma_start3A_505 : memref<10000x32xf32, #tpu.memory_space<hbm>>) target(%dma_start3A_499 : memref<125x32xf32, #tpu.memory_space<vmem>>) offsets(%dma_start3A_502 : memref<125xi32, #tpu.memory_space<vmem>>) semaphore(%arg15 : memref<!tpu.dma_semaphore, #tpu.memory_space<semaphore_mem>>)
        %mul3A_506 = arith.constant 4 : i32
        %mul3A_507 = arith.muli %add3A_466, %mul3A_506 : i32
        %add3A_508 = arith.constant 3 : i32
        %add3A_509 = arith.addi %mul3A_507, %add3A_508 : i32
        %dma_start3A_510 = arith.constant 375 : i32
        %dma_start3A_511 = arith.constant 0 : i32
        %dma_start3A_512 = tpu.memref_slice %arg10[%dma_start3A_510, %dma_start3A_511] : memref<500x32xf32, #tpu.memory_space<vmem>> -> memref<125x32xf32, #tpu.memory_space<vmem>>
        %dma_start3A_513 = arith.constant 0 : i32
        %dma_start3A_514 = tpu.memref_slice %arg7[%add3A_509, %dma_start3A_513] : memref<80x125xi32, #tpu.memory_space<vmem>> -> memref<1x125xi32, #tpu.memory_space<vmem>>
        %dma_start3A_515 = tpu.memref_squeeze %dma_start3A_514 : memref<1x125xi32, #tpu.memory_space<vmem>> -> memref<125xi32, #tpu.memory_space<vmem>>
        %dma_start3A_516 = arith.constant 0 : i32
        %dma_start3A_517 = arith.constant 0 : i32
        %dma_start3A_518 = tpu.memref_slice %arg2[%dma_start3A_516, %dma_start3A_517] : memref<10000x32xf32, #tpu.memory_space<hbm>> -> memref<10000x32xf32, #tpu.memory_space<hbm>>
        tpu.enqueue_indirect_dma source(%dma_start3A_518 : memref<10000x32xf32, #tpu.memory_space<hbm>>) target(%dma_start3A_512 : memref<125x32xf32, #tpu.memory_space<vmem>>) offsets(%dma_start3A_515 : memref<125xi32, #tpu.memory_space<vmem>>) semaphore(%arg15 : memref<!tpu.dma_semaphore, #tpu.memory_space<semaphore_mem>>)
      } else {
      }
      %dma_wait3A_375 = arith.constant 0 : i32
      %dma_wait3A_376 = arith.constant 0 : i32
      %dma_wait3A_377 = tpu.memref_slice %arg2[%dma_wait3A_375, %dma_wait3A_376] : memref<10000x32xf32, #tpu.memory_space<hbm>> -> memref<500x32xf32, #tpu.memory_space<hbm>>
      %dma_wait3A_378 = arith.constant 0 : i32
      %dma_wait3A_379 = arith.constant 0 : i32
      %dma_wait3A_380 = tpu.memref_slice %arg2[%dma_wait3A_378, %dma_wait3A_379] : memref<10000x32xf32, #tpu.memory_space<hbm>> -> memref<500x32xf32, #tpu.memory_space<hbm>>
      tpu.wait_dma2 semaphore(%arg17 : memref<!tpu.dma_semaphore, #tpu.memory_space<semaphore_mem>>) src(%dma_wait3A_380 : memref<500x32xf32, #tpu.memory_space<hbm>>) dst(%arg12 : memref<500x32xf32, #tpu.memory_space<vmem>>)
      %add3A_381 = arith.constant 3 : i32
      %add3A_382 = arith.addi %add3A_168, %add3A_381 : i32
      %mul3A_383 = arith.constant 4 : i32
      %mul3A_384 = arith.muli %add3A_382, %mul3A_383 : i32
      %add3A_385 = arith.constant 0 : i32
      %add3A_386 = arith.addi %mul3A_384, %add3A_385 : i32
      %dma_start3A_387 = arith.constant 0 : i32
      %dma_start3A_388 = arith.constant 0 : i32
      %dma_start3A_389 = tpu.memref_slice %arg12[%dma_start3A_387, %dma_start3A_388] : memref<500x32xf32, #tpu.memory_space<vmem>> -> memref<125x32xf32, #tpu.memory_space<vmem>>
      %dma_start3A_390 = arith.constant 0 : i32
      %dma_start3A_391 = tpu.memref_slice %arg8[%add3A_386, %dma_start3A_390] : memref<80x125xi32, #tpu.memory_space<vmem>> -> memref<1x125xi32, #tpu.memory_space<vmem>>
      %dma_start3A_392 = tpu.memref_squeeze %dma_start3A_391 : memref<1x125xi32, #tpu.memory_space<vmem>> -> memref<125xi32, #tpu.memory_space<vmem>>
      %dma_start3A_393 = arith.constant 0 : i32
      %dma_start3A_394 = arith.constant 0 : i32
      %dma_start3A_395 = tpu.memref_slice %arg13[%dma_start3A_393, %dma_start3A_394] : memref<10000x32xf32, #tpu.memory_space<vmem_shared>> -> memref<10000x32xf32, #tpu.memory_space<vmem_shared>>
      tpu.enqueue_indirect_dma source(%dma_start3A_389 : memref<125x32xf32, #tpu.memory_space<vmem>>) target(%dma_start3A_395 : memref<10000x32xf32, #tpu.memory_space<vmem_shared>>) offsets(%dma_start3A_392 : memref<125xi32, #tpu.memory_space<vmem>>) semaphore(%arg21 : memref<!tpu.dma_semaphore, #tpu.memory_space<semaphore_mem>>) {add = true}
      %mul3A_396 = arith.constant 4 : i32
      %mul3A_397 = arith.muli %add3A_382, %mul3A_396 : i32
      %add3A_398 = arith.constant 1 : i32
      %add3A_399 = arith.addi %mul3A_397, %add3A_398 : i32
      %dma_start3A_400 = arith.constant 125 : i32
      %dma_start3A_401 = arith.constant 0 : i32
      %dma_start3A_402 = tpu.memref_slice %arg12[%dma_start3A_400, %dma_start3A_401] : memref<500x32xf32, #tpu.memory_space<vmem>> -> memref<125x32xf32, #tpu.memory_space<vmem>>
      %dma_start3A_403 = arith.constant 0 : i32
      %dma_start3A_404 = tpu.memref_slice %arg8[%add3A_399, %dma_start3A_403] : memref<80x125xi32, #tpu.memory_space<vmem>> -> memref<1x125xi32, #tpu.memory_space<vmem>>
      %dma_start3A_405 = tpu.memref_squeeze %dma_start3A_404 : memref<1x125xi32, #tpu.memory_space<vmem>> -> memref<125xi32, #tpu.memory_space<vmem>>
      %dma_start3A_406 = arith.constant 0 : i32
      %dma_start3A_407 = arith.constant 0 : i32
      %dma_start3A_408 = tpu.memref_slice %arg13[%dma_start3A_406, %dma_start3A_407] : memref<10000x32xf32, #tpu.memory_space<vmem_shared>> -> memref<10000x32xf32, #tpu.memory_space<vmem_shared>>
      tpu.enqueue_indirect_dma source(%dma_start3A_402 : memref<125x32xf32, #tpu.memory_space<vmem>>) target(%dma_start3A_408 : memref<10000x32xf32, #tpu.memory_space<vmem_shared>>) offsets(%dma_start3A_405 : memref<125xi32, #tpu.memory_space<vmem>>) semaphore(%arg21 : memref<!tpu.dma_semaphore, #tpu.memory_space<semaphore_mem>>) {add = true}
      %mul3A_409 = arith.constant 4 : i32
      %mul3A_410 = arith.muli %add3A_382, %mul3A_409 : i32
      %add3A_411 = arith.constant 2 : i32
      %add3A_412 = arith.addi %mul3A_410, %add3A_411 : i32
      %dma_start3A_413 = arith.constant 250 : i32
      %dma_start3A_414 = arith.constant 0 : i32
      %dma_start3A_415 = tpu.memref_slice %arg12[%dma_start3A_413, %dma_start3A_414] : memref<500x32xf32, #tpu.memory_space<vmem>> -> memref<125x32xf32, #tpu.memory_space<vmem>>
      %dma_start3A_416 = arith.constant 0 : i32
      %dma_start3A_417 = tpu.memref_slice %arg8[%add3A_412, %dma_start3A_416] : memref<80x125xi32, #tpu.memory_space<vmem>> -> memref<1x125xi32, #tpu.memory_space<vmem>>
      %dma_start3A_418 = tpu.memref_squeeze %dma_start3A_417 : memref<1x125xi32, #tpu.memory_space<vmem>> -> memref<125xi32, #tpu.memory_space<vmem>>
      %dma_start3A_419 = arith.constant 0 : i32
      %dma_start3A_420 = arith.constant 0 : i32
      %dma_start3A_421 = tpu.memref_slice %arg13[%dma_start3A_419, %dma_start3A_420] : memref<10000x32xf32, #tpu.memory_space<vmem_shared>> -> memref<10000x32xf32, #tpu.memory_space<vmem_shared>>
      tpu.enqueue_indirect_dma source(%dma_start3A_415 : memref<125x32xf32, #tpu.memory_space<vmem>>) target(%dma_start3A_421 : memref<10000x32xf32, #tpu.memory_space<vmem_shared>>) offsets(%dma_start3A_418 : memref<125xi32, #tpu.memory_space<vmem>>) semaphore(%arg21 : memref<!tpu.dma_semaphore, #tpu.memory_space<semaphore_mem>>) {add = true}
      %mul3A_422 = arith.constant 4 : i32
      %mul3A_423 = arith.muli %add3A_382, %mul3A_422 : i32
      %add3A_424 = arith.constant 3 : i32
      %add3A_425 = arith.addi %mul3A_423, %add3A_424 : i32
      %dma_start3A_426 = arith.constant 375 : i32
      %dma_start3A_427 = arith.constant 0 : i32
      %dma_start3A_428 = tpu.memref_slice %arg12[%dma_start3A_426, %dma_start3A_427] : memref<500x32xf32, #tpu.memory_space<vmem>> -> memref<125x32xf32, #tpu.memory_space<vmem>>
      %dma_start3A_429 = arith.constant 0 : i32
      %dma_start3A_430 = tpu.memref_slice %arg8[%add3A_425, %dma_start3A_429] : memref<80x125xi32, #tpu.memory_space<vmem>> -> memref<1x125xi32, #tpu.memory_space<vmem>>
      %dma_start3A_431 = tpu.memref_squeeze %dma_start3A_430 : memref<1x125xi32, #tpu.memory_space<vmem>> -> memref<125xi32, #tpu.memory_space<vmem>>
      %dma_start3A_432 = arith.constant 0 : i32
      %dma_start3A_433 = arith.constant 0 : i32
      %dma_start3A_434 = tpu.memref_slice %arg13[%dma_start3A_432, %dma_start3A_433] : memref<10000x32xf32, #tpu.memory_space<vmem_shared>> -> memref<10000x32xf32, #tpu.memory_space<vmem_shared>>
      tpu.enqueue_indirect_dma source(%dma_start3A_428 : memref<125x32xf32, #tpu.memory_space<vmem>>) target(%dma_start3A_434 : memref<10000x32xf32, #tpu.memory_space<vmem_shared>>) offsets(%dma_start3A_431 : memref<125xi32, #tpu.memory_space<vmem>>) semaphore(%arg21 : memref<!tpu.dma_semaphore, #tpu.memory_space<semaphore_mem>>) {add = true}
      %dma_wait3A_435 = arith.constant 0 : i32
      %dma_wait3A_436 = arith.constant 0 : i32
      %dma_wait3A_437 = tpu.memref_slice %arg2[%dma_wait3A_435, %dma_wait3A_436] : memref<10000x32xf32, #tpu.memory_space<hbm>> -> memref<500x32xf32, #tpu.memory_space<hbm>>
      %dma_wait3A_438 = arith.constant 0 : i32
      %dma_wait3A_439 = arith.constant 0 : i32
      %dma_wait3A_440 = tpu.memref_slice %arg2[%dma_wait3A_438, %dma_wait3A_439] : memref<10000x32xf32, #tpu.memory_space<hbm>> -> memref<500x32xf32, #tpu.memory_space<hbm>>
      tpu.wait_dma2 semaphore(%arg20 : memref<!tpu.dma_semaphore, #tpu.memory_space<semaphore_mem>>) src(%dma_wait3A_440 : memref<500x32xf32, #tpu.memory_space<hbm>>) dst(%arg11 : memref<500x32xf32, #tpu.memory_space<vmem>>)
      %add3A_441 = arith.constant 2 : i32
      %add3A_442 = arith.addi %add3A_168, %add3A_441 : i32
      %add3A_443 = arith.constant 4 : i32
      %add3A_444 = arith.addi %add3A_442, %add3A_443 : i32
      %lt3A_445 = arith.constant 20 : i32
      %lt3A_446 = arith.cmpi slt, %add3A_444, %lt3A_445 : i32
      %convert_element_type3A_447 = arith.extui %lt3A_446 : i1 to i32
      %cond3A_448 = arith.constant 0 : i32
      %cond3A_449 = arith.cmpi ne, %convert_element_type3A_447, %cond3A_448 : i32
      scf.if %cond3A_449 {
        %add3A_463 = arith.constant 2 : i32
        %add3A_464 = arith.addi %add3A_168, %add3A_463 : i32
        %add3A_465 = arith.constant 4 : i32
        %add3A_466 = arith.addi %add3A_464, %add3A_465 : i32
        %mul3A_467 = arith.constant 4 : i32
        %mul3A_468 = arith.muli %add3A_466, %mul3A_467 : i32
        %add3A_469 = arith.constant 0 : i32
        %add3A_470 = arith.addi %mul3A_468, %add3A_469 : i32
        %dma_start3A_471 = arith.constant 0 : i32
        %dma_start3A_472 = arith.constant 0 : i32
        %dma_start3A_473 = tpu.memref_slice %arg11[%dma_start3A_471, %dma_start3A_472] : memref<500x32xf32, #tpu.memory_space<vmem>> -> memref<125x32xf32, #tpu.memory_space<vmem>>
        %dma_start3A_474 = arith.constant 0 : i32
        %dma_start3A_475 = tpu.memref_slice %arg7[%add3A_470, %dma_start3A_474] : memref<80x125xi32, #tpu.memory_space<vmem>> -> memref<1x125xi32, #tpu.memory_space<vmem>>
        %dma_start3A_476 = tpu.memref_squeeze %dma_start3A_475 : memref<1x125xi32, #tpu.memory_space<vmem>> -> memref<125xi32, #tpu.memory_space<vmem>>
        %dma_start3A_477 = arith.constant 0 : i32
        %dma_start3A_478 = arith.constant 0 : i32
        %dma_start3A_479 = tpu.memref_slice %arg2[%dma_start3A_477, %dma_start3A_478] : memref<10000x32xf32, #tpu.memory_space<hbm>> -> memref<10000x32xf32, #tpu.memory_space<hbm>>
        tpu.enqueue_indirect_dma source(%dma_start3A_479 : memref<10000x32xf32, #tpu.memory_space<hbm>>) target(%dma_start3A_473 : memref<125x32xf32, #tpu.memory_space<vmem>>) offsets(%dma_start3A_476 : memref<125xi32, #tpu.memory_space<vmem>>) semaphore(%arg16 : memref<!tpu.dma_semaphore, #tpu.memory_space<semaphore_mem>>)
        %mul3A_480 = arith.constant 4 : i32
        %mul3A_481 = arith.muli %add3A_466, %mul3A_480 : i32
        %add3A_482 = arith.constant 1 : i32
        %add3A_483 = arith.addi %mul3A_481, %add3A_482 : i32
        %dma_start3A_484 = arith.constant 125 : i32
        %dma_start3A_485 = arith.constant 0 : i32
        %dma_start3A_486 = tpu.memref_slice %arg11[%dma_start3A_484, %dma_start3A_485] : memref<500x32xf32, #tpu.memory_space<vmem>> -> memref<125x32xf32, #tpu.memory_space<vmem>>
        %dma_start3A_487 = arith.constant 0 : i32
        %dma_start3A_488 = tpu.memref_slice %arg7[%add3A_483, %dma_start3A_487] : memref<80x125xi32, #tpu.memory_space<vmem>> -> memref<1x125xi32, #tpu.memory_space<vmem>>
        %dma_start3A_489 = tpu.memref_squeeze %dma_start3A_488 : memref<1x125xi32, #tpu.memory_space<vmem>> -> memref<125xi32, #tpu.memory_space<vmem>>
        %dma_start3A_490 = arith.constant 0 : i32
        %dma_start3A_491 = arith.constant 0 : i32
        %dma_start3A_492 = tpu.memref_slice %arg2[%dma_start3A_490, %dma_start3A_491] : memref<10000x32xf32, #tpu.memory_space<hbm>> -> memref<10000x32xf32, #tpu.memory_space<hbm>>
        tpu.enqueue_indirect_dma source(%dma_start3A_492 : memref<10000x32xf32, #tpu.memory_space<hbm>>) target(%dma_start3A_486 : memref<125x32xf32, #tpu.memory_space<vmem>>) offsets(%dma_start3A_489 : memref<125xi32, #tpu.memory_space<vmem>>) semaphore(%arg16 : memref<!tpu.dma_semaphore, #tpu.memory_space<semaphore_mem>>)
        %mul3A_493 = arith.constant 4 : i32
        %mul3A_494 = arith.muli %add3A_466, %mul3A_493 : i32
        %add3A_495 = arith.constant 2 : i32
        %add3A_496 = arith.addi %mul3A_494, %add3A_495 : i32
        %dma_start3A_497 = arith.constant 250 : i32
        %dma_start3A_498 = arith.constant 0 : i32
        %dma_start3A_499 = tpu.memref_slice %arg11[%dma_start3A_497, %dma_start3A_498] : memref<500x32xf32, #tpu.memory_space<vmem>> -> memref<125x32xf32, #tpu.memory_space<vmem>>
        %dma_start3A_500 = arith.constant 0 : i32
        %dma_start3A_501 = tpu.memref_slice %arg7[%add3A_496, %dma_start3A_500] : memref<80x125xi32, #tpu.memory_space<vmem>> -> memref<1x125xi32, #tpu.memory_space<vmem>>
        %dma_start3A_502 = tpu.memref_squeeze %dma_start3A_501 : memref<1x125xi32, #tpu.memory_space<vmem>> -> memref<125xi32, #tpu.memory_space<vmem>>
        %dma_start3A_503 = arith.constant 0 : i32
        %dma_start3A_504 = arith.constant 0 : i32
        %dma_start3A_505 = tpu.memref_slice %arg2[%dma_start3A_503, %dma_start3A_504] : memref<10000x32xf32, #tpu.memory_space<hbm>> -> memref<10000x32xf32, #tpu.memory_space<hbm>>
        tpu.enqueue_indirect_dma source(%dma_start3A_505 : memref<10000x32xf32, #tpu.memory_space<hbm>>) target(%dma_start3A_499 : memref<125x32xf32, #tpu.memory_space<vmem>>) offsets(%dma_start3A_502 : memref<125xi32, #tpu.memory_space<vmem>>) semaphore(%arg16 : memref<!tpu.dma_semaphore, #tpu.memory_space<semaphore_mem>>)
        %mul3A_506 = arith.constant 4 : i32
        %mul3A_507 = arith.muli %add3A_466, %mul3A_506 : i32
        %add3A_508 = arith.constant 3 : i32
        %add3A_509 = arith.addi %mul3A_507, %add3A_508 : i32
        %dma_start3A_510 = arith.constant 375 : i32
        %dma_start3A_511 = arith.constant 0 : i32
        %dma_start3A_512 = tpu.memref_slice %arg11[%dma_start3A_510, %dma_start3A_511] : memref<500x32xf32, #tpu.memory_space<vmem>> -> memref<125x32xf32, #tpu.memory_space<vmem>>
        %dma_start3A_513 = arith.constant 0 : i32
        %dma_start3A_514 = tpu.memref_slice %arg7[%add3A_509, %dma_start3A_513] : memref<80x125xi32, #tpu.memory_space<vmem>> -> memref<1x125xi32, #tpu.memory_space<vmem>>
        %dma_start3A_515 = tpu.memref_squeeze %dma_start3A_514 : memref<1x125xi32, #tpu.memory_space<vmem>> -> memref<125xi32, #tpu.memory_space<vmem>>
        %dma_start3A_516 = arith.constant 0 : i32
        %dma_start3A_517 = arith.constant 0 : i32
        %dma_start3A_518 = tpu.memref_slice %arg2[%dma_start3A_516, %dma_start3A_517] : memref<10000x32xf32, #tpu.memory_space<hbm>> -> memref<10000x32xf32, #tpu.memory_space<hbm>>
        tpu.enqueue_indirect_dma source(%dma_start3A_518 : memref<10000x32xf32, #tpu.memory_space<hbm>>) target(%dma_start3A_512 : memref<125x32xf32, #tpu.memory_space<vmem>>) offsets(%dma_start3A_515 : memref<125xi32, #tpu.memory_space<vmem>>) semaphore(%arg16 : memref<!tpu.dma_semaphore, #tpu.memory_space<semaphore_mem>>)
      } else {
      }
      %dma_wait3A_450 = arith.constant 0 : i32
      %dma_wait3A_451 = arith.constant 0 : i32
      %dma_wait3A_452 = tpu.memref_slice %arg2[%dma_wait3A_450, %dma_wait3A_451] : memref<10000x32xf32, #tpu.memory_space<hbm>> -> memref<500x32xf32, #tpu.memory_space<hbm>>
      %dma_wait3A_453 = arith.constant 0 : i32
      %dma_wait3A_454 = arith.constant 0 : i32
      %dma_wait3A_455 = tpu.memref_slice %arg2[%dma_wait3A_453, %dma_wait3A_454] : memref<10000x32xf32, #tpu.memory_space<hbm>> -> memref<500x32xf32, #tpu.memory_space<hbm>>
      tpu.wait_dma2 semaphore(%arg21 : memref<!tpu.dma_semaphore, #tpu.memory_space<semaphore_mem>>) src(%dma_wait3A_455 : memref<500x32xf32, #tpu.memory_space<hbm>>) dst(%arg12 : memref<500x32xf32, #tpu.memory_space<vmem>>)
      %add3A_456 = arith.constant 7 : i32
      %add3A_457 = arith.addi %add3A_168, %add3A_456 : i32
      %lt3A_458 = arith.constant 20 : i32
      %lt3A_459 = arith.cmpi slt, %add3A_457, %lt3A_458 : i32
      %convert_element_type3A_460 = arith.extui %lt3A_459 : i1 to i32
      %cond3A_461 = arith.constant 0 : i32
      %cond3A_462 = arith.cmpi ne, %convert_element_type3A_460, %cond3A_461 : i32
      scf.if %cond3A_462 {
        %add3A_463 = arith.constant 7 : i32
        %add3A_464 = arith.addi %add3A_168, %add3A_463 : i32
        %mul3A_465 = arith.constant 4 : i32
        %mul3A_466 = arith.muli %add3A_464, %mul3A_465 : i32
        %add3A_467 = arith.constant 0 : i32
        %add3A_468 = arith.addi %mul3A_466, %add3A_467 : i32
        %dma_start3A_469 = arith.constant 0 : i32
        %dma_start3A_470 = arith.constant 0 : i32
        %dma_start3A_471 = tpu.memref_slice %arg12[%dma_start3A_469, %dma_start3A_470] : memref<500x32xf32, #tpu.memory_space<vmem>> -> memref<125x32xf32, #tpu.memory_space<vmem>>
        %dma_start3A_472 = arith.constant 0 : i32
        %dma_start3A_473 = tpu.memref_slice %arg7[%add3A_468, %dma_start3A_472] : memref<80x125xi32, #tpu.memory_space<vmem>> -> memref<1x125xi32, #tpu.memory_space<vmem>>
        %dma_start3A_474 = tpu.memref_squeeze %dma_start3A_473 : memref<1x125xi32, #tpu.memory_space<vmem>> -> memref<125xi32, #tpu.memory_space<vmem>>
        %dma_start3A_475 = arith.constant 0 : i32
        %dma_start3A_476 = arith.constant 0 : i32
        %dma_start3A_477 = tpu.memref_slice %arg2[%dma_start3A_475, %dma_start3A_476] : memref<10000x32xf32, #tpu.memory_space<hbm>> -> memref<10000x32xf32, #tpu.memory_space<hbm>>
        tpu.enqueue_indirect_dma source(%dma_start3A_477 : memref<10000x32xf32, #tpu.memory_space<hbm>>) target(%dma_start3A_471 : memref<125x32xf32, #tpu.memory_space<vmem>>) offsets(%dma_start3A_474 : memref<125xi32, #tpu.memory_space<vmem>>) semaphore(%arg17 : memref<!tpu.dma_semaphore, #tpu.memory_space<semaphore_mem>>)
        %mul3A_478 = arith.constant 4 : i32
        %mul3A_479 = arith.muli %add3A_464, %mul3A_478 : i32
        %add3A_480 = arith.constant 1 : i32
        %add3A_481 = arith.addi %mul3A_479, %add3A_480 : i32
        %dma_start3A_482 = arith.constant 125 : i32
        %dma_start3A_483 = arith.constant 0 : i32
        %dma_start3A_484 = tpu.memref_slice %arg12[%dma_start3A_482, %dma_start3A_483] : memref<500x32xf32, #tpu.memory_space<vmem>> -> memref<125x32xf32, #tpu.memory_space<vmem>>
        %dma_start3A_485 = arith.constant 0 : i32
        %dma_start3A_486 = tpu.memref_slice %arg7[%add3A_481, %dma_start3A_485] : memref<80x125xi32, #tpu.memory_space<vmem>> -> memref<1x125xi32, #tpu.memory_space<vmem>>
        %dma_start3A_487 = tpu.memref_squeeze %dma_start3A_486 : memref<1x125xi32, #tpu.memory_space<vmem>> -> memref<125xi32, #tpu.memory_space<vmem>>
        %dma_start3A_488 = arith.constant 0 : i32
        %dma_start3A_489 = arith.constant 0 : i32
        %dma_start3A_490 = tpu.memref_slice %arg2[%dma_start3A_488, %dma_start3A_489] : memref<10000x32xf32, #tpu.memory_space<hbm>> -> memref<10000x32xf32, #tpu.memory_space<hbm>>
        tpu.enqueue_indirect_dma source(%dma_start3A_490 : memref<10000x32xf32, #tpu.memory_space<hbm>>) target(%dma_start3A_484 : memref<125x32xf32, #tpu.memory_space<vmem>>) offsets(%dma_start3A_487 : memref<125xi32, #tpu.memory_space<vmem>>) semaphore(%arg17 : memref<!tpu.dma_semaphore, #tpu.memory_space<semaphore_mem>>)
        %mul3A_491 = arith.constant 4 : i32
        %mul3A_492 = arith.muli %add3A_464, %mul3A_491 : i32
        %add3A_493 = arith.constant 2 : i32
        %add3A_494 = arith.addi %mul3A_492, %add3A_493 : i32
        %dma_start3A_495 = arith.constant 250 : i32
        %dma_start3A_496 = arith.constant 0 : i32
        %dma_start3A_497 = tpu.memref_slice %arg12[%dma_start3A_495, %dma_start3A_496] : memref<500x32xf32, #tpu.memory_space<vmem>> -> memref<125x32xf32, #tpu.memory_space<vmem>>
        %dma_start3A_498 = arith.constant 0 : i32
        %dma_start3A_499 = tpu.memref_slice %arg7[%add3A_494, %dma_start3A_498] : memref<80x125xi32, #tpu.memory_space<vmem>> -> memref<1x125xi32, #tpu.memory_space<vmem>>
        %dma_start3A_500 = tpu.memref_squeeze %dma_start3A_499 : memref<1x125xi32, #tpu.memory_space<vmem>> -> memref<125xi32, #tpu.memory_space<vmem>>
        %dma_start3A_501 = arith.constant 0 : i32
        %dma_start3A_502 = arith.constant 0 : i32
        %dma_start3A_503 = tpu.memref_slice %arg2[%dma_start3A_501, %dma_start3A_502] : memref<10000x32xf32, #tpu.memory_space<hbm>> -> memref<10000x32xf32, #tpu.memory_space<hbm>>
        tpu.enqueue_indirect_dma source(%dma_start3A_503 : memref<10000x32xf32, #tpu.memory_space<hbm>>) target(%dma_start3A_497 : memref<125x32xf32, #tpu.memory_space<vmem>>) offsets(%dma_start3A_500 : memref<125xi32, #tpu.memory_space<vmem>>) semaphore(%arg17 : memref<!tpu.dma_semaphore, #tpu.memory_space<semaphore_mem>>)
        %mul3A_504 = arith.constant 4 : i32
        %mul3A_505 = arith.muli %add3A_464, %mul3A_504 : i32
        %add3A_506 = arith.constant 3 : i32
        %add3A_507 = arith.addi %mul3A_505, %add3A_506 : i32
        %dma_start3A_508 = arith.constant 375 : i32
        %dma_start3A_509 = arith.constant 0 : i32
        %dma_start3A_510 = tpu.memref_slice %arg12[%dma_start3A_508, %dma_start3A_509] : memref<500x32xf32, #tpu.memory_space<vmem>> -> memref<125x32xf32, #tpu.memory_space<vmem>>
        %dma_start3A_511 = arith.constant 0 : i32
        %dma_start3A_512 = tpu.memref_slice %arg7[%add3A_507, %dma_start3A_511] : memref<80x125xi32, #tpu.memory_space<vmem>> -> memref<1x125xi32, #tpu.memory_space<vmem>>
        %dma_start3A_513 = tpu.memref_squeeze %dma_start3A_512 : memref<1x125xi32, #tpu.memory_space<vmem>> -> memref<125xi32, #tpu.memory_space<vmem>>
        %dma_start3A_514 = arith.constant 0 : i32
        %dma_start3A_515 = arith.constant 0 : i32
        %dma_start3A_516 = tpu.memref_slice %arg2[%dma_start3A_514, %dma_start3A_515] : memref<10000x32xf32, #tpu.memory_space<hbm>> -> memref<10000x32xf32, #tpu.memory_space<hbm>>
        tpu.enqueue_indirect_dma source(%dma_start3A_516 : memref<10000x32xf32, #tpu.memory_space<hbm>>) target(%dma_start3A_510 : memref<125x32xf32, #tpu.memory_space<vmem>>) offsets(%dma_start3A_513 : memref<125xi32, #tpu.memory_space<vmem>>) semaphore(%arg17 : memref<!tpu.dma_semaphore, #tpu.memory_space<semaphore_mem>>)
      } else {
      }
    }
    %scan3A_163 = arith.constant 5 : i32
    %barrier3A_164 = arith.constant 0 : index
    tpu.barrier barrier_id(%barrier3A_164)
    "tpu.region"() ({
      %run_scoped3A = tpu.sem_alloc : memref<!tpu.dma_semaphore, #tpu.memory_space<semaphore_mem>>
      %dma_start3A_165 = arith.constant 0 : i32
      %dma_start3A_166 = arith.constant 0 : i32
      %dma_start3A_167 = tpu.memref_slice %arg6[%arg0, %arg1, %dma_start3A_165, %dma_start3A_166] : memref<2x16x625x32xf32, #tpu.memory_space<hbm>> -> memref<1x1x625x32xf32, #tpu.memory_space<hbm>>
      %dma_start3A_168 = tpu.memref_squeeze %dma_start3A_167 : memref<1x1x625x32xf32, #tpu.memory_space<hbm>> -> memref<625x32xf32, #tpu.memory_space<hbm>>
      %dma_start3A_169 = arith.constant 0 : i32
      %dma_start3A_170 = tpu.memref_slice %arg13[%mul3A_0, %dma_start3A_169] : memref<10000x32xf32, #tpu.memory_space<vmem_shared>> -> memref<625x32xf32, #tpu.memory_space<vmem_shared>>
      tpu.enqueue_dma source(%dma_start3A_170 : memref<625x32xf32, #tpu.memory_space<vmem_shared>>) target(%dma_start3A_168 : memref<625x32xf32, #tpu.memory_space<hbm>>) target_semaphore(%run_scoped3A : memref<!tpu.dma_semaphore, #tpu.memory_space<semaphore_mem>>)
      %dma_wait3A = arith.constant 0 : i32
      %dma_wait3A_171 = arith.constant 0 : i32
      %dma_wait3A_172 = tpu.memref_slice %arg6[%arg0, %arg1, %dma_wait3A, %dma_wait3A_171] : memref<2x16x625x32xf32, #tpu.memory_space<hbm>> -> memref<1x1x625x32xf32, #tpu.memory_space<hbm>>
      %dma_wait3A_173 = tpu.memref_squeeze %dma_wait3A_172 : memref<1x1x625x32xf32, #tpu.memory_space<hbm>> -> memref<625x32xf32, #tpu.memory_space<hbm>>
      %dma_wait3A_174 = arith.constant 0 : i32
      %dma_wait3A_175 = tpu.memref_slice %arg13[%mul3A_0, %dma_wait3A_174] : memref<10000x32xf32, #tpu.memory_space<vmem_shared>> -> memref<625x32xf32, #tpu.memory_space<vmem_shared>>
      tpu.wait_dma2 semaphore(%run_scoped3A : memref<!tpu.dma_semaphore, #tpu.memory_space<semaphore_mem>>) src(%dma_wait3A_175 : memref<625x32xf32, #tpu.memory_space<vmem_shared>>) dst(%dma_wait3A_173 : memref<625x32xf32, #tpu.memory_space<hbm>>)
      tpu.yield
    }) : () -> ()
    return
  }
}

module attributes {stable_mosaic.version = 14 : i64} {
  func.func @_dinv_scale_body(%arg0: memref<2x10000x16xf32, #tpu.memory_space<vmem>>, %arg1: memref<10000x128xf32, #tpu.memory_space<vmem>>, %arg2: memref<128x32xf32, #tpu.memory_space<vmem>>, %arg3: memref<10000x1xf32, #tpu.memory_space<vmem>>, %arg4: memref<10000x32xf32, #tpu.memory_space<vmem>>) attributes {dimension_semantics = [], scalar_prefetch = 0 : i64, scratch_operands = 0 : i64, tpu.core_type = #tpu.core_type<tc>} {
    %get3A = arith.constant 0 : index
    %get3A_0 = arith.constant 0 : index
    %get3A_1 = arith.constant 0 : index
    %get3A_2 = vector.load %arg0[%get3A, %get3A_0, %get3A_1] : memref<2x10000x16xf32, #tpu.memory_space<vmem>>, vector<2x10000x16xf32>
    %slice3A = vector.extract_strided_slice %get3A_2 {offsets = [0, 0, 0], sizes = [1, 10000, 1], strides = [1, 1, 1]} : vector<2x10000x16xf32> to vector<1x10000x1xf32>
    %squeeze3A = vector.shape_cast %slice3A : vector<1x10000x1xf32> to vector<10000x1xf32>
    %slice3A_3 = vector.extract_strided_slice %get3A_2 {offsets = [1, 0, 0], sizes = [1, 10000, 1], strides = [1, 1, 1]} : vector<2x10000x16xf32> to vector<1x10000x1xf32>
    %squeeze3A_4 = vector.shape_cast %slice3A_3 : vector<1x10000x1xf32> to vector<10000x1xf32>
    %add3A = arith.addf %squeeze3A, %squeeze3A_4 : vector<10000x1xf32>
    %add3A_5 = arith.constant 1.000000e+00 : f32
    %add3A_6 = vector.broadcast %add3A_5 : f32 to vector<10000x1xf32>
    %add3A_7 = arith.addf %add3A, %add3A_6 : vector<10000x1xf32>
    %rsqrt3A = math.rsqrt %add3A_7 : vector<10000x1xf32>
    %swap3A = arith.constant 0 : index
    %swap3A_8 = arith.constant 0 : index
    %swap3A_9 = vector.load %arg3[%swap3A, %swap3A_8] : memref<10000x1xf32, #tpu.memory_space<vmem>>, vector<10000x1xf32>
    tpu.vector_store %arg3[%swap3A, %swap3A_8], %rsqrt3A {strides = array<i32>} : memref<10000x1xf32, #tpu.memory_space<vmem>>, vector<10000x1xf32>,
    %get3A_10 = arith.constant 0 : index
    %get3A_11 = arith.constant 0 : index
    %get3A_12 = vector.load %arg1[%get3A_10, %get3A_11] : memref<10000x128xf32, #tpu.memory_space<vmem>>, vector<10000x128xf32>
    %get3A_13 = arith.constant 0 : index
    %get3A_14 = arith.constant 0 : index
    %get3A_15 = vector.load %arg2[%get3A_13, %get3A_14] : memref<128x32xf32, #tpu.memory_space<vmem>>, vector<128x32xf32>
    %dot_general3A = arith.constant dense<0.000000e+00> : vector<10000x32xf32>
    %dot_general3A_16 = tpu.matmul %get3A_12, %get3A_15, %dot_general3A {dimension_numbers = #tpu.dot_dimension_numbers<[1], [0], [0], [1], [0, 0, 1, 1], [], []>, transpose_lhs_hint = false} : vector<10000x128xf32>, vector<128x32xf32>, vector<10000x32xf32> -> vector<10000x32xf32>
    %mul3A = vector.broadcast %rsqrt3A : vector<10000x1xf32> to vector<10000x32xf32>
    %mul3A_17 = arith.mulf %dot_general3A_16, %mul3A : vector<10000x32xf32>
    %swap3A_18 = arith.constant 0 : index
    %swap3A_19 = arith.constant 0 : index
    %swap3A_20 = vector.load %arg4[%swap3A_18, %swap3A_19] : memref<10000x32xf32, #tpu.memory_space<vmem>>, vector<10000x32xf32>
    tpu.vector_store %arg4[%swap3A_18, %swap3A_19], %mul3A_17 {strides = array<i32>} : memref<10000x32xf32, #tpu.memory_space<vmem>>, vector<10000x32xf32>,
    return
  }
}

module attributes {stable_mosaic.version = 14 : i64} {
  func.func @_layer_body(%arg0: memref<2x10000x32xf32, #tpu.memory_space<vmem>>, %arg1: memref<10000x32xf32, #tpu.memory_space<vmem>>, %arg2: memref<10000x1xf32, #tpu.memory_space<vmem>>, %arg3: memref<1x32xf32, #tpu.memory_space<vmem>>, %arg4: memref<1x32xf32, #tpu.memory_space<vmem>>, %arg5: memref<1x32xf32, #tpu.memory_space<vmem>>, %arg6: memref<32x32xf32, #tpu.memory_space<vmem>>, %arg7: memref<10000x32xf32, #tpu.memory_space<vmem>>) attributes {dimension_semantics = [], scalar_prefetch = 0 : i64, scratch_operands = 0 : i64, tpu.core_type = #tpu.core_type<tc>} {
    %get3A = arith.constant 0 : index
    %get3A_0 = arith.constant 0 : index
    %get3A_1 = arith.constant 0 : index
    %get3A_2 = vector.load %arg0[%get3A, %get3A_0, %get3A_1] : memref<2x10000x32xf32, #tpu.memory_space<vmem>>, vector<2x10000x32xf32>
    %get3A_3 = arith.constant 0 : index
    %get3A_4 = arith.constant 0 : index
    %get3A_5 = vector.load %arg2[%get3A_3, %get3A_4] : memref<10000x1xf32, #tpu.memory_space<vmem>>, vector<10000x1xf32>
    %slice3A = vector.extract_strided_slice %get3A_2 {offsets = [0, 0, 0], sizes = [1, 10000, 32], strides = [1, 1, 1]} : vector<2x10000x32xf32> to vector<1x10000x32xf32>
    %squeeze3A = vector.shape_cast %slice3A : vector<1x10000x32xf32> to vector<10000x32xf32>
    %slice3A_6 = vector.extract_strided_slice %get3A_2 {offsets = [1, 0, 0], sizes = [1, 10000, 32], strides = [1, 1, 1]} : vector<2x10000x32xf32> to vector<1x10000x32xf32>
    %squeeze3A_7 = vector.shape_cast %slice3A_6 : vector<1x10000x32xf32> to vector<10000x32xf32>
    %add3A = arith.addf %squeeze3A, %squeeze3A_7 : vector<10000x32xf32>
    %get3A_8 = arith.constant 0 : index
    %get3A_9 = arith.constant 0 : index
    %get3A_10 = vector.load %arg1[%get3A_8, %get3A_9] : memref<10000x32xf32, #tpu.memory_space<vmem>>, vector<10000x32xf32>
    %add3A_11 = arith.addf %add3A, %get3A_10 : vector<10000x32xf32>
    %mul3A = vector.broadcast %get3A_5 : vector<10000x1xf32> to vector<10000x32xf32>
    %mul3A_12 = arith.mulf %add3A_11, %mul3A : vector<10000x32xf32>
    %get3A_13 = arith.constant 0 : index
    %get3A_14 = arith.constant 0 : index
    %get3A_15 = vector.load %arg3[%get3A_13, %get3A_14] : memref<1x32xf32, #tpu.memory_space<vmem>>, vector<1x32xf32>
    %add3A_16 = vector.broadcast %get3A_15 : vector<1x32xf32> to vector<10000x32xf32>
    %add3A_17 = arith.addf %mul3A_12, %add3A_16 : vector<10000x32xf32>
    %max3A = arith.constant 0.000000e+00 : f32
    %max3A_18 = vector.broadcast %max3A : f32 to vector<10000x32xf32>
    %max3A_19 = arith.maximumf %add3A_17, %max3A_18 : vector<10000x32xf32>
    %reduce_sum3A = arith.constant dense<0.000000e+00> : vector<10000xf32>
    %reduce_sum3A_20 = vector.multi_reduction <add>, %max3A_19, %reduce_sum3A [1] : vector<10000x32xf32> to vector<10000xf32>
    %broadcast_in_dim3A = vector.shape_cast %reduce_sum3A_20 : vector<10000xf32> to vector<10000x1xf32>
    %div3A = arith.constant 3.200000e+01 : f32
    %div3A_21 = vector.broadcast %div3A : f32 to vector<10000x1xf32>
    %div3A_22 = arith.divf %broadcast_in_dim3A, %div3A_21 : vector<10000x1xf32>
    %sub3A = vector.broadcast %div3A_22 : vector<10000x1xf32> to vector<10000x32xf32>
    %sub3A_23 = arith.subf %max3A_19, %sub3A : vector<10000x32xf32>
    %integer_pow3A = arith.mulf %sub3A_23, %sub3A_23 : vector<10000x32xf32>
    %reduce_sum3A_24 = arith.constant dense<0.000000e+00> : vector<10000xf32>
    %reduce_sum3A_25 = vector.multi_reduction <add>, %integer_pow3A, %reduce_sum3A_24 [1] : vector<10000x32xf32> to vector<10000xf32>
    %broadcast_in_dim3A_26 = vector.shape_cast %reduce_sum3A_25 : vector<10000xf32> to vector<10000x1xf32>
    %div3A_27 = arith.constant 3.200000e+01 : f32
    %div3A_28 = vector.broadcast %div3A_27 : f32 to vector<10000x1xf32>
    %div3A_29 = arith.divf %broadcast_in_dim3A_26, %div3A_28 : vector<10000x1xf32>
    %sub3A_30 = vector.broadcast %div3A_22 : vector<10000x1xf32> to vector<10000x32xf32>
    %sub3A_31 = arith.subf %max3A_19, %sub3A_30 : vector<10000x32xf32>
    %add3A_32 = arith.constant 9.99999974E-6 : f32
    %add3A_33 = vector.broadcast %add3A_32 : f32 to vector<10000x1xf32>
    %add3A_34 = arith.addf %div3A_29, %add3A_33 : vector<10000x1xf32>
    %rsqrt3A = math.rsqrt %add3A_34 : vector<10000x1xf32>
    %mul3A_35 = vector.broadcast %rsqrt3A : vector<10000x1xf32> to vector<10000x32xf32>
    %mul3A_36 = arith.mulf %sub3A_31, %mul3A_35 : vector<10000x32xf32>
    %get3A_37 = arith.constant 0 : index
    %get3A_38 = arith.constant 0 : index
    %get3A_39 = vector.load %arg4[%get3A_37, %get3A_38] : memref<1x32xf32, #tpu.memory_space<vmem>>, vector<1x32xf32>
    %mul3A_40 = vector.broadcast %get3A_39 : vector<1x32xf32> to vector<10000x32xf32>
    %mul3A_41 = arith.mulf %mul3A_36, %mul3A_40 : vector<10000x32xf32>
    %get3A_42 = arith.constant 0 : index
    %get3A_43 = arith.constant 0 : index
    %get3A_44 = vector.load %arg5[%get3A_42, %get3A_43] : memref<1x32xf32, #tpu.memory_space<vmem>>, vector<1x32xf32>
    %add3A_45 = vector.broadcast %get3A_44 : vector<1x32xf32> to vector<10000x32xf32>
    %add3A_46 = arith.addf %mul3A_41, %add3A_45 : vector<10000x32xf32>
    %get3A_47 = arith.constant 0 : index
    %get3A_48 = arith.constant 0 : index
    %get3A_49 = vector.load %arg6[%get3A_47, %get3A_48] : memref<32x32xf32, #tpu.memory_space<vmem>>, vector<32x32xf32>
    %dot_general3A = arith.constant dense<0.000000e+00> : vector<10000x32xf32>
    %dot_general3A_50 = tpu.matmul %add3A_46, %get3A_49, %dot_general3A {dimension_numbers = #tpu.dot_dimension_numbers<[1], [0], [0], [1], [0, 0, 1, 1], [], []>, transpose_lhs_hint = false} : vector<10000x32xf32>, vector<32x32xf32>, vector<10000x32xf32> -> vector<10000x32xf32>
    %mul3A_51 = vector.broadcast %get3A_5 : vector<10000x1xf32> to vector<10000x32xf32>
    %mul3A_52 = arith.mulf %dot_general3A_50, %mul3A_51 : vector<10000x32xf32>
    %swap3A = arith.constant 0 : index
    %swap3A_53 = arith.constant 0 : index
    %swap3A_54 = vector.load %arg7[%swap3A, %swap3A_53] : memref<10000x32xf32, #tpu.memory_space<vmem>>, vector<10000x32xf32>
    tpu.vector_store %arg7[%swap3A, %swap3A_53], %mul3A_52 {strides = array<i32>} : memref<10000x32xf32, #tpu.memory_space<vmem>>, vector<10000x32xf32>,
    return
  }
}

module attributes {stable_mosaic.version = 14 : i64} {
  func.func @_head_body(%arg0: memref<2x10000x32xf32, #tpu.memory_space<vmem>>, %arg1: memref<10000x32xf32, #tpu.memory_space<vmem>>, %arg2: memref<10000x1xf32, #tpu.memory_space<vmem>>, %arg3: memref<1x32xf32, #tpu.memory_space<vmem>>, %arg4: memref<32x32xf32, #tpu.memory_space<vmem>>, %arg5: memref<1x32xf32, #tpu.memory_space<vmem>>, %arg6: memref<32x128xf32, #tpu.memory_space<vmem>>, %arg7: memref<1x128xf32, #tpu.memory_space<vmem>>, %arg8: memref<10000x32xf32, #tpu.memory_space<vmem>>, %arg9: memref<10000x128xf32, #tpu.memory_space<vmem>>) attributes {dimension_semantics = [], scalar_prefetch = 0 : i64, scratch_operands = 0 : i64, tpu.core_type = #tpu.core_type<tc>} {
    %get3A = arith.constant 0 : index
    %get3A_0 = arith.constant 0 : index
    %get3A_1 = arith.constant 0 : index
    %get3A_2 = vector.load %arg0[%get3A, %get3A_0, %get3A_1] : memref<2x10000x32xf32, #tpu.memory_space<vmem>>, vector<2x10000x32xf32>
    %slice3A = vector.extract_strided_slice %get3A_2 {offsets = [0, 0, 0], sizes = [1, 10000, 32], strides = [1, 1, 1]} : vector<2x10000x32xf32> to vector<1x10000x32xf32>
    %squeeze3A = vector.shape_cast %slice3A : vector<1x10000x32xf32> to vector<10000x32xf32>
    %slice3A_3 = vector.extract_strided_slice %get3A_2 {offsets = [1, 0, 0], sizes = [1, 10000, 32], strides = [1, 1, 1]} : vector<2x10000x32xf32> to vector<1x10000x32xf32>
    %squeeze3A_4 = vector.shape_cast %slice3A_3 : vector<1x10000x32xf32> to vector<10000x32xf32>
    %add3A = arith.addf %squeeze3A, %squeeze3A_4 : vector<10000x32xf32>
    %get3A_5 = arith.constant 0 : index
    %get3A_6 = arith.constant 0 : index
    %get3A_7 = vector.load %arg1[%get3A_5, %get3A_6] : memref<10000x32xf32, #tpu.memory_space<vmem>>, vector<10000x32xf32>
    %add3A_8 = arith.addf %add3A, %get3A_7 : vector<10000x32xf32>
    %get3A_9 = arith.constant 0 : index
    %get3A_10 = arith.constant 0 : index
    %get3A_11 = vector.load %arg2[%get3A_9, %get3A_10] : memref<10000x1xf32, #tpu.memory_space<vmem>>, vector<10000x1xf32>
    %mul3A = vector.broadcast %get3A_11 : vector<10000x1xf32> to vector<10000x32xf32>
    %mul3A_12 = arith.mulf %add3A_8, %mul3A : vector<10000x32xf32>
    %get3A_13 = arith.constant 0 : index
    %get3A_14 = arith.constant 0 : index
    %get3A_15 = vector.load %arg3[%get3A_13, %get3A_14] : memref<1x32xf32, #tpu.memory_space<vmem>>, vector<1x32xf32>
    %add3A_16 = vector.broadcast %get3A_15 : vector<1x32xf32> to vector<10000x32xf32>
    %add3A_17 = arith.addf %mul3A_12, %add3A_16 : vector<10000x32xf32>
    %swap3A = arith.constant 0 : index
    %swap3A_18 = arith.constant 0 : index
    %swap3A_19 = vector.load %arg8[%swap3A, %swap3A_18] : memref<10000x32xf32, #tpu.memory_space<vmem>>, vector<10000x32xf32>
    tpu.vector_store %arg8[%swap3A, %swap3A_18], %add3A_17 {strides = array<i32>} : memref<10000x32xf32, #tpu.memory_space<vmem>>, vector<10000x32xf32>,
    %max3A = arith.constant 0.000000e+00 : f32
    %max3A_20 = vector.broadcast %max3A : f32 to vector<10000x32xf32>
    %max3A_21 = arith.maximumf %add3A_17, %max3A_20 : vector<10000x32xf32>
    %get3A_22 = arith.constant 0 : index
    %get3A_23 = arith.constant 0 : index
    %get3A_24 = vector.load %arg4[%get3A_22, %get3A_23] : memref<32x32xf32, #tpu.memory_space<vmem>>, vector<32x32xf32>
    %dot_general3A = arith.constant dense<0.000000e+00> : vector<10000x32xf32>
    %dot_general3A_25 = tpu.matmul %max3A_21, %get3A_24, %dot_general3A {dimension_numbers = #tpu.dot_dimension_numbers<[1], [0], [0], [1], [0, 0, 1, 1], [], []>, transpose_lhs_hint = false} : vector<10000x32xf32>, vector<32x32xf32>, vector<10000x32xf32> -> vector<10000x32xf32>
    %get3A_26 = arith.constant 0 : index
    %get3A_27 = arith.constant 0 : index
    %get3A_28 = vector.load %arg5[%get3A_26, %get3A_27] : memref<1x32xf32, #tpu.memory_space<vmem>>, vector<1x32xf32>
    %add3A_29 = vector.broadcast %get3A_28 : vector<1x32xf32> to vector<10000x32xf32>
    %add3A_30 = arith.addf %dot_general3A_25, %add3A_29 : vector<10000x32xf32>
    %get3A_31 = arith.constant 0 : index
    %get3A_32 = arith.constant 0 : index
    %get3A_33 = vector.load %arg6[%get3A_31, %get3A_32] : memref<32x128xf32, #tpu.memory_space<vmem>>, vector<32x128xf32>
    %dot_general3A_34 = arith.constant dense<0.000000e+00> : vector<10000x128xf32>
    %dot_general3A_35 = tpu.matmul %add3A_30, %get3A_33, %dot_general3A_34 {dimension_numbers = #tpu.dot_dimension_numbers<[1], [0], [0], [1], [0, 0, 1, 1], [], []>, transpose_lhs_hint = false} : vector<10000x32xf32>, vector<32x128xf32>, vector<10000x128xf32> -> vector<10000x128xf32>
    %get3A_36 = arith.constant 0 : index
    %get3A_37 = arith.constant 0 : index
    %get3A_38 = vector.load %arg7[%get3A_36, %get3A_37] : memref<1x128xf32, #tpu.memory_space<vmem>>, vector<1x128xf32>
    %add3A_39 = vector.broadcast %get3A_38 : vector<1x128xf32> to vector<10000x128xf32>
    %add3A_40 = arith.addf %dot_general3A_35, %add3A_39 : vector<10000x128xf32>
    %reduce_max3A = arith.constant dense<0xFF800000> : vector<10000xf32>
    %reduce_max3A_41 = vector.multi_reduction <maximumf>, %add3A_40, %reduce_max3A [1] : vector<10000x128xf32> to vector<10000xf32>
    %broadcast_in_dim3A = vector.shape_cast %reduce_max3A_41 : vector<10000xf32> to vector<10000x1xf32>
    %sub3A = vector.broadcast %broadcast_in_dim3A : vector<10000x1xf32> to vector<10000x128xf32>
    %sub3A_42 = arith.subf %add3A_40, %sub3A : vector<10000x128xf32>
    %exp3A = math.exp %sub3A_42 : vector<10000x128xf32>
    %reduce_sum3A = arith.constant dense<0.000000e+00> : vector<10000xf32>
    %reduce_sum3A_43 = vector.multi_reduction <add>, %exp3A, %reduce_sum3A [1] : vector<10000x128xf32> to vector<10000xf32>
    %broadcast_in_dim3A_44 = vector.shape_cast %reduce_sum3A_43 : vector<10000xf32> to vector<10000x1xf32>
    %log3A = math.log %broadcast_in_dim3A_44 : vector<10000x1xf32>
    %sub3A_45 = vector.broadcast %log3A : vector<10000x1xf32> to vector<10000x128xf32>
    %sub3A_46 = arith.subf %sub3A_42, %sub3A_45 : vector<10000x128xf32>
    %swap3A_47 = arith.constant 0 : index
    %swap3A_48 = arith.constant 0 : index
    %swap3A_49 = vector.load %arg9[%swap3A_47, %swap3A_48] : memref<10000x128xf32, #tpu.memory_space<vmem>>, vector<10000x128xf32>
    tpu.vector_store %arg9[%swap3A_47, %swap3A_48], %sub3A_46 {strides = array<i32>} : memref<10000x128xf32, #tpu.memory_space<vmem>>, vector<10000x128xf32>,
    return
  }
}

</mosaic_0001>

<sc_bundles>
// kernel: kernel.10.cloned.1.call-start
scs
__scs_entry_jumppad:
0x0: {  	(pc) =	sbr.rel $0x88, $3  }
0x1: {  	(tag) =	ssettag $0x0;
	lr =	simm.s32 $0x1  }
0x2: {  	[smem:$0x3F91] =	sst lr;
	_ =	strace $0xD0000000  }
0x3: {  	_ = 	snop  }
0x4: {  	_ = 	snop  }
0x5: {  	_ = 	snop  }
0x6: {  	_ = 	snop  }
0x7: {  	_ = 	snop  }
__scs_overlays_trampoline_lowered:
0x8: {  	[smem:$0x3FA0] =	sst s0  }
0x9: {  	[smem:$0x3FA1] =	sst s1  }
0xa: {  	[smem:$0x3FA2] =	sst s2  }
0xb: {  	[smem:$0x3FA3] =	sst s3  }
0xc: {  	[smem:$0x3FA4] =	sst s4  }
0xd: {  	[smem:$0x3FA5] =	sst s5  }
0xe: {  	[smem:$0x3FA6] =	sst s6  }
0xf: {  	[smem:$0x3FA7] =	sst s7  }
0x10: {  	[smem:$0x3FA8] =	sst s8  }
0x11: {  	[smem:$0x3FA9] =	sst s9;
	s0 =	simm.s32 @!p0 $0x0  }
0x12: {  	s1 =	sld [smem:$0x3F8F];
	s0 =	simm.s32 @p0 $0x1  }
0x13: {  	[smem:$0x3FAA] =	sst s0;
	s0 =	simm.s32 @!p1 $0x0  }
0x14: {  	s2 =	sld [smem:$0x3F8E];
	s0 =	simm.s32 @p1 $0x1  }
0x15: {  	[smem:$0x3FAB] =	sst s0;
	s0 =	simm.s32 @!p2 $0x0  }
0x16: {  	s3 =	sld [smem:$0x3FDB];
	s0 =	simm.s32 @p2 $0x1  }
0x17: {  	s4 =	simm.s32 $0x1BF5;
	[smem:$0x3FAD] =	sst s0  }
0x18: {  	s0 =	sld [smem:$0x3F90];
	_ =	swait.ge [sflag:s4], $0x0  }
0x19: {  	s7 =	sld [smem:$0x3F91]  }
0x1a: {  	s8 =	sadd.s32 $0xFFFFE003, lr  }
0x1b: {  	s9 =	sadd.s32 $0xFFFFFEF7, lr;
	s5 =	simm.s32 $0xFFFFFFFF;
	p2 =	slt.u32 s8, $0xFFFFF086  }
0x1c: {  	p1 =	slt.u32 s9, $0xF7A;
	s5 =	simm.s32 @!p2 $0x0  }
0x1d: {  	s5 =	simm.s32 @p1 $0x1;
	p0 =	seq.s32 s7, s2  }
0x1e: {  	s7 =	smul.u32 @!p0 $0xF7A, s2;
	p2 =	seq.s32 @!p0 s5, $0x0  }
0x1f: {  	s9 =	smul.u32 $0xF7A, s1;
	s8 =	simm.s32 @!p0 $0x1BF5;
	p2 =	por !p2, p0  }
0x20: {  	[sflag:s8] =	ssyncset.s32 @!p0 $0xFFFFF086;
	s6 =	sadd.s32 @!p0 s3, s7;
	s7 =	simm.s32 @!p0 $0x108  }
0x21: {  	s3 =	sadd.s32 s3, s9;
	s6 =	sadd.s32 @!p0 $0x88, s6;
	s7 =	simm.s32 @p2 $0x1082  }
0x22: {  	[simem:s7], [sflag:s8] =	dma.local @!p0 [hbm:s6], $0xF7A  }
0x23: {  	s9 =	sor.u32 $0xD0000000, s2;
	s6 =	simm.s32 $0x108;
	_ =	swait.ge @!p0 [sflag:s8], $0x0  }
0x24: {  	s3 =	sadd.s32 $0x88, s3;
	s6 =	simm.s32 @!p1 $0x1082;
	[sflag:s4] =	ssyncset.s32 $0xFFFFF086  }
0x25: {  	[simem:s6], [sflag:s4] =	dma.local [hbm:s3], $0xF7A  }
0x26: {  	[smem:$0x3F91] =	sst s1;
	(tag) =	ssettag s2;
	_ =	strace s9  }
0x27: {  	s1 =	sld [smem:$0x3FA1]  }
0x28: {  	s2 =	sld [smem:$0x3FA2]  }
0x29: {  	s4 =	sld [smem:$0x3FA4]  }
0x2a: {  	p0 =	seq.s32 s5, $0x0;
	s5 =	sld [smem:$0x3FA5]  }
0x2b: {  	s6 =	sld [smem:$0x3FA6]  }
0x2c: {  	s7 =	sld [smem:$0x3FA7]  }
0x2d: {  	s3 =	simm.s32 $0x108;
	s8 =	sld [smem:$0x3FA8]  }
0x2e: {  	s3 =	simm.s32 @!p0 $0x1082;
	s9 =	sld [smem:$0x3FA9]  }
0x2f: {  	lr =	sadd.s32 s0, s3;
	s0 =	sld [smem:$0x3FA0]  }
0x30: {  	s3 =	sld [smem:$0x3FA3]  }
0x31: {  	[smem:$0x3FAC] =	sst s10  }
0x32: {  	s10 =	sld [smem:$0x3FAA];
	_ =	sdelay $0x3  }
0x33: {  	p0 =	seq.s32 s10, $0x1;
	s10 =	sld [smem:$0x3FAC];
	_ =	sdelay $0x3  }
0x34: {  	[smem:$0x3FAC] =	sst s10  }
0x35: {  	s10 =	sld [smem:$0x3FAB];
	_ =	sdelay $0x3  }
0x36: {  	p1 =	seq.s32 s10, $0x1;
	s10 =	sld [smem:$0x3FAC];
	_ =	sdelay $0x3  }
0x37: {  	[smem:$0x3FAC] =	sst s10  }
0x38: {  	s10 =	sld [smem:$0x3FAD]  }
0x39: {  	_ = 	snop;
	(pc) =	sbr.ind lr, $3  }
0x3a: {  	_ = 	snop  }
0x3b: {  	_ = 	snop  }
0x3c: {  	p2 =	seq.s32 s10, $0x1;
	s10 =	sld [smem:$0x3FAC]  }
0x3d: {  	_ =	shalt  }
0x3e: {  	_ =	shalt  }
0x3f: {  	_ =	shalt  }
0x40: {  	_ =	shalt  }
0x41: {  	_ =	shalt  }
0x42: {  	_ =	shalt  }
0x43: {  	_ =	shalt  }
0x44: {  	_ =	shalt  }
0x45: {  	_ =	shalt  }
0x46: {  	_ =	shalt  }
0x47: {  	_ =	shalt  }
0x48: {  	_ =	shalt  }
0x49: {  	_ =	shalt  }
0x4a: {  	_ =	shalt  }
0x4b: {  	_ =	shalt  }
0x4c: {  	_ =	shalt  }
0x4d: {  	_ =	shalt  }
0x4e: {  	_ =	shalt  }
0x4f: {  	_ =	shalt  }
0x50: {  	_ =	shalt  }
0x51: {  	_ =	shalt  }
0x52: {  	_ =	shalt  }
0x53: {  	_ =	shalt  }
0x54: {  	_ =	shalt  }
0x55: {  	_ =	shalt  }
0x56: {  	_ =	shalt  }
0x57: {  	_ =	shalt  }
0x58: {  	_ =	shalt  }
0x59: {  	_ =	shalt  }
0x5a: {  	_ =	shalt  }
0x5b: {  	_ =	shalt  }
0x5c: {  	_ =	shalt  }
0x5d: {  	_ =	shalt  }
0x5e: {  	_ =	shalt  }
0x5f: {  	_ =	shalt  }
0x60: {  	_ =	shalt  }
0x61: {  	_ =	shalt  }
0x62: {  	_ =	shalt  }
0x63: {  	_ =	shalt  }
0x64: {  	_ =	shalt  }
0x65: {  	_ =	shalt  }
0x66: {  	_ =	shalt  }
0x67: {  	_ =	shalt  }
0x68: {  	_ =	shalt  }
0x69: {  	_ =	shalt  }
0x6a: {  	_ =	shalt  }
0x6b: {  	_ =	shalt  }
0x6c: {  	_ =	shalt  }
0x6d: {  	_ =	shalt  }
0x6e: {  	_ =	shalt  }
0x6f: {  	_ =	shalt  }
0x70: {  	_ =	shalt  }
0x71: {  	_ =	shalt  }
0x72: {  	_ =	shalt  }
0x73: {  	_ =	shalt  }
0x74: {  	_ =	shalt  }
0x75: {  	_ =	shalt  }
0x76: {  	_ =	shalt  }
0x77: {  	_ =	shalt  }
0x78: {  	_ =	shalt  }
0x79: {  	_ =	shalt  }
0x7a: {  	_ =	shalt  }
0x7b: {  	_ =	shalt  }
0x7c: {  	_ =	shalt  }
0x7d: {  	_ =	shalt  }
0x7e: {  	_ =	shalt  }
0x7f: {  	_ =	shalt  }
0x80: {  	_ =	shalt  }
0x81: {  	_ =	shalt  }
0x82: {  	_ =	shalt  }
0x83: {  	_ =	shalt  }
0x84: {  	_ =	shalt  }
0x85: {  	_ =	shalt  }
0x86: {  	_ =	shalt  }
0x87: {  	_ =	shalt  }
.Lfunc_end0:
.L_simem_size_0:
called_computation_lowered:
.L_overlay_start_0:
0x88: {  	s2 =	sld [smem:$0x3FD9]  }
0x89: {  	s3 =	sld [smem:$0x3FFE];
	_ =	sdelay $0x1  }
0x8a: {  	s1 =	srdreg.scid  }
0x8b: {  	s0 =	sand.u32 $0x1, s1  }
0x8c: {  	s14 =	sshll.u32 s0, $0xA;
	s2 =	sadd.s32 s3, s2  }
0x8d: {  	s2 =	sadd.s32 s2, s14  }
0x8e: {  	[smem:$0x3FB8] =	sst s2  }
0x8f: {  	_ = 	snop  }
0x90: {  	s2 =	sld [smem:$0x3FD0];
	_ =	sdelay $0x2  }
0x91: {  	s15 =	simm.s32 $0xA;
	s4 =	simm.s32 $0x10  }
0x92: {  	[smem:s4], [sflag:s15] =	dma.local [hbm:s2], $0x1  }
0x93: {  	_ =	swait.eq [sflag:s15], $0x1  }
0x94: {  	[sflag:s15] =	ssyncset.done $0x0  }
0x95: {  	s16 =	sld [smem:$0x10];
	[sflag:s15] =	ssyncadd.s32 $0xFFFFFFFF  }
0x96: {  	s17 =	sld [smem:$0x11];
	(tm) =	ssettm $0x1  }
0x97: {  	s18 =	sld [smem:$0x3FFB];
	_ =	sdelay $0x3  }
0x98: {  	_ =	strace s18  }
0x99: {  	s4 =	sld [smem:$0x3FFC];
	_ =	sdelay $0x3  }
0x9a: {  	_ =	strace s4  }
0x9b: {  	s4 =	sld [smem:$0x3FFD];
	_ =	sdelay $0x3  }
0x9c: {  	_ =	strace s4  }
0x9d: {  	_ =	strace $0x8FFFFFFF  }
0x9e: {  	s19 =	sld [smem:$0x3FDB];
	_ =	sdelay $0x1  }
0x9f: {  	s5 =	simm.s32 $_scs_section_size  }
0xa0: {  	s6 =	simm.s32 $_size__tile_overlayer_lowered;
	s7 =	simm.s32 $_tile_overlayer_lowered  }
0xa1: {  	s22 =	simm.s32 $0x1BFF;
	s21 =	sshll.u32 s7, $0x1;
	s4 =	sadd.s32 s5, s19  }
0xa2: {  	s8 =	simm.s32 $0x0;
	s20 =	sshll.u32 s6, $0x1;
	s6 =	sadd.s32 s21, s4  }
0xa3: {  	[timem:s8], [sflag:s22] =	dma.local [hbm:s6], s20  }
0xa4: {  	_ =	swait.ge [sflag:s22], s20  }
0xa5: {  	s5 =	ssub.s32 $0x0, s20;
	[sflag:s22] =	ssyncset.done $0x0  }
0xa6: {  	[sflag:s22] =	ssyncadd.s32 s5;
	_ =	sdelay $0x1  }
0xa7: {  	s23 =	simm.s32 $0x1B8B  }
0xa8: {  	_ =	swait.ge [sflag:s23], $0x1  }
0xa9: {  	[sflag:s23] =	ssyncset.done $0x0  }
0xaa: {  	s25 =	simm.s32 $0x1B8E;
	s24 =	sld [smem:$0x3FFE];
	[sflag:s23] =	ssyncadd.s32 $0xFFFFFFFF  }
0xab: {  	s26 =	simm.s32 $execute0_lowered;
	[smem:$0x3FD2] =	sst s25  }
0xac: {  	s6 =	sshll.u32 s26, $0x1;
	_ =	strace $0x80000046;
	[dreg:$0x1] =	wrdreg $0xFFFFFFFF  }
0xad: {  	s28 =	simm.s32 $_size_execute0_lowered;
	s4 =	sadd.s32 s4, s6;
	[dreg:$0x0] =	wrdreg $0x0  }
0xae: {  	s6 =	sshll.u32 s28, $0x1;
	[dreg:$0x2] =	wrdreg s4  }
0xaf: {  	[dreg:$0x3] =	wrdreg s6  }
0xb0: {  	[dreg:$0x4] =	wrdreg $0xC0  }
0xb1: {  	_ =	task [dreg:s8], $0x5FFFF  }
0xb2: {  	[dreg:$0x1] =	wrdreg $0xFFFFFFFF  }
0xb3: {  	[dreg:$0x0] =	wrdreg $0x60  }
0xb4: {  	[dreg:$0x2] =	wrdreg s24  }
0xb5: {  	[dreg:$0x3] =	wrdreg s17  }
0xb6: {  	[dreg:$0x4] =	wrdreg s16  }
0xb7: {  	[dreg:$0x5] =	wrdreg $0x2FD00  }
0xb8: {  	[dreg:$0x6] =	wrdreg $0x9  }
0xb9: {  	_ =	task.clear_ibuf [dreg:s8], $0x7FFFF;
	_ =	strace $0x90000046  }
0xba: {  	s29 =	simm.s32 $0x9;
	_ =	strace $0x80000048  }
0xbb: {  	_ =	swait.ge [sflag:s29], $0x1  }
0xbc: {  	[sflag:s29] =	ssyncadd.s32 $0xFFFFFFFF  }
0xbd: {  	_ =	strace $0x90000048  }
0xbe: {  	_ =	sfence  }
0xbf: {  	s30 =	sld [smem:$0x0];
	_ =	sdelay $0x2  }
0xc0: {  	s31 =	sshll.u32 s1, $0xD;
	s1 =	sshrl.u32 s1, $0x2  }
0xc1: {  	s3 =	sand.u32 $0x4000, s31;
	s1 =	sadd.s32 s1, s30  }
0xc2: {  	s0 =	sor.u32 s3, s0;
	s1 =	sshll.u32 s1, $0x11  }
0xc3: {  	s0 =	sor.u32 s1, s0  }
0xc4: {  	s0 =	sadd.s32 $0x8F2B, s0  }
0xc5: {  	[sflag:s0] =	ssyncadd.remote.s32 $0x1  }
0xc6: {  	_ =	sfence.sel $0xFFFF  }
0xc7: {  	[dreg:$0x0] =	wrdreg $0xFFFFFFFF;
	(pc) =	sbr.abs _section_cstart, $3  }
0xc8: {  	[dreg:$0x1] =	wrdreg $0xFFFFFFFF  }
0xc9: {  	_ =	task.clear_ibuf [dreg:s8], $0x2FFFF;
	_ =	strace $0x9FFFFFFF  }
0xca: {  	(tm) =	ssettm $0x7FFFFFFF  }
0xcb: {  	_ =	shalt  }
tec
execute0_lowered:
.L_overlay_start_1:
0x0: {  	(tag) =	ssettag $0x1  }
0x1: {  	s4 =	rddreg [dreg:$0x0]  }
0x2: {  	s6 =	rddreg [dreg:$0x1]  }
0x3: {  	s7 =	rddreg [dreg:$0x2]  }
0x4: {  	s0 =	srdreg.scid;
	s2 =	rddreg [dreg:$0x3]  }
0x5: {  	s1 =	rddreg [dreg:$0x4];
	s5 =	sand.u32 $0x1, s0  }
0x6: {  	s3 =	simm.s32 $0x0;
	s0 =	stileid.u32;
	s8 =	smul.u32 $0x28000, s5  }
0x7: {  	s13 =	simm.s32 $0x7D;
	s14 =	simm.s32 $0x1;
	s9 =	smul.u32 $0x2800, s0  }
0x8: {  	s15 =	simm.s32 $0x0;
	[smem:$0x7FF] =	sst s3;
	s26 =	smul.u32 $0x2710, s0  }
0x9: {  	_ =	strace $0x80000047;
	s10 =	ssub.s32 $0x2, s5;
	s11 =	smul.u32 $0x27100, s5  }
0xa: {  	s12 =	smul.u32 $0x9C40, s0;
	s31 =	sshll.u32 s0, $0x6;
	s28 =	sshrl.u32 s10, $0x1  }
0xb: {  	s8 =	sadd.s32 s9, s8;
	s10 =	ssub.s32 s10, s28;
	s29 =	sadd.s32 s26, s11  }
0xc: {  	s30 =	sshrl.u32 s12, $0x2;
	s9 =	sshrl.u32 s26, $0x3;
	s11 =	sor.u32 $0x1C02, s31  }
0xd: {  	s8 =	sshrl.u32 s8, $0x3;
	s12 =	sadd.s32 s30, s2;
	s6 =	sadd.s32 s6, s9  }
0xe: {  	s9 =	simm.s32 $0x2;
	s8 =	sadd.s32 s8, s4;
	s4 =	sadd.s32 $0xD000, s4  }
0xf: {  	s12 =	sshrl.u32 s12, $0x3;
	s5 =	sadd.s32 $0x3000, s8;
	s8 =	sshrl.u32 s29, $0x3  }
0x10: {  	s7 =	sadd.s32 s7, s8;
	s8 =	smax.u32 s10, $0x1;
	s10 =	simm.s32 $0x2800  }
.LBB2_1:
0x11: {  	[tilespmem:s3], [sflag:$0x2] =	stream.linear.gather [hbm4b:s5+s3], $0x2800, $0x38;
	[tilespmem:$0x56E0] =	vst v63  }
0x12: {  	_ =	swait.ge [sflag:s9], $0x2800  }
0x13: {  	[sflag:s9] =	ssyncset.done $0x0  }
0x14: {  	[sflag:s9] =	ssyncadd.s32 $0xFFFFD800  }
0x15: {  	[tilespmem:s10], [sflag:$0x2] =	stream.linear.gather [hbm4b:s4+s3], $0x7D0, $0x38;
	[tilespmem:$0x56E0] =	vst v63  }
0x16: {  	_ =	swait.ge [sflag:s9], $0x7D0  }
0x17: {  	[sflag:s9] =	ssyncset.done $0x0  }
0x18: {  	[sflag:s9] =	ssyncadd.s32 $0xFFFFF830  }
0x19: {  	[spmem:s12], [sflag:s11] =	dma.local [hbm:s6], $0x4E2  }
0x1a: {  	_ =	swait.ge [sflag:s9], $0x4E2  }
0x1b: {  	[sflag:s9] =	ssyncset.done $0x0  }
0x1c: {  	[sflag:s9] =	ssyncadd.s32 $0xFFFFFB1E  }
0x1d: {  	s16 =	simm.s32 $0x0;
	[bflag:$0x0] =	sbarrier.arrive $0xFFFF  }
0x1e: {  	[spmem:s2] =	stream.indirect.scatter.add.f32 [tilespmem:s10], [sflag:$0x1], $0x10, s16, s13, $0xb8;
	[tilespmem:$0x56E0] =	vst v63  }
0x1f: {  	s24 =	simm.s32 $0x80  }
0x20: {  	[spmem:s2] =	stream.indirect.scatter.add.f32 [tilespmem:s10], [sflag:$0x1], $0x10, s24, s13, $0xb8;
	[tilespmem:$0x56E0] =	vst v63  }
0x21: {  	s25 =	simm.s32 $0x100  }
0x22: {  	[spmem:s2] =	stream.indirect.scatter.add.f32 [tilespmem:s10], [sflag:$0x1], $0x10, s25, s13, $0xb8;
	[tilespmem:$0x56E0] =	vst v63  }
0x23: {  	s26 =	simm.s32 $0x180  }
0x24: {  	[spmem:s2] =	stream.indirect.scatter.add.f32 [tilespmem:s10], [sflag:$0x1], $0x10, s26, s13, $0xb8;
	[tilespmem:$0x56E0] =	vst v63  }
0x25: {  	s28 =	simm.s32 $0x200  }
0x26: {  	[spmem:s2] =	stream.indirect.scatter.add.f32 [tilespmem:s10], [sflag:$0x1], $0x10, s28, s13, $0xb8;
	[tilespmem:$0x56E0] =	vst v63  }
0x27: {  	s29 =	simm.s32 $0x280  }
0x28: {  	[spmem:s2] =	stream.indirect.scatter.add.f32 [tilespmem:s10], [sflag:$0x1], $0x10, s29, s13, $0xb8;
	[tilespmem:$0x56E0] =	vst v63  }
0x29: {  	s30 =	simm.s32 $0x300  }
0x2a: {  	[spmem:s2] =	stream.indirect.scatter.add.f32 [tilespmem:s10], [sflag:$0x1], $0x10, s30, s13, $0xb8;
	[tilespmem:$0x56E0] =	vst v63  }
0x2b: {  	s31 =	simm.s32 $0x380  }
0x2c: {  	[spmem:s2] =	stream.indirect.scatter.add.f32 [tilespmem:s10], [sflag:$0x1], $0x10, s31, s13, $0xb8;
	[tilespmem:$0x56E0] =	vst v63  }
0x2d: {  	_ =	swait.ge [sflag:s14], $0x7D0  }
0x2e: {  	[sflag:s14] =	ssyncset.done $0x0  }
0x2f: {  	[sflag:s14] =	ssyncadd.s32 $0xFFFFF830  }
0x30: {  	_ =	swait.ge [sflag:s14], $0x7D0  }
0x31: {  	[sflag:s14] =	ssyncset.done $0x0  }
0x32: {  	[sflag:s14] =	ssyncadd.s32 $0xFFFFF830  }
0x33: {  	_ =	swait.ge [sflag:s14], $0x7D0  }
0x34: {  	[sflag:s14] =	ssyncset.done $0x0  }
0x35: {  	[sflag:s14] =	ssyncadd.s32 $0xFFFFF830  }
0x36: {  	_ =	swait.ge [sflag:s14], $0x7D0  }
0x37: {  	[sflag:s14] =	ssyncset.done $0x0  }
0x38: {  	[sflag:s14] =	ssyncadd.s32 $0xFFFFF830  }
0x39: {  	_ =	swait.ge [sflag:s14], $0x7D0  }
0x3a: {  	[sflag:s14] =	ssyncset.done $0x0  }
0x3b: {  	[sflag:s14] =	ssyncadd.s32 $0xFFFFF830  }
0x3c: {  	_ =	swait.ge [sflag:s14], $0x7D0  }
0x3d: {  	[sflag:s14] =	ssyncset.done $0x0  }
0x3e: {  	[sflag:s14] =	ssyncadd.s32 $0xFFFFF830  }
0x3f: {  	_ =	swait.ge [sflag:s14], $0x7D0  }
0x40: {  	[sflag:s14] =	ssyncset.done $0x0  }
0x41: {  	[sflag:s14] =	ssyncadd.s32 $0xFFFFF830  }
0x42: {  	_ =	swait.ge [sflag:s14], $0x7D0  }
0x43: {  	s18 =	simm.s32 $0x2000;
	s16 =	simm.s32 $0x1000;
	[sflag:s14] =	ssyncset.done $0x0  }
.LBB2_2:
0x44: {  	s19 =	sshra.s32 s16, $0x2  }
0x45: {  	[sflag:s14] =	ssyncadd.s32 $0xFFFFF830;
	s16 =	smov.u32 s18;
	s17 =	sadd.s32 $0x1000, s18  }
0x46: {  	[spmem:s2] =	stream.indirect.scatter.add.f32 [tilespmem:s10], [sflag:$0x1], $0x10, s19, s13, $0xb8;
	[tilespmem:$0x56E0] =	vst v63  }
0x47: {  	p0 =	sne.s32 s18, $0x9000;
	s18 =	sadd.s32 $0x80, s19  }
0x48: {  	[spmem:s2] =	stream.indirect.scatter.add.f32 [tilespmem:s10], [sflag:$0x1], $0x10, s18, s13, $0xb8;
	[tilespmem:$0x56E0] =	vst v63  }
0x49: {  	s18 =	sadd.s32 $0x100, s19  }
0x4a: {  	[spmem:s2] =	stream.indirect.scatter.add.f32 [tilespmem:s10], [sflag:$0x1], $0x10, s18, s13, $0xb8;
	[tilespmem:$0x56E0] =	vst v63  }
0x4b: {  	s18 =	sadd.s32 $0x180, s19  }
0x4c: {  	[spmem:s2] =	stream.indirect.scatter.add.f32 [tilespmem:s10], [sflag:$0x1], $0x10, s18, s13, $0xb8;
	[tilespmem:$0x56E0] =	vst v63  }
0x4d: {  	s18 =	sadd.s32 $0x200, s19  }
0x4e: {  	[spmem:s2] =	stream.indirect.scatter.add.f32 [tilespmem:s10], [sflag:$0x1], $0x10, s18, s13, $0xb8;
	[tilespmem:$0x56E0] =	vst v63  }
0x4f: {  	s18 =	sadd.s32 $0x280, s19  }
0x50: {  	[spmem:s2] =	stream.indirect.scatter.add.f32 [tilespmem:s10], [sflag:$0x1], $0x10, s18, s13, $0xb8;
	[tilespmem:$0x56E0] =	vst v63  }
0x51: {  	s18 =	sadd.s32 $0x300, s19  }
0x52: {  	[spmem:s2] =	stream.indirect.scatter.add.f32 [tilespmem:s10], [sflag:$0x1], $0x10, s18, s13, $0xb8;
	[tilespmem:$0x56E0] =	vst v63  }
0x53: {  	s18 =	sadd.s32 $0x380, s19  }
0x54: {  	[spmem:s2] =	stream.indirect.scatter.add.f32 [tilespmem:s10], [sflag:$0x1], $0x10, s18, s13, $0xb8;
	[tilespmem:$0x56E0] =	vst v63  }
0x55: {  	_ =	swait.ge [sflag:s14], $0x7D0  }
0x56: {  	[sflag:s14] =	ssyncset.done $0x0  }
0x57: {  	[sflag:s14] =	ssyncadd.s32 $0xFFFFF830  }
0x58: {  	_ =	swait.ge [sflag:s14], $0x7D0  }
0x59: {  	[sflag:s14] =	ssyncset.done $0x0  }
0x5a: {  	[sflag:s14] =	ssyncadd.s32 $0xFFFFF830  }
0x5b: {  	_ =	swait.ge [sflag:s14], $0x7D0  }
0x5c: {  	[sflag:s14] =	ssyncset.done $0x0  }
0x5d: {  	[sflag:s14] =	ssyncadd.s32 $0xFFFFF830  }
0x5e: {  	_ =	swait.ge [sflag:s14], $0x7D0  }
0x5f: {  	[sflag:s14] =	ssyncset.done $0x0  }
0x60: {  	[sflag:s14] =	ssyncadd.s32 $0xFFFFF830  }
0x61: {  	_ =	swait.ge [sflag:s14], $0x7D0  }
0x62: {  	[sflag:s14] =	ssyncset.done $0x0  }
0x63: {  	[sflag:s14] =	ssyncadd.s32 $0xFFFFF830  }
0x64: {  	_ =	swait.ge [sflag:s14], $0x7D0  }
0x65: {  	[sflag:s14] =	ssyncset.done $0x0  }
0x66: {  	[sflag:s14] =	ssyncadd.s32 $0xFFFFF830  }
.Ltmp0:
0x67: {  	_ =	swait.ge [sflag:s14], $0x7D0;
	(pc) =	sbr.rel @p0 .LBB2_2-.Ltmp0, $4  }
0x68: {  	[sflag:s14] =	ssyncset.done $0x0  }
0x69: {  	[sflag:s14] =	ssyncadd.s32 $0xFFFFF830  }
0x6a: {  	_ =	swait.ge [sflag:s14], $0x7D0  }
0x6b: {  	s18 =	smov.u32 s17;
	[sflag:s14] =	ssyncset.done $0x0  }
0x6c: {  	s16 =	sshra.s32 s16, $0x2;
	[sflag:s14] =	ssyncadd.s32 $0xFFFFF830  }
0x6d: {  	[spmem:s2] =	stream.indirect.scatter.add.f32 [tilespmem:s10], [sflag:$0x1], $0x10, s16, s13, $0xb8;
	[tilespmem:$0x56E0] =	vst v63  }
0x6e: {  	s17 =	sadd.s32 $0x80, s16  }
0x6f: {  	[spmem:s2] =	stream.indirect.scatter.add.f32 [tilespmem:s10], [sflag:$0x1], $0x10, s17, s13, $0xb8;
	[tilespmem:$0x56E0] =	vst v63  }
0x70: {  	s26 =	sadd.s32 $0x100, s16  }
0x71: {  	[spmem:s2] =	stream.indirect.scatter.add.f32 [tilespmem:s10], [sflag:$0x1], $0x10, s26, s13, $0xb8;
	[tilespmem:$0x56E0] =	vst v63  }
0x72: {  	s28 =	sadd.s32 $0x180, s16  }
0x73: {  	[spmem:s2] =	stream.indirect.scatter.add.f32 [tilespmem:s10], [sflag:$0x1], $0x10, s28, s13, $0xb8;
	[tilespmem:$0x56E0] =	vst v63  }
0x74: {  	s29 =	sadd.s32 $0x200, s16  }
0x75: {  	[spmem:s2] =	stream.indirect.scatter.add.f32 [tilespmem:s10], [sflag:$0x1], $0x10, s29, s13, $0xb8;
	[tilespmem:$0x56E0] =	vst v63  }
0x76: {  	s30 =	sadd.s32 $0x280, s16  }
0x77: {  	[spmem:s2] =	stream.indirect.scatter.add.f32 [tilespmem:s10], [sflag:$0x1], $0x10, s30, s13, $0xb8;
	[tilespmem:$0x56E0] =	vst v63  }
0x78: {  	s31 =	sadd.s32 $0x300, s16  }
0x79: {  	[spmem:s2] =	stream.indirect.scatter.add.f32 [tilespmem:s10], [sflag:$0x1], $0x10, s31, s13, $0xb8;
	[tilespmem:$0x56E0] =	vst v63  }
0x7a: {  	s16 =	sadd.s32 $0x380, s16  }
0x7b: {  	[spmem:s2] =	stream.indirect.scatter.add.f32 [tilespmem:s10], [sflag:$0x1], $0x10, s16, s13, $0xb8;
	[tilespmem:$0x56E0] =	vst v63  }
0x7c: {  	_ =	swait.ge [sflag:s14], $0x7D0  }
0x7d: {  	[sflag:s14] =	ssyncset.done $0x0  }
0x7e: {  	[sflag:s14] =	ssyncadd.s32 $0xFFFFF830  }
0x7f: {  	_ =	swait.ge [sflag:s14], $0x7D0  }
0x80: {  	[sflag:s14] =	ssyncset.done $0x0  }
0x81: {  	[sflag:s14] =	ssyncadd.s32 $0xFFFFF830  }
0x82: {  	_ =	swait.ge [sflag:s14], $0x7D0  }
0x83: {  	[sflag:s14] =	ssyncset.done $0x0  }
0x84: {  	[sflag:s14] =	ssyncadd.s32 $0xFFFFF830  }
0x85: {  	_ =	swait.ge [sflag:s14], $0x7D0  }
0x86: {  	[sflag:s14] =	ssyncset.done $0x0  }
0x87: {  	[sflag:s14] =	ssyncadd.s32 $0xFFFFF830  }
0x88: {  	_ =	swait.ge [sflag:s14], $0x7D0  }
0x89: {  	[sflag:s14] =	ssyncset.done $0x0  }
0x8a: {  	[sflag:s14] =	ssyncadd.s32 $0xFFFFF830  }
0x8b: {  	_ =	swait.ge [sflag:s14], $0x7D0  }
0x8c: {  	[sflag:s14] =	ssyncset.done $0x0  }
0x8d: {  	[sflag:s14] =	ssyncadd.s32 $0xFFFFF830  }
0x8e: {  	_ =	swait.ge [sflag:s14], $0x7D0  }
0x8f: {  	[sflag:s14] =	ssyncset.done $0x0  }
0x90: {  	[sflag:s14] =	ssyncadd.s32 $0xFFFFF830  }
0x91: {  	_ =	swait.ge [sflag:s14], $0x7D0  }
0x92: {  	s15 =	sadd.s32 $0x1, s15;
	[sflag:s14] =	ssyncset.done $0x0  }
0x93: {  	p0 =	sne.s32 s15, s8;
	[sflag:s14] =	ssyncadd.s32 $0xFFFFF830  }
.Ltmp1:
0x94: {  	[bflag:$0x0] =	sbarrier.arrive $0xFFFF;
	(pc) =	sbr.rel @p0 .LBB2_1-.Ltmp1, $4  }
0x95: {  	[hbm:s7], [sflag:s11] =	dma.local [spmem:s12], $0x4E2  }
0x96: {  	_ =	swait.ge [sflag:s9], $0x4E2  }
0x97: {  	[sflag:s9] =	ssyncset.done $0x0  }
0x98: {  	[sflag:s9] =	ssyncadd.s32 $0xFFFFFB1E  }
0x99: {  	_ =	sfence.sel $0x180000  }
0x9a: {  	[bflag:$0x0] =	sbarrier.arrive $0xFFFF  }
0x9b: {  	p0 =	sne.s32 s0, $0x0;
	_ =	strace $0x90000047  }
0x9c: {  	s0 =	sadd.s32 @!p0 $0x100000, s1;
	[bflag:$0x2] =	sbarrier.arrive $0xFFFF  }
0x9d: {  	[sflag:s0] =	ssyncadd.tile.s32 @!p0 $0x1;
	_ =	shalt  }
.Lfunc_end2:
_tile_overlayer_lowered:
.L_overlay_start_2:
0x9e: {  	(tag) =	ssettag $0x2  }
0x9f: {  	s0 =	rddreg [dreg:$0x0];
	s2 =	stileid.u32  }
0xa0: {  	s1 =	rddreg [dreg:$0x1];
	p0 =	sne.s32 s2, $0x0  }
0xa1: {  	s3 =	rddreg [dreg:$0x2];
	[bflag:$0x3] =	sbarrier.arrive $0xFFFF;
	s2 =	simm.s32 @!p0 $0x1C02  }
0xa2: {  	[timem:s3], [sflag:s2] =	dma.local @!p0 [hbm:s0], s1  }
0xa3: {  	s0 =	simm.s32 @!p0 $0x2  }
0xa4: {  	_ =	swait.ge @!p0 [sflag:s0], s1  }
0xa5: {  	s1 =	ssub.s32 @!p0 $0x0, s1;
	[sflag:s0] =	ssyncset.done @!p0 $0x0  }
0xa6: {  	[sflag:s0] =	ssyncadd.s32 @!p0 s1  }
0xa7: {  	[bflag:$0x3] =	sbarrier.arrive $0xFFFF  }
0xa8: {  	_ =	shalt  }

// kernel: kernel.13.cloned.1.call-start
scs
__scs_entry_jumppad:
0x0: {  	(pc) =	sbr.rel $0x88, $3  }
0x1: {  	(tag) =	ssettag $0x0;
	lr =	simm.s32 $0x1  }
0x2: {  	[smem:$0x3F91] =	sst lr;
	_ =	strace $0xD0000000  }
0x3: {  	_ = 	snop  }
0x4: {  	_ = 	snop  }
0x5: {  	_ = 	snop  }
0x6: {  	_ = 	snop  }
0x7: {  	_ = 	snop  }
__scs_overlays_trampoline_lowered:
0x8: {  	[smem:$0x3FA0] =	sst s0  }
0x9: {  	[smem:$0x3FA1] =	sst s1  }
0xa: {  	[smem:$0x3FA2] =	sst s2  }
0xb: {  	[smem:$0x3FA3] =	sst s3  }
0xc: {  	[smem:$0x3FA4] =	sst s4  }
0xd: {  	[smem:$0x3FA5] =	sst s5  }
0xe: {  	[smem:$0x3FA6] =	sst s6  }
0xf: {  	[smem:$0x3FA7] =	sst s7  }
0x10: {  	[smem:$0x3FA8] =	sst s8  }
0x11: {  	[smem:$0x3FA9] =	sst s9;
	s0 =	simm.s32 @!p0 $0x0  }
0x12: {  	s1 =	sld [smem:$0x3F8F];
	s0 =	simm.s32 @p0 $0x1  }
0x13: {  	[smem:$0x3FAA] =	sst s0;
	s0 =	simm.s32 @!p1 $0x0  }
0x14: {  	s2 =	sld [smem:$0x3F8E];
	s0 =	simm.s32 @p1 $0x1  }
0x15: {  	[smem:$0x3FAB] =	sst s0;
	s0 =	simm.s32 @!p2 $0x0  }
0x16: {  	s3 =	sld [smem:$0x3FDB];
	s0 =	simm.s32 @p2 $0x1  }
0x17: {  	s4 =	simm.s32 $0x1BF5;
	[smem:$0x3FAD] =	sst s0  }
0x18: {  	s0 =	sld [smem:$0x3F90];
	_ =	swait.ge [sflag:s4], $0x0  }
0x19: {  	s7 =	sld [smem:$0x3F91]  }
0x1a: {  	s8 =	sadd.s32 $0xFFFFE003, lr  }
0x1b: {  	s9 =	sadd.s32 $0xFFFFFEF7, lr;
	s5 =	simm.s32 $0xFFFFFFFF;
	p2 =	slt.u32 s8, $0xFFFFF086  }
0x1c: {  	p1 =	slt.u32 s9, $0xF7A;
	s5 =	simm.s32 @!p2 $0x0  }
0x1d: {  	s5 =	simm.s32 @p1 $0x1;
	p0 =	seq.s32 s7, s2  }
0x1e: {  	s7 =	smul.u32 @!p0 $0xF7A, s2;
	p2 =	seq.s32 @!p0 s5, $0x0  }
0x1f: {  	s9 =	smul.u32 $0xF7A, s1;
	s8 =	simm.s32 @!p0 $0x1BF5;
	p2 =	por !p2, p0  }
0x20: {  	[sflag:s8] =	ssyncset.s32 @!p0 $0xFFFFF086;
	s6 =	sadd.s32 @!p0 s3, s7;
	s7 =	simm.s32 @!p0 $0x108  }
0x21: {  	s3 =	sadd.s32 s3, s9;
	s6 =	sadd.s32 @!p0 $0x88, s6;
	s7 =	simm.s32 @p2 $0x1082  }
0x22: {  	[simem:s7], [sflag:s8] =	dma.local @!p0 [hbm:s6], $0xF7A  }
0x23: {  	s9 =	sor.u32 $0xD0000000, s2;
	s6 =	simm.s32 $0x108;
	_ =	swait.ge @!p0 [sflag:s8], $0x0  }
0x24: {  	s3 =	sadd.s32 $0x88, s3;
	s6 =	simm.s32 @!p1 $0x1082;
	[sflag:s4] =	ssyncset.s32 $0xFFFFF086  }
0x25: {  	[simem:s6], [sflag:s4] =	dma.local [hbm:s3], $0xF7A  }
0x26: {  	[smem:$0x3F91] =	sst s1;
	(tag) =	ssettag s2;
	_ =	strace s9  }
0x27: {  	s1 =	sld [smem:$0x3FA1]  }
0x28: {  	s2 =	sld [smem:$0x3FA2]  }
0x29: {  	s4 =	sld [smem:$0x3FA4]  }
0x2a: {  	p0 =	seq.s32 s5, $0x0;
	s5 =	sld [smem:$0x3FA5]  }
0x2b: {  	s6 =	sld [smem:$0x3FA6]  }
0x2c: {  	s7 =	sld [smem:$0x3FA7]  }
0x2d: {  	s3 =	simm.s32 $0x108;
	s8 =	sld [smem:$0x3FA8]  }
0x2e: {  	s3 =	simm.s32 @!p0 $0x1082;
	s9 =	sld [smem:$0x3FA9]  }
0x2f: {  	lr =	sadd.s32 s0, s3;
	s0 =	sld [smem:$0x3FA0]  }
0x30: {  	s3 =	sld [smem:$0x3FA3]  }
0x31: {  	[smem:$0x3FAC] =	sst s10  }
0x32: {  	s10 =	sld [smem:$0x3FAA];
	_ =	sdelay $0x3  }
0x33: {  	p0 =	seq.s32 s10, $0x1;
	s10 =	sld [smem:$0x3FAC];
	_ =	sdelay $0x3  }
0x34: {  	[smem:$0x3FAC] =	sst s10  }
0x35: {  	s10 =	sld [smem:$0x3FAB];
	_ =	sdelay $0x3  }
0x36: {  	p1 =	seq.s32 s10, $0x1;
	s10 =	sld [smem:$0x3FAC];
	_ =	sdelay $0x3  }
0x37: {  	[smem:$0x3FAC] =	sst s10  }
0x38: {  	s10 =	sld [smem:$0x3FAD]  }
0x39: {  	_ = 	snop;
	(pc) =	sbr.ind lr, $3  }
0x3a: {  	_ = 	snop  }
0x3b: {  	_ = 	snop  }
0x3c: {  	p2 =	seq.s32 s10, $0x1;
	s10 =	sld [smem:$0x3FAC]  }
0x3d: {  	_ =	shalt  }
0x3e: {  	_ =	shalt  }
0x3f: {  	_ =	shalt  }
0x40: {  	_ =	shalt  }
0x41: {  	_ =	shalt  }
0x42: {  	_ =	shalt  }
0x43: {  	_ =	shalt  }
0x44: {  	_ =	shalt  }
0x45: {  	_ =	shalt  }
0x46: {  	_ =	shalt  }
0x47: {  	_ =	shalt  }
0x48: {  	_ =	shalt  }
0x49: {  	_ =	shalt  }
0x4a: {  	_ =	shalt  }
0x4b: {  	_ =	shalt  }
0x4c: {  	_ =	shalt  }
0x4d: {  	_ =	shalt  }
0x4e: {  	_ =	shalt  }
0x4f: {  	_ =	shalt  }
0x50: {  	_ =	shalt  }
0x51: {  	_ =	shalt  }
0x52: {  	_ =	shalt  }
0x53: {  	_ =	shalt  }
0x54: {  	_ =	shalt  }
0x55: {  	_ =	shalt  }
0x56: {  	_ =	shalt  }
0x57: {  	_ =	shalt  }
0x58: {  	_ =	shalt  }
0x59: {  	_ =	shalt  }
0x5a: {  	_ =	shalt  }
0x5b: {  	_ =	shalt  }
0x5c: {  	_ =	shalt  }
0x5d: {  	_ =	shalt  }
0x5e: {  	_ =	shalt  }
0x5f: {  	_ =	shalt  }
0x60: {  	_ =	shalt  }
0x61: {  	_ =	shalt  }
0x62: {  	_ =	shalt  }
0x63: {  	_ =	shalt  }
0x64: {  	_ =	shalt  }
0x65: {  	_ =	shalt  }
0x66: {  	_ =	shalt  }
0x67: {  	_ =	shalt  }
0x68: {  	_ =	shalt  }
0x69: {  	_ =	shalt  }
0x6a: {  	_ =	shalt  }
0x6b: {  	_ =	shalt  }
0x6c: {  	_ =	shalt  }
0x6d: {  	_ =	shalt  }
0x6e: {  	_ =	shalt  }
0x6f: {  	_ =	shalt  }
0x70: {  	_ =	shalt  }
0x71: {  	_ =	shalt  }
0x72: {  	_ =	shalt  }
0x73: {  	_ =	shalt  }
0x74: {  	_ =	shalt  }
0x75: {  	_ =	shalt  }
0x76: {  	_ =	shalt  }
0x77: {  	_ =	shalt  }
0x78: {  	_ =	shalt  }
0x79: {  	_ =	shalt  }
0x7a: {  	_ =	shalt  }
0x7b: {  	_ =	shalt  }
0x7c: {  	_ =	shalt  }
0x7d: {  	_ =	shalt  }
0x7e: {  	_ =	shalt  }
0x7f: {  	_ =	shalt  }
0x80: {  	_ =	shalt  }
0x81: {  	_ =	shalt  }
0x82: {  	_ =	shalt  }
0x83: {  	_ =	shalt  }
0x84: {  	_ =	shalt  }
0x85: {  	_ =	shalt  }
0x86: {  	_ =	shalt  }
0x87: {  	_ =	shalt  }
.Lfunc_end0:
.L_simem_size_0:
called_computation.1_lowered:
.L_overlay_start_0:
0x88: {  	s2 =	sld [smem:$0x3FD9]  }
0x89: {  	s3 =	sld [smem:$0x3FFE];
	_ =	sdelay $0x1  }
0x8a: {  	s1 =	srdreg.scid  }
0x8b: {  	s0 =	sand.u32 $0x1, s1  }
0x8c: {  	s14 =	sshll.u32 s0, $0xA;
	s2 =	sadd.s32 s3, s2  }
0x8d: {  	s2 =	sadd.s32 s2, s14  }
0x8e: {  	[smem:$0x3FB8] =	sst s2  }
0x8f: {  	_ = 	snop  }
0x90: {  	s2 =	sld [smem:$0x3FD0];
	_ =	sdelay $0x2  }
0x91: {  	s15 =	simm.s32 $0xA;
	s4 =	simm.s32 $0x10  }
0x92: {  	[smem:s4], [sflag:s15] =	dma.local [hbm:s2], $0x1  }
0x93: {  	_ =	swait.eq [sflag:s15], $0x1  }
0x94: {  	[sflag:s15] =	ssyncset.done $0x0  }
0x95: {  	s16 =	sld [smem:$0x10];
	[sflag:s15] =	ssyncadd.s32 $0xFFFFFFFF  }
0x96: {  	s17 =	sld [smem:$0x11];
	(tm) =	ssettm $0x1  }
0x97: {  	s18 =	sld [smem:$0x3FFB];
	_ =	sdelay $0x3  }
0x98: {  	_ =	strace s18  }
0x99: {  	s4 =	sld [smem:$0x3FFC];
	_ =	sdelay $0x3  }
0x9a: {  	_ =	strace s4  }
0x9b: {  	s4 =	sld [smem:$0x3FFD];
	_ =	sdelay $0x3  }
0x9c: {  	_ =	strace s4  }
0x9d: {  	_ =	strace $0x8FFFFFFF  }
0x9e: {  	s19 =	sld [smem:$0x3FDB];
	_ =	sdelay $0x1  }
0x9f: {  	s5 =	simm.s32 $_scs_section_size  }
0xa0: {  	s6 =	simm.s32 $_size__tile_overlayer_lowered;
	s7 =	simm.s32 $_tile_overlayer_lowered  }
0xa1: {  	s22 =	simm.s32 $0x1BFF;
	s21 =	sshll.u32 s7, $0x1;
	s4 =	sadd.s32 s5, s19  }
0xa2: {  	s8 =	simm.s32 $0x0;
	s20 =	sshll.u32 s6, $0x1;
	s6 =	sadd.s32 s21, s4  }
0xa3: {  	[timem:s8], [sflag:s22] =	dma.local [hbm:s6], s20  }
0xa4: {  	_ =	swait.ge [sflag:s22], s20  }
0xa5: {  	s5 =	ssub.s32 $0x0, s20;
	[sflag:s22] =	ssyncset.done $0x0  }
0xa6: {  	[sflag:s22] =	ssyncadd.s32 s5;
	_ =	sdelay $0x1  }
0xa7: {  	s23 =	simm.s32 $0x1B8B  }
0xa8: {  	_ =	swait.ge [sflag:s23], $0x1  }
0xa9: {  	[sflag:s23] =	ssyncset.done $0x0  }
0xaa: {  	s25 =	simm.s32 $0x1B8E;
	s24 =	sld [smem:$0x3FFE];
	[sflag:s23] =	ssyncadd.s32 $0xFFFFFFFF  }
0xab: {  	s26 =	simm.s32 $execute0_lowered;
	[smem:$0x3FD2] =	sst s25  }
0xac: {  	s6 =	sshll.u32 s26, $0x1;
	_ =	strace $0x80000049;
	[dreg:$0x1] =	wrdreg $0xFFFFFFFF  }
0xad: {  	s28 =	simm.s32 $_size_execute0_lowered;
	s4 =	sadd.s32 s4, s6;
	[dreg:$0x0] =	wrdreg $0x0  }
0xae: {  	s6 =	sshll.u32 s28, $0x1;
	[dreg:$0x2] =	wrdreg s4  }
0xaf: {  	[dreg:$0x3] =	wrdreg s6  }
0xb0: {  	[dreg:$0x4] =	wrdreg $0xC0  }
0xb1: {  	_ =	task [dreg:s8], $0x5FFFF  }
0xb2: {  	[dreg:$0x1] =	wrdreg $0xFFFFFFFF  }
0xb3: {  	[dreg:$0x0] =	wrdreg $0x60  }
0xb4: {  	[dreg:$0x2] =	wrdreg s16  }
0xb5: {  	[dreg:$0x3] =	wrdreg s24  }
0xb6: {  	[dreg:$0x4] =	wrdreg s17  }
0xb7: {  	[dreg:$0x5] =	wrdreg $0x14A000  }
0xb8: {  	[dreg:$0x6] =	wrdreg $0x9  }
0xb9: {  	_ =	task.clear_ibuf [dreg:s8], $0x7FFFF;
	_ =	strace $0x90000049  }
0xba: {  	s29 =	simm.s32 $0x9;
	_ =	strace $0x8000004B  }
0xbb: {  	_ =	swait.ge [sflag:s29], $0x1  }
0xbc: {  	[sflag:s29] =	ssyncadd.s32 $0xFFFFFFFF  }
0xbd: {  	_ =	strace $0x9000004B  }
0xbe: {  	_ =	sfence  }
0xbf: {  	s30 =	sld [smem:$0x0];
	_ =	sdelay $0x2  }
0xc0: {  	s31 =	sshll.u32 s1, $0xD;
	s1 =	sshrl.u32 s1, $0x2  }
0xc1: {  	s3 =	sand.u32 $0x4000, s31;
	s1 =	sadd.s32 s1, s30  }
0xc2: {  	s0 =	sor.u32 s3, s0;
	s1 =	sshll.u32 s1, $0x11  }
0xc3: {  	s0 =	sor.u32 s1, s0  }
0xc4: {  	s0 =	sadd.s32 $0x8F2B, s0  }
0xc5: {  	[sflag:s0] =	ssyncadd.remote.s32 $0x1  }
0xc6: {  	_ =	sfence.sel $0xFFFF  }
0xc7: {  	[dreg:$0x0] =	wrdreg $0xFFFFFFFF;
	(pc) =	sbr.abs _section_cstart, $3  }
0xc8: {  	[dreg:$0x1] =	wrdreg $0xFFFFFFFF  }
0xc9: {  	_ =	task.clear_ibuf [dreg:s8], $0x2FFFF;
	_ =	strace $0x9FFFFFFF  }
0xca: {  	(tm) =	ssettm $0x7FFFFFFF  }
0xcb: {  	_ =	shalt  }
tec
execute0_lowered:
.L_overlay_start_1:
0x0: {  	(tag) =	ssettag $0x1  }
0x1: {  	s1 =	rddreg [dreg:$0x0]  }
0x2: {  	s2 =	rddreg [dreg:$0x1]  }
0x3: {  	s0 =	srdreg.scid;
	s5 =	rddreg [dreg:$0x2]  }
0x4: {  	s10 =	stileid.u32;
	s3 =	rddreg [dreg:$0x3];
	s7 =	simm.s32 $0x0  }
0x5: {  	s13 =	simm.s32 $0x9;
	s14 =	simm.s32 $0x7D;
	s15 =	simm.s32 $0x5000  }
0x6: {  	s17 =	simm.s32 $0x5FA0;
	s19 =	simm.s32 $0x6F40;
	s28 =	simm.s32 $0xADC0  }
0x7: {  	s30 =	simm.s32 $0xBD60;
	s11 =	simm.s32 $0xDCA0;
	s18 =	simm.s32 $0xEC40  }
0x8: {  	s31 =	simm.s32 $0x11B20;
	s16 =	simm.s32 $0x12AC0;
	s6 =	smul.u32 $0x2800, s10  }
0x9: {  	s29 =	simm.s32 $0x1;
	s0 =	sand.u32 $0x1, s0;
	s20 =	smul.u32 $0x4E20, s10  }
0xa: {  	[smem:$0x7FF] =	sst s7;
	s9 =	smul.u32 $0x13880, s10;
	s26 =	sshll.u32 s10, $0x6  }
0xb: {  	s4 =	smul.u32 $0x28000, s0;
	_ =	strace $0x8000004A;
	s8 =	ssub.s32 $0x2, s0  }
0xc: {  	s0 =	smul.u32 $0x4E200, s0;
	s12 =	sor.u32 $0x1C09, s26;
	s26 =	simm.s32 $0x10B80  }
0xd: {  	s21 =	sshrl.u32 s20, $0x3;
	s22 =	sshrl.u32 s8, $0x1;
	s24 =	sshrl.u32 s9, $0x2  }
0xe: {  	s9 =	simm.s32 $0x8;
	[dreg:$0xc] =	wrdreg s12;
	s4 =	sadd.s32 s6, s4  }
0xf: {  	s7 =	ssub.s32 s8, s22;
	s0 =	sadd.s32 s20, s0;
	s22 =	simm.s32 $0xFBE0  }
0x10: {  	s20 =	simm.s32 $0x5;
	s6 =	simm.s32 $0x6;
	s8 =	simm.s32 $0x7  }
0x11: {  	s4 =	sshrl.u32 s4, $0x3;
	s0 =	sshrl.u32 s0, $0x3;
	s25 =	smax.u32 s7, $0x1  }
0x12: {  	s7 =	simm.s32 $0x4;
	s4 =	sadd.s32 s4, s2;
	s2 =	sadd.s32 s21, s2  }
0x13: {  	s0 =	sadd.s32 s5, s0;
	[dreg:$0x9] =	wrdreg s25;
	s21 =	simm.s32 $0x7EE0  }
0x14: {  	s25 =	simm.s32 $0x9E20;
	s23 =	sadd.s32 $0xD200, s4;
	[dreg:$0x8] =	wrdreg s0  }
0x15: {  	s5 =	simm.s32 $0x3;
	s4 =	sadd.s32 $0x3000, s4;
	[dreg:$0x5] =	wrdreg s23  }
0x16: {  	s2 =	sadd.s32 $0x17200, s2;
	[dreg:$0x6] =	wrdreg s4;
	s4 =	sadd.s32 s24, s3  }
0x17: {  	[dreg:$0x7] =	wrdreg s2;
	s10 =	sshrl.u32 s4, $0x3;
	s4 =	simm.s32 $0x0  }
0x18: {  	s0 =	simm.s32 $0x2;
	s23 =	simm.s32 $0x8E80;
	[dreg:$0xb] =	wrdreg s4  }
0x19: {  	s2 =	simm.s32 $0xCD00;
	s24 =	simm.s32 $0x13A60;
	[dreg:$0xa] =	wrdreg s10  }
.LBB2_1:
0x1a: {  	s4 =	simm.s32 $0x0;
	s12 =	rddreg [dreg:$0x5]  }
0x1b: {  	[tilespmem:s4], [sflag:$0x9] =	stream.linear.gather [hbm4b:s12+s4], $0x2800, $0x38;
	[tilespmem:$0x19820] =	vst v63  }
0x1c: {  	_ =	swait.ge [sflag:s13], $0x2800  }
0x1d: {  	s10 =	simm.s32 $0x0;
	[sflag:s13] =	ssyncset.done $0x0  }
0x1e: {  	s4 =	simm.s32 $0x2800;
	s12 =	rddreg [dreg:$0x6];
	[sflag:s13] =	ssyncadd.s32 $0xFFFFD800  }
0x1f: {  	[tilespmem:s4], [sflag:$0x9] =	stream.linear.gather [hbm4b:s12+s10], $0x2800, $0x38;
	[tilespmem:$0x19820] =	vst v63  }
0x20: {  	_ =	swait.ge [sflag:s13], $0x2800  }
0x21: {  	s12 =	rddreg [dreg:$0x7]  }
0x22: {  	[sflag:s13] =	ssyncset.done $0x0;
	s10 =	rddreg [dreg:$0xa]  }
0x23: {  	s4 =	rddreg [dreg:$0xc];
	[sflag:s13] =	ssyncadd.s32 $0xFFFFD800  }
0x24: {  	[spmem:s10], [sflag:s4] =	dma.local [hbm:s12], $0x9C4  }
0x25: {  	_ =	swait.ge [sflag:s13], $0x9C4  }
0x26: {  	[sflag:s13] =	ssyncset.done $0x0  }
0x27: {  	[sflag:s13] =	ssyncadd.s32 $0xFFFFF63C  }
0x28: {  	s12 =	simm.s32 $0x0;
	[bflag:$0x0] =	sbarrier.arrive $0xFFFF  }
0x29: {  	[tilespmem:s15], [sflag:$0x1] =	stream.indirect.gather [hbm4b:s1+s14], $0x20, s12, s14, $0xb8;
	[tilespmem:$0x19820] =	vst v63  }
0x2a: {  	s13 =	simm.s32 $0x80  }
0x2b: {  	[tilespmem:s17], [sflag:$0x1] =	stream.indirect.gather [hbm4b:s1+s14], $0x20, s13, s14, $0xb8;
	[tilespmem:$0x19820] =	vst v63  }
0x2c: {  	s10 =	simm.s32 $0x100  }
0x2d: {  	[tilespmem:s19], [sflag:$0x1] =	stream.indirect.gather [hbm4b:s1+s14], $0x20, s10, s14, $0xb8;
	[tilespmem:$0x19820] =	vst v63  }
0x2e: {  	s12 =	simm.s32 $0x180  }
0x2f: {  	[tilespmem:s21], [sflag:$0x1] =	stream.indirect.gather [hbm4b:s1+s14], $0x20, s12, s14, $0xb8;
	[tilespmem:$0x19820] =	vst v63  }
0x30: {  	s13 =	simm.s32 $0x200  }
0x31: {  	[tilespmem:s23], [sflag:$0x2] =	stream.indirect.gather [hbm4b:s1+s14], $0x20, s13, s14, $0xb8;
	[tilespmem:$0x19820] =	vst v63  }
0x32: {  	s10 =	simm.s32 $0x280  }
0x33: {  	[tilespmem:s25], [sflag:$0x2] =	stream.indirect.gather [hbm4b:s1+s14], $0x20, s10, s14, $0xb8;
	[tilespmem:$0x19820] =	vst v63  }
0x34: {  	s12 =	simm.s32 $0x300  }
0x35: {  	[tilespmem:s28], [sflag:$0x2] =	stream.indirect.gather [hbm4b:s1+s14], $0x20, s12, s14, $0xb8;
	[tilespmem:$0x19820] =	vst v63  }
0x36: {  	s13 =	simm.s32 $0x380  }
0x37: {  	[tilespmem:s30], [sflag:$0x2] =	stream.indirect.gather [hbm4b:s1+s14], $0x20, s13, s14, $0xb8;
	[tilespmem:$0x19820] =	vst v63  }
0x38: {  	s10 =	simm.s32 $0x400  }
0x39: {  	[tilespmem:s2], [sflag:$0x3] =	stream.indirect.gather [hbm4b:s1+s14], $0x20, s10, s14, $0xb8;
	[tilespmem:$0x19820] =	vst v63  }
0x3a: {  	s12 =	simm.s32 $0x480  }
0x3b: {  	[tilespmem:s11], [sflag:$0x3] =	stream.indirect.gather [hbm4b:s1+s14], $0x20, s12, s14, $0xb8;
	[tilespmem:$0x19820] =	vst v63  }
0x3c: {  	s13 =	simm.s32 $0x500  }
0x3d: {  	[tilespmem:s18], [sflag:$0x3] =	stream.indirect.gather [hbm4b:s1+s14], $0x20, s13, s14, $0xb8;
	[tilespmem:$0x19820] =	vst v63  }
0x3e: {  	s10 =	simm.s32 $0x580  }
0x3f: {  	[tilespmem:s22], [sflag:$0x3] =	stream.indirect.gather [hbm4b:s1+s14], $0x20, s10, s14, $0xb8;
	[tilespmem:$0x19820] =	vst v63  }
0x40: {  	s12 =	simm.s32 $0x600  }
0x41: {  	[tilespmem:s26], [sflag:$0x4] =	stream.indirect.gather [hbm4b:s1+s14], $0x20, s12, s14, $0xb8;
	[tilespmem:$0x19820] =	vst v63  }
0x42: {  	s13 =	simm.s32 $0x680  }
0x43: {  	[tilespmem:s31], [sflag:$0x4] =	stream.indirect.gather [hbm4b:s1+s14], $0x20, s13, s14, $0xb8;
	[tilespmem:$0x19820] =	vst v63  }
0x44: {  	s10 =	simm.s32 $0x700  }
0x45: {  	[tilespmem:s16], [sflag:$0x4] =	stream.indirect.gather [hbm4b:s1+s14], $0x20, s10, s14, $0xb8;
	[tilespmem:$0x19820] =	vst v63  }
0x46: {  	s12 =	simm.s32 $0x780  }
0x47: {  	[tilespmem:s24], [sflag:$0x4] =	stream.indirect.gather [hbm4b:s1+s14], $0x20, s12, s14, $0xb8;
	[tilespmem:$0x19820] =	vst v63  }
0x48: {  	_ =	swait.ge [sflag:s29], $0x3E80  }
0x49: {  	[sflag:s29] =	ssyncset.done $0x0  }
0x4a: {  	s13 =	simm.s32 $0x2800;
	[sflag:s29] =	ssyncadd.s32 $0xFFFFC180  }
0x4b: {  	[spmem:s3] =	stream.indirect.scatter.add.f32 [tilespmem:s15], [sflag:$0x5], $0x20, s13, s14, $0xb8;
	[tilespmem:$0x19820] =	vst v63  }
0x4c: {  	s4 =	simm.s32 $0x2880  }
0x4d: {  	[spmem:s3] =	stream.indirect.scatter.add.f32 [tilespmem:s17], [sflag:$0x5], $0x20, s4, s14, $0xb8;
	[tilespmem:$0x19820] =	vst v63  }
0x4e: {  	s10 =	simm.s32 $0x2900  }
0x4f: {  	[spmem:s3] =	stream.indirect.scatter.add.f32 [tilespmem:s19], [sflag:$0x5], $0x20, s10, s14, $0xb8;
	[tilespmem:$0x19820] =	vst v63  }
0x50: {  	s13 =	simm.s32 $0x2980  }
0x51: {  	[spmem:s3] =	stream.indirect.scatter.add.f32 [tilespmem:s21], [sflag:$0x5], $0x20, s13, s14, $0xb8;
	[tilespmem:$0x19820] =	vst v63  }
0x52: {  	_ =	swait.ge [sflag:s0], $0x3E80  }
0x53: {  	[sflag:s0] =	ssyncset.done $0x0  }
0x54: {  	s4 =	simm.s32 $0x2A00;
	[sflag:s0] =	ssyncadd.s32 $0xFFFFC180  }
0x55: {  	[spmem:s3] =	stream.indirect.scatter.add.f32 [tilespmem:s23], [sflag:$0x6], $0x20, s4, s14, $0xb8;
	[tilespmem:$0x19820] =	vst v63  }
0x56: {  	s10 =	simm.s32 $0x2A80  }
0x57: {  	[spmem:s3] =	stream.indirect.scatter.add.f32 [tilespmem:s25], [sflag:$0x6], $0x20, s10, s14, $0xb8;
	[tilespmem:$0x19820] =	vst v63  }
0x58: {  	s13 =	simm.s32 $0x2B00  }
0x59: {  	[spmem:s3] =	stream.indirect.scatter.add.f32 [tilespmem:s28], [sflag:$0x6], $0x20, s13, s14, $0xb8;
	[tilespmem:$0x19820] =	vst v63  }
0x5a: {  	s4 =	simm.s32 $0x2B80  }
0x5b: {  	[spmem:s3] =	stream.indirect.scatter.add.f32 [tilespmem:s30], [sflag:$0x6], $0x20, s4, s14, $0xb8;
	[tilespmem:$0x19820] =	vst v63  }
0x5c: {  	_ =	swait.ge [sflag:s20], $0x3E80  }
0x5d: {  	[sflag:s20] =	ssyncset.done $0x0  }
0x5e: {  	s10 =	simm.s32 $0x800;
	[sflag:s20] =	ssyncadd.s32 $0xFFFFC180  }
0x5f: {  	[tilespmem:s15], [sflag:$0x1] =	stream.indirect.gather [hbm4b:s1+s14], $0x20, s10, s14, $0xb8;
	[tilespmem:$0x19820] =	vst v63  }
0x60: {  	s13 =	simm.s32 $0x880  }
0x61: {  	[tilespmem:s17], [sflag:$0x1] =	stream.indirect.gather [hbm4b:s1+s14], $0x20, s13, s14, $0xb8;
	[tilespmem:$0x19820] =	vst v63  }
0x62: {  	s4 =	simm.s32 $0x900  }
0x63: {  	[tilespmem:s19], [sflag:$0x1] =	stream.indirect.gather [hbm4b:s1+s14], $0x20, s4, s14, $0xb8;
	[tilespmem:$0x19820] =	vst v63  }
0x64: {  	s10 =	simm.s32 $0x980  }
0x65: {  	[tilespmem:s21], [sflag:$0x1] =	stream.indirect.gather [hbm4b:s1+s14], $0x20, s10, s14, $0xb8;
	[tilespmem:$0x19820] =	vst v63  }
0x66: {  	_ =	swait.ge [sflag:s5], $0x3E80  }
0x67: {  	[sflag:s5] =	ssyncset.done $0x0  }
0x68: {  	s13 =	simm.s32 $0x2C00;
	[sflag:s5] =	ssyncadd.s32 $0xFFFFC180  }
0x69: {  	[spmem:s3] =	stream.indirect.scatter.add.f32 [tilespmem:s2], [sflag:$0x7], $0x20, s13, s14, $0xb8;
	[tilespmem:$0x19820] =	vst v63  }
0x6a: {  	s4 =	simm.s32 $0x2C80  }
0x6b: {  	[spmem:s3] =	stream.indirect.scatter.add.f32 [tilespmem:s11], [sflag:$0x7], $0x20, s4, s14, $0xb8;
	[tilespmem:$0x19820] =	vst v63  }
0x6c: {  	s10 =	simm.s32 $0x2D00  }
0x6d: {  	[spmem:s3] =	stream.indirect.scatter.add.f32 [tilespmem:s18], [sflag:$0x7], $0x20, s10, s14, $0xb8;
	[tilespmem:$0x19820] =	vst v63  }
0x6e: {  	s13 =	simm.s32 $0x2D80  }
0x6f: {  	[spmem:s3] =	stream.indirect.scatter.add.f32 [tilespmem:s22], [sflag:$0x7], $0x20, s13, s14, $0xb8;
	[tilespmem:$0x19820] =	vst v63  }
0x70: {  	_ =	swait.ge [sflag:s6], $0x3E80  }
0x71: {  	[sflag:s6] =	ssyncset.done $0x0  }
0x72: {  	s4 =	simm.s32 $0xA00;
	[sflag:s6] =	ssyncadd.s32 $0xFFFFC180  }
0x73: {  	[tilespmem:s23], [sflag:$0x2] =	stream.indirect.gather [hbm4b:s1+s14], $0x20, s4, s14, $0xb8;
	[tilespmem:$0x19820] =	vst v63  }
0x74: {  	s10 =	simm.s32 $0xA80  }
0x75: {  	[tilespmem:s25], [sflag:$0x2] =	stream.indirect.gather [hbm4b:s1+s14], $0x20, s10, s14, $0xb8;
	[tilespmem:$0x19820] =	vst v63  }
0x76: {  	s13 =	simm.s32 $0xB00  }
0x77: {  	[tilespmem:s28], [sflag:$0x2] =	stream.indirect.gather [hbm4b:s1+s14], $0x20, s13, s14, $0xb8;
	[tilespmem:$0x19820] =	vst v63  }
0x78: {  	s4 =	simm.s32 $0xB80  }
0x79: {  	[tilespmem:s30], [sflag:$0x2] =	stream.indirect.gather [hbm4b:s1+s14], $0x20, s4, s14, $0xb8;
	[tilespmem:$0x19820] =	vst v63  }
0x7a: {  	_ =	swait.ge [sflag:s7], $0x3E80  }
0x7b: {  	[sflag:s7] =	ssyncset.done $0x0  }
0x7c: {  	s10 =	simm.s32 $0x2E00;
	[sflag:s7] =	ssyncadd.s32 $0xFFFFC180  }
0x7d: {  	[spmem:s3] =	stream.indirect.scatter.add.f32 [tilespmem:s26], [sflag:$0x8], $0x20, s10, s14, $0xb8;
	[tilespmem:$0x19820] =	vst v63  }
0x7e: {  	s13 =	simm.s32 $0x2E80  }
0x7f: {  	[spmem:s3] =	stream.indirect.scatter.add.f32 [tilespmem:s31], [sflag:$0x8], $0x20, s13, s14, $0xb8;
	[tilespmem:$0x19820] =	vst v63  }
0x80: {  	s4 =	simm.s32 $0x2F00  }
0x81: {  	[spmem:s3] =	stream.indirect.scatter.add.f32 [tilespmem:s16], [sflag:$0x8], $0x20, s4, s14, $0xb8;
	[tilespmem:$0x19820] =	vst v63  }
0x82: {  	s10 =	simm.s32 $0x2F80  }
0x83: {  	[spmem:s3] =	stream.indirect.scatter.add.f32 [tilespmem:s24], [sflag:$0x8], $0x20, s10, s14, $0xb8;
	[tilespmem:$0x19820] =	vst v63  }
0x84: {  	_ =	swait.ge [sflag:s8], $0x3E80  }
0x85: {  	[sflag:s8] =	ssyncset.done $0x0  }
0x86: {  	s13 =	simm.s32 $0xC00;
	[sflag:s8] =	ssyncadd.s32 $0xFFFFC180  }
0x87: {  	[tilespmem:s2], [sflag:$0x3] =	stream.indirect.gather [hbm4b:s1+s14], $0x20, s13, s14, $0xb8;
	[tilespmem:$0x19820] =	vst v63  }
0x88: {  	s4 =	simm.s32 $0xC80  }
0x89: {  	[tilespmem:s11], [sflag:$0x3] =	stream.indirect.gather [hbm4b:s1+s14], $0x20, s4, s14, $0xb8;
	[tilespmem:$0x19820] =	vst v63  }
0x8a: {  	s10 =	simm.s32 $0xD00  }
0x8b: {  	[tilespmem:s18], [sflag:$0x3] =	stream.indirect.gather [hbm4b:s1+s14], $0x20, s10, s14, $0xb8;
	[tilespmem:$0x19820] =	vst v63  }
0x8c: {  	s13 =	simm.s32 $0xD80  }
0x8d: {  	[tilespmem:s22], [sflag:$0x3] =	stream.indirect.gather [hbm4b:s1+s14], $0x20, s13, s14, $0xb8;
	[tilespmem:$0x19820] =	vst v63  }
0x8e: {  	_ =	swait.ge [sflag:s9], $0x3E80  }
0x8f: {  	[sflag:s9] =	ssyncset.done $0x0  }
0x90: {  	s4 =	simm.s32 $0xE00;
	[sflag:s9] =	ssyncadd.s32 $0xFFFFC180  }
0x91: {  	[tilespmem:s26], [sflag:$0x4] =	stream.indirect.gather [hbm4b:s1+s14], $0x20, s4, s14, $0xb8;
	[tilespmem:$0x19820] =	vst v63  }
0x92: {  	s10 =	simm.s32 $0xE80  }
0x93: {  	[tilespmem:s31], [sflag:$0x4] =	stream.indirect.gather [hbm4b:s1+s14], $0x20, s10, s14, $0xb8;
	[tilespmem:$0x19820] =	vst v63  }
0x94: {  	s13 =	simm.s32 $0xF00  }
0x95: {  	[tilespmem:s16], [sflag:$0x4] =	stream.indirect.gather [hbm4b:s1+s14], $0x20, s13, s14, $0xb8;
	[tilespmem:$0x19820] =	vst v63  }
0x96: {  	s12 =	simm.s32 $0x2000;
	s4 =	rddreg [dreg:$0xc];
	s13 =	simm.s32 $0xF80  }
.LBB2_2:
0x97: {  	[tilespmem:s24], [sflag:$0x4] =	stream.indirect.gather [hbm4b:s1+s14], $0x20, s13, s14, $0xb8;
	[tilespmem:$0x19820] =	vst v63  }
0x98: {  	s13 =	smov.u32 s12  }
0x99: {  	p0 =	sne.s32 s12, $0x6000;
	s12 =	sadd.s32 $0x2000, s12;
	_ =	swait.ge [sflag:s29], $0x3E80  }
0x9a: {  	s13 =	sshra.s32 s13, $0x2;
	[sflag:s29] =	ssyncset.done $0x0  }
0x9b: {  	s10 =	sadd.s32 $0x2800, s13;
	[sflag:s29] =	ssyncadd.s32 $0xFFFFC180  }
0x9c: {  	[spmem:s3] =	stream.indirect.scatter.add.f32 [tilespmem:s15], [sflag:$0x5], $0x20, s10, s14, $0xb8;
	[tilespmem:$0x19820] =	vst v63  }
0x9d: {  	s10 =	sadd.s32 $0x2880, s13  }
0x9e: {  	[spmem:s3] =	stream.indirect.scatter.add.f32 [tilespmem:s17], [sflag:$0x5], $0x20, s10, s14, $0xb8;
	[tilespmem:$0x19820] =	vst v63  }
0x9f: {  	s10 =	sadd.s32 $0x2900, s13  }
0xa0: {  	[spmem:s3] =	stream.indirect.scatter.add.f32 [tilespmem:s19], [sflag:$0x5], $0x20, s10, s14, $0xb8;
	[tilespmem:$0x19820] =	vst v63  }
0xa1: {  	s10 =	sadd.s32 $0x2980, s13  }
0xa2: {  	[spmem:s3] =	stream.indirect.scatter.add.f32 [tilespmem:s21], [sflag:$0x5], $0x20, s10, s14, $0xb8;
	[tilespmem:$0x19820] =	vst v63  }
0xa3: {  	_ =	swait.ge [sflag:s0], $0x3E80  }
0xa4: {  	[sflag:s0] =	ssyncset.done $0x0  }
0xa5: {  	s10 =	sadd.s32 $0x2A00, s13;
	[sflag:s0] =	ssyncadd.s32 $0xFFFFC180  }
0xa6: {  	[spmem:s3] =	stream.indirect.scatter.add.f32 [tilespmem:s23], [sflag:$0x6], $0x20, s10, s14, $0xb8;
	[tilespmem:$0x19820] =	vst v63  }
0xa7: {  	s10 =	sadd.s32 $0x2A80, s13  }
0xa8: {  	[spmem:s3] =	stream.indirect.scatter.add.f32 [tilespmem:s25], [sflag:$0x6], $0x20, s10, s14, $0xb8;
	[tilespmem:$0x19820] =	vst v63  }
0xa9: {  	s10 =	sadd.s32 $0x2B00, s13  }
0xaa: {  	[spmem:s3] =	stream.indirect.scatter.add.f32 [tilespmem:s28], [sflag:$0x6], $0x20, s10, s14, $0xb8;
	[tilespmem:$0x19820] =	vst v63  }
0xab: {  	s10 =	sadd.s32 $0x2B80, s13  }
0xac: {  	[spmem:s3] =	stream.indirect.scatter.add.f32 [tilespmem:s30], [sflag:$0x6], $0x20, s10, s14, $0xb8;
	[tilespmem:$0x19820] =	vst v63  }
0xad: {  	_ =	swait.ge [sflag:s20], $0x3E80  }
0xae: {  	[sflag:s20] =	ssyncset.done $0x0  }
0xaf: {  	s10 =	sadd.s32 $0x800, s13;
	[sflag:s20] =	ssyncadd.s32 $0xFFFFC180  }
0xb0: {  	[tilespmem:s15], [sflag:$0x1] =	stream.indirect.gather [hbm4b:s1+s14], $0x20, s10, s14, $0xb8;
	[tilespmem:$0x19820] =	vst v63  }
0xb1: {  	s10 =	sadd.s32 $0x880, s13  }
0xb2: {  	[tilespmem:s17], [sflag:$0x1] =	stream.indirect.gather [hbm4b:s1+s14], $0x20, s10, s14, $0xb8;
	[tilespmem:$0x19820] =	vst v63  }
0xb3: {  	s10 =	sadd.s32 $0x900, s13  }
0xb4: {  	[tilespmem:s19], [sflag:$0x1] =	stream.indirect.gather [hbm4b:s1+s14], $0x20, s10, s14, $0xb8;
	[tilespmem:$0x19820] =	vst v63  }
0xb5: {  	s10 =	sadd.s32 $0x980, s13  }
0xb6: {  	[tilespmem:s21], [sflag:$0x1] =	stream.indirect.gather [hbm4b:s1+s14], $0x20, s10, s14, $0xb8;
	[tilespmem:$0x19820] =	vst v63  }
0xb7: {  	_ =	swait.ge [sflag:s5], $0x3E80  }
0xb8: {  	[sflag:s5] =	ssyncset.done $0x0  }
0xb9: {  	s10 =	sadd.s32 $0x2C00, s13;
	[sflag:s5] =	ssyncadd.s32 $0xFFFFC180  }
0xba: {  	[spmem:s3] =	stream.indirect.scatter.add.f32 [tilespmem:s2], [sflag:$0x7], $0x20, s10, s14, $0xb8;
	[tilespmem:$0x19820] =	vst v63  }
0xbb: {  	s10 =	sadd.s32 $0x2C80, s13  }
0xbc: {  	[spmem:s3] =	stream.indirect.scatter.add.f32 [tilespmem:s11], [sflag:$0x7], $0x20, s10, s14, $0xb8;
	[tilespmem:$0x19820] =	vst v63  }
0xbd: {  	s10 =	sadd.s32 $0x2D00, s13  }
0xbe: {  	[spmem:s3] =	stream.indirect.scatter.add.f32 [tilespmem:s18], [sflag:$0x7], $0x20, s10, s14, $0xb8;
	[tilespmem:$0x19820] =	vst v63  }
0xbf: {  	s10 =	sadd.s32 $0x2D80, s13  }
0xc0: {  	[spmem:s3] =	stream.indirect.scatter.add.f32 [tilespmem:s22], [sflag:$0x7], $0x20, s10, s14, $0xb8;
	[tilespmem:$0x19820] =	vst v63  }
0xc1: {  	_ =	swait.ge [sflag:s6], $0x3E80  }
0xc2: {  	[sflag:s6] =	ssyncset.done $0x0  }
0xc3: {  	s10 =	sadd.s32 $0xA00, s13;
	[sflag:s6] =	ssyncadd.s32 $0xFFFFC180  }
0xc4: {  	[tilespmem:s23], [sflag:$0x2] =	stream.indirect.gather [hbm4b:s1+s14], $0x20, s10, s14, $0xb8;
	[tilespmem:$0x19820] =	vst v63  }
0xc5: {  	s10 =	sadd.s32 $0xA80, s13  }
0xc6: {  	[tilespmem:s25], [sflag:$0x2] =	stream.indirect.gather [hbm4b:s1+s14], $0x20, s10, s14, $0xb8;
	[tilespmem:$0x19820] =	vst v63  }
0xc7: {  	s10 =	sadd.s32 $0xB00, s13  }
0xc8: {  	[tilespmem:s28], [sflag:$0x2] =	stream.indirect.gather [hbm4b:s1+s14], $0x20, s10, s14, $0xb8;
	[tilespmem:$0x19820] =	vst v63  }
0xc9: {  	s10 =	sadd.s32 $0xB80, s13  }
0xca: {  	[tilespmem:s30], [sflag:$0x2] =	stream.indirect.gather [hbm4b:s1+s14], $0x20, s10, s14, $0xb8;
	[tilespmem:$0x19820] =	vst v63  }
0xcb: {  	_ =	swait.ge [sflag:s7], $0x3E80  }
0xcc: {  	[sflag:s7] =	ssyncset.done $0x0  }
0xcd: {  	s10 =	sadd.s32 $0x2E00, s13;
	[sflag:s7] =	ssyncadd.s32 $0xFFFFC180  }
0xce: {  	[spmem:s3] =	stream.indirect.scatter.add.f32 [tilespmem:s26], [sflag:$0x8], $0x20, s10, s14, $0xb8;
	[tilespmem:$0x19820] =	vst v63  }
0xcf: {  	s10 =	sadd.s32 $0x2E80, s13  }
0xd0: {  	[spmem:s3] =	stream.indirect.scatter.add.f32 [tilespmem:s31], [sflag:$0x8], $0x20, s10, s14, $0xb8;
	[tilespmem:$0x19820] =	vst v63  }
0xd1: {  	s10 =	sadd.s32 $0x2F00, s13  }
0xd2: {  	[spmem:s3] =	stream.indirect.scatter.add.f32 [tilespmem:s16], [sflag:$0x8], $0x20, s10, s14, $0xb8;
	[tilespmem:$0x19820] =	vst v63  }
0xd3: {  	s10 =	sadd.s32 $0x2F80, s13  }
0xd4: {  	[spmem:s3] =	stream.indirect.scatter.add.f32 [tilespmem:s24], [sflag:$0x8], $0x20, s10, s14, $0xb8;
	[tilespmem:$0x19820] =	vst v63  }
0xd5: {  	_ =	swait.ge [sflag:s8], $0x3E80  }
0xd6: {  	[sflag:s8] =	ssyncset.done $0x0  }
0xd7: {  	s10 =	sadd.s32 $0xC00, s13;
	[sflag:s8] =	ssyncadd.s32 $0xFFFFC180  }
0xd8: {  	[tilespmem:s2], [sflag:$0x3] =	stream.indirect.gather [hbm4b:s1+s14], $0x20, s10, s14, $0xb8;
	[tilespmem:$0x19820] =	vst v63  }
0xd9: {  	s10 =	sadd.s32 $0xC80, s13  }
0xda: {  	[tilespmem:s11], [sflag:$0x3] =	stream.indirect.gather [hbm4b:s1+s14], $0x20, s10, s14, $0xb8;
	[tilespmem:$0x19820] =	vst v63  }
0xdb: {  	s10 =	sadd.s32 $0xD00, s13  }
0xdc: {  	[tilespmem:s18], [sflag:$0x3] =	stream.indirect.gather [hbm4b:s1+s14], $0x20, s10, s14, $0xb8;
	[tilespmem:$0x19820] =	vst v63  }
0xdd: {  	s10 =	sadd.s32 $0xD80, s13  }
0xde: {  	[tilespmem:s22], [sflag:$0x3] =	stream.indirect.gather [hbm4b:s1+s14], $0x20, s10, s14, $0xb8;
	[tilespmem:$0x19820] =	vst v63  }
0xdf: {  	_ =	swait.ge [sflag:s9], $0x3E80  }
0xe0: {  	[sflag:s9] =	ssyncset.done $0x0  }
0xe1: {  	s10 =	sadd.s32 $0xE00, s13;
	[sflag:s9] =	ssyncadd.s32 $0xFFFFC180  }
0xe2: {  	[tilespmem:s26], [sflag:$0x4] =	stream.indirect.gather [hbm4b:s1+s14], $0x20, s10, s14, $0xb8;
	[tilespmem:$0x19820] =	vst v63  }
.Ltmp0:
0xe3: {  	s10 =	sadd.s32 $0xE80, s13;
	(pc) =	sbr.rel @p0 .LBB2_2-.Ltmp0, $4  }
0xe4: {  	[tilespmem:s31], [sflag:$0x4] =	stream.indirect.gather [hbm4b:s1+s14], $0x20, s10, s14, $0xb8;
	[tilespmem:$0x19820] =	vst v63  }
0xe5: {  	s10 =	sadd.s32 $0xF00, s13  }
0xe6: {  	[tilespmem:s16], [sflag:$0x4] =	stream.indirect.gather [hbm4b:s1+s14], $0x20, s10, s14, $0xb8;
	[tilespmem:$0x19820] =	vst v63  }
0xe7: {  	s13 =	sadd.s32 $0xF80, s13  }
0xe8: {  	[tilespmem:s24], [sflag:$0x4] =	stream.indirect.gather [hbm4b:s1+s14], $0x20, s13, s14, $0xb8;
	[tilespmem:$0x19820] =	vst v63  }
0xe9: {  	_ =	swait.ge [sflag:s29], $0x3E80  }
0xea: {  	[sflag:s29] =	ssyncset.done $0x0  }
0xeb: {  	s10 =	simm.s32 $0x4800;
	[sflag:s29] =	ssyncadd.s32 $0xFFFFC180  }
0xec: {  	[spmem:s3] =	stream.indirect.scatter.add.f32 [tilespmem:s15], [sflag:$0x5], $0x20, s10, s14, $0xb8;
	[tilespmem:$0x19820] =	vst v63  }
0xed: {  	s12 =	simm.s32 $0x4880  }
0xee: {  	[spmem:s3] =	stream.indirect.scatter.add.f32 [tilespmem:s17], [sflag:$0x5], $0x20, s12, s14, $0xb8;
	[tilespmem:$0x19820] =	vst v63  }
0xef: {  	s13 =	simm.s32 $0x4900  }
0xf0: {  	[spmem:s3] =	stream.indirect.scatter.add.f32 [tilespmem:s19], [sflag:$0x5], $0x20, s13, s14, $0xb8;
	[tilespmem:$0x19820] =	vst v63  }
0xf1: {  	s12 =	simm.s32 $0x4980  }
0xf2: {  	[spmem:s3] =	stream.indirect.scatter.add.f32 [tilespmem:s21], [sflag:$0x5], $0x20, s12, s14, $0xb8;
	[tilespmem:$0x19820] =	vst v63  }
0xf3: {  	_ =	swait.ge [sflag:s0], $0x3E80  }
0xf4: {  	[sflag:s0] =	ssyncset.done $0x0  }
0xf5: {  	s13 =	simm.s32 $0x4A00;
	[sflag:s0] =	ssyncadd.s32 $0xFFFFC180  }
0xf6: {  	[spmem:s3] =	stream.indirect.scatter.add.f32 [tilespmem:s23], [sflag:$0x6], $0x20, s13, s14, $0xb8;
	[tilespmem:$0x19820] =	vst v63  }
0xf7: {  	s12 =	simm.s32 $0x4A80  }
0xf8: {  	[spmem:s3] =	stream.indirect.scatter.add.f32 [tilespmem:s25], [sflag:$0x6], $0x20, s12, s14, $0xb8;
	[tilespmem:$0x19820] =	vst v63  }
0xf9: {  	s13 =	simm.s32 $0x4B00  }
0xfa: {  	[spmem:s3] =	stream.indirect.scatter.add.f32 [tilespmem:s28], [sflag:$0x6], $0x20, s13, s14, $0xb8;
	[tilespmem:$0x19820] =	vst v63  }
0xfb: {  	s12 =	simm.s32 $0x4B80  }
0xfc: {  	[spmem:s3] =	stream.indirect.scatter.add.f32 [tilespmem:s30], [sflag:$0x6], $0x20, s12, s14, $0xb8;
	[tilespmem:$0x19820] =	vst v63  }
0xfd: {  	_ =	swait.ge [sflag:s20], $0x3E80  }
0xfe: {  	[sflag:s20] =	ssyncset.done $0x0  }
0xff: {  	[sflag:s20] =	ssyncadd.s32 $0xFFFFC180  }
0x100: {  	_ =	swait.ge [sflag:s5], $0x3E80  }
0x101: {  	[sflag:s5] =	ssyncset.done $0x0  }
0x102: {  	s13 =	simm.s32 $0x4C00;
	[sflag:s5] =	ssyncadd.s32 $0xFFFFC180  }
0x103: {  	[spmem:s3] =	stream.indirect.scatter.add.f32 [tilespmem:s2], [sflag:$0x7], $0x20, s13, s14, $0xb8;
	[tilespmem:$0x19820] =	vst v63  }
0x104: {  	s12 =	simm.s32 $0x4C80  }
0x105: {  	[spmem:s3] =	stream.indirect.scatter.add.f32 [tilespmem:s11], [sflag:$0x7], $0x20, s12, s14, $0xb8;
	[tilespmem:$0x19820] =	vst v63  }
0x106: {  	s13 =	simm.s32 $0x4D00  }
0x107: {  	[spmem:s3] =	stream.indirect.scatter.add.f32 [tilespmem:s18], [sflag:$0x7], $0x20, s13, s14, $0xb8;
	[tilespmem:$0x19820] =	vst v63  }
0x108: {  	s12 =	simm.s32 $0x4D80  }
0x109: {  	[spmem:s3] =	stream.indirect.scatter.add.f32 [tilespmem:s22], [sflag:$0x7], $0x20, s12, s14, $0xb8;
	[tilespmem:$0x19820] =	vst v63  }
0x10a: {  	_ =	swait.ge [sflag:s6], $0x3E80  }
0x10b: {  	[sflag:s6] =	ssyncset.done $0x0  }
0x10c: {  	[sflag:s6] =	ssyncadd.s32 $0xFFFFC180  }
0x10d: {  	_ =	swait.ge [sflag:s7], $0x3E80  }
0x10e: {  	[sflag:s7] =	ssyncset.done $0x0  }
0x10f: {  	s13 =	simm.s32 $0x4E00;
	[sflag:s7] =	ssyncadd.s32 $0xFFFFC180  }
0x110: {  	[spmem:s3] =	stream.indirect.scatter.add.f32 [tilespmem:s26], [sflag:$0x8], $0x20, s13, s14, $0xb8;
	[tilespmem:$0x19820] =	vst v63  }
0x111: {  	s12 =	simm.s32 $0x4E80  }
0x112: {  	[spmem:s3] =	stream.indirect.scatter.add.f32 [tilespmem:s31], [sflag:$0x8], $0x20, s12, s14, $0xb8;
	[tilespmem:$0x19820] =	vst v63  }
0x113: {  	s13 =	simm.s32 $0x4F00  }
0x114: {  	[spmem:s3] =	stream.indirect.scatter.add.f32 [tilespmem:s16], [sflag:$0x8], $0x20, s13, s14, $0xb8;
	[tilespmem:$0x19820] =	vst v63  }
0x115: {  	s12 =	simm.s32 $0x4F80  }
0x116: {  	[spmem:s3] =	stream.indirect.scatter.add.f32 [tilespmem:s24], [sflag:$0x8], $0x20, s12, s14, $0xb8;
	[tilespmem:$0x19820] =	vst v63  }
0x117: {  	_ =	swait.ge [sflag:s8], $0x3E80  }
0x118: {  	[sflag:s8] =	ssyncset.done $0x0  }
0x119: {  	[sflag:s8] =	ssyncadd.s32 $0xFFFFC180  }
0x11a: {  	_ =	swait.ge [sflag:s9], $0x3E80  }
0x11b: {  	[sflag:s9] =	ssyncset.done $0x0  }
0x11c: {  	[sflag:s9] =	ssyncadd.s32 $0xFFFFC180  }
0x11d: {  	[bflag:$0x0] =	sbarrier.arrive $0xFFFF  }
0x11e: {  	s13 =	rddreg [dreg:$0x8]  }
0x11f: {  	s12 =	rddreg [dreg:$0xa]  }
0x120: {  	[hbm:s13], [sflag:s4] =	dma.local [spmem:s12], $0x9C4  }
0x121: {  	s13 =	simm.s32 $0x9  }
0x122: {  	_ =	swait.ge [sflag:s13], $0x9C4  }
0x123: {  	s10 =	rddreg [dreg:$0xb]  }
0x124: {  	s12 =	rddreg [dreg:$0x9];
	s4 =	sadd.s32 $0x1, s10  }
0x125: {  	p0 =	sne.s32 s4, s12  }
.Ltmp1:
0x126: {  	_ = 	snop;
	(pc) =	sbr.rel @p0 .LBB2_1-.Ltmp1, $3  }
0x127: {  	_ =	sdelay $0x1  }
0x128: {  	[sflag:s13] =	ssyncset.done $0x0  }
0x129: {  	[sflag:s13] =	ssyncadd.s32 $0xFFFFF63C;
	[dreg:$0xb] =	wrdreg s4  }
0x12a: {  	_ =	sfence.sel $0x180000  }
0x12b: {  	[bflag:$0x0] =	sbarrier.arrive $0xFFFF  }
0x12c: {  	_ =	strace $0x9000004A  }
0x12d: {  	s0 =	stileid.u32;
	[bflag:$0x2] =	sbarrier.arrive $0xFFFF  }
0x12e: {  	p0 =	sne.s32 s0, $0x0;
	s0 =	rddreg [dreg:$0x4]  }
0x12f: {  	s0 =	sadd.s32 @!p0 $0x100000, s0  }
0x130: {  	[sflag:s0] =	ssyncadd.tile.s32 @!p0 $0x1;
	_ =	shalt  }
.Lfunc_end2:
_tile_overlayer_lowered:
.L_overlay_start_2:
0x131: {  	(tag) =	ssettag $0x2  }
0x132: {  	s0 =	rddreg [dreg:$0x0];
	s2 =	stileid.u32  }
0x133: {  	s1 =	rddreg [dreg:$0x1];
	p0 =	sne.s32 s2, $0x0  }
0x134: {  	s3 =	rddreg [dreg:$0x2];
	[bflag:$0x3] =	sbarrier.arrive $0xFFFF;
	s2 =	simm.s32 @!p0 $0x1C09  }
0x135: {  	[timem:s3], [sflag:s2] =	dma.local @!p0 [hbm:s0], s1  }
0x136: {  	s0 =	simm.s32 @!p0 $0x9  }
0x137: {  	_ =	swait.ge @!p0 [sflag:s0], s1  }
0x138: {  	s1 =	ssub.s32 @!p0 $0x0, s1;
	[sflag:s0] =	ssyncset.done @!p0 $0x0  }
0x139: {  	[sflag:s0] =	ssyncadd.s32 @!p0 s1  }
0x13a: {  	[bflag:$0x3] =	sbarrier.arrive $0xFFFF  }
0x13b: {  	_ =	shalt  }

// kernel: kernel.16.cloned.1.call-start
scs
__scs_entry_jumppad:
0x0: {  	(pc) =	sbr.rel $0x88, $3  }
0x1: {  	(tag) =	ssettag $0x0;
	lr =	simm.s32 $0x1  }
0x2: {  	[smem:$0x3F91] =	sst lr;
	_ =	strace $0xD0000000  }
0x3: {  	_ = 	snop  }
0x4: {  	_ = 	snop  }
0x5: {  	_ = 	snop  }
0x6: {  	_ = 	snop  }
0x7: {  	_ = 	snop  }
__scs_overlays_trampoline_lowered:
0x8: {  	[smem:$0x3FA0] =	sst s0  }
0x9: {  	[smem:$0x3FA1] =	sst s1  }
0xa: {  	[smem:$0x3FA2] =	sst s2  }
0xb: {  	[smem:$0x3FA3] =	sst s3  }
0xc: {  	[smem:$0x3FA4] =	sst s4  }
0xd: {  	[smem:$0x3FA5] =	sst s5  }
0xe: {  	[smem:$0x3FA6] =	sst s6  }
0xf: {  	[smem:$0x3FA7] =	sst s7  }
0x10: {  	[smem:$0x3FA8] =	sst s8  }
0x11: {  	[smem:$0x3FA9] =	sst s9;
	s0 =	simm.s32 @!p0 $0x0  }
0x12: {  	s1 =	sld [smem:$0x3F8F];
	s0 =	simm.s32 @p0 $0x1  }
0x13: {  	[smem:$0x3FAA] =	sst s0;
	s0 =	simm.s32 @!p1 $0x0  }
0x14: {  	s2 =	sld [smem:$0x3F8E];
	s0 =	simm.s32 @p1 $0x1  }
0x15: {  	[smem:$0x3FAB] =	sst s0;
	s0 =	simm.s32 @!p2 $0x0  }
0x16: {  	s3 =	sld [smem:$0x3FDB];
	s0 =	simm.s32 @p2 $0x1  }
0x17: {  	s4 =	simm.s32 $0x1BF5;
	[smem:$0x3FAD] =	sst s0  }
0x18: {  	s0 =	sld [smem:$0x3F90];
	_ =	swait.ge [sflag:s4], $0x0  }
0x19: {  	s7 =	sld [smem:$0x3F91]  }
0x1a: {  	s8 =	sadd.s32 $0xFFFFE003, lr  }
0x1b: {  	s9 =	sadd.s32 $0xFFFFFEF7, lr;
	s5 =	simm.s32 $0xFFFFFFFF;
	p2 =	slt.u32 s8, $0xFFFFF086  }
0x1c: {  	p1 =	slt.u32 s9, $0xF7A;
	s5 =	simm.s32 @!p2 $0x0  }
0x1d: {  	s5 =	simm.s32 @p1 $0x1;
	p0 =	seq.s32 s7, s2  }
0x1e: {  	s7 =	smul.u32 @!p0 $0xF7A, s2;
	p2 =	seq.s32 @!p0 s5, $0x0  }
0x1f: {  	s9 =	smul.u32 $0xF7A, s1;
	s8 =	simm.s32 @!p0 $0x1BF5;
	p2 =	por !p2, p0  }
0x20: {  	[sflag:s8] =	ssyncset.s32 @!p0 $0xFFFFF086;
	s6 =	sadd.s32 @!p0 s3, s7;
	s7 =	simm.s32 @!p0 $0x108  }
0x21: {  	s3 =	sadd.s32 s3, s9;
	s6 =	sadd.s32 @!p0 $0x88, s6;
	s7 =	simm.s32 @p2 $0x1082  }
0x22: {  	[simem:s7], [sflag:s8] =	dma.local @!p0 [hbm:s6], $0xF7A  }
0x23: {  	s9 =	sor.u32 $0xD0000000, s2;
	s6 =	simm.s32 $0x108;
	_ =	swait.ge @!p0 [sflag:s8], $0x0  }
0x24: {  	s3 =	sadd.s32 $0x88, s3;
	s6 =	simm.s32 @!p1 $0x1082;
	[sflag:s4] =	ssyncset.s32 $0xFFFFF086  }
0x25: {  	[simem:s6], [sflag:s4] =	dma.local [hbm:s3], $0xF7A  }
0x26: {  	[smem:$0x3F91] =	sst s1;
	(tag) =	ssettag s2;
	_ =	strace s9  }
0x27: {  	s1 =	sld [smem:$0x3FA1]  }
0x28: {  	s2 =	sld [smem:$0x3FA2]  }
0x29: {  	s4 =	sld [smem:$0x3FA4]  }
0x2a: {  	p0 =	seq.s32 s5, $0x0;
	s5 =	sld [smem:$0x3FA5]  }
0x2b: {  	s6 =	sld [smem:$0x3FA6]  }
0x2c: {  	s7 =	sld [smem:$0x3FA7]  }
0x2d: {  	s3 =	simm.s32 $0x108;
	s8 =	sld [smem:$0x3FA8]  }
0x2e: {  	s3 =	simm.s32 @!p0 $0x1082;
	s9 =	sld [smem:$0x3FA9]  }
0x2f: {  	lr =	sadd.s32 s0, s3;
	s0 =	sld [smem:$0x3FA0]  }
0x30: {  	s3 =	sld [smem:$0x3FA3]  }
0x31: {  	[smem:$0x3FAC] =	sst s10  }
0x32: {  	s10 =	sld [smem:$0x3FAA];
	_ =	sdelay $0x3  }
0x33: {  	p0 =	seq.s32 s10, $0x1;
	s10 =	sld [smem:$0x3FAC];
	_ =	sdelay $0x3  }
0x34: {  	[smem:$0x3FAC] =	sst s10  }
0x35: {  	s10 =	sld [smem:$0x3FAB];
	_ =	sdelay $0x3  }
0x36: {  	p1 =	seq.s32 s10, $0x1;
	s10 =	sld [smem:$0x3FAC];
	_ =	sdelay $0x3  }
0x37: {  	[smem:$0x3FAC] =	sst s10  }
0x38: {  	s10 =	sld [smem:$0x3FAD]  }
0x39: {  	_ = 	snop;
	(pc) =	sbr.ind lr, $3  }
0x3a: {  	_ = 	snop  }
0x3b: {  	_ = 	snop  }
0x3c: {  	p2 =	seq.s32 s10, $0x1;
	s10 =	sld [smem:$0x3FAC]  }
0x3d: {  	_ =	shalt  }
0x3e: {  	_ =	shalt  }
0x3f: {  	_ =	shalt  }
0x40: {  	_ =	shalt  }
0x41: {  	_ =	shalt  }
0x42: {  	_ =	shalt  }
0x43: {  	_ =	shalt  }
0x44: {  	_ =	shalt  }
0x45: {  	_ =	shalt  }
0x46: {  	_ =	shalt  }
0x47: {  	_ =	shalt  }
0x48: {  	_ =	shalt  }
0x49: {  	_ =	shalt  }
0x4a: {  	_ =	shalt  }
0x4b: {  	_ =	shalt  }
0x4c: {  	_ =	shalt  }
0x4d: {  	_ =	shalt  }
0x4e: {  	_ =	shalt  }
0x4f: {  	_ =	shalt  }
0x50: {  	_ =	shalt  }
0x51: {  	_ =	shalt  }
0x52: {  	_ =	shalt  }
0x53: {  	_ =	shalt  }
0x54: {  	_ =	shalt  }
0x55: {  	_ =	shalt  }
0x56: {  	_ =	shalt  }
0x57: {  	_ =	shalt  }
0x58: {  	_ =	shalt  }
0x59: {  	_ =	shalt  }
0x5a: {  	_ =	shalt  }
0x5b: {  	_ =	shalt  }
0x5c: {  	_ =	shalt  }
0x5d: {  	_ =	shalt  }
0x5e: {  	_ =	shalt  }
0x5f: {  	_ =	shalt  }
0x60: {  	_ =	shalt  }
0x61: {  	_ =	shalt  }
0x62: {  	_ =	shalt  }
0x63: {  	_ =	shalt  }
0x64: {  	_ =	shalt  }
0x65: {  	_ =	shalt  }
0x66: {  	_ =	shalt  }
0x67: {  	_ =	shalt  }
0x68: {  	_ =	shalt  }
0x69: {  	_ =	shalt  }
0x6a: {  	_ =	shalt  }
0x6b: {  	_ =	shalt  }
0x6c: {  	_ =	shalt  }
0x6d: {  	_ =	shalt  }
0x6e: {  	_ =	shalt  }
0x6f: {  	_ =	shalt  }
0x70: {  	_ =	shalt  }
0x71: {  	_ =	shalt  }
0x72: {  	_ =	shalt  }
0x73: {  	_ =	shalt  }
0x74: {  	_ =	shalt  }
0x75: {  	_ =	shalt  }
0x76: {  	_ =	shalt  }
0x77: {  	_ =	shalt  }
0x78: {  	_ =	shalt  }
0x79: {  	_ =	shalt  }
0x7a: {  	_ =	shalt  }
0x7b: {  	_ =	shalt  }
0x7c: {  	_ =	shalt  }
0x7d: {  	_ =	shalt  }
0x7e: {  	_ =	shalt  }
0x7f: {  	_ =	shalt  }
0x80: {  	_ =	shalt  }
0x81: {  	_ =	shalt  }
0x82: {  	_ =	shalt  }
0x83: {  	_ =	shalt  }
0x84: {  	_ =	shalt  }
0x85: {  	_ =	shalt  }
0x86: {  	_ =	shalt  }
0x87: {  	_ =	shalt  }
.Lfunc_end0:
.L_simem_size_0:
called_computation.2_lowered:
.L_overlay_start_0:
0x88: {  	s2 =	sld [smem:$0x3FD9]  }
0x89: {  	s3 =	sld [smem:$0x3FFE];
	_ =	sdelay $0x1  }
0x8a: {  	s1 =	srdreg.scid  }
0x8b: {  	s0 =	sand.u32 $0x1, s1  }
0x8c: {  	s14 =	sshll.u32 s0, $0xA;
	s2 =	sadd.s32 s3, s2  }
0x8d: {  	s2 =	sadd.s32 s2, s14  }
0x8e: {  	[smem:$0x3FB8] =	sst s2  }
0x8f: {  	_ = 	snop  }
0x90: {  	s2 =	sld [smem:$0x3FD0];
	_ =	sdelay $0x2  }
0x91: {  	s15 =	simm.s32 $0xA;
	s4 =	simm.s32 $0x10  }
0x92: {  	[smem:s4], [sflag:s15] =	dma.local [hbm:s2], $0x1  }
0x93: {  	_ =	swait.eq [sflag:s15], $0x1  }
0x94: {  	[sflag:s15] =	ssyncset.done $0x0  }
0x95: {  	s16 =	sld [smem:$0x10];
	[sflag:s15] =	ssyncadd.s32 $0xFFFFFFFF  }
0x96: {  	s17 =	sld [smem:$0x11];
	(tm) =	ssettm $0x1  }
0x97: {  	s18 =	sld [smem:$0x3FFB];
	_ =	sdelay $0x3  }
0x98: {  	_ =	strace s18  }
0x99: {  	s4 =	sld [smem:$0x3FFC];
	_ =	sdelay $0x3  }
0x9a: {  	_ =	strace s4  }
0x9b: {  	s4 =	sld [smem:$0x3FFD];
	_ =	sdelay $0x3  }
0x9c: {  	_ =	strace s4  }
0x9d: {  	_ =	strace $0x8FFFFFFF  }
0x9e: {  	s19 =	sld [smem:$0x3FDB];
	_ =	sdelay $0x1  }
0x9f: {  	s5 =	simm.s32 $_scs_section_size  }
0xa0: {  	s6 =	simm.s32 $_size__tile_overlayer_lowered;
	s7 =	simm.s32 $_tile_overlayer_lowered  }
0xa1: {  	s22 =	simm.s32 $0x1BFF;
	s21 =	sshll.u32 s7, $0x1;
	s4 =	sadd.s32 s5, s19  }
0xa2: {  	s8 =	simm.s32 $0x0;
	s20 =	sshll.u32 s6, $0x1;
	s6 =	sadd.s32 s21, s4  }
0xa3: {  	[timem:s8], [sflag:s22] =	dma.local [hbm:s6], s20  }
0xa4: {  	_ =	swait.ge [sflag:s22], s20  }
0xa5: {  	s5 =	ssub.s32 $0x0, s20;
	[sflag:s22] =	ssyncset.done $0x0  }
0xa6: {  	[sflag:s22] =	ssyncadd.s32 s5;
	_ =	sdelay $0x1  }
0xa7: {  	s23 =	simm.s32 $0x1B8B  }
0xa8: {  	_ =	swait.ge [sflag:s23], $0x1  }
0xa9: {  	[sflag:s23] =	ssyncset.done $0x0  }
0xaa: {  	s25 =	simm.s32 $0x1B8E;
	s24 =	sld [smem:$0x3FFE];
	[sflag:s23] =	ssyncadd.s32 $0xFFFFFFFF  }
0xab: {  	s26 =	simm.s32 $execute0_lowered;
	[smem:$0x3FD2] =	sst s25  }
0xac: {  	s6 =	sshll.u32 s26, $0x1;
	_ =	strace $0x8000004C;
	[dreg:$0x1] =	wrdreg $0xFFFFFFFF  }
0xad: {  	s28 =	simm.s32 $_size_execute0_lowered;
	s4 =	sadd.s32 s4, s6;
	[dreg:$0x0] =	wrdreg $0x0  }
0xae: {  	s6 =	sshll.u32 s28, $0x1;
	[dreg:$0x2] =	wrdreg s4  }
0xaf: {  	[dreg:$0x3] =	wrdreg s6  }
0xb0: {  	[dreg:$0x4] =	wrdreg $0xC0  }
0xb1: {  	_ =	task [dreg:s8], $0x5FFFF  }
0xb2: {  	[dreg:$0x1] =	wrdreg $0xFFFFFFFF  }
0xb3: {  	[dreg:$0x0] =	wrdreg $0x60  }
0xb4: {  	[dreg:$0x2] =	wrdreg s16  }
0xb5: {  	[dreg:$0x3] =	wrdreg s24  }
0xb6: {  	[dreg:$0x4] =	wrdreg s17  }
0xb7: {  	[dreg:$0x5] =	wrdreg $0x14A000  }
0xb8: {  	[dreg:$0x6] =	wrdreg $0x9  }
0xb9: {  	_ =	task.clear_ibuf [dreg:s8], $0x7FFFF;
	_ =	strace $0x9000004C  }
0xba: {  	s29 =	simm.s32 $0x9;
	_ =	strace $0x8000004E  }
0xbb: {  	_ =	swait.ge [sflag:s29], $0x1  }
0xbc: {  	[sflag:s29] =	ssyncadd.s32 $0xFFFFFFFF  }
0xbd: {  	_ =	strace $0x9000004E  }
0xbe: {  	_ =	sfence  }
0xbf: {  	s30 =	sld [smem:$0x0];
	_ =	sdelay $0x2  }
0xc0: {  	s31 =	sshll.u32 s1, $0xD;
	s1 =	sshrl.u32 s1, $0x2  }
0xc1: {  	s3 =	sand.u32 $0x4000, s31;
	s1 =	sadd.s32 s1, s30  }
0xc2: {  	s0 =	sor.u32 s3, s0;
	s1 =	sshll.u32 s1, $0x11  }
0xc3: {  	s0 =	sor.u32 s1, s0  }
0xc4: {  	s0 =	sadd.s32 $0x8F2B, s0  }
0xc5: {  	[sflag:s0] =	ssyncadd.remote.s32 $0x1  }
0xc6: {  	_ =	sfence.sel $0xFFFF  }
0xc7: {  	[dreg:$0x0] =	wrdreg $0xFFFFFFFF;
	(pc) =	sbr.abs _section_cstart, $3  }
0xc8: {  	[dreg:$0x1] =	wrdreg $0xFFFFFFFF  }
0xc9: {  	_ =	task.clear_ibuf [dreg:s8], $0x2FFFF;
	_ =	strace $0x9FFFFFFF  }
0xca: {  	(tm) =	ssettm $0x7FFFFFFF  }
0xcb: {  	_ =	shalt  }
tec
execute0_lowered:
.L_overlay_start_1:
0x0: {  	(tag) =	ssettag $0x1  }
0x1: {  	s1 =	rddreg [dreg:$0x0]  }
0x2: {  	s2 =	rddreg [dreg:$0x1]  }
0x3: {  	s0 =	srdreg.scid;
	s5 =	rddreg [dreg:$0x2]  }
0x4: {  	s10 =	stileid.u32;
	s3 =	rddreg [dreg:$0x3];
	s7 =	simm.s32 $0x0  }
0x5: {  	s13 =	simm.s32 $0x9;
	s14 =	simm.s32 $0x7D;
	s15 =	simm.s32 $0x5000  }
0x6: {  	s17 =	simm.s32 $0x5FA0;
	s19 =	simm.s32 $0x6F40;
	s28 =	simm.s32 $0xADC0  }
0x7: {  	s30 =	simm.s32 $0xBD60;
	s11 =	simm.s32 $0xDCA0;
	s18 =	simm.s32 $0xEC40  }
0x8: {  	s31 =	simm.s32 $0x11B20;
	s16 =	simm.s32 $0x12AC0;
	s6 =	smul.u32 $0x2800, s10  }
0x9: {  	s29 =	simm.s32 $0x1;
	s0 =	sand.u32 $0x1, s0;
	s20 =	smul.u32 $0x4E20, s10  }
0xa: {  	[smem:$0x7FF] =	sst s7;
	s9 =	smul.u32 $0x13880, s10;
	s26 =	sshll.u32 s10, $0x6  }
0xb: {  	s4 =	smul.u32 $0x28000, s0;
	_ =	strace $0x8000004D;
	s8 =	ssub.s32 $0x2, s0  }
0xc: {  	s0 =	smul.u32 $0x4E200, s0;
	s12 =	sor.u32 $0x1C09, s26;
	s26 =	simm.s32 $0x10B80  }
0xd: {  	s21 =	sshrl.u32 s20, $0x3;
	s22 =	sshrl.u32 s8, $0x1;
	s24 =	sshrl.u32 s9, $0x2  }
0xe: {  	s9 =	simm.s32 $0x8;
	[dreg:$0xc] =	wrdreg s12;
	s4 =	sadd.s32 s6, s4  }
0xf: {  	s7 =	ssub.s32 s8, s22;
	s0 =	sadd.s32 s20, s0;
	s22 =	simm.s32 $0xFBE0  }
0x10: {  	s20 =	simm.s32 $0x5;
	s6 =	simm.s32 $0x6;
	s8 =	simm.s32 $0x7  }
0x11: {  	s4 =	sshrl.u32 s4, $0x3;
	s0 =	sshrl.u32 s0, $0x3;
	s25 =	smax.u32 s7, $0x1  }
0x12: {  	s7 =	simm.s32 $0x4;
	s4 =	sadd.s32 s4, s2;
	s2 =	sadd.s32 s21, s2  }
0x13: {  	s0 =	sadd.s32 s5, s0;
	[dreg:$0x9] =	wrdreg s25;
	s21 =	simm.s32 $0x7EE0  }
0x14: {  	s25 =	simm.s32 $0x9E20;
	s23 =	sadd.s32 $0xD200, s4;
	[dreg:$0x8] =	wrdreg s0  }
0x15: {  	s5 =	simm.s32 $0x3;
	s4 =	sadd.s32 $0x3000, s4;
	[dreg:$0x5] =	wrdreg s23  }
0x16: {  	s2 =	sadd.s32 $0x17200, s2;
	[dreg:$0x6] =	wrdreg s4;
	s4 =	sadd.s32 s24, s3  }
0x17: {  	[dreg:$0x7] =	wrdreg s2;
	s10 =	sshrl.u32 s4, $0x3;
	s4 =	simm.s32 $0x0  }
0x18: {  	s0 =	simm.s32 $0x2;
	s23 =	simm.s32 $0x8E80;
	[dreg:$0xb] =	wrdreg s4  }
0x19: {  	s2 =	simm.s32 $0xCD00;
	s24 =	simm.s32 $0x13A60;
	[dreg:$0xa] =	wrdreg s10  }
.LBB2_1:
0x1a: {  	s4 =	simm.s32 $0x0;
	s12 =	rddreg [dreg:$0x5]  }
0x1b: {  	[tilespmem:s4], [sflag:$0x9] =	stream.linear.gather [hbm4b:s12+s4], $0x2800, $0x38;
	[tilespmem:$0x19820] =	vst v63  }
0x1c: {  	_ =	swait.ge [sflag:s13], $0x2800  }
0x1d: {  	s10 =	simm.s32 $0x0;
	[sflag:s13] =	ssyncset.done $0x0  }
0x1e: {  	s4 =	simm.s32 $0x2800;
	s12 =	rddreg [dreg:$0x6];
	[sflag:s13] =	ssyncadd.s32 $0xFFFFD800  }
0x1f: {  	[tilespmem:s4], [sflag:$0x9] =	stream.linear.gather [hbm4b:s12+s10], $0x2800, $0x38;
	[tilespmem:$0x19820] =	vst v63  }
0x20: {  	_ =	swait.ge [sflag:s13], $0x2800  }
0x21: {  	s12 =	rddreg [dreg:$0x7]  }
0x22: {  	[sflag:s13] =	ssyncset.done $0x0;
	s10 =	rddreg [dreg:$0xa]  }
0x23: {  	s4 =	rddreg [dreg:$0xc];
	[sflag:s13] =	ssyncadd.s32 $0xFFFFD800  }
0x24: {  	[spmem:s10], [sflag:s4] =	dma.local [hbm:s12], $0x9C4  }
0x25: {  	_ =	swait.ge [sflag:s13], $0x9C4  }
0x26: {  	[sflag:s13] =	ssyncset.done $0x0  }
0x27: {  	[sflag:s13] =	ssyncadd.s32 $0xFFFFF63C  }
0x28: {  	s12 =	simm.s32 $0x0;
	[bflag:$0x0] =	sbarrier.arrive $0xFFFF  }
0x29: {  	[tilespmem:s15], [sflag:$0x1] =	stream.indirect.gather [hbm4b:s1+s14], $0x20, s12, s14, $0xb8;
	[tilespmem:$0x19820] =	vst v63  }
0x2a: {  	s13 =	simm.s32 $0x80  }
0x2b: {  	[tilespmem:s17], [sflag:$0x1] =	stream.indirect.gather [hbm4b:s1+s14], $0x20, s13, s14, $0xb8;
	[tilespmem:$0x19820] =	vst v63  }
0x2c: {  	s10 =	simm.s32 $0x100  }
0x2d: {  	[tilespmem:s19], [sflag:$0x1] =	stream.indirect.gather [hbm4b:s1+s14], $0x20, s10, s14, $0xb8;
	[tilespmem:$0x19820] =	vst v63  }
0x2e: {  	s12 =	simm.s32 $0x180  }
0x2f: {  	[tilespmem:s21], [sflag:$0x1] =	stream.indirect.gather [hbm4b:s1+s14], $0x20, s12, s14, $0xb8;
	[tilespmem:$0x19820] =	vst v63  }
0x30: {  	s13 =	simm.s32 $0x200  }
0x31: {  	[tilespmem:s23], [sflag:$0x2] =	stream.indirect.gather [hbm4b:s1+s14], $0x20, s13, s14, $0xb8;
	[tilespmem:$0x19820] =	vst v63  }
0x32: {  	s10 =	simm.s32 $0x280  }
0x33: {  	[tilespmem:s25], [sflag:$0x2] =	stream.indirect.gather [hbm4b:s1+s14], $0x20, s10, s14, $0xb8;
	[tilespmem:$0x19820] =	vst v63  }
0x34: {  	s12 =	simm.s32 $0x300  }
0x35: {  	[tilespmem:s28], [sflag:$0x2] =	stream.indirect.gather [hbm4b:s1+s14], $0x20, s12, s14, $0xb8;
	[tilespmem:$0x19820] =	vst v63  }
0x36: {  	s13 =	simm.s32 $0x380  }
0x37: {  	[tilespmem:s30], [sflag:$0x2] =	stream.indirect.gather [hbm4b:s1+s14], $0x20, s13, s14, $0xb8;
	[tilespmem:$0x19820] =	vst v63  }
0x38: {  	s10 =	simm.s32 $0x400  }
0x39: {  	[tilespmem:s2], [sflag:$0x3] =	stream.indirect.gather [hbm4b:s1+s14], $0x20, s10, s14, $0xb8;
	[tilespmem:$0x19820] =	vst v63  }
0x3a: {  	s12 =	simm.s32 $0x480  }
0x3b: {  	[tilespmem:s11], [sflag:$0x3] =	stream.indirect.gather [hbm4b:s1+s14], $0x20, s12, s14, $0xb8;
	[tilespmem:$0x19820] =	vst v63  }
0x3c: {  	s13 =	simm.s32 $0x500  }
0x3d: {  	[tilespmem:s18], [sflag:$0x3] =	stream.indirect.gather [hbm4b:s1+s14], $0x20, s13, s14, $0xb8;
	[tilespmem:$0x19820] =	vst v63  }
0x3e: {  	s10 =	simm.s32 $0x580  }
0x3f: {  	[tilespmem:s22], [sflag:$0x3] =	stream.indirect.gather [hbm4b:s1+s14], $0x20, s10, s14, $0xb8;
	[tilespmem:$0x19820] =	vst v63  }
0x40: {  	s12 =	simm.s32 $0x600  }
0x41: {  	[tilespmem:s26], [sflag:$0x4] =	stream.indirect.gather [hbm4b:s1+s14], $0x20, s12, s14, $0xb8;
	[tilespmem:$0x19820] =	vst v63  }
0x42: {  	s13 =	simm.s32 $0x680  }
0x43: {  	[tilespmem:s31], [sflag:$0x4] =	stream.indirect.gather [hbm4b:s1+s14], $0x20, s13, s14, $0xb8;
	[tilespmem:$0x19820] =	vst v63  }
0x44: {  	s10 =	simm.s32 $0x700  }
0x45: {  	[tilespmem:s16], [sflag:$0x4] =	stream.indirect.gather [hbm4b:s1+s14], $0x20, s10, s14, $0xb8;
	[tilespmem:$0x19820] =	vst v63  }
0x46: {  	s12 =	simm.s32 $0x780  }
0x47: {  	[tilespmem:s24], [sflag:$0x4] =	stream.indirect.gather [hbm4b:s1+s14], $0x20, s12, s14, $0xb8;
	[tilespmem:$0x19820] =	vst v63  }
0x48: {  	_ =	swait.ge [sflag:s29], $0x3E80  }
0x49: {  	[sflag:s29] =	ssyncset.done $0x0  }
0x4a: {  	s13 =	simm.s32 $0x2800;
	[sflag:s29] =	ssyncadd.s32 $0xFFFFC180  }
0x4b: {  	[spmem:s3] =	stream.indirect.scatter.add.f32 [tilespmem:s15], [sflag:$0x5], $0x20, s13, s14, $0xb8;
	[tilespmem:$0x19820] =	vst v63  }
0x4c: {  	s4 =	simm.s32 $0x2880  }
0x4d: {  	[spmem:s3] =	stream.indirect.scatter.add.f32 [tilespmem:s17], [sflag:$0x5], $0x20, s4, s14, $0xb8;
	[tilespmem:$0x19820] =	vst v63  }
0x4e: {  	s10 =	simm.s32 $0x2900  }
0x4f: {  	[spmem:s3] =	stream.indirect.scatter.add.f32 [tilespmem:s19], [sflag:$0x5], $0x20, s10, s14, $0xb8;
	[tilespmem:$0x19820] =	vst v63  }
0x50: {  	s13 =	simm.s32 $0x2980  }
0x51: {  	[spmem:s3] =	stream.indirect.scatter.add.f32 [tilespmem:s21], [sflag:$0x5], $0x20, s13, s14, $0xb8;
	[tilespmem:$0x19820] =	vst v63  }
0x52: {  	_ =	swait.ge [sflag:s0], $0x3E80  }
0x53: {  	[sflag:s0] =	ssyncset.done $0x0  }
0x54: {  	s4 =	simm.s32 $0x2A00;
	[sflag:s0] =	ssyncadd.s32 $0xFFFFC180  }
0x55: {  	[spmem:s3] =	stream.indirect.scatter.add.f32 [tilespmem:s23], [sflag:$0x6], $0x20, s4, s14, $0xb8;
	[tilespmem:$0x19820] =	vst v63  }
0x56: {  	s10 =	simm.s32 $0x2A80  }
0x57: {  	[spmem:s3] =	stream.indirect.scatter.add.f32 [tilespmem:s25], [sflag:$0x6], $0x20, s10, s14, $0xb8;
	[tilespmem:$0x19820] =	vst v63  }
0x58: {  	s13 =	simm.s32 $0x2B00  }
0x59: {  	[spmem:s3] =	stream.indirect.scatter.add.f32 [tilespmem:s28], [sflag:$0x6], $0x20, s13, s14, $0xb8;
	[tilespmem:$0x19820] =	vst v63  }
0x5a: {  	s4 =	simm.s32 $0x2B80  }
0x5b: {  	[spmem:s3] =	stream.indirect.scatter.add.f32 [tilespmem:s30], [sflag:$0x6], $0x20, s4, s14, $0xb8;
	[tilespmem:$0x19820] =	vst v63  }
0x5c: {  	_ =	swait.ge [sflag:s20], $0x3E80  }
0x5d: {  	[sflag:s20] =	ssyncset.done $0x0  }
0x5e: {  	s10 =	simm.s32 $0x800;
	[sflag:s20] =	ssyncadd.s32 $0xFFFFC180  }
0x5f: {  	[tilespmem:s15], [sflag:$0x1] =	stream.indirect.gather [hbm4b:s1+s14], $0x20, s10, s14, $0xb8;
	[tilespmem:$0x19820] =	vst v63  }
0x60: {  	s13 =	simm.s32 $0x880  }
0x61: {  	[tilespmem:s17], [sflag:$0x1] =	stream.indirect.gather [hbm4b:s1+s14], $0x20, s13, s14, $0xb8;
	[tilespmem:$0x19820] =	vst v63  }
0x62: {  	s4 =	simm.s32 $0x900  }
0x63: {  	[tilespmem:s19], [sflag:$0x1] =	stream.indirect.gather [hbm4b:s1+s14], $0x20, s4, s14, $0xb8;
	[tilespmem:$0x19820] =	vst v63  }
0x64: {  	s10 =	simm.s32 $0x980  }
0x65: {  	[tilespmem:s21], [sflag:$0x1] =	stream.indirect.gather [hbm4b:s1+s14], $0x20, s10, s14, $0xb8;
	[tilespmem:$0x19820] =	vst v63  }
0x66: {  	_ =	swait.ge [sflag:s5], $0x3E80  }
0x67: {  	[sflag:s5] =	ssyncset.done $0x0  }
0x68: {  	s13 =	simm.s32 $0x2C00;
	[sflag:s5] =	ssyncadd.s32 $0xFFFFC180  }
0x69: {  	[spmem:s3] =	stream.indirect.scatter.add.f32 [tilespmem:s2], [sflag:$0x7], $0x20, s13, s14, $0xb8;
	[tilespmem:$0x19820] =	vst v63  }
0x6a: {  	s4 =	simm.s32 $0x2C80  }
0x6b: {  	[spmem:s3] =	stream.indirect.scatter.add.f32 [tilespmem:s11], [sflag:$0x7], $0x20, s4, s14, $0xb8;
	[tilespmem:$0x19820] =	vst v63  }
0x6c: {  	s10 =	simm.s32 $0x2D00  }
0x6d: {  	[spmem:s3] =	stream.indirect.scatter.add.f32 [tilespmem:s18], [sflag:$0x7], $0x20, s10, s14, $0xb8;
	[tilespmem:$0x19820] =	vst v63  }
0x6e: {  	s13 =	simm.s32 $0x2D80  }
0x6f: {  	[spmem:s3] =	stream.indirect.scatter.add.f32 [tilespmem:s22], [sflag:$0x7], $0x20, s13, s14, $0xb8;
	[tilespmem:$0x19820] =	vst v63  }
0x70: {  	_ =	swait.ge [sflag:s6], $0x3E80  }
0x71: {  	[sflag:s6] =	ssyncset.done $0x0  }
0x72: {  	s4 =	simm.s32 $0xA00;
	[sflag:s6] =	ssyncadd.s32 $0xFFFFC180  }
0x73: {  	[tilespmem:s23], [sflag:$0x2] =	stream.indirect.gather [hbm4b:s1+s14], $0x20, s4, s14, $0xb8;
	[tilespmem:$0x19820] =	vst v63  }
0x74: {  	s10 =	simm.s32 $0xA80  }
0x75: {  	[tilespmem:s25], [sflag:$0x2] =	stream.indirect.gather [hbm4b:s1+s14], $0x20, s10, s14, $0xb8;
	[tilespmem:$0x19820] =	vst v63  }
0x76: {  	s13 =	simm.s32 $0xB00  }
0x77: {  	[tilespmem:s28], [sflag:$0x2] =	stream.indirect.gather [hbm4b:s1+s14], $0x20, s13, s14, $0xb8;
	[tilespmem:$0x19820] =	vst v63  }
0x78: {  	s4 =	simm.s32 $0xB80  }
0x79: {  	[tilespmem:s30], [sflag:$0x2] =	stream.indirect.gather [hbm4b:s1+s14], $0x20, s4, s14, $0xb8;
	[tilespmem:$0x19820] =	vst v63  }
0x7a: {  	_ =	swait.ge [sflag:s7], $0x3E80  }
0x7b: {  	[sflag:s7] =	ssyncset.done $0x0  }
0x7c: {  	s10 =	simm.s32 $0x2E00;
	[sflag:s7] =	ssyncadd.s32 $0xFFFFC180  }
0x7d: {  	[spmem:s3] =	stream.indirect.scatter.add.f32 [tilespmem:s26], [sflag:$0x8], $0x20, s10, s14, $0xb8;
	[tilespmem:$0x19820] =	vst v63  }
0x7e: {  	s13 =	simm.s32 $0x2E80  }
0x7f: {  	[spmem:s3] =	stream.indirect.scatter.add.f32 [tilespmem:s31], [sflag:$0x8], $0x20, s13, s14, $0xb8;
	[tilespmem:$0x19820] =	vst v63  }
0x80: {  	s4 =	simm.s32 $0x2F00  }
0x81: {  	[spmem:s3] =	stream.indirect.scatter.add.f32 [tilespmem:s16], [sflag:$0x8], $0x20, s4, s14, $0xb8;
	[tilespmem:$0x19820] =	vst v63  }
0x82: {  	s10 =	simm.s32 $0x2F80  }
0x83: {  	[spmem:s3] =	stream.indirect.scatter.add.f32 [tilespmem:s24], [sflag:$0x8], $0x20, s10, s14, $0xb8;
	[tilespmem:$0x19820] =	vst v63  }
0x84: {  	_ =	swait.ge [sflag:s8], $0x3E80  }
0x85: {  	[sflag:s8] =	ssyncset.done $0x0  }
0x86: {  	s13 =	simm.s32 $0xC00;
	[sflag:s8] =	ssyncadd.s32 $0xFFFFC180  }
0x87: {  	[tilespmem:s2], [sflag:$0x3] =	stream.indirect.gather [hbm4b:s1+s14], $0x20, s13, s14, $0xb8;
	[tilespmem:$0x19820] =	vst v63  }
0x88: {  	s4 =	simm.s32 $0xC80  }
0x89: {  	[tilespmem:s11], [sflag:$0x3] =	stream.indirect.gather [hbm4b:s1+s14], $0x20, s4, s14, $0xb8;
	[tilespmem:$0x19820] =	vst v63  }
0x8a: {  	s10 =	simm.s32 $0xD00  }
0x8b: {  	[tilespmem:s18], [sflag:$0x3] =	stream.indirect.gather [hbm4b:s1+s14], $0x20, s10, s14, $0xb8;
	[tilespmem:$0x19820] =	vst v63  }
0x8c: {  	s13 =	simm.s32 $0xD80  }
0x8d: {  	[tilespmem:s22], [sflag:$0x3] =	stream.indirect.gather [hbm4b:s1+s14], $0x20, s13, s14, $0xb8;
	[tilespmem:$0x19820] =	vst v63  }
0x8e: {  	_ =	swait.ge [sflag:s9], $0x3E80  }
0x8f: {  	[sflag:s9] =	ssyncset.done $0x0  }
0x90: {  	s4 =	simm.s32 $0xE00;
	[sflag:s9] =	ssyncadd.s32 $0xFFFFC180  }
0x91: {  	[tilespmem:s26], [sflag:$0x4] =	stream.indirect.gather [hbm4b:s1+s14], $0x20, s4, s14, $0xb8;
	[tilespmem:$0x19820] =	vst v63  }
0x92: {  	s10 =	simm.s32 $0xE80  }
0x93: {  	[tilespmem:s31], [sflag:$0x4] =	stream.indirect.gather [hbm4b:s1+s14], $0x20, s10, s14, $0xb8;
	[tilespmem:$0x19820] =	vst v63  }
0x94: {  	s13 =	simm.s32 $0xF00  }
0x95: {  	[tilespmem:s16], [sflag:$0x4] =	stream.indirect.gather [hbm4b:s1+s14], $0x20, s13, s14, $0xb8;
	[tilespmem:$0x19820] =	vst v63  }
0x96: {  	s12 =	simm.s32 $0x2000;
	s4 =	rddreg [dreg:$0xc];
	s13 =	simm.s32 $0xF80  }
.LBB2_2:
0x97: {  	[tilespmem:s24], [sflag:$0x4] =	stream.indirect.gather [hbm4b:s1+s14], $0x20, s13, s14, $0xb8;
	[tilespmem:$0x19820] =	vst v63  }
0x98: {  	s13 =	smov.u32 s12  }
0x99: {  	p0 =	sne.s32 s12, $0x6000;
	s12 =	sadd.s32 $0x2000, s12;
	_ =	swait.ge [sflag:s29], $0x3E80  }
0x9a: {  	s13 =	sshra.s32 s13, $0x2;
	[sflag:s29] =	ssyncset.done $0x0  }
0x9b: {  	s10 =	sadd.s32 $0x2800, s13;
	[sflag:s29] =	ssyncadd.s32 $0xFFFFC180  }
0x9c: {  	[spmem:s3] =	stream.indirect.scatter.add.f32 [tilespmem:s15], [sflag:$0x5], $0x20, s10, s14, $0xb8;
	[tilespmem:$0x19820] =	vst v63  }
0x9d: {  	s10 =	sadd.s32 $0x2880, s13  }
0x9e: {  	[spmem:s3] =	stream.indirect.scatter.add.f32 [tilespmem:s17], [sflag:$0x5], $0x20, s10, s14, $0xb8;
	[tilespmem:$0x19820] =	vst v63  }
0x9f: {  	s10 =	sadd.s32 $0x2900, s13  }
0xa0: {  	[spmem:s3] =	stream.indirect.scatter.add.f32 [tilespmem:s19], [sflag:$0x5], $0x20, s10, s14, $0xb8;
	[tilespmem:$0x19820] =	vst v63  }
0xa1: {  	s10 =	sadd.s32 $0x2980, s13  }
0xa2: {  	[spmem:s3] =	stream.indirect.scatter.add.f32 [tilespmem:s21], [sflag:$0x5], $0x20, s10, s14, $0xb8;
	[tilespmem:$0x19820] =	vst v63  }
0xa3: {  	_ =	swait.ge [sflag:s0], $0x3E80  }
0xa4: {  	[sflag:s0] =	ssyncset.done $0x0  }
0xa5: {  	s10 =	sadd.s32 $0x2A00, s13;
	[sflag:s0] =	ssyncadd.s32 $0xFFFFC180  }
0xa6: {  	[spmem:s3] =	stream.indirect.scatter.add.f32 [tilespmem:s23], [sflag:$0x6], $0x20, s10, s14, $0xb8;
	[tilespmem:$0x19820] =	vst v63  }
0xa7: {  	s10 =	sadd.s32 $0x2A80, s13  }
0xa8: {  	[spmem:s3] =	stream.indirect.scatter.add.f32 [tilespmem:s25], [sflag:$0x6], $0x20, s10, s14, $0xb8;
	[tilespmem:$0x19820] =	vst v63  }
0xa9: {  	s10 =	sadd.s32 $0x2B00, s13  }
0xaa: {  	[spmem:s3] =	stream.indirect.scatter.add.f32 [tilespmem:s28], [sflag:$0x6], $0x20, s10, s14, $0xb8;
	[tilespmem:$0x19820] =	vst v63  }
0xab: {  	s10 =	sadd.s32 $0x2B80, s13  }
0xac: {  	[spmem:s3] =	stream.indirect.scatter.add.f32 [tilespmem:s30], [sflag:$0x6], $0x20, s10, s14, $0xb8;
	[tilespmem:$0x19820] =	vst v63  }
0xad: {  	_ =	swait.ge [sflag:s20], $0x3E80  }
0xae: {  	[sflag:s20] =	ssyncset.done $0x0  }
0xaf: {  	s10 =	sadd.s32 $0x800, s13;
	[sflag:s20] =	ssyncadd.s32 $0xFFFFC180  }
0xb0: {  	[tilespmem:s15], [sflag:$0x1] =	stream.indirect.gather [hbm4b:s1+s14], $0x20, s10, s14, $0xb8;
	[tilespmem:$0x19820] =	vst v63  }
0xb1: {  	s10 =	sadd.s32 $0x880, s13  }
0xb2: {  	[tilespmem:s17], [sflag:$0x1] =	stream.indirect.gather [hbm4b:s1+s14], $0x20, s10, s14, $0xb8;
	[tilespmem:$0x19820] =	vst v63  }
0xb3: {  	s10 =	sadd.s32 $0x900, s13  }
0xb4: {  	[tilespmem:s19], [sflag:$0x1] =	stream.indirect.gather [hbm4b:s1+s14], $0x20, s10, s14, $0xb8;
	[tilespmem:$0x19820] =	vst v63  }
0xb5: {  	s10 =	sadd.s32 $0x980, s13  }
0xb6: {  	[tilespmem:s21], [sflag:$0x1] =	stream.indirect.gather [hbm4b:s1+s14], $0x20, s10, s14, $0xb8;
	[tilespmem:$0x19820] =	vst v63  }
0xb7: {  	_ =	swait.ge [sflag:s5], $0x3E80  }
0xb8: {  	[sflag:s5] =	ssyncset.done $0x0  }
0xb9: {  	s10 =	sadd.s32 $0x2C00, s13;
	[sflag:s5] =	ssyncadd.s32 $0xFFFFC180  }
0xba: {  	[spmem:s3] =	stream.indirect.scatter.add.f32 [tilespmem:s2], [sflag:$0x7], $0x20, s10, s14, $0xb8;
	[tilespmem:$0x19820] =	vst v63  }
0xbb: {  	s10 =	sadd.s32 $0x2C80, s13  }
0xbc: {  	[spmem:s3] =	stream.indirect.scatter.add.f32 [tilespmem:s11], [sflag:$0x7], $0x20, s10, s14, $0xb8;
	[tilespmem:$0x19820] =	vst v63  }
0xbd: {  	s10 =	sadd.s32 $0x2D00, s13  }
0xbe: {  	[spmem:s3] =	stream.indirect.scatter.add.f32 [tilespmem:s18], [sflag:$0x7], $0x20, s10, s14, $0xb8;
	[tilespmem:$0x19820] =	vst v63  }
0xbf: {  	s10 =	sadd.s32 $0x2D80, s13  }
0xc0: {  	[spmem:s3] =	stream.indirect.scatter.add.f32 [tilespmem:s22], [sflag:$0x7], $0x20, s10, s14, $0xb8;
	[tilespmem:$0x19820] =	vst v63  }
0xc1: {  	_ =	swait.ge [sflag:s6], $0x3E80  }
0xc2: {  	[sflag:s6] =	ssyncset.done $0x0  }
0xc3: {  	s10 =	sadd.s32 $0xA00, s13;
	[sflag:s6] =	ssyncadd.s32 $0xFFFFC180  }
0xc4: {  	[tilespmem:s23], [sflag:$0x2] =	stream.indirect.gather [hbm4b:s1+s14], $0x20, s10, s14, $0xb8;
	[tilespmem:$0x19820] =	vst v63  }
0xc5: {  	s10 =	sadd.s32 $0xA80, s13  }
0xc6: {  	[tilespmem:s25], [sflag:$0x2] =	stream.indirect.gather [hbm4b:s1+s14], $0x20, s10, s14, $0xb8;
	[tilespmem:$0x19820] =	vst v63  }
0xc7: {  	s10 =	sadd.s32 $0xB00, s13  }
0xc8: {  	[tilespmem:s28], [sflag:$0x2] =	stream.indirect.gather [hbm4b:s1+s14], $0x20, s10, s14, $0xb8;
	[tilespmem:$0x19820] =	vst v63  }
0xc9: {  	s10 =	sadd.s32 $0xB80, s13  }
0xca: {  	[tilespmem:s30], [sflag:$0x2] =	stream.indirect.gather [hbm4b:s1+s14], $0x20, s10, s14, $0xb8;
	[tilespmem:$0x19820] =	vst v63  }
0xcb: {  	_ =	swait.ge [sflag:s7], $0x3E80  }
0xcc: {  	[sflag:s7] =	ssyncset.done $0x0  }
0xcd: {  	s10 =	sadd.s32 $0x2E00, s13;
	[sflag:s7] =	ssyncadd.s32 $0xFFFFC180  }
0xce: {  	[spmem:s3] =	stream.indirect.scatter.add.f32 [tilespmem:s26], [sflag:$0x8], $0x20, s10, s14, $0xb8;
	[tilespmem:$0x19820] =	vst v63  }
0xcf: {  	s10 =	sadd.s32 $0x2E80, s13  }
0xd0: {  	[spmem:s3] =	stream.indirect.scatter.add.f32 [tilespmem:s31], [sflag:$0x8], $0x20, s10, s14, $0xb8;
	[tilespmem:$0x19820] =	vst v63  }
0xd1: {  	s10 =	sadd.s32 $0x2F00, s13  }
0xd2: {  	[spmem:s3] =	stream.indirect.scatter.add.f32 [tilespmem:s16], [sflag:$0x8], $0x20, s10, s14, $0xb8;
	[tilespmem:$0x19820] =	vst v63  }
0xd3: {  	s10 =	sadd.s32 $0x2F80, s13  }
0xd4: {  	[spmem:s3] =	stream.indirect.scatter.add.f32 [tilespmem:s24], [sflag:$0x8], $0x20, s10, s14, $0xb8;
	[tilespmem:$0x19820] =	vst v63  }
0xd5: {  	_ =	swait.ge [sflag:s8], $0x3E80  }
0xd6: {  	[sflag:s8] =	ssyncset.done $0x0  }
0xd7: {  	s10 =	sadd.s32 $0xC00, s13;
	[sflag:s8] =	ssyncadd.s32 $0xFFFFC180  }
0xd8: {  	[tilespmem:s2], [sflag:$0x3] =	stream.indirect.gather [hbm4b:s1+s14], $0x20, s10, s14, $0xb8;
	[tilespmem:$0x19820] =	vst v63  }
0xd9: {  	s10 =	sadd.s32 $0xC80, s13  }
0xda: {  	[tilespmem:s11], [sflag:$0x3] =	stream.indirect.gather [hbm4b:s1+s14], $0x20, s10, s14, $0xb8;
	[tilespmem:$0x19820] =	vst v63  }
0xdb: {  	s10 =	sadd.s32 $0xD00, s13  }
0xdc: {  	[tilespmem:s18], [sflag:$0x3] =	stream.indirect.gather [hbm4b:s1+s14], $0x20, s10, s14, $0xb8;
	[tilespmem:$0x19820] =	vst v63  }
0xdd: {  	s10 =	sadd.s32 $0xD80, s13  }
0xde: {  	[tilespmem:s22], [sflag:$0x3] =	stream.indirect.gather [hbm4b:s1+s14], $0x20, s10, s14, $0xb8;
	[tilespmem:$0x19820] =	vst v63  }
0xdf: {  	_ =	swait.ge [sflag:s9], $0x3E80  }
0xe0: {  	[sflag:s9] =	ssyncset.done $0x0  }
0xe1: {  	s10 =	sadd.s32 $0xE00, s13;
	[sflag:s9] =	ssyncadd.s32 $0xFFFFC180  }
0xe2: {  	[tilespmem:s26], [sflag:$0x4] =	stream.indirect.gather [hbm4b:s1+s14], $0x20, s10, s14, $0xb8;
	[tilespmem:$0x19820] =	vst v63  }
.Ltmp0:
0xe3: {  	s10 =	sadd.s32 $0xE80, s13;
	(pc) =	sbr.rel @p0 .LBB2_2-.Ltmp0, $4  }
0xe4: {  	[tilespmem:s31], [sflag:$0x4] =	stream.indirect.gather [hbm4b:s1+s14], $0x20, s10, s14, $0xb8;
	[tilespmem:$0x19820] =	vst v63  }
0xe5: {  	s10 =	sadd.s32 $0xF00, s13  }
0xe6: {  	[tilespmem:s16], [sflag:$0x4] =	stream.indirect.gather [hbm4b:s1+s14], $0x20, s10, s14, $0xb8;
	[tilespmem:$0x19820] =	vst v63  }
0xe7: {  	s13 =	sadd.s32 $0xF80, s13  }
0xe8: {  	[tilespmem:s24], [sflag:$0x4] =	stream.indirect.gather [hbm4b:s1+s14], $0x20, s13, s14, $0xb8;
	[tilespmem:$0x19820] =	vst v63  }
0xe9: {  	_ =	swait.ge [sflag:s29], $0x3E80  }
0xea: {  	[sflag:s29] =	ssyncset.done $0x0  }
0xeb: {  	s10 =	simm.s32 $0x4800;
	[sflag:s29] =	ssyncadd.s32 $0xFFFFC180  }
0xec: {  	[spmem:s3] =	stream.indirect.scatter.add.f32 [tilespmem:s15], [sflag:$0x5], $0x20, s10, s14, $0xb8;
	[tilespmem:$0x19820] =	vst v63  }
0xed: {  	s12 =	simm.s32 $0x4880  }
0xee: {  	[spmem:s3] =	stream.indirect.scatter.add.f32 [tilespmem:s17], [sflag:$0x5], $0x20, s12, s14, $0xb8;
	[tilespmem:$0x19820] =	vst v63  }
0xef: {  	s13 =	simm.s32 $0x4900  }
0xf0: {  	[spmem:s3] =	stream.indirect.scatter.add.f32 [tilespmem:s19], [sflag:$0x5], $0x20, s13, s14, $0xb8;
	[tilespmem:$0x19820] =	vst v63  }
0xf1: {  	s12 =	simm.s32 $0x4980  }
0xf2: {  	[spmem:s3] =	stream.indirect.scatter.add.f32 [tilespmem:s21], [sflag:$0x5], $0x20, s12, s14, $0xb8;
	[tilespmem:$0x19820] =	vst v63  }
0xf3: {  	_ =	swait.ge [sflag:s0], $0x3E80  }
0xf4: {  	[sflag:s0] =	ssyncset.done $0x0  }
0xf5: {  	s13 =	simm.s32 $0x4A00;
	[sflag:s0] =	ssyncadd.s32 $0xFFFFC180  }
0xf6: {  	[spmem:s3] =	stream.indirect.scatter.add.f32 [tilespmem:s23], [sflag:$0x6], $0x20, s13, s14, $0xb8;
	[tilespmem:$0x19820] =	vst v63  }
0xf7: {  	s12 =	simm.s32 $0x4A80  }
0xf8: {  	[spmem:s3] =	stream.indirect.scatter.add.f32 [tilespmem:s25], [sflag:$0x6], $0x20, s12, s14, $0xb8;
	[tilespmem:$0x19820] =	vst v63  }
0xf9: {  	s13 =	simm.s32 $0x4B00  }
0xfa: {  	[spmem:s3] =	stream.indirect.scatter.add.f32 [tilespmem:s28], [sflag:$0x6], $0x20, s13, s14, $0xb8;
	[tilespmem:$0x19820] =	vst v63  }
0xfb: {  	s12 =	simm.s32 $0x4B80  }
0xfc: {  	[spmem:s3] =	stream.indirect.scatter.add.f32 [tilespmem:s30], [sflag:$0x6], $0x20, s12, s14, $0xb8;
	[tilespmem:$0x19820] =	vst v63  }
0xfd: {  	_ =	swait.ge [sflag:s20], $0x3E80  }
0xfe: {  	[sflag:s20] =	ssyncset.done $0x0  }
0xff: {  	[sflag:s20] =	ssyncadd.s32 $0xFFFFC180  }
0x100: {  	_ =	swait.ge [sflag:s5], $0x3E80  }
0x101: {  	[sflag:s5] =	ssyncset.done $0x0  }
0x102: {  	s13 =	simm.s32 $0x4C00;
	[sflag:s5] =	ssyncadd.s32 $0xFFFFC180  }
0x103: {  	[spmem:s3] =	stream.indirect.scatter.add.f32 [tilespmem:s2], [sflag:$0x7], $0x20, s13, s14, $0xb8;
	[tilespmem:$0x19820] =	vst v63  }
0x104: {  	s12 =	simm.s32 $0x4C80  }
0x105: {  	[spmem:s3] =	stream.indirect.scatter.add.f32 [tilespmem:s11], [sflag:$0x7], $0x20, s12, s14, $0xb8;
	[tilespmem:$0x19820] =	vst v63  }
0x106: {  	s13 =	simm.s32 $0x4D00  }
0x107: {  	[spmem:s3] =	stream.indirect.scatter.add.f32 [tilespmem:s18], [sflag:$0x7], $0x20, s13, s14, $0xb8;
	[tilespmem:$0x19820] =	vst v63  }
0x108: {  	s12 =	simm.s32 $0x4D80  }
0x109: {  	[spmem:s3] =	stream.indirect.scatter.add.f32 [tilespmem:s22], [sflag:$0x7], $0x20, s12, s14, $0xb8;
	[tilespmem:$0x19820] =	vst v63  }
0x10a: {  	_ =	swait.ge [sflag:s6], $0x3E80  }
0x10b: {  	[sflag:s6] =	ssyncset.done $0x0  }
0x10c: {  	[sflag:s6] =	ssyncadd.s32 $0xFFFFC180  }
0x10d: {  	_ =	swait.ge [sflag:s7], $0x3E80  }
0x10e: {  	[sflag:s7] =	ssyncset.done $0x0  }
0x10f: {  	s13 =	simm.s32 $0x4E00;
	[sflag:s7] =	ssyncadd.s32 $0xFFFFC180  }
0x110: {  	[spmem:s3] =	stream.indirect.scatter.add.f32 [tilespmem:s26], [sflag:$0x8], $0x20, s13, s14, $0xb8;
	[tilespmem:$0x19820] =	vst v63  }
0x111: {  	s12 =	simm.s32 $0x4E80  }
0x112: {  	[spmem:s3] =	stream.indirect.scatter.add.f32 [tilespmem:s31], [sflag:$0x8], $0x20, s12, s14, $0xb8;
	[tilespmem:$0x19820] =	vst v63  }
0x113: {  	s13 =	simm.s32 $0x4F00  }
0x114: {  	[spmem:s3] =	stream.indirect.scatter.add.f32 [tilespmem:s16], [sflag:$0x8], $0x20, s13, s14, $0xb8;
	[tilespmem:$0x19820] =	vst v63  }
0x115: {  	s12 =	simm.s32 $0x4F80  }
0x116: {  	[spmem:s3] =	stream.indirect.scatter.add.f32 [tilespmem:s24], [sflag:$0x8], $0x20, s12, s14, $0xb8;
	[tilespmem:$0x19820] =	vst v63  }
0x117: {  	_ =	swait.ge [sflag:s8], $0x3E80  }
0x118: {  	[sflag:s8] =	ssyncset.done $0x0  }
0x119: {  	[sflag:s8] =	ssyncadd.s32 $0xFFFFC180  }
0x11a: {  	_ =	swait.ge [sflag:s9], $0x3E80  }
0x11b: {  	[sflag:s9] =	ssyncset.done $0x0  }
0x11c: {  	[sflag:s9] =	ssyncadd.s32 $0xFFFFC180  }
0x11d: {  	[bflag:$0x0] =	sbarrier.arrive $0xFFFF  }
0x11e: {  	s13 =	rddreg [dreg:$0x8]  }
0x11f: {  	s12 =	rddreg [dreg:$0xa]  }
0x120: {  	[hbm:s13], [sflag:s4] =	dma.local [spmem:s12], $0x9C4  }
0x121: {  	s13 =	simm.s32 $0x9  }
0x122: {  	_ =	swait.ge [sflag:s13], $0x9C4  }
0x123: {  	s10 =	rddreg [dreg:$0xb]  }
0x124: {  	s12 =	rddreg [dreg:$0x9];
	s4 =	sadd.s32 $0x1, s10  }
0x125: {  	p0 =	sne.s32 s4, s12  }
.Ltmp1:
0x126: {  	_ = 	snop;
	(pc) =	sbr.rel @p0 .LBB2_1-.Ltmp1, $3  }
0x127: {  	_ =	sdelay $0x1  }
0x128: {  	[sflag:s13] =	ssyncset.done $0x0  }
0x129: {  	[sflag:s13] =	ssyncadd.s32 $0xFFFFF63C;
	[dreg:$0xb] =	wrdreg s4  }
0x12a: {  	_ =	sfence.sel $0x180000  }
0x12b: {  	[bflag:$0x0] =	sbarrier.arrive $0xFFFF  }
0x12c: {  	_ =	strace $0x9000004D  }
0x12d: {  	s0 =	stileid.u32;
	[bflag:$0x2] =	sbarrier.arrive $0xFFFF  }
0x12e: {  	p0 =	sne.s32 s0, $0x0;
	s0 =	rddreg [dreg:$0x4]  }
0x12f: {  	s0 =	sadd.s32 @!p0 $0x100000, s0  }
0x130: {  	[sflag:s0] =	ssyncadd.tile.s32 @!p0 $0x1;
	_ =	shalt  }
.Lfunc_end2:
_tile_overlayer_lowered:
.L_overlay_start_2:
0x131: {  	(tag) =	ssettag $0x2  }
0x132: {  	s0 =	rddreg [dreg:$0x0];
	s2 =	stileid.u32  }
0x133: {  	s1 =	rddreg [dreg:$0x1];
	p0 =	sne.s32 s2, $0x0  }
0x134: {  	s3 =	rddreg [dreg:$0x2];
	[bflag:$0x3] =	sbarrier.arrive $0xFFFF;
	s2 =	simm.s32 @!p0 $0x1C09  }
0x135: {  	[timem:s3], [sflag:s2] =	dma.local @!p0 [hbm:s0], s1  }
0x136: {  	s0 =	simm.s32 @!p0 $0x9  }
0x137: {  	_ =	swait.ge @!p0 [sflag:s0], s1  }
0x138: {  	s1 =	ssub.s32 @!p0 $0x0, s1;
	[sflag:s0] =	ssyncset.done @!p0 $0x0  }
0x139: {  	[sflag:s0] =	ssyncadd.s32 @!p0 s1  }
0x13a: {  	[bflag:$0x3] =	sbarrier.arrive $0xFFFF  }
0x13b: {  	_ =	shalt  }

// kernel: kernel.19.cloned.1.call-start
scs
__scs_entry_jumppad:
0x0: {  	(pc) =	sbr.rel $0x88, $3  }
0x1: {  	(tag) =	ssettag $0x0;
	lr =	simm.s32 $0x1  }
0x2: {  	[smem:$0x3F91] =	sst lr;
	_ =	strace $0xD0000000  }
0x3: {  	_ = 	snop  }
0x4: {  	_ = 	snop  }
0x5: {  	_ = 	snop  }
0x6: {  	_ = 	snop  }
0x7: {  	_ = 	snop  }
__scs_overlays_trampoline_lowered:
0x8: {  	[smem:$0x3FA0] =	sst s0  }
0x9: {  	[smem:$0x3FA1] =	sst s1  }
0xa: {  	[smem:$0x3FA2] =	sst s2  }
0xb: {  	[smem:$0x3FA3] =	sst s3  }
0xc: {  	[smem:$0x3FA4] =	sst s4  }
0xd: {  	[smem:$0x3FA5] =	sst s5  }
0xe: {  	[smem:$0x3FA6] =	sst s6  }
0xf: {  	[smem:$0x3FA7] =	sst s7  }
0x10: {  	[smem:$0x3FA8] =	sst s8  }
0x11: {  	[smem:$0x3FA9] =	sst s9;
	s0 =	simm.s32 @!p0 $0x0  }
0x12: {  	s1 =	sld [smem:$0x3F8F];
	s0 =	simm.s32 @p0 $0x1  }
0x13: {  	[smem:$0x3FAA] =	sst s0;
	s0 =	simm.s32 @!p1 $0x0  }
0x14: {  	s2 =	sld [smem:$0x3F8E];
	s0 =	simm.s32 @p1 $0x1  }
0x15: {  	[smem:$0x3FAB] =	sst s0;
	s0 =	simm.s32 @!p2 $0x0  }
0x16: {  	s3 =	sld [smem:$0x3FDB];
	s0 =	simm.s32 @p2 $0x1  }
0x17: {  	s4 =	simm.s32 $0x1BF5;
	[smem:$0x3FAD] =	sst s0  }
0x18: {  	s0 =	sld [smem:$0x3F90];
	_ =	swait.ge [sflag:s4], $0x0  }
0x19: {  	s7 =	sld [smem:$0x3F91]  }
0x1a: {  	s8 =	sadd.s32 $0xFFFFE003, lr  }
0x1b: {  	s9 =	sadd.s32 $0xFFFFFEF7, lr;
	s5 =	simm.s32 $0xFFFFFFFF;
	p2 =	slt.u32 s8, $0xFFFFF086  }
0x1c: {  	p1 =	slt.u32 s9, $0xF7A;
	s5 =	simm.s32 @!p2 $0x0  }
0x1d: {  	s5 =	simm.s32 @p1 $0x1;
	p0 =	seq.s32 s7, s2  }
0x1e: {  	s7 =	smul.u32 @!p0 $0xF7A, s2;
	p2 =	seq.s32 @!p0 s5, $0x0  }
0x1f: {  	s9 =	smul.u32 $0xF7A, s1;
	s8 =	simm.s32 @!p0 $0x1BF5;
	p2 =	por !p2, p0  }
0x20: {  	[sflag:s8] =	ssyncset.s32 @!p0 $0xFFFFF086;
	s6 =	sadd.s32 @!p0 s3, s7;
	s7 =	simm.s32 @!p0 $0x108  }
0x21: {  	s3 =	sadd.s32 s3, s9;
	s6 =	sadd.s32 @!p0 $0x88, s6;
	s7 =	simm.s32 @p2 $0x1082  }
0x22: {  	[simem:s7], [sflag:s8] =	dma.local @!p0 [hbm:s6], $0xF7A  }
0x23: {  	s9 =	sor.u32 $0xD0000000, s2;
	s6 =	simm.s32 $0x108;
	_ =	swait.ge @!p0 [sflag:s8], $0x0  }
0x24: {  	s3 =	sadd.s32 $0x88, s3;
	s6 =	simm.s32 @!p1 $0x1082;
	[sflag:s4] =	ssyncset.s32 $0xFFFFF086  }
0x25: {  	[simem:s6], [sflag:s4] =	dma.local [hbm:s3], $0xF7A  }
0x26: {  	[smem:$0x3F91] =	sst s1;
	(tag) =	ssettag s2;
	_ =	strace s9  }
0x27: {  	s1 =	sld [smem:$0x3FA1]  }
0x28: {  	s2 =	sld [smem:$0x3FA2]  }
0x29: {  	s4 =	sld [smem:$0x3FA4]  }
0x2a: {  	p0 =	seq.s32 s5, $0x0;
	s5 =	sld [smem:$0x3FA5]  }
0x2b: {  	s6 =	sld [smem:$0x3FA6]  }
0x2c: {  	s7 =	sld [smem:$0x3FA7]  }
0x2d: {  	s3 =	simm.s32 $0x108;
	s8 =	sld [smem:$0x3FA8]  }
0x2e: {  	s3 =	simm.s32 @!p0 $0x1082;
	s9 =	sld [smem:$0x3FA9]  }
0x2f: {  	lr =	sadd.s32 s0, s3;
	s0 =	sld [smem:$0x3FA0]  }
0x30: {  	s3 =	sld [smem:$0x3FA3]  }
0x31: {  	[smem:$0x3FAC] =	sst s10  }
0x32: {  	s10 =	sld [smem:$0x3FAA];
	_ =	sdelay $0x3  }
0x33: {  	p0 =	seq.s32 s10, $0x1;
	s10 =	sld [smem:$0x3FAC];
	_ =	sdelay $0x3  }
0x34: {  	[smem:$0x3FAC] =	sst s10  }
0x35: {  	s10 =	sld [smem:$0x3FAB];
	_ =	sdelay $0x3  }
0x36: {  	p1 =	seq.s32 s10, $0x1;
	s10 =	sld [smem:$0x3FAC];
	_ =	sdelay $0x3  }
0x37: {  	[smem:$0x3FAC] =	sst s10  }
0x38: {  	s10 =	sld [smem:$0x3FAD]  }
0x39: {  	_ = 	snop;
	(pc) =	sbr.ind lr, $3  }
0x3a: {  	_ = 	snop  }
0x3b: {  	_ = 	snop  }
0x3c: {  	p2 =	seq.s32 s10, $0x1;
	s10 =	sld [smem:$0x3FAC]  }
0x3d: {  	_ =	shalt  }
0x3e: {  	_ =	shalt  }
0x3f: {  	_ =	shalt  }
0x40: {  	_ =	shalt  }
0x41: {  	_ =	shalt  }
0x42: {  	_ =	shalt  }
0x43: {  	_ =	shalt  }
0x44: {  	_ =	shalt  }
0x45: {  	_ =	shalt  }
0x46: {  	_ =	shalt  }
0x47: {  	_ =	shalt  }
0x48: {  	_ =	shalt  }
0x49: {  	_ =	shalt  }
0x4a: {  	_ =	shalt  }
0x4b: {  	_ =	shalt  }
0x4c: {  	_ =	shalt  }
0x4d: {  	_ =	shalt  }
0x4e: {  	_ =	shalt  }
0x4f: {  	_ =	shalt  }
0x50: {  	_ =	shalt  }
0x51: {  	_ =	shalt  }
0x52: {  	_ =	shalt  }
0x53: {  	_ =	shalt  }
0x54: {  	_ =	shalt  }
0x55: {  	_ =	shalt  }
0x56: {  	_ =	shalt  }
0x57: {  	_ =	shalt  }
0x58: {  	_ =	shalt  }
0x59: {  	_ =	shalt  }
0x5a: {  	_ =	shalt  }
0x5b: {  	_ =	shalt  }
0x5c: {  	_ =	shalt  }
0x5d: {  	_ =	shalt  }
0x5e: {  	_ =	shalt  }
0x5f: {  	_ =	shalt  }
0x60: {  	_ =	shalt  }
0x61: {  	_ =	shalt  }
0x62: {  	_ =	shalt  }
0x63: {  	_ =	shalt  }
0x64: {  	_ =	shalt  }
0x65: {  	_ =	shalt  }
0x66: {  	_ =	shalt  }
0x67: {  	_ =	shalt  }
0x68: {  	_ =	shalt  }
0x69: {  	_ =	shalt  }
0x6a: {  	_ =	shalt  }
0x6b: {  	_ =	shalt  }
0x6c: {  	_ =	shalt  }
0x6d: {  	_ =	shalt  }
0x6e: {  	_ =	shalt  }
0x6f: {  	_ =	shalt  }
0x70: {  	_ =	shalt  }
0x71: {  	_ =	shalt  }
0x72: {  	_ =	shalt  }
0x73: {  	_ =	shalt  }
0x74: {  	_ =	shalt  }
0x75: {  	_ =	shalt  }
0x76: {  	_ =	shalt  }
0x77: {  	_ =	shalt  }
0x78: {  	_ =	shalt  }
0x79: {  	_ =	shalt  }
0x7a: {  	_ =	shalt  }
0x7b: {  	_ =	shalt  }
0x7c: {  	_ =	shalt  }
0x7d: {  	_ =	shalt  }
0x7e: {  	_ =	shalt  }
0x7f: {  	_ =	shalt  }
0x80: {  	_ =	shalt  }
0x81: {  	_ =	shalt  }
0x82: {  	_ =	shalt  }
0x83: {  	_ =	shalt  }
0x84: {  	_ =	shalt  }
0x85: {  	_ =	shalt  }
0x86: {  	_ =	shalt  }
0x87: {  	_ =	shalt  }
.Lfunc_end0:
.L_simem_size_0:
called_computation.3_lowered:
.L_overlay_start_0:
0x88: {  	s2 =	sld [smem:$0x3FD9]  }
0x89: {  	s3 =	sld [smem:$0x3FFE];
	_ =	sdelay $0x1  }
0x8a: {  	s1 =	srdreg.scid  }
0x8b: {  	s0 =	sand.u32 $0x1, s1  }
0x8c: {  	s14 =	sshll.u32 s0, $0xA;
	s2 =	sadd.s32 s3, s2  }
0x8d: {  	s2 =	sadd.s32 s2, s14  }
0x8e: {  	[smem:$0x3FB8] =	sst s2  }
0x8f: {  	_ = 	snop  }
0x90: {  	s2 =	sld [smem:$0x3FD0];
	_ =	sdelay $0x2  }
0x91: {  	s15 =	simm.s32 $0xA;
	s4 =	simm.s32 $0x10  }
0x92: {  	[smem:s4], [sflag:s15] =	dma.local [hbm:s2], $0x1  }
0x93: {  	_ =	swait.eq [sflag:s15], $0x1  }
0x94: {  	[sflag:s15] =	ssyncset.done $0x0  }
0x95: {  	s16 =	sld [smem:$0x10];
	[sflag:s15] =	ssyncadd.s32 $0xFFFFFFFF  }
0x96: {  	s17 =	sld [smem:$0x11];
	(tm) =	ssettm $0x1  }
0x97: {  	s18 =	sld [smem:$0x3FFB];
	_ =	sdelay $0x3  }
0x98: {  	_ =	strace s18  }
0x99: {  	s4 =	sld [smem:$0x3FFC];
	_ =	sdelay $0x3  }
0x9a: {  	_ =	strace s4  }
0x9b: {  	s4 =	sld [smem:$0x3FFD];
	_ =	sdelay $0x3  }
0x9c: {  	_ =	strace s4  }
0x9d: {  	_ =	strace $0x8FFFFFFF  }
0x9e: {  	s19 =	sld [smem:$0x3FDB];
	_ =	sdelay $0x1  }
0x9f: {  	s5 =	simm.s32 $_scs_section_size  }
0xa0: {  	s6 =	simm.s32 $_size__tile_overlayer_lowered;
	s7 =	simm.s32 $_tile_overlayer_lowered  }
0xa1: {  	s22 =	simm.s32 $0x1BFF;
	s21 =	sshll.u32 s7, $0x1;
	s4 =	sadd.s32 s5, s19  }
0xa2: {  	s8 =	simm.s32 $0x0;
	s20 =	sshll.u32 s6, $0x1;
	s6 =	sadd.s32 s21, s4  }
0xa3: {  	[timem:s8], [sflag:s22] =	dma.local [hbm:s6], s20  }
0xa4: {  	_ =	swait.ge [sflag:s22], s20  }
0xa5: {  	s5 =	ssub.s32 $0x0, s20;
	[sflag:s22] =	ssyncset.done $0x0  }
0xa6: {  	[sflag:s22] =	ssyncadd.s32 s5;
	_ =	sdelay $0x1  }
0xa7: {  	s23 =	simm.s32 $0x1B8B  }
0xa8: {  	_ =	swait.ge [sflag:s23], $0x1  }
0xa9: {  	[sflag:s23] =	ssyncset.done $0x0  }
0xaa: {  	s25 =	simm.s32 $0x1B8E;
	s24 =	sld [smem:$0x3FFE];
	[sflag:s23] =	ssyncadd.s32 $0xFFFFFFFF  }
0xab: {  	s26 =	simm.s32 $execute0_lowered;
	[smem:$0x3FD2] =	sst s25  }
0xac: {  	s6 =	sshll.u32 s26, $0x1;
	_ =	strace $0x8000004F;
	[dreg:$0x1] =	wrdreg $0xFFFFFFFF  }
0xad: {  	s28 =	simm.s32 $_size_execute0_lowered;
	s4 =	sadd.s32 s4, s6;
	[dreg:$0x0] =	wrdreg $0x0  }
0xae: {  	s6 =	sshll.u32 s28, $0x1;
	[dreg:$0x2] =	wrdreg s4  }
0xaf: {  	[dreg:$0x3] =	wrdreg s6  }
0xb0: {  	[dreg:$0x4] =	wrdreg $0xC0  }
0xb1: {  	_ =	task [dreg:s8], $0x5FFFF  }
0xb2: {  	[dreg:$0x1] =	wrdreg $0xFFFFFFFF  }
0xb3: {  	[dreg:$0x0] =	wrdreg $0x60  }
0xb4: {  	[dreg:$0x2] =	wrdreg s16  }
0xb5: {  	[dreg:$0x3] =	wrdreg s24  }
0xb6: {  	[dreg:$0x4] =	wrdreg s17  }
0xb7: {  	[dreg:$0x5] =	wrdreg $0x14A000  }
0xb8: {  	[dreg:$0x6] =	wrdreg $0x9  }
0xb9: {  	_ =	task.clear_ibuf [dreg:s8], $0x7FFFF;
	_ =	strace $0x9000004F  }
0xba: {  	s29 =	simm.s32 $0x9;
	_ =	strace $0x80000051  }
0xbb: {  	_ =	swait.ge [sflag:s29], $0x1  }
0xbc: {  	[sflag:s29] =	ssyncadd.s32 $0xFFFFFFFF  }
0xbd: {  	_ =	strace $0x90000051  }
0xbe: {  	_ =	sfence  }
0xbf: {  	s30 =	sld [smem:$0x0];
	_ =	sdelay $0x2  }
0xc0: {  	s31 =	sshll.u32 s1, $0xD;
	s1 =	sshrl.u32 s1, $0x2  }
0xc1: {  	s3 =	sand.u32 $0x4000, s31;
	s1 =	sadd.s32 s1, s30  }
0xc2: {  	s0 =	sor.u32 s3, s0;
	s1 =	sshll.u32 s1, $0x11  }
0xc3: {  	s0 =	sor.u32 s1, s0  }
0xc4: {  	s0 =	sadd.s32 $0x8F2B, s0  }
0xc5: {  	[sflag:s0] =	ssyncadd.remote.s32 $0x1  }
0xc6: {  	_ =	sfence.sel $0xFFFF  }
0xc7: {  	[dreg:$0x0] =	wrdreg $0xFFFFFFFF;
	(pc) =	sbr.abs _section_cstart, $3  }
0xc8: {  	[dreg:$0x1] =	wrdreg $0xFFFFFFFF  }
0xc9: {  	_ =	task.clear_ibuf [dreg:s8], $0x2FFFF;
	_ =	strace $0x9FFFFFFF  }
0xca: {  	(tm) =	ssettm $0x7FFFFFFF  }
0xcb: {  	_ =	shalt  }
tec
execute0_lowered:
.L_overlay_start_1:
0x0: {  	(tag) =	ssettag $0x1  }
0x1: {  	s1 =	rddreg [dreg:$0x0]  }
0x2: {  	s2 =	rddreg [dreg:$0x1]  }
0x3: {  	s0 =	srdreg.scid;
	s5 =	rddreg [dreg:$0x2]  }
0x4: {  	s10 =	stileid.u32;
	s3 =	rddreg [dreg:$0x3];
	s7 =	simm.s32 $0x0  }
0x5: {  	s13 =	simm.s32 $0x9;
	s14 =	simm.s32 $0x7D;
	s15 =	simm.s32 $0x5000  }
0x6: {  	s17 =	simm.s32 $0x5FA0;
	s19 =	simm.s32 $0x6F40;
	s28 =	simm.s32 $0xADC0  }
0x7: {  	s30 =	simm.s32 $0xBD60;
	s11 =	simm.s32 $0xDCA0;
	s18 =	simm.s32 $0xEC40  }
0x8: {  	s31 =	simm.s32 $0x11B20;
	s16 =	simm.s32 $0x12AC0;
	s6 =	smul.u32 $0x2800, s10  }
0x9: {  	s29 =	simm.s32 $0x1;
	s0 =	sand.u32 $0x1, s0;
	s20 =	smul.u32 $0x4E20, s10  }
0xa: {  	[smem:$0x7FF] =	sst s7;
	s9 =	smul.u32 $0x13880, s10;
	s26 =	sshll.u32 s10, $0x6  }
0xb: {  	s4 =	smul.u32 $0x28000, s0;
	_ =	strace $0x80000050;
	s8 =	ssub.s32 $0x2, s0  }
0xc: {  	s0 =	smul.u32 $0x4E200, s0;
	s12 =	sor.u32 $0x1C09, s26;
	s26 =	simm.s32 $0x10B80  }
0xd: {  	s21 =	sshrl.u32 s20, $0x3;
	s22 =	sshrl.u32 s8, $0x1;
	s24 =	sshrl.u32 s9, $0x2  }
0xe: {  	s9 =	simm.s32 $0x8;
	[dreg:$0xc] =	wrdreg s12;
	s4 =	sadd.s32 s6, s4  }
0xf: {  	s7 =	ssub.s32 s8, s22;
	s0 =	sadd.s32 s20, s0;
	s22 =	simm.s32 $0xFBE0  }
0x10: {  	s20 =	simm.s32 $0x5;
	s6 =	simm.s32 $0x6;
	s8 =	simm.s32 $0x7  }
0x11: {  	s4 =	sshrl.u32 s4, $0x3;
	s0 =	sshrl.u32 s0, $0x3;
	s25 =	smax.u32 s7, $0x1  }
0x12: {  	s7 =	simm.s32 $0x4;
	s4 =	sadd.s32 s4, s2;
	s2 =	sadd.s32 s21, s2  }
0x13: {  	s0 =	sadd.s32 s5, s0;
	[dreg:$0x9] =	wrdreg s25;
	s21 =	simm.s32 $0x7EE0  }
0x14: {  	s25 =	simm.s32 $0x9E20;
	s23 =	sadd.s32 $0xD200, s4;
	[dreg:$0x8] =	wrdreg s0  }
0x15: {  	s5 =	simm.s32 $0x3;
	s4 =	sadd.s32 $0x3000, s4;
	[dreg:$0x5] =	wrdreg s23  }
0x16: {  	s2 =	sadd.s32 $0x17200, s2;
	[dreg:$0x6] =	wrdreg s4;
	s4 =	sadd.s32 s24, s3  }
0x17: {  	[dreg:$0x7] =	wrdreg s2;
	s10 =	sshrl.u32 s4, $0x3;
	s4 =	simm.s32 $0x0  }
0x18: {  	s0 =	simm.s32 $0x2;
	s23 =	simm.s32 $0x8E80;
	[dreg:$0xb] =	wrdreg s4  }
0x19: {  	s2 =	simm.s32 $0xCD00;
	s24 =	simm.s32 $0x13A60;
	[dreg:$0xa] =	wrdreg s10  }
.LBB2_1:
0x1a: {  	s4 =	simm.s32 $0x0;
	s12 =	rddreg [dreg:$0x5]  }
0x1b: {  	[tilespmem:s4], [sflag:$0x9] =	stream.linear.gather [hbm4b:s12+s4], $0x2800, $0x38;
	[tilespmem:$0x19820] =	vst v63  }
0x1c: {  	_ =	swait.ge [sflag:s13], $0x2800  }
0x1d: {  	s10 =	simm.s32 $0x0;
	[sflag:s13] =	ssyncset.done $0x0  }
0x1e: {  	s4 =	simm.s32 $0x2800;
	s12 =	rddreg [dreg:$0x6];
	[sflag:s13] =	ssyncadd.s32 $0xFFFFD800  }
0x1f: {  	[tilespmem:s4], [sflag:$0x9] =	stream.linear.gather [hbm4b:s12+s10], $0x2800, $0x38;
	[tilespmem:$0x19820] =	vst v63  }
0x20: {  	_ =	swait.ge [sflag:s13], $0x2800  }
0x21: {  	s12 =	rddreg [dreg:$0x7]  }
0x22: {  	[sflag:s13] =	ssyncset.done $0x0;
	s10 =	rddreg [dreg:$0xa]  }
0x23: {  	s4 =	rddreg [dreg:$0xc];
	[sflag:s13] =	ssyncadd.s32 $0xFFFFD800  }
0x24: {  	[spmem:s10], [sflag:s4] =	dma.local [hbm:s12], $0x9C4  }
0x25: {  	_ =	swait.ge [sflag:s13], $0x9C4  }
0x26: {  	[sflag:s13] =	ssyncset.done $0x0  }
0x27: {  	[sflag:s13] =	ssyncadd.s32 $0xFFFFF63C  }
0x28: {  	s12 =	simm.s32 $0x0;
	[bflag:$0x0] =	sbarrier.arrive $0xFFFF  }
0x29: {  	[tilespmem:s15], [sflag:$0x1] =	stream.indirect.gather [hbm4b:s1+s14], $0x20, s12, s14, $0xb8;
	[tilespmem:$0x19820] =	vst v63  }
0x2a: {  	s13 =	simm.s32 $0x80  }
0x2b: {  	[tilespmem:s17], [sflag:$0x1] =	stream.indirect.gather [hbm4b:s1+s14], $0x20, s13, s14, $0xb8;
	[tilespmem:$0x19820] =	vst v63  }
0x2c: {  	s10 =	simm.s32 $0x100  }
0x2d: {  	[tilespmem:s19], [sflag:$0x1] =	stream.indirect.gather [hbm4b:s1+s14], $0x20, s10, s14, $0xb8;
	[tilespmem:$0x19820] =	vst v63  }
0x2e: {  	s12 =	simm.s32 $0x180  }
0x2f: {  	[tilespmem:s21], [sflag:$0x1] =	stream.indirect.gather [hbm4b:s1+s14], $0x20, s12, s14, $0xb8;
	[tilespmem:$0x19820] =	vst v63  }
0x30: {  	s13 =	simm.s32 $0x200  }
0x31: {  	[tilespmem:s23], [sflag:$0x2] =	stream.indirect.gather [hbm4b:s1+s14], $0x20, s13, s14, $0xb8;
	[tilespmem:$0x19820] =	vst v63  }
0x32: {  	s10 =	simm.s32 $0x280  }
0x33: {  	[tilespmem:s25], [sflag:$0x2] =	stream.indirect.gather [hbm4b:s1+s14], $0x20, s10, s14, $0xb8;
	[tilespmem:$0x19820] =	vst v63  }
0x34: {  	s12 =	simm.s32 $0x300  }
0x35: {  	[tilespmem:s28], [sflag:$0x2] =	stream.indirect.gather [hbm4b:s1+s14], $0x20, s12, s14, $0xb8;
	[tilespmem:$0x19820] =	vst v63  }
0x36: {  	s13 =	simm.s32 $0x380  }
0x37: {  	[tilespmem:s30], [sflag:$0x2] =	stream.indirect.gather [hbm4b:s1+s14], $0x20, s13, s14, $0xb8;
	[tilespmem:$0x19820] =	vst v63  }
0x38: {  	s10 =	simm.s32 $0x400  }
0x39: {  	[tilespmem:s2], [sflag:$0x3] =	stream.indirect.gather [hbm4b:s1+s14], $0x20, s10, s14, $0xb8;
	[tilespmem:$0x19820] =	vst v63  }
0x3a: {  	s12 =	simm.s32 $0x480  }
0x3b: {  	[tilespmem:s11], [sflag:$0x3] =	stream.indirect.gather [hbm4b:s1+s14], $0x20, s12, s14, $0xb8;
	[tilespmem:$0x19820] =	vst v63  }
0x3c: {  	s13 =	simm.s32 $0x500  }
0x3d: {  	[tilespmem:s18], [sflag:$0x3] =	stream.indirect.gather [hbm4b:s1+s14], $0x20, s13, s14, $0xb8;
	[tilespmem:$0x19820] =	vst v63  }
0x3e: {  	s10 =	simm.s32 $0x580  }
0x3f: {  	[tilespmem:s22], [sflag:$0x3] =	stream.indirect.gather [hbm4b:s1+s14], $0x20, s10, s14, $0xb8;
	[tilespmem:$0x19820] =	vst v63  }
0x40: {  	s12 =	simm.s32 $0x600  }
0x41: {  	[tilespmem:s26], [sflag:$0x4] =	stream.indirect.gather [hbm4b:s1+s14], $0x20, s12, s14, $0xb8;
	[tilespmem:$0x19820] =	vst v63  }
0x42: {  	s13 =	simm.s32 $0x680  }
0x43: {  	[tilespmem:s31], [sflag:$0x4] =	stream.indirect.gather [hbm4b:s1+s14], $0x20, s13, s14, $0xb8;
	[tilespmem:$0x19820] =	vst v63  }
0x44: {  	s10 =	simm.s32 $0x700  }
0x45: {  	[tilespmem:s16], [sflag:$0x4] =	stream.indirect.gather [hbm4b:s1+s14], $0x20, s10, s14, $0xb8;
	[tilespmem:$0x19820] =	vst v63  }
0x46: {  	s12 =	simm.s32 $0x780  }
0x47: {  	[tilespmem:s24], [sflag:$0x4] =	stream.indirect.gather [hbm4b:s1+s14], $0x20, s12, s14, $0xb8;
	[tilespmem:$0x19820] =	vst v63  }
0x48: {  	_ =	swait.ge [sflag:s29], $0x3E80  }
0x49: {  	[sflag:s29] =	ssyncset.done $0x0  }
0x4a: {  	s13 =	simm.s32 $0x2800;
	[sflag:s29] =	ssyncadd.s32 $0xFFFFC180  }
0x4b: {  	[spmem:s3] =	stream.indirect.scatter.add.f32 [tilespmem:s15], [sflag:$0x5], $0x20, s13, s14, $0xb8;
	[tilespmem:$0x19820] =	vst v63  }
0x4c: {  	s4 =	simm.s32 $0x2880  }
0x4d: {  	[spmem:s3] =	stream.indirect.scatter.add.f32 [tilespmem:s17], [sflag:$0x5], $0x20, s4, s14, $0xb8;
	[tilespmem:$0x19820] =	vst v63  }
0x4e: {  	s10 =	simm.s32 $0x2900  }
0x4f: {  	[spmem:s3] =	stream.indirect.scatter.add.f32 [tilespmem:s19], [sflag:$0x5], $0x20, s10, s14, $0xb8;
	[tilespmem:$0x19820] =	vst v63  }
0x50: {  	s13 =	simm.s32 $0x2980  }
0x51: {  	[spmem:s3] =	stream.indirect.scatter.add.f32 [tilespmem:s21], [sflag:$0x5], $0x20, s13, s14, $0xb8;
	[tilespmem:$0x19820] =	vst v63  }
0x52: {  	_ =	swait.ge [sflag:s0], $0x3E80  }
0x53: {  	[sflag:s0] =	ssyncset.done $0x0  }
0x54: {  	s4 =	simm.s32 $0x2A00;
	[sflag:s0] =	ssyncadd.s32 $0xFFFFC180  }
0x55: {  	[spmem:s3] =	stream.indirect.scatter.add.f32 [tilespmem:s23], [sflag:$0x6], $0x20, s4, s14, $0xb8;
	[tilespmem:$0x19820] =	vst v63  }
0x56: {  	s10 =	simm.s32 $0x2A80  }
0x57: {  	[spmem:s3] =	stream.indirect.scatter.add.f32 [tilespmem:s25], [sflag:$0x6], $0x20, s10, s14, $0xb8;
	[tilespmem:$0x19820] =	vst v63  }
0x58: {  	s13 =	simm.s32 $0x2B00  }
0x59: {  	[spmem:s3] =	stream.indirect.scatter.add.f32 [tilespmem:s28], [sflag:$0x6], $0x20, s13, s14, $0xb8;
	[tilespmem:$0x19820] =	vst v63  }
0x5a: {  	s4 =	simm.s32 $0x2B80  }
0x5b: {  	[spmem:s3] =	stream.indirect.scatter.add.f32 [tilespmem:s30], [sflag:$0x6], $0x20, s4, s14, $0xb8;
	[tilespmem:$0x19820] =	vst v63  }
0x5c: {  	_ =	swait.ge [sflag:s20], $0x3E80  }
0x5d: {  	[sflag:s20] =	ssyncset.done $0x0  }
0x5e: {  	s10 =	simm.s32 $0x800;
	[sflag:s20] =	ssyncadd.s32 $0xFFFFC180  }
0x5f: {  	[tilespmem:s15], [sflag:$0x1] =	stream.indirect.gather [hbm4b:s1+s14], $0x20, s10, s14, $0xb8;
	[tilespmem:$0x19820] =	vst v63  }
0x60: {  	s13 =	simm.s32 $0x880  }
0x61: {  	[tilespmem:s17], [sflag:$0x1] =	stream.indirect.gather [hbm4b:s1+s14], $0x20, s13, s14, $0xb8;
	[tilespmem:$0x19820] =	vst v63  }
0x62: {  	s4 =	simm.s32 $0x900  }
0x63: {  	[tilespmem:s19], [sflag:$0x1] =	stream.indirect.gather [hbm4b:s1+s14], $0x20, s4, s14, $0xb8;
	[tilespmem:$0x19820] =	vst v63  }
0x64: {  	s10 =	simm.s32 $0x980  }
0x65: {  	[tilespmem:s21], [sflag:$0x1] =	stream.indirect.gather [hbm4b:s1+s14], $0x20, s10, s14, $0xb8;
	[tilespmem:$0x19820] =	vst v63  }
0x66: {  	_ =	swait.ge [sflag:s5], $0x3E80  }
0x67: {  	[sflag:s5] =	ssyncset.done $0x0  }
0x68: {  	s13 =	simm.s32 $0x2C00;
	[sflag:s5] =	ssyncadd.s32 $0xFFFFC180  }
0x69: {  	[spmem:s3] =	stream.indirect.scatter.add.f32 [tilespmem:s2], [sflag:$0x7], $0x20, s13, s14, $0xb8;
	[tilespmem:$0x19820] =	vst v63  }
0x6a: {  	s4 =	simm.s32 $0x2C80  }
0x6b: {  	[spmem:s3] =	stream.indirect.scatter.add.f32 [tilespmem:s11], [sflag:$0x7], $0x20, s4, s14, $0xb8;
	[tilespmem:$0x19820] =	vst v63  }
0x6c: {  	s10 =	simm.s32 $0x2D00  }
0x6d: {  	[spmem:s3] =	stream.indirect.scatter.add.f32 [tilespmem:s18], [sflag:$0x7], $0x20, s10, s14, $0xb8;
	[tilespmem:$0x19820] =	vst v63  }
0x6e: {  	s13 =	simm.s32 $0x2D80  }
0x6f: {  	[spmem:s3] =	stream.indirect.scatter.add.f32 [tilespmem:s22], [sflag:$0x7], $0x20, s13, s14, $0xb8;
	[tilespmem:$0x19820] =	vst v63  }
0x70: {  	_ =	swait.ge [sflag:s6], $0x3E80  }
0x71: {  	[sflag:s6] =	ssyncset.done $0x0  }
0x72: {  	s4 =	simm.s32 $0xA00;
	[sflag:s6] =	ssyncadd.s32 $0xFFFFC180  }
0x73: {  	[tilespmem:s23], [sflag:$0x2] =	stream.indirect.gather [hbm4b:s1+s14], $0x20, s4, s14, $0xb8;
	[tilespmem:$0x19820] =	vst v63  }
0x74: {  	s10 =	simm.s32 $0xA80  }
0x75: {  	[tilespmem:s25], [sflag:$0x2] =	stream.indirect.gather [hbm4b:s1+s14], $0x20, s10, s14, $0xb8;
	[tilespmem:$0x19820] =	vst v63  }
0x76: {  	s13 =	simm.s32 $0xB00  }
0x77: {  	[tilespmem:s28], [sflag:$0x2] =	stream.indirect.gather [hbm4b:s1+s14], $0x20, s13, s14, $0xb8;
	[tilespmem:$0x19820] =	vst v63  }
0x78: {  	s4 =	simm.s32 $0xB80  }
0x79: {  	[tilespmem:s30], [sflag:$0x2] =	stream.indirect.gather [hbm4b:s1+s14], $0x20, s4, s14, $0xb8;
	[tilespmem:$0x19820] =	vst v63  }
0x7a: {  	_ =	swait.ge [sflag:s7], $0x3E80  }
0x7b: {  	[sflag:s7] =	ssyncset.done $0x0  }
0x7c: {  	s10 =	simm.s32 $0x2E00;
	[sflag:s7] =	ssyncadd.s32 $0xFFFFC180  }
0x7d: {  	[spmem:s3] =	stream.indirect.scatter.add.f32 [tilespmem:s26], [sflag:$0x8], $0x20, s10, s14, $0xb8;
	[tilespmem:$0x19820] =	vst v63  }
0x7e: {  	s13 =	simm.s32 $0x2E80  }
0x7f: {  	[spmem:s3] =	stream.indirect.scatter.add.f32 [tilespmem:s31], [sflag:$0x8], $0x20, s13, s14, $0xb8;
	[tilespmem:$0x19820] =	vst v63  }
0x80: {  	s4 =	simm.s32 $0x2F00  }
0x81: {  	[spmem:s3] =	stream.indirect.scatter.add.f32 [tilespmem:s16], [sflag:$0x8], $0x20, s4, s14, $0xb8;
	[tilespmem:$0x19820] =	vst v63  }
0x82: {  	s10 =	simm.s32 $0x2F80  }
0x83: {  	[spmem:s3] =	stream.indirect.scatter.add.f32 [tilespmem:s24], [sflag:$0x8], $0x20, s10, s14, $0xb8;
	[tilespmem:$0x19820] =	vst v63  }
0x84: {  	_ =	swait.ge [sflag:s8], $0x3E80  }
0x85: {  	[sflag:s8] =	ssyncset.done $0x0  }
0x86: {  	s13 =	simm.s32 $0xC00;
	[sflag:s8] =	ssyncadd.s32 $0xFFFFC180  }
0x87: {  	[tilespmem:s2], [sflag:$0x3] =	stream.indirect.gather [hbm4b:s1+s14], $0x20, s13, s14, $0xb8;
	[tilespmem:$0x19820] =	vst v63  }
0x88: {  	s4 =	simm.s32 $0xC80  }
0x89: {  	[tilespmem:s11], [sflag:$0x3] =	stream.indirect.gather [hbm4b:s1+s14], $0x20, s4, s14, $0xb8;
	[tilespmem:$0x19820] =	vst v63  }
0x8a: {  	s10 =	simm.s32 $0xD00  }
0x8b: {  	[tilespmem:s18], [sflag:$0x3] =	stream.indirect.gather [hbm4b:s1+s14], $0x20, s10, s14, $0xb8;
	[tilespmem:$0x19820] =	vst v63  }
0x8c: {  	s13 =	simm.s32 $0xD80  }
0x8d: {  	[tilespmem:s22], [sflag:$0x3] =	stream.indirect.gather [hbm4b:s1+s14], $0x20, s13, s14, $0xb8;
	[tilespmem:$0x19820] =	vst v63  }
0x8e: {  	_ =	swait.ge [sflag:s9], $0x3E80  }
0x8f: {  	[sflag:s9] =	ssyncset.done $0x0  }
0x90: {  	s4 =	simm.s32 $0xE00;
	[sflag:s9] =	ssyncadd.s32 $0xFFFFC180  }
0x91: {  	[tilespmem:s26], [sflag:$0x4] =	stream.indirect.gather [hbm4b:s1+s14], $0x20, s4, s14, $0xb8;
	[tilespmem:$0x19820] =	vst v63  }
0x92: {  	s10 =	simm.s32 $0xE80  }
0x93: {  	[tilespmem:s31], [sflag:$0x4] =	stream.indirect.gather [hbm4b:s1+s14], $0x20, s10, s14, $0xb8;
	[tilespmem:$0x19820] =	vst v63  }
0x94: {  	s13 =	simm.s32 $0xF00  }
0x95: {  	[tilespmem:s16], [sflag:$0x4] =	stream.indirect.gather [hbm4b:s1+s14], $0x20, s13, s14, $0xb8;
	[tilespmem:$0x19820] =	vst v63  }
0x96: {  	s12 =	simm.s32 $0x2000;
	s4 =	rddreg [dreg:$0xc];
	s13 =	simm.s32 $0xF80  }
.LBB2_2:
0x97: {  	[tilespmem:s24], [sflag:$0x4] =	stream.indirect.gather [hbm4b:s1+s14], $0x20, s13, s14, $0xb8;
	[tilespmem:$0x19820] =	vst v63  }
0x98: {  	s13 =	smov.u32 s12  }
0x99: {  	p0 =	sne.s32 s12, $0x6000;
	s12 =	sadd.s32 $0x2000, s12;
	_ =	swait.ge [sflag:s29], $0x3E80  }
0x9a: {  	s13 =	sshra.s32 s13, $0x2;
	[sflag:s29] =	ssyncset.done $0x0  }
0x9b: {  	s10 =	sadd.s32 $0x2800, s13;
	[sflag:s29] =	ssyncadd.s32 $0xFFFFC180  }
0x9c: {  	[spmem:s3] =	stream.indirect.scatter.add.f32 [tilespmem:s15], [sflag:$0x5], $0x20, s10, s14, $0xb8;
	[tilespmem:$0x19820] =	vst v63  }
0x9d: {  	s10 =	sadd.s32 $0x2880, s13  }
0x9e: {  	[spmem:s3] =	stream.indirect.scatter.add.f32 [tilespmem:s17], [sflag:$0x5], $0x20, s10, s14, $0xb8;
	[tilespmem:$0x19820] =	vst v63  }
0x9f: {  	s10 =	sadd.s32 $0x2900, s13  }
0xa0: {  	[spmem:s3] =	stream.indirect.scatter.add.f32 [tilespmem:s19], [sflag:$0x5], $0x20, s10, s14, $0xb8;
	[tilespmem:$0x19820] =	vst v63  }
0xa1: {  	s10 =	sadd.s32 $0x2980, s13  }
0xa2: {  	[spmem:s3] =	stream.indirect.scatter.add.f32 [tilespmem:s21], [sflag:$0x5], $0x20, s10, s14, $0xb8;
	[tilespmem:$0x19820] =	vst v63  }
0xa3: {  	_ =	swait.ge [sflag:s0], $0x3E80  }
0xa4: {  	[sflag:s0] =	ssyncset.done $0x0  }
0xa5: {  	s10 =	sadd.s32 $0x2A00, s13;
	[sflag:s0] =	ssyncadd.s32 $0xFFFFC180  }
0xa6: {  	[spmem:s3] =	stream.indirect.scatter.add.f32 [tilespmem:s23], [sflag:$0x6], $0x20, s10, s14, $0xb8;
	[tilespmem:$0x19820] =	vst v63  }
0xa7: {  	s10 =	sadd.s32 $0x2A80, s13  }
0xa8: {  	[spmem:s3] =	stream.indirect.scatter.add.f32 [tilespmem:s25], [sflag:$0x6], $0x20, s10, s14, $0xb8;
	[tilespmem:$0x19820] =	vst v63  }
0xa9: {  	s10 =	sadd.s32 $0x2B00, s13  }
0xaa: {  	[spmem:s3] =	stream.indirect.scatter.add.f32 [tilespmem:s28], [sflag:$0x6], $0x20, s10, s14, $0xb8;
	[tilespmem:$0x19820] =	vst v63  }
0xab: {  	s10 =	sadd.s32 $0x2B80, s13  }
0xac: {  	[spmem:s3] =	stream.indirect.scatter.add.f32 [tilespmem:s30], [sflag:$0x6], $0x20, s10, s14, $0xb8;
	[tilespmem:$0x19820] =	vst v63  }
0xad: {  	_ =	swait.ge [sflag:s20], $0x3E80  }
0xae: {  	[sflag:s20] =	ssyncset.done $0x0  }
0xaf: {  	s10 =	sadd.s32 $0x800, s13;
	[sflag:s20] =	ssyncadd.s32 $0xFFFFC180  }
0xb0: {  	[tilespmem:s15], [sflag:$0x1] =	stream.indirect.gather [hbm4b:s1+s14], $0x20, s10, s14, $0xb8;
	[tilespmem:$0x19820] =	vst v63  }
0xb1: {  	s10 =	sadd.s32 $0x880, s13  }
0xb2: {  	[tilespmem:s17], [sflag:$0x1] =	stream.indirect.gather [hbm4b:s1+s14], $0x20, s10, s14, $0xb8;
	[tilespmem:$0x19820] =	vst v63  }
0xb3: {  	s10 =	sadd.s32 $0x900, s13  }
0xb4: {  	[tilespmem:s19], [sflag:$0x1] =	stream.indirect.gather [hbm4b:s1+s14], $0x20, s10, s14, $0xb8;
	[tilespmem:$0x19820] =	vst v63  }
0xb5: {  	s10 =	sadd.s32 $0x980, s13  }
0xb6: {  	[tilespmem:s21], [sflag:$0x1] =	stream.indirect.gather [hbm4b:s1+s14], $0x20, s10, s14, $0xb8;
	[tilespmem:$0x19820] =	vst v63  }
0xb7: {  	_ =	swait.ge [sflag:s5], $0x3E80  }
0xb8: {  	[sflag:s5] =	ssyncset.done $0x0  }
0xb9: {  	s10 =	sadd.s32 $0x2C00, s13;
	[sflag:s5] =	ssyncadd.s32 $0xFFFFC180  }
0xba: {  	[spmem:s3] =	stream.indirect.scatter.add.f32 [tilespmem:s2], [sflag:$0x7], $0x20, s10, s14, $0xb8;
	[tilespmem:$0x19820] =	vst v63  }
0xbb: {  	s10 =	sadd.s32 $0x2C80, s13  }
0xbc: {  	[spmem:s3] =	stream.indirect.scatter.add.f32 [tilespmem:s11], [sflag:$0x7], $0x20, s10, s14, $0xb8;
	[tilespmem:$0x19820] =	vst v63  }
0xbd: {  	s10 =	sadd.s32 $0x2D00, s13  }
0xbe: {  	[spmem:s3] =	stream.indirect.scatter.add.f32 [tilespmem:s18], [sflag:$0x7], $0x20, s10, s14, $0xb8;
	[tilespmem:$0x19820] =	vst v63  }
0xbf: {  	s10 =	sadd.s32 $0x2D80, s13  }
0xc0: {  	[spmem:s3] =	stream.indirect.scatter.add.f32 [tilespmem:s22], [sflag:$0x7], $0x20, s10, s14, $0xb8;
	[tilespmem:$0x19820] =	vst v63  }
0xc1: {  	_ =	swait.ge [sflag:s6], $0x3E80  }
0xc2: {  	[sflag:s6] =	ssyncset.done $0x0  }
0xc3: {  	s10 =	sadd.s32 $0xA00, s13;
	[sflag:s6] =	ssyncadd.s32 $0xFFFFC180  }
0xc4: {  	[tilespmem:s23], [sflag:$0x2] =	stream.indirect.gather [hbm4b:s1+s14], $0x20, s10, s14, $0xb8;
	[tilespmem:$0x19820] =	vst v63  }
0xc5: {  	s10 =	sadd.s32 $0xA80, s13  }
0xc6: {  	[tilespmem:s25], [sflag:$0x2] =	stream.indirect.gather [hbm4b:s1+s14], $0x20, s10, s14, $0xb8;
	[tilespmem:$0x19820] =	vst v63  }
0xc7: {  	s10 =	sadd.s32 $0xB00, s13  }
0xc8: {  	[tilespmem:s28], [sflag:$0x2] =	stream.indirect.gather [hbm4b:s1+s14], $0x20, s10, s14, $0xb8;
	[tilespmem:$0x19820] =	vst v63  }
0xc9: {  	s10 =	sadd.s32 $0xB80, s13  }
0xca: {  	[tilespmem:s30], [sflag:$0x2] =	stream.indirect.gather [hbm4b:s1+s14], $0x20, s10, s14, $0xb8;
	[tilespmem:$0x19820] =	vst v63  }
0xcb: {  	_ =	swait.ge [sflag:s7], $0x3E80  }
0xcc: {  	[sflag:s7] =	ssyncset.done $0x0  }
0xcd: {  	s10 =	sadd.s32 $0x2E00, s13;
	[sflag:s7] =	ssyncadd.s32 $0xFFFFC180  }
0xce: {  	[spmem:s3] =	stream.indirect.scatter.add.f32 [tilespmem:s26], [sflag:$0x8], $0x20, s10, s14, $0xb8;
	[tilespmem:$0x19820] =	vst v63  }
0xcf: {  	s10 =	sadd.s32 $0x2E80, s13  }
0xd0: {  	[spmem:s3] =	stream.indirect.scatter.add.f32 [tilespmem:s31], [sflag:$0x8], $0x20, s10, s14, $0xb8;
	[tilespmem:$0x19820] =	vst v63  }
0xd1: {  	s10 =	sadd.s32 $0x2F00, s13  }
0xd2: {  	[spmem:s3] =	stream.indirect.scatter.add.f32 [tilespmem:s16], [sflag:$0x8], $0x20, s10, s14, $0xb8;
	[tilespmem:$0x19820] =	vst v63  }
0xd3: {  	s10 =	sadd.s32 $0x2F80, s13  }
0xd4: {  	[spmem:s3] =	stream.indirect.scatter.add.f32 [tilespmem:s24], [sflag:$0x8], $0x20, s10, s14, $0xb8;
	[tilespmem:$0x19820] =	vst v63  }
0xd5: {  	_ =	swait.ge [sflag:s8], $0x3E80  }
0xd6: {  	[sflag:s8] =	ssyncset.done $0x0  }
0xd7: {  	s10 =	sadd.s32 $0xC00, s13;
	[sflag:s8] =	ssyncadd.s32 $0xFFFFC180  }
0xd8: {  	[tilespmem:s2], [sflag:$0x3] =	stream.indirect.gather [hbm4b:s1+s14], $0x20, s10, s14, $0xb8;
	[tilespmem:$0x19820] =	vst v63  }
0xd9: {  	s10 =	sadd.s32 $0xC80, s13  }
0xda: {  	[tilespmem:s11], [sflag:$0x3] =	stream.indirect.gather [hbm4b:s1+s14], $0x20, s10, s14, $0xb8;
	[tilespmem:$0x19820] =	vst v63  }
0xdb: {  	s10 =	sadd.s32 $0xD00, s13  }
0xdc: {  	[tilespmem:s18], [sflag:$0x3] =	stream.indirect.gather [hbm4b:s1+s14], $0x20, s10, s14, $0xb8;
	[tilespmem:$0x19820] =	vst v63  }
0xdd: {  	s10 =	sadd.s32 $0xD80, s13  }
0xde: {  	[tilespmem:s22], [sflag:$0x3] =	stream.indirect.gather [hbm4b:s1+s14], $0x20, s10, s14, $0xb8;
	[tilespmem:$0x19820] =	vst v63  }
0xdf: {  	_ =	swait.ge [sflag:s9], $0x3E80  }
0xe0: {  	[sflag:s9] =	ssyncset.done $0x0  }
0xe1: {  	s10 =	sadd.s32 $0xE00, s13;
	[sflag:s9] =	ssyncadd.s32 $0xFFFFC180  }
0xe2: {  	[tilespmem:s26], [sflag:$0x4] =	stream.indirect.gather [hbm4b:s1+s14], $0x20, s10, s14, $0xb8;
	[tilespmem:$0x19820] =	vst v63  }
.Ltmp0:
0xe3: {  	s10 =	sadd.s32 $0xE80, s13;
	(pc) =	sbr.rel @p0 .LBB2_2-.Ltmp0, $4  }
0xe4: {  	[tilespmem:s31], [sflag:$0x4] =	stream.indirect.gather [hbm4b:s1+s14], $0x20, s10, s14, $0xb8;
	[tilespmem:$0x19820] =	vst v63  }
0xe5: {  	s10 =	sadd.s32 $0xF00, s13  }
0xe6: {  	[tilespmem:s16], [sflag:$0x4] =	stream.indirect.gather [hbm4b:s1+s14], $0x20, s10, s14, $0xb8;
	[tilespmem:$0x19820] =	vst v63  }
0xe7: {  	s13 =	sadd.s32 $0xF80, s13  }
0xe8: {  	[tilespmem:s24], [sflag:$0x4] =	stream.indirect.gather [hbm4b:s1+s14], $0x20, s13, s14, $0xb8;
	[tilespmem:$0x19820] =	vst v63  }
0xe9: {  	_ =	swait.ge [sflag:s29], $0x3E80  }
0xea: {  	[sflag:s29] =	ssyncset.done $0x0  }
0xeb: {  	s10 =	simm.s32 $0x4800;
	[sflag:s29] =	ssyncadd.s32 $0xFFFFC180  }
0xec: {  	[spmem:s3] =	stream.indirect.scatter.add.f32 [tilespmem:s15], [sflag:$0x5], $0x20, s10, s14, $0xb8;
	[tilespmem:$0x19820] =	vst v63  }
0xed: {  	s12 =	simm.s32 $0x4880  }
0xee: {  	[spmem:s3] =	stream.indirect.scatter.add.f32 [tilespmem:s17], [sflag:$0x5], $0x20, s12, s14, $0xb8;
	[tilespmem:$0x19820] =	vst v63  }
0xef: {  	s13 =	simm.s32 $0x4900  }
0xf0: {  	[spmem:s3] =	stream.indirect.scatter.add.f32 [tilespmem:s19], [sflag:$0x5], $0x20, s13, s14, $0xb8;
	[tilespmem:$0x19820] =	vst v63  }
0xf1: {  	s12 =	simm.s32 $0x4980  }
0xf2: {  	[spmem:s3] =	stream.indirect.scatter.add.f32 [tilespmem:s21], [sflag:$0x5], $0x20, s12, s14, $0xb8;
	[tilespmem:$0x19820] =	vst v63  }
0xf3: {  	_ =	swait.ge [sflag:s0], $0x3E80  }
0xf4: {  	[sflag:s0] =	ssyncset.done $0x0  }
0xf5: {  	s13 =	simm.s32 $0x4A00;
	[sflag:s0] =	ssyncadd.s32 $0xFFFFC180  }
0xf6: {  	[spmem:s3] =	stream.indirect.scatter.add.f32 [tilespmem:s23], [sflag:$0x6], $0x20, s13, s14, $0xb8;
	[tilespmem:$0x19820] =	vst v63  }
0xf7: {  	s12 =	simm.s32 $0x4A80  }
0xf8: {  	[spmem:s3] =	stream.indirect.scatter.add.f32 [tilespmem:s25], [sflag:$0x6], $0x20, s12, s14, $0xb8;
	[tilespmem:$0x19820] =	vst v63  }
0xf9: {  	s13 =	simm.s32 $0x4B00  }
0xfa: {  	[spmem:s3] =	stream.indirect.scatter.add.f32 [tilespmem:s28], [sflag:$0x6], $0x20, s13, s14, $0xb8;
	[tilespmem:$0x19820] =	vst v63  }
0xfb: {  	s12 =	simm.s32 $0x4B80  }
0xfc: {  	[spmem:s3] =	stream.indirect.scatter.add.f32 [tilespmem:s30], [sflag:$0x6], $0x20, s12, s14, $0xb8;
	[tilespmem:$0x19820] =	vst v63  }
0xfd: {  	_ =	swait.ge [sflag:s20], $0x3E80  }
0xfe: {  	[sflag:s20] =	ssyncset.done $0x0  }
0xff: {  	[sflag:s20] =	ssyncadd.s32 $0xFFFFC180  }
0x100: {  	_ =	swait.ge [sflag:s5], $0x3E80  }
0x101: {  	[sflag:s5] =	ssyncset.done $0x0  }
0x102: {  	s13 =	simm.s32 $0x4C00;
	[sflag:s5] =	ssyncadd.s32 $0xFFFFC180  }
0x103: {  	[spmem:s3] =	stream.indirect.scatter.add.f32 [tilespmem:s2], [sflag:$0x7], $0x20, s13, s14, $0xb8;
	[tilespmem:$0x19820] =	vst v63  }
0x104: {  	s12 =	simm.s32 $0x4C80  }
0x105: {  	[spmem:s3] =	stream.indirect.scatter.add.f32 [tilespmem:s11], [sflag:$0x7], $0x20, s12, s14, $0xb8;
	[tilespmem:$0x19820] =	vst v63  }
0x106: {  	s13 =	simm.s32 $0x4D00  }
0x107: {  	[spmem:s3] =	stream.indirect.scatter.add.f32 [tilespmem:s18], [sflag:$0x7], $0x20, s13, s14, $0xb8;
	[tilespmem:$0x19820] =	vst v63  }
0x108: {  	s12 =	simm.s32 $0x4D80  }
0x109: {  	[spmem:s3] =	stream.indirect.scatter.add.f32 [tilespmem:s22], [sflag:$0x7], $0x20, s12, s14, $0xb8;
	[tilespmem:$0x19820] =	vst v63  }
0x10a: {  	_ =	swait.ge [sflag:s6], $0x3E80  }
0x10b: {  	[sflag:s6] =	ssyncset.done $0x0  }
0x10c: {  	[sflag:s6] =	ssyncadd.s32 $0xFFFFC180  }
0x10d: {  	_ =	swait.ge [sflag:s7], $0x3E80  }
0x10e: {  	[sflag:s7] =	ssyncset.done $0x0  }
0x10f: {  	s13 =	simm.s32 $0x4E00;
	[sflag:s7] =	ssyncadd.s32 $0xFFFFC180  }
0x110: {  	[spmem:s3] =	stream.indirect.scatter.add.f32 [tilespmem:s26], [sflag:$0x8], $0x20, s13, s14, $0xb8;
	[tilespmem:$0x19820] =	vst v63  }
0x111: {  	s12 =	simm.s32 $0x4E80  }
0x112: {  	[spmem:s3] =	stream.indirect.scatter.add.f32 [tilespmem:s31], [sflag:$0x8], $0x20, s12, s14, $0xb8;
	[tilespmem:$0x19820] =	vst v63  }
0x113: {  	s13 =	simm.s32 $0x4F00  }
0x114: {  	[spmem:s3] =	stream.indirect.scatter.add.f32 [tilespmem:s16], [sflag:$0x8], $0x20, s13, s14, $0xb8;
	[tilespmem:$0x19820] =	vst v63  }
0x115: {  	s12 =	simm.s32 $0x4F80  }
0x116: {  	[spmem:s3] =	stream.indirect.scatter.add.f32 [tilespmem:s24], [sflag:$0x8], $0x20, s12, s14, $0xb8;
	[tilespmem:$0x19820] =	vst v63  }
0x117: {  	_ =	swait.ge [sflag:s8], $0x3E80  }
0x118: {  	[sflag:s8] =	ssyncset.done $0x0  }
0x119: {  	[sflag:s8] =	ssyncadd.s32 $0xFFFFC180  }
0x11a: {  	_ =	swait.ge [sflag:s9], $0x3E80  }
0x11b: {  	[sflag:s9] =	ssyncset.done $0x0  }
0x11c: {  	[sflag:s9] =	ssyncadd.s32 $0xFFFFC180  }
0x11d: {  	[bflag:$0x0] =	sbarrier.arrive $0xFFFF  }
0x11e: {  	s13 =	rddreg [dreg:$0x8]  }
0x11f: {  	s12 =	rddreg [dreg:$0xa]  }
0x120: {  	[hbm:s13], [sflag:s4] =	dma.local [spmem:s12], $0x9C4  }
0x121: {  	s13 =	simm.s32 $0x9  }
0x122: {  	_ =	swait.ge [sflag:s13], $0x9C4  }
0x123: {  	s10 =	rddreg [dreg:$0xb]  }
0x124: {  	s12 =	rddreg [dreg:$0x9];
	s4 =	sadd.s32 $0x1, s10  }
0x125: {  	p0 =	sne.s32 s4, s12  }
.Ltmp1:
0x126: {  	_ = 	snop;
	(pc) =	sbr.rel @p0 .LBB2_1-.Ltmp1, $3  }
0x127: {  	_ =	sdelay $0x1  }
0x128: {  	[sflag:s13] =	ssyncset.done $0x0  }
0x129: {  	[sflag:s13] =	ssyncadd.s32 $0xFFFFF63C;
	[dreg:$0xb] =	wrdreg s4  }
0x12a: {  	_ =	sfence.sel $0x180000  }
0x12b: {  	[bflag:$0x0] =	sbarrier.arrive $0xFFFF  }
0x12c: {  	_ =	strace $0x90000050  }
0x12d: {  	s0 =	stileid.u32;
	[bflag:$0x2] =	sbarrier.arrive $0xFFFF  }
0x12e: {  	p0 =	sne.s32 s0, $0x0;
	s0 =	rddreg [dreg:$0x4]  }
0x12f: {  	s0 =	sadd.s32 @!p0 $0x100000, s0  }
0x130: {  	[sflag:s0] =	ssyncadd.tile.s32 @!p0 $0x1;
	_ =	shalt  }
.Lfunc_end2:
_tile_overlayer_lowered:
.L_overlay_start_2:
0x131: {  	(tag) =	ssettag $0x2  }
0x132: {  	s0 =	rddreg [dreg:$0x0];
	s2 =	stileid.u32  }
0x133: {  	s1 =	rddreg [dreg:$0x1];
	p0 =	sne.s32 s2, $0x0  }
0x134: {  	s3 =	rddreg [dreg:$0x2];
	[bflag:$0x3] =	sbarrier.arrive $0xFFFF;
	s2 =	simm.s32 @!p0 $0x1C09  }
0x135: {  	[timem:s3], [sflag:s2] =	dma.local @!p0 [hbm:s0], s1  }
0x136: {  	s0 =	simm.s32 @!p0 $0x9  }
0x137: {  	_ =	swait.ge @!p0 [sflag:s0], s1  }
0x138: {  	s1 =	ssub.s32 @!p0 $0x0, s1;
	[sflag:s0] =	ssyncset.done @!p0 $0x0  }
0x139: {  	[sflag:s0] =	ssyncadd.s32 @!p0 s1  }
0x13a: {  	[bflag:$0x3] =	sbarrier.arrive $0xFFFF  }
0x13b: {  	_ =	shalt  }

</sc_bundles>
